<compile_context>
chip_gen: v7x
topology: tpu7x:2x2x1
jax: 0.10.2.dev20260603
libtpu: 0.0.44.dev20260713+nightly
codegen_flags: <defaults>
</compile_context>

<pallas_src>
import functools

import jax
import jax.numpy as jnp
from jax import lax
from jax.experimental import pallas as pl
from jax.experimental.pallas import tpu as pltpu
from jax.experimental.pallas import tpu_sc as plsc

_LAM = 0.9
_B = 16
_H = 512
_W = 512
_N = _H * _W
_L = 16
_NB0 = 2048
_NB12 = 1024
_ST0 = _NB0 + 1
_ST12 = _NB12 + 1
_HISTW = _L * _NB0 + 128
_ROWS = 32
_CHP = _ROWS * _W
_NCH = (_N // 2) // _CHP
_XR = 16
_NCH0 = 256 // _XR
_UN = 8


def _iota():
    return lax.iota(jnp.int32, _L)


def _merge_hist(hist_ref, hc_ref, nb, stride):

    def body(j, c):
        acc = hist_ref[pl.ds(j * _L, _L)]
        for r in range(1, _L):
            acc = acc + hist_ref[pl.ds(r * stride + j * _L, _L)]
        hc_ref[pl.ds(j * _L, _L)] = acc
        return c

    lax.fori_loop(0, nb // _L, body, 0)


def _total(hc_ref, nb):
    def body(j, acc):
        return acc + jnp.sum(hc_ref[pl.ds(j * _L, _L)])

    return lax.fori_loop(0, nb // _L, body, jnp.float32(0.0))


def _scan_level(hc_ref, nb, target, sum_above):
    nv = nb // _L
    iota = _iota()

    def body(i, carry):
        best, hi_ne, acc = carry
        ii = nv - 1 - i
        s = hc_ref[pl.ds(ii * _L, _L)]
        p = plsc.cumsum(s)
        tot = jnp.sum(s)
        csum = sum_above + acc + (tot - p + s)
        gbin = ii * _L + iota
        cand = jnp.max(jnp.where(csum > target, gbin, jnp.int32(-1)))
        ne = jnp.max(jnp.where(s > jnp.float32(0.0), gbin, jnp.int32(-1)))
        return (jnp.maximum(best, cand), jnp.maximum(hi_ne, ne), acc + tot)

    best, hi_ne, _ = lax.fori_loop(
        0, nv, body, (jnp.int32(-1), jnp.int32(-1), jnp.float32(0.0)))
    tstar = jnp.maximum(jnp.where(best >= 0, best, hi_ne), 0)

    def body2(i, acc):
        s = hc_ref[pl.ds(i * _L, _L)]
        gbin = i * _L + iota
        return acc + jnp.sum(jnp.where(gbin > tstar, s, jnp.float32(0.0)))

    above = lax.fori_loop(0, nv, body2, jnp.float32(0.0))
    return best, tstar, sum_above + above


def _merge_partner(hc_ref, pbuf_ref, sh_ref, sid, nb):
    pltpu.sync_copy(hc_ref.at[pl.ds(0, nb)], sh_ref.at[sid, pl.ds(0, nb)])
    plsc.subcore_barrier()
    pltpu.sync_copy(sh_ref.at[sid ^ 1, pl.ds(0, nb)],
                    pbuf_ref.at[pl.ds(0, nb)])
    plsc.subcore_barrier()

    def body(j, c):
        hc_ref[pl.ds(j * _L, _L)] = (hc_ref[pl.ds(j * _L, _L)] +
                                     pbuf_ref[pl.ds(j * _L, _L)])
        return c

    lax.fori_loop(0, nb // _L, body, 0)


def _sc_body(xp_hbm, power_hbm, mask_hbm, in_a, in_b, xa, xb, pwa, pwb,
             hist_ref, hc_ref, pbuf_ref, out_ref, sh_ref, sem_a, sem_b,
             sem_xa, sem_xb, sem_wa, sem_wb):
    c_id = lax.axis_index("c")
    sid = lax.axis_index("s")
    b = c_id * 8 + lax.shift_right_logical(sid, 1)
    half = sid & 1
    iota = _iota()
    lane0 = iota * _ST0
    lane12 = iota * _ST12
    base_r = half * (_H // 2)

    def psrc(c):
        return power_hbm.at[b, pl.ds(base_r + c * _ROWS, _ROWS), :]

    def xsrc(c):
        return xp_hbm.at[b, pl.ds(base_r + c * _XR, _XR), :, :]

    def pdst(c):
        return power_hbm.at[b, pl.ds(base_r + c * _XR, _XR), :]

    def zero_hist(nwords):
        z = jnp.zeros((_L,), jnp.float32)

        def zb(j, c):
            for u in range(8):
                hist_ref[pl.ds((j * 8 + u) * _L, _L)] = z
            return c

        lax.fori_loop(0, nwords // (_L * 8), zb, 0)

    def stream_pass(shift_hi, path_hi, shift_lo, nb, lane_base):

        def process(in_ref):
            def vb(j, c):
                rcs = []
                for u in range(_UN):
                    jj = j * _UN + u
                    rcs.append((lax.shift_right_logical(jj, 5),
                                (jj & 31) * _L))
                ws = [in_ref[r, pl.ds(c0, _L)] for r, c0 in rcs]
                uis = [plsc.bitcast(w, jnp.int32) for w in ws]
                ms = [lax.shift_right_logical(ui, shift_hi) == path_hi
                      for ui in uis]
                ixs = [lane_base + (lax.shift_right_logical(ui, shift_lo)
                                    & (nb - 1)) for ui in uis]
                for w, m, ix in zip(ws, ms, ixs):
                    plsc.addupdate_scatter(hist_ref, [ix], w, mask=m)
                return c

            lax.fori_loop(0, _CHP // _L // _UN, vb, 0)

        pltpu.async_copy(psrc(0), in_a, sem_a)

        def bodyr(g, carry):
            pltpu.async_copy(psrc(2 * g + 1), in_b, sem_b)
            pltpu.make_async_copy(psrc(2 * g), in_a, sem_a).wait()
            process(in_a)

            @pl.when(g + 1 < _NCH // 2)
            def _():
                pltpu.async_copy(psrc(2 * g + 2), in_a, sem_a)

            pltpu.make_async_copy(psrc(2 * g + 1), in_b, sem_b).wait()
            process(in_b)
            return carry

        lax.fori_loop(0, _NCH // 2, bodyr, 0)

    def process0(in_ref, pw_ref):
        def vb(j, c):
            rcs = []
            for u in range(_UN):
                jj = j * _UN + u
                rcs.append((lax.shift_right_logical(jj, 5),
                            (jj & 31) * _L))
            es = [in_ref[r, 0, pl.ds(c0, _L)] for r, c0 in rcs]
            os_ = [in_ref[r, 1, pl.ds(c0, _L)] for r, c0 in rcs]
            ws = [e * e + o * o for e, o in zip(es, os_)]
            ixs = [lane0 + lax.shift_right_logical(
                plsc.bitcast(w, jnp.int32), 20) for w in ws]
            for (r, c0), w in zip(rcs, ws):
                pw_ref[r, pl.ds(c0, _L)] = w
            for w, ix in zip(ws, ixs):
                plsc.addupdate_scatter(hist_ref, [ix], w)
            return c

        lax.fori_loop(0, (_XR * _W) // _L // _UN, vb, 0)

    zero_hist(_HISTW)
    pltpu.async_copy(xsrc(0), xa, sem_xa)

    def body0(g, carry):
        pltpu.async_copy(xsrc(2 * g + 1), xb, sem_xb)
        pltpu.make_async_copy(xsrc(2 * g), xa, sem_xa).wait()

        @pl.when(g > 0)
        def _():
            pltpu.make_async_copy(pwa, pdst(2 * g - 2), sem_wa).wait()

        process0(xa, pwa)
        pltpu.async_copy(pwa, pdst(2 * g), sem_wa)

        @pl.when(g + 1 < _NCH0 // 2)
        def _():
            pltpu.async_copy(xsrc(2 * g + 2), xa, sem_xa)

        pltpu.make_async_copy(xsrc(2 * g + 1), xb, sem_xb).wait()

        @pl.when(g > 0)
        def _():
            pltpu.make_async_copy(pwb, pdst(2 * g - 1), sem_wb).wait()

        process0(xb, pwb)
        pltpu.async_copy(pwb, pdst(2 * g + 1), sem_wb)
        return carry

    lax.fori_loop(0, _NCH0 // 2, body0, 0)
    pltpu.make_async_copy(pwa, pdst(_NCH0 - 2), sem_wa).wait()
    pltpu.make_async_copy(pwb, pdst(_NCH0 - 1), sem_wb).wait()
    _merge_hist(hist_ref, hc_ref, _NB0, _ST0)
    _merge_partner(hc_ref, pbuf_ref, sh_ref, sid, _NB0)
    total = _total(hc_ref, _NB0)
    target = jnp.float32(_LAM) * (total + jnp.float32(1e-10))
    best0, t0, sa = _scan_level(hc_ref, _NB0, target, jnp.float32(0.0))

    def refine(shift_hi, path_hi, shift_lo, sum_above):
        zero_hist(_L * _NB12 + 128)
        stream_pass(shift_hi, path_hi, shift_lo, _NB12, lane12)
        _merge_hist(hist_ref, hc_ref, _NB12, _ST12)
        _merge_partner(hc_ref, pbuf_ref, sh_ref, sid, _NB12)
        _, t, sa2 = _scan_level(hc_ref, _NB12, target, sum_above)
        return t, sa2

    t1, sa = refine(20, t0, 10, sa)
    path01 = (t0 << 10) | t1
    t2, sa = refine(10, path01, 0, sa)

    vbits = jnp.full((_L,), (path01 << 10) | t2, jnp.int32)
    vf = plsc.bitcast(vbits, jnp.float32)
    include = (jnp.full((_L,), target - sa) >= vf) | jnp.full(
        (_L,), sa <= jnp.float32(0.0))
    thr_bits = vbits + jnp.where(include, jnp.int32(0), jnp.int32(1))
    thrf = plsc.bitcast(thr_bits, jnp.float32)
    no_cross = jnp.full((_L,), best0 < jnp.int32(0))
    thrf = jnp.where(no_cross, jnp.zeros((_L,), jnp.float32), thrf)

    def msrc(c):
        return power_hbm.at[b, pl.ds(base_r + c * _XR, _XR), :]

    def mdst(c):
        return mask_hbm.at[b, pl.ds(base_r + c * _XR, _XR), :]

    mina = in_a.at[pl.ds(0, _XR), :]
    minb = in_b.at[pl.ds(0, _XR), :]
    one = jnp.ones((_L,), jnp.float32)
    zero = jnp.zeros((_L,), jnp.float32)

    def mprocess(in_ref, out_ref2):
        def vb(j, c):
            rcs = []
            for u in range(_UN):
                jj = j * _UN + u
                rcs.append((lax.shift_right_logical(jj, 5),
                            (jj & 31) * _L))
            ws = [in_ref[r, pl.ds(c0, _L)] for r, c0 in rcs]
            vals = [jnp.where(w >= thrf, one, zero) for w in ws]
            for (r, c0), v in zip(rcs, vals):
                out_ref2[r, pl.ds(c0, _L)] = v
            return c

        lax.fori_loop(0, (_XR * _W) // _L // _UN, vb, 0)

    pltpu.async_copy(msrc(0), mina, sem_a)

    def bodym(g, carry):
        pltpu.async_copy(msrc(2 * g + 1), minb, sem_b)
        pltpu.make_async_copy(msrc(2 * g), mina, sem_a).wait()

        @pl.when(g > 0)
        def _():
            pltpu.make_async_copy(pwa, mdst(2 * g - 2), sem_wa).wait()

        mprocess(mina, pwa)
        pltpu.async_copy(pwa, mdst(2 * g), sem_wa)

        @pl.when(g + 1 < _NCH0 // 2)
        def _():
            pltpu.async_copy(msrc(2 * g + 2), mina, sem_a)

        pltpu.make_async_copy(msrc(2 * g + 1), minb, sem_b).wait()

        @pl.when(g > 0)
        def _():
            pltpu.make_async_copy(pwb, mdst(2 * g - 1), sem_wb).wait()

        mprocess(minb, pwb)
        pltpu.async_copy(pwb, mdst(2 * g + 1), sem_wb)
        return carry

    lax.fori_loop(0, _NCH0 // 2, bodym, 0)
    pltpu.make_async_copy(pwa, mdst(_NCH0 - 2), sem_wa).wait()
    pltpu.make_async_copy(pwb, mdst(_NCH0 - 1), sem_wb).wait()


def _sc_select(xp):
    mesh = plsc.VectorSubcoreMesh(core_axis_name="c", subcore_axis_name="s")
    f = functools.partial(
        pl.kernel,
        out_type=(
            jax.ShapeDtypeStruct((_B, _H, _W), jnp.float32),
            jax.ShapeDtypeStruct((_B, _H, _W), jnp.float32),
        ),
        mesh=mesh,
        compiler_params=pltpu.CompilerParams(needs_layout_passes=False),
        scratch_types=[
            pltpu.VMEM((_ROWS, _W), jnp.float32),
            pltpu.VMEM((_ROWS, _W), jnp.float32),
            pltpu.VMEM((_XR, 2, _W), jnp.float32),
            pltpu.VMEM((_XR, 2, _W), jnp.float32),
            pltpu.VMEM((_XR, _W), jnp.float32),
            pltpu.VMEM((_XR, _W), jnp.float32),
            pltpu.VMEM((_HISTW,), jnp.float32),
            pltpu.VMEM((_NB0,), jnp.float32),
            pltpu.VMEM((_NB0,), jnp.float32),
            pltpu.VMEM((_L,), jnp.float32),
            pltpu.VMEM_SHARED((_L, _NB0), jnp.float32),
        ] + [pltpu.SemaphoreType.DMA] * 6,
    )(_sc_body)
    return f(xp)


def kernel(x):
    b, h, w, _ = x.shape
    xp = jnp.transpose(x, (0, 1, 3, 2))
    _, maskf = _sc_select(xp)
    return maskf.reshape(b, h, w, 1)

# --- scband reference (transcript-rebuilt; emitter-appended) ---
"""Pipeline reference for scband-static-energy-mask-45569603010910 (READ-ONLY COPY).

The authoritative reference and input builder live on the scoring server;
editing this copy changes nothing except your own understanding.
"""

import jax, jax.numpy as jnp
import numpy as np

LAM = 0.9

def setup_inputs(seed: int = 0) -> dict:
    key = jax.random.key(seed)
    x = jax.random.normal(key, (16, 512, 512, 2), dtype=jnp.float32)
    return {"x": x}

def reference(x):
    B, H, W, _ = x.shape
    power = (x ** 2).sum(-1)
    pf = power.reshape(B, H * W)
    sp = jnp.sort(pf, axis=-1)[:, ::-1]  # descending sort
    cs = jnp.cumsum(sp, axis=-1) / (sp.sum(-1, keepdims=True) + 1e-10)
    k = jnp.clip((cs <= LAM).sum(-1), 1, None)
    thr = sp[jnp.arange(B), k - 1].reshape(B, 1, 1)
    return (power >= thr).astype(jnp.float32)[..., None]

if __name__ == "__main__":
    import jax
    _d = setup_inputs()
    print(jax.jit(kernel)(*tuple(_d.values())))

</pallas_src>

<mosaic_0001>
#map = affine_map<(d0, d1) -> (0, 0, 0, 0)>
#map1 = affine_map<(d0, d1) -> (0, 0, 0)>
module attributes {stable_mosaic.version = 14 : i64} {
  func.func @_sc_body(%arg0: i32, %arg1: i32, %arg2: memref<16x512x2x512xf32, #tpu.memory_space<hbm>>, %arg3: memref<16x512x512xf32, #tpu.memory_space<hbm>>, %arg4: memref<16x512x512xf32, #tpu.memory_space<hbm>>, %arg5: memref<32x512xf32, #tpu.memory_space<vmem>>, %arg6: memref<32x512xf32, #tpu.memory_space<vmem>>, %arg7: memref<16x2x512xf32, #tpu.memory_space<vmem>>, %arg8: memref<16x2x512xf32, #tpu.memory_space<vmem>>, %arg9: memref<16x512xf32, #tpu.memory_space<vmem>>, %arg10: memref<16x512xf32, #tpu.memory_space<vmem>>, %arg11: memref<32896xf32, #tpu.memory_space<vmem>>, %arg12: memref<2048xf32, #tpu.memory_space<vmem>>, %arg13: memref<2048xf32, #tpu.memory_space<vmem>>, %arg14: memref<16xf32, #tpu.memory_space<vmem>>, %arg15: memref<16x2048xf32, #tpu.memory_space<vmem_shared>>, %arg16: memref<!tpu.dma_semaphore, #tpu.memory_space<semaphore_mem>>, %arg17: memref<!tpu.dma_semaphore, #tpu.memory_space<semaphore_mem>>, %arg18: memref<!tpu.dma_semaphore, #tpu.memory_space<semaphore_mem>>, %arg19: memref<!tpu.dma_semaphore, #tpu.memory_space<semaphore_mem>>, %arg20: memref<!tpu.dma_semaphore, #tpu.memory_space<semaphore_mem>>, %arg21: memref<!tpu.dma_semaphore, #tpu.memory_space<semaphore_mem>>) attributes {dimension_semantics = [#tpu.dimension_semantics<core_parallel>, #tpu.dimension_semantics<subcore_parallel>], iteration_bounds = array<i64: 2, 16>, scalar_prefetch = 0 : i64, scratch_operands = 17 : i64, tpu.core_type = #tpu.core_type<sc_vector_subcore>, window_params = [{transform_indices = #map}, {transform_indices = #map1}, {transform_indices = #map1}]} {
    %mul3A = arith.constant 8 : i32
    %mul3A_0 = arith.muli %arg0, %mul3A : i32
    %shift_right_logical3A = arith.constant 1 : i32
    %shift_right_logical3A_1 = arith.shrui %arg1, %shift_right_logical3A : i32
    %add3A = arith.addi %mul3A_0, %shift_right_logical3A_1 : i32
    %and3A = arith.constant 1 : i32
    %and3A_2 = arith.andi %arg1, %and3A : i32
    %iota3A = tpu.iota {dimensions = array<i32: 0>} : vector<16xi32>
    %mul3A_3 = arith.constant 2049 : i32
    %mul3A_4 = vector.broadcast %mul3A_3 : i32 to vector<16xi32>
    %mul3A_5 = arith.muli %iota3A, %mul3A_4 : vector<16xi32>
    %mul3A_6 = arith.constant 1025 : i32
    %mul3A_7 = vector.broadcast %mul3A_6 : i32 to vector<16xi32>
    %mul3A_8 = arith.muli %iota3A, %mul3A_7 : vector<16xi32>
    %mul3A_9 = arith.constant 256 : i32
    %mul3A_10 = arith.muli %and3A_2, %mul3A_9 : i32
    %broadcast_in_dim3A = arith.constant 0.000000e+00 : f32
    %broadcast_in_dim3A_11 = vector.broadcast %broadcast_in_dim3A : f32 to vector<16xf32>
    %scan3A = arith.constant 0 : i32
    %scan3A_12 = arith.constant 0 : i32
    %scan3A_13 = arith.constant 257 : i32
    %scan3A_14 = arith.addi %scan3A_12, %scan3A_13 : i32
    %scan3A_15 = arith.constant 1 : i32
    scf.for %scan3A_277 = %scan3A_12 to %scan3A_14 step %scan3A_15  : i32 {
      %mul3A_278 = arith.constant 8 : i32
      %mul3A_279 = arith.muli %scan3A_277, %mul3A_278 : i32
      %add3A_280 = arith.constant 0 : i32
      %add3A_281 = arith.addi %mul3A_279, %add3A_280 : i32
      %mul3A_282 = arith.constant 16 : i32
      %mul3A_283 = arith.muli %add3A_281, %mul3A_282 : i32
      %swap3A = arith.index_cast %mul3A_283 : i32 to index
      %swap3A_284 = tpu.vector_load %arg11[%swap3A] {strides = array<i32>} : memref<32896xf32, #tpu.memory_space<vmem>>, vector<16xf32>,
      tpu.vector_store %arg11[%swap3A], %broadcast_in_dim3A_11 {strides = array<i32>} : memref<32896xf32, #tpu.memory_space<vmem>>, vector<16xf32>,
      %mul3A_285 = arith.constant 8 : i32
      %mul3A_286 = arith.muli %scan3A_277, %mul3A_285 : i32
      %add3A_287 = arith.constant 1 : i32
      %add3A_288 = arith.addi %mul3A_286, %add3A_287 : i32
      %mul3A_289 = arith.constant 16 : i32
      %mul3A_290 = arith.muli %add3A_288, %mul3A_289 : i32
      %swap3A_291 = arith.index_cast %mul3A_290 : i32 to index
      %swap3A_292 = tpu.vector_load %arg11[%swap3A_291] {strides = array<i32>} : memref<32896xf32, #tpu.memory_space<vmem>>, vector<16xf32>,
      tpu.vector_store %arg11[%swap3A_291], %broadcast_in_dim3A_11 {strides = array<i32>} : memref<32896xf32, #tpu.memory_space<vmem>>, vector<16xf32>,
      %mul3A_293 = arith.constant 8 : i32
      %mul3A_294 = arith.muli %scan3A_277, %mul3A_293 : i32
      %add3A_295 = arith.constant 2 : i32
      %add3A_296 = arith.addi %mul3A_294, %add3A_295 : i32
      %mul3A_297 = arith.constant 16 : i32
      %mul3A_298 = arith.muli %add3A_296, %mul3A_297 : i32
      %swap3A_299 = arith.index_cast %mul3A_298 : i32 to index
      %swap3A_300 = tpu.vector_load %arg11[%swap3A_299] {strides = array<i32>} : memref<32896xf32, #tpu.memory_space<vmem>>, vector<16xf32>,
      tpu.vector_store %arg11[%swap3A_299], %broadcast_in_dim3A_11 {strides = array<i32>} : memref<32896xf32, #tpu.memory_space<vmem>>, vector<16xf32>,
      %mul3A_301 = arith.constant 8 : i32
      %mul3A_302 = arith.muli %scan3A_277, %mul3A_301 : i32
      %add3A_303 = arith.constant 3 : i32
      %add3A_304 = arith.addi %mul3A_302, %add3A_303 : i32
      %mul3A_305 = arith.constant 16 : i32
      %mul3A_306 = arith.muli %add3A_304, %mul3A_305 : i32
      %swap3A_307 = arith.index_cast %mul3A_306 : i32 to index
      %swap3A_308 = tpu.vector_load %arg11[%swap3A_307] {strides = array<i32>} : memref<32896xf32, #tpu.memory_space<vmem>>, vector<16xf32>,
      tpu.vector_store %arg11[%swap3A_307], %broadcast_in_dim3A_11 {strides = array<i32>} : memref<32896xf32, #tpu.memory_space<vmem>>, vector<16xf32>,
      %mul3A_309 = arith.constant 8 : i32
      %mul3A_310 = arith.muli %scan3A_277, %mul3A_309 : i32
      %add3A_311 = arith.constant 4 : i32
      %add3A_312 = arith.addi %mul3A_310, %add3A_311 : i32
      %mul3A_313 = arith.constant 16 : i32
      %mul3A_314 = arith.muli %add3A_312, %mul3A_313 : i32
      %swap3A_315 = arith.index_cast %mul3A_314 : i32 to index
      %swap3A_316 = tpu.vector_load %arg11[%swap3A_315] {strides = array<i32>} : memref<32896xf32, #tpu.memory_space<vmem>>, vector<16xf32>,
      tpu.vector_store %arg11[%swap3A_315], %broadcast_in_dim3A_11 {strides = array<i32>} : memref<32896xf32, #tpu.memory_space<vmem>>, vector<16xf32>,
      %mul3A_317 = arith.constant 8 : i32
      %mul3A_318 = arith.muli %scan3A_277, %mul3A_317 : i32
      %add3A_319 = arith.constant 5 : i32
      %add3A_320 = arith.addi %mul3A_318, %add3A_319 : i32
      %mul3A_321 = arith.constant 16 : i32
      %mul3A_322 = arith.muli %add3A_320, %mul3A_321 : i32
      %swap3A_323 = arith.index_cast %mul3A_322 : i32 to index
      %swap3A_324 = tpu.vector_load %arg11[%swap3A_323] {strides = array<i32>} : memref<32896xf32, #tpu.memory_space<vmem>>, vector<16xf32>,
      tpu.vector_store %arg11[%swap3A_323], %broadcast_in_dim3A_11 {strides = array<i32>} : memref<32896xf32, #tpu.memory_space<vmem>>, vector<16xf32>,
      %mul3A_325 = arith.constant 8 : i32
      %mul3A_326 = arith.muli %scan3A_277, %mul3A_325 : i32
      %add3A_327 = arith.constant 6 : i32
      %add3A_328 = arith.addi %mul3A_326, %add3A_327 : i32
      %mul3A_329 = arith.constant 16 : i32
      %mul3A_330 = arith.muli %add3A_328, %mul3A_329 : i32
      %swap3A_331 = arith.index_cast %mul3A_330 : i32 to index
      %swap3A_332 = tpu.vector_load %arg11[%swap3A_331] {strides = array<i32>} : memref<32896xf32, #tpu.memory_space<vmem>>, vector<16xf32>,
      tpu.vector_store %arg11[%swap3A_331], %broadcast_in_dim3A_11 {strides = array<i32>} : memref<32896xf32, #tpu.memory_space<vmem>>, vector<16xf32>,
      %mul3A_333 = arith.constant 8 : i32
      %mul3A_334 = arith.muli %scan3A_277, %mul3A_333 : i32
      %add3A_335 = arith.constant 7 : i32
      %add3A_336 = arith.addi %mul3A_334, %add3A_335 : i32
      %mul3A_337 = arith.constant 16 : i32
      %mul3A_338 = arith.muli %add3A_336, %mul3A_337 : i32
      %swap3A_339 = arith.index_cast %mul3A_338 : i32 to index
      %swap3A_340 = tpu.vector_load %arg11[%swap3A_339] {strides = array<i32>} : memref<32896xf32, #tpu.memory_space<vmem>>, vector<16xf32>,
      tpu.vector_store %arg11[%swap3A_339], %broadcast_in_dim3A_11 {strides = array<i32>} : memref<32896xf32, #tpu.memory_space<vmem>>, vector<16xf32>,
    }
    %scan3A_16 = arith.constant 257 : i32
    %add3A_17 = arith.constant 0 : i32
    %add3A_18 = arith.addi %mul3A_10, %add3A_17 : i32
    %dma_start3A = arith.constant 0 : i32
    %dma_start3A_19 = arith.constant 0 : i32
    %dma_start3A_20 = tpu.memref_slice %arg2[%add3A, %add3A_18, %dma_start3A, %dma_start3A_19] : memref<16x512x2x512xf32, #tpu.memory_space<hbm>> -> memref<1x16x2x512xf32, #tpu.memory_space<hbm>>
    %dma_start3A_21 = tpu.memref_squeeze %dma_start3A_20 : memref<1x16x2x512xf32, #tpu.memory_space<hbm>> -> memref<16x2x512xf32, #tpu.memory_space<hbm>>
    %dma_start3A_22 = arith.constant 0 : i32
    %dma_start3A_23 = arith.constant 0 : i32
    %dma_start3A_24 = tpu.memref_slice %arg2[%add3A, %add3A_18, %dma_start3A_22, %dma_start3A_23] : memref<16x512x2x512xf32, #tpu.memory_space<hbm>> -> memref<1x16x2x512xf32, #tpu.memory_space<hbm>>
    %dma_start3A_25 = tpu.memref_squeeze %dma_start3A_24 : memref<1x16x2x512xf32, #tpu.memory_space<hbm>> -> memref<16x2x512xf32, #tpu.memory_space<hbm>>
    tpu.enqueue_dma source(%dma_start3A_25 : memref<16x2x512xf32, #tpu.memory_space<hbm>>) target(%arg7 : memref<16x2x512xf32, #tpu.memory_space<vmem>>) target_semaphore(%arg18 : memref<!tpu.dma_semaphore, #tpu.memory_space<semaphore_mem>>)
    %scan3A_26 = arith.constant 0 : i32
    %scan3A_27 = arith.constant 0 : i32
    %scan3A_28 = arith.constant 8 : i32
    %scan3A_29 = arith.addi %scan3A_27, %scan3A_28 : i32
    %scan3A_30 = arith.constant 1 : i32
    scf.for %scan3A_277 = %scan3A_27 to %scan3A_29 step %scan3A_30  : i32 {
      %mul3A_278 = arith.constant 2 : i32
      %mul3A_279 = arith.muli %mul3A_278, %scan3A_277 : i32
      %add3A_280 = arith.constant 1 : i32
      %add3A_281 = arith.addi %mul3A_279, %add3A_280 : i32
      %mul3A_282 = arith.constant 16 : i32
      %mul3A_283 = arith.muli %add3A_281, %mul3A_282 : i32
      %add3A_284 = arith.addi %mul3A_10, %mul3A_283 : i32
      %dma_start3A_285 = arith.constant 0 : i32
      %dma_start3A_286 = arith.constant 0 : i32
      %dma_start3A_287 = tpu.memref_slice %arg2[%add3A, %add3A_284, %dma_start3A_285, %dma_start3A_286] : memref<16x512x2x512xf32, #tpu.memory_space<hbm>> -> memref<1x16x2x512xf32, #tpu.memory_space<hbm>>
      %dma_start3A_288 = tpu.memref_squeeze %dma_start3A_287 : memref<1x16x2x512xf32, #tpu.memory_space<hbm>> -> memref<16x2x512xf32, #tpu.memory_space<hbm>>
      %dma_start3A_289 = arith.constant 0 : i32
      %dma_start3A_290 = arith.constant 0 : i32
      %dma_start3A_291 = tpu.memref_slice %arg2[%add3A, %add3A_284, %dma_start3A_289, %dma_start3A_290] : memref<16x512x2x512xf32, #tpu.memory_space<hbm>> -> memref<1x16x2x512xf32, #tpu.memory_space<hbm>>
      %dma_start3A_292 = tpu.memref_squeeze %dma_start3A_291 : memref<1x16x2x512xf32, #tpu.memory_space<hbm>> -> memref<16x2x512xf32, #tpu.memory_space<hbm>>
      tpu.enqueue_dma source(%dma_start3A_292 : memref<16x2x512xf32, #tpu.memory_space<hbm>>) target(%arg8 : memref<16x2x512xf32, #tpu.memory_space<vmem>>) target_semaphore(%arg19 : memref<!tpu.dma_semaphore, #tpu.memory_space<semaphore_mem>>)
      %mul3A_293 = arith.constant 2 : i32
      %mul3A_294 = arith.muli %mul3A_293, %scan3A_277 : i32
      %mul3A_295 = arith.constant 16 : i32
      %mul3A_296 = arith.muli %mul3A_294, %mul3A_295 : i32
      %add3A_297 = arith.addi %mul3A_10, %mul3A_296 : i32
      %dma_wait3A_298 = arith.constant 0 : i32
      %dma_wait3A_299 = arith.constant 0 : i32
      %dma_wait3A_300 = tpu.memref_slice %arg2[%add3A, %add3A_297, %dma_wait3A_298, %dma_wait3A_299] : memref<16x512x2x512xf32, #tpu.memory_space<hbm>> -> memref<1x16x2x512xf32, #tpu.memory_space<hbm>>
      %dma_wait3A_301 = tpu.memref_squeeze %dma_wait3A_300 : memref<1x16x2x512xf32, #tpu.memory_space<hbm>> -> memref<16x2x512xf32, #tpu.memory_space<hbm>>
      %dma_wait3A_302 = arith.constant 0 : i32
      %dma_wait3A_303 = arith.constant 0 : i32
      %dma_wait3A_304 = tpu.memref_slice %arg2[%add3A, %add3A_297, %dma_wait3A_302, %dma_wait3A_303] : memref<16x512x2x512xf32, #tpu.memory_space<hbm>> -> memref<1x16x2x512xf32, #tpu.memory_space<hbm>>
      %dma_wait3A_305 = tpu.memref_squeeze %dma_wait3A_304 : memref<1x16x2x512xf32, #tpu.memory_space<hbm>> -> memref<16x2x512xf32, #tpu.memory_space<hbm>>
      tpu.wait_dma2 semaphore(%arg18 : memref<!tpu.dma_semaphore, #tpu.memory_space<semaphore_mem>>) src(%dma_wait3A_305 : memref<16x2x512xf32, #tpu.memory_space<hbm>>) dst(%arg7 : memref<16x2x512xf32, #tpu.memory_space<vmem>>)
      %gt3A = arith.constant 0 : i32
      %gt3A_306 = arith.cmpi sgt, %scan3A_277, %gt3A : i32
      %convert_element_type3A = arith.extui %gt3A_306 : i1 to i32
      %cond3A = arith.constant 0 : i32
      %cond3A_307 = arith.cmpi ne, %convert_element_type3A, %cond3A : i32
      scf.if %cond3A_307 {
        %mul3A_371 = arith.constant 2 : i32
        %mul3A_372 = arith.muli %mul3A_371, %scan3A_277 : i32
        %sub3A_373 = arith.constant 2 : i32
        %sub3A_374 = arith.subi %mul3A_372, %sub3A_373 : i32
        %mul3A_375 = arith.constant 16 : i32
        %mul3A_376 = arith.muli %sub3A_374, %mul3A_375 : i32
        %add3A_377 = arith.addi %mul3A_10, %mul3A_376 : i32
        %dma_wait3A_378 = arith.constant 0 : i32
        %dma_wait3A_379 = tpu.memref_slice %arg3[%add3A, %add3A_377, %dma_wait3A_378] : memref<16x512x512xf32, #tpu.memory_space<hbm>> -> memref<1x16x512xf32, #tpu.memory_space<hbm>>
        %dma_wait3A_380 = tpu.memref_squeeze %dma_wait3A_379 : memref<1x16x512xf32, #tpu.memory_space<hbm>> -> memref<16x512xf32, #tpu.memory_space<hbm>>
        %dma_wait3A_381 = arith.constant 0 : i32
        %dma_wait3A_382 = tpu.memref_slice %arg3[%add3A, %add3A_377, %dma_wait3A_381] : memref<16x512x512xf32, #tpu.memory_space<hbm>> -> memref<1x16x512xf32, #tpu.memory_space<hbm>>
        %dma_wait3A_383 = tpu.memref_squeeze %dma_wait3A_382 : memref<1x16x512xf32, #tpu.memory_space<hbm>> -> memref<16x512xf32, #tpu.memory_space<hbm>>
        tpu.wait_dma2 semaphore(%arg20 : memref<!tpu.dma_semaphore, #tpu.memory_space<semaphore_mem>>) src(%arg9 : memref<16x512xf32, #tpu.memory_space<vmem>>) dst(%dma_wait3A_383 : memref<16x512xf32, #tpu.memory_space<hbm>>)
      } else {
      }
      %scan3A_308 = arith.constant 0 : i32
      %scan3A_309 = arith.constant 0 : i32
      %scan3A_310 = arith.constant 64 : i32
      %scan3A_311 = arith.addi %scan3A_309, %scan3A_310 : i32
      %scan3A_312 = arith.constant 1 : i32
      scf.for %scan3A_371 = %scan3A_309 to %scan3A_311 step %scan3A_312  : i32 {
        %mul3A_372 = arith.constant 8 : i32
        %mul3A_373 = arith.muli %scan3A_371, %mul3A_372 : i32
        %add3A_374 = arith.constant 0 : i32
        %add3A_375 = arith.addi %mul3A_373, %add3A_374 : i32
        %shift_right_logical3A_376 = arith.constant 5 : i32
        %shift_right_logical3A_377 = arith.shrui %add3A_375, %shift_right_logical3A_376 : i32
        %and3A_378 = arith.constant 31 : i32
        %and3A_379 = arith.andi %add3A_375, %and3A_378 : i32
        %mul3A_380 = arith.constant 16 : i32
        %mul3A_381 = arith.muli %and3A_379, %mul3A_380 : i32
        %mul3A_382 = arith.constant 8 : i32
        %mul3A_383 = arith.muli %scan3A_371, %mul3A_382 : i32
        %add3A_384 = arith.constant 1 : i32
        %add3A_385 = arith.addi %mul3A_383, %add3A_384 : i32
        %shift_right_logical3A_386 = arith.constant 5 : i32
        %shift_right_logical3A_387 = arith.shrui %add3A_385, %shift_right_logical3A_386 : i32
        %and3A_388 = arith.constant 31 : i32
        %and3A_389 = arith.andi %add3A_385, %and3A_388 : i32
        %mul3A_390 = arith.constant 16 : i32
        %mul3A_391 = arith.muli %and3A_389, %mul3A_390 : i32
        %mul3A_392 = arith.constant 8 : i32
        %mul3A_393 = arith.muli %scan3A_371, %mul3A_392 : i32
        %add3A_394 = arith.constant 2 : i32
        %add3A_395 = arith.addi %mul3A_393, %add3A_394 : i32
        %shift_right_logical3A_396 = arith.constant 5 : i32
        %shift_right_logical3A_397 = arith.shrui %add3A_395, %shift_right_logical3A_396 : i32
        %and3A_398 = arith.constant 31 : i32
        %and3A_399 = arith.andi %add3A_395, %and3A_398 : i32
        %mul3A_400 = arith.constant 16 : i32
        %mul3A_401 = arith.muli %and3A_399, %mul3A_400 : i32
        %mul3A_402 = arith.constant 8 : i32
        %mul3A_403 = arith.muli %scan3A_371, %mul3A_402 : i32
        %add3A_404 = arith.constant 3 : i32
        %add3A_405 = arith.addi %mul3A_403, %add3A_404 : i32
        %shift_right_logical3A_406 = arith.constant 5 : i32
        %shift_right_logical3A_407 = arith.shrui %add3A_405, %shift_right_logical3A_406 : i32
        %and3A_408 = arith.constant 31 : i32
        %and3A_409 = arith.andi %add3A_405, %and3A_408 : i32
        %mul3A_410 = arith.constant 16 : i32
        %mul3A_411 = arith.muli %and3A_409, %mul3A_410 : i32
        %mul3A_412 = arith.constant 8 : i32
        %mul3A_413 = arith.muli %scan3A_371, %mul3A_412 : i32
        %add3A_414 = arith.constant 4 : i32
        %add3A_415 = arith.addi %mul3A_413, %add3A_414 : i32
        %shift_right_logical3A_416 = arith.constant 5 : i32
        %shift_right_logical3A_417 = arith.shrui %add3A_415, %shift_right_logical3A_416 : i32
        %and3A_418 = arith.constant 31 : i32
        %and3A_419 = arith.andi %add3A_415, %and3A_418 : i32
        %mul3A_420 = arith.constant 16 : i32
        %mul3A_421 = arith.muli %and3A_419, %mul3A_420 : i32
        %mul3A_422 = arith.constant 8 : i32
        %mul3A_423 = arith.muli %scan3A_371, %mul3A_422 : i32
        %add3A_424 = arith.constant 5 : i32
        %add3A_425 = arith.addi %mul3A_423, %add3A_424 : i32
        %shift_right_logical3A_426 = arith.constant 5 : i32
        %shift_right_logical3A_427 = arith.shrui %add3A_425, %shift_right_logical3A_426 : i32
        %and3A_428 = arith.constant 31 : i32
        %and3A_429 = arith.andi %add3A_425, %and3A_428 : i32
        %mul3A_430 = arith.constant 16 : i32
        %mul3A_431 = arith.muli %and3A_429, %mul3A_430 : i32
        %mul3A_432 = arith.constant 8 : i32
        %mul3A_433 = arith.muli %scan3A_371, %mul3A_432 : i32
        %add3A_434 = arith.constant 6 : i32
        %add3A_435 = arith.addi %mul3A_433, %add3A_434 : i32
        %shift_right_logical3A_436 = arith.constant 5 : i32
        %shift_right_logical3A_437 = arith.shrui %add3A_435, %shift_right_logical3A_436 : i32
        %and3A_438 = arith.constant 31 : i32
        %and3A_439 = arith.andi %add3A_435, %and3A_438 : i32
        %mul3A_440 = arith.constant 16 : i32
        %mul3A_441 = arith.muli %and3A_439, %mul3A_440 : i32
        %mul3A_442 = arith.constant 8 : i32
        %mul3A_443 = arith.muli %scan3A_371, %mul3A_442 : i32
        %add3A_444 = arith.constant 7 : i32
        %add3A_445 = arith.addi %mul3A_443, %add3A_444 : i32
        %shift_right_logical3A_446 = arith.constant 5 : i32
        %shift_right_logical3A_447 = arith.shrui %add3A_445, %shift_right_logical3A_446 : i32
        %and3A_448 = arith.constant 31 : i32
        %and3A_449 = arith.andi %add3A_445, %and3A_448 : i32
        %mul3A_450 = arith.constant 16 : i32
        %mul3A_451 = arith.muli %and3A_449, %mul3A_450 : i32
        %get3A = arith.constant 0 : i32
        %get3A_452 = arith.index_cast %shift_right_logical3A_377 : i32 to index
        %get3A_453 = arith.index_cast %get3A : i32 to index
        %get3A_454 = arith.index_cast %mul3A_381 : i32 to index
        %get3A_455 = tpu.vector_load %arg7[%get3A_452, %get3A_453, %get3A_454] {strides = array<i32>} : memref<16x2x512xf32, #tpu.memory_space<vmem>>, vector<16xf32>,
        %get3A_456 = arith.constant 0 : i32
        %get3A_457 = arith.index_cast %shift_right_logical3A_387 : i32 to index
        %get3A_458 = arith.index_cast %get3A_456 : i32 to index
        %get3A_459 = arith.index_cast %mul3A_391 : i32 to index
        %get3A_460 = tpu.vector_load %arg7[%get3A_457, %get3A_458, %get3A_459] {strides = array<i32>} : memref<16x2x512xf32, #tpu.memory_space<vmem>>, vector<16xf32>,
        %get3A_461 = arith.constant 0 : i32
        %get3A_462 = arith.index_cast %shift_right_logical3A_397 : i32 to index
        %get3A_463 = arith.index_cast %get3A_461 : i32 to index
        %get3A_464 = arith.index_cast %mul3A_401 : i32 to index
        %get3A_465 = tpu.vector_load %arg7[%get3A_462, %get3A_463, %get3A_464] {strides = array<i32>} : memref<16x2x512xf32, #tpu.memory_space<vmem>>, vector<16xf32>,
        %get3A_466 = arith.constant 0 : i32
        %get3A_467 = arith.index_cast %shift_right_logical3A_407 : i32 to index
        %get3A_468 = arith.index_cast %get3A_466 : i32 to index
        %get3A_469 = arith.index_cast %mul3A_411 : i32 to index
        %get3A_470 = tpu.vector_load %arg7[%get3A_467, %get3A_468, %get3A_469] {strides = array<i32>} : memref<16x2x512xf32, #tpu.memory_space<vmem>>, vector<16xf32>,
        %get3A_471 = arith.constant 0 : i32
        %get3A_472 = arith.index_cast %shift_right_logical3A_417 : i32 to index
        %get3A_473 = arith.index_cast %get3A_471 : i32 to index
        %get3A_474 = arith.index_cast %mul3A_421 : i32 to index
        %get3A_475 = tpu.vector_load %arg7[%get3A_472, %get3A_473, %get3A_474] {strides = array<i32>} : memref<16x2x512xf32, #tpu.memory_space<vmem>>, vector<16xf32>,
        %get3A_476 = arith.constant 0 : i32
        %get3A_477 = arith.index_cast %shift_right_logical3A_427 : i32 to index
        %get3A_478 = arith.index_cast %get3A_476 : i32 to index
        %get3A_479 = arith.index_cast %mul3A_431 : i32 to index
        %get3A_480 = tpu.vector_load %arg7[%get3A_477, %get3A_478, %get3A_479] {strides = array<i32>} : memref<16x2x512xf32, #tpu.memory_space<vmem>>, vector<16xf32>,
        %get3A_481 = arith.constant 0 : i32
        %get3A_482 = arith.index_cast %shift_right_logical3A_437 : i32 to index
        %get3A_483 = arith.index_cast %get3A_481 : i32 to index
        %get3A_484 = arith.index_cast %mul3A_441 : i32 to index
        %get3A_485 = tpu.vector_load %arg7[%get3A_482, %get3A_483, %get3A_484] {strides = array<i32>} : memref<16x2x512xf32, #tpu.memory_space<vmem>>, vector<16xf32>,
        %get3A_486 = arith.constant 0 : i32
        %get3A_487 = arith.index_cast %shift_right_logical3A_447 : i32 to index
        %get3A_488 = arith.index_cast %get3A_486 : i32 to index
        %get3A_489 = arith.index_cast %mul3A_451 : i32 to index
        %get3A_490 = tpu.vector_load %arg7[%get3A_487, %get3A_488, %get3A_489] {strides = array<i32>} : memref<16x2x512xf32, #tpu.memory_space<vmem>>, vector<16xf32>,
        %get3A_491 = arith.constant 1 : i32
        %get3A_492 = arith.index_cast %shift_right_logical3A_377 : i32 to index
        %get3A_493 = arith.index_cast %get3A_491 : i32 to index
        %get3A_494 = arith.index_cast %mul3A_381 : i32 to index
        %get3A_495 = tpu.vector_load %arg7[%get3A_492, %get3A_493, %get3A_494] {strides = array<i32>} : memref<16x2x512xf32, #tpu.memory_space<vmem>>, vector<16xf32>,
        %get3A_496 = arith.constant 1 : i32
        %get3A_497 = arith.index_cast %shift_right_logical3A_387 : i32 to index
        %get3A_498 = arith.index_cast %get3A_496 : i32 to index
        %get3A_499 = arith.index_cast %mul3A_391 : i32 to index
        %get3A_500 = tpu.vector_load %arg7[%get3A_497, %get3A_498, %get3A_499] {strides = array<i32>} : memref<16x2x512xf32, #tpu.memory_space<vmem>>, vector<16xf32>,
        %get3A_501 = arith.constant 1 : i32
        %get3A_502 = arith.index_cast %shift_right_logical3A_397 : i32 to index
        %get3A_503 = arith.index_cast %get3A_501 : i32 to index
        %get3A_504 = arith.index_cast %mul3A_401 : i32 to index
        %get3A_505 = tpu.vector_load %arg7[%get3A_502, %get3A_503, %get3A_504] {strides = array<i32>} : memref<16x2x512xf32, #tpu.memory_space<vmem>>, vector<16xf32>,
        %get3A_506 = arith.constant 1 : i32
        %get3A_507 = arith.index_cast %shift_right_logical3A_407 : i32 to index
        %get3A_508 = arith.index_cast %get3A_506 : i32 to index
        %get3A_509 = arith.index_cast %mul3A_411 : i32 to index
        %get3A_510 = tpu.vector_load %arg7[%get3A_507, %get3A_508, %get3A_509] {strides = array<i32>} : memref<16x2x512xf32, #tpu.memory_space<vmem>>, vector<16xf32>,
        %get3A_511 = arith.constant 1 : i32
        %get3A_512 = arith.index_cast %shift_right_logical3A_417 : i32 to index
        %get3A_513 = arith.index_cast %get3A_511 : i32 to index
        %get3A_514 = arith.index_cast %mul3A_421 : i32 to index
        %get3A_515 = tpu.vector_load %arg7[%get3A_512, %get3A_513, %get3A_514] {strides = array<i32>} : memref<16x2x512xf32, #tpu.memory_space<vmem>>, vector<16xf32>,
        %get3A_516 = arith.constant 1 : i32
        %get3A_517 = arith.index_cast %shift_right_logical3A_427 : i32 to index
        %get3A_518 = arith.index_cast %get3A_516 : i32 to index
        %get3A_519 = arith.index_cast %mul3A_431 : i32 to index
        %get3A_520 = tpu.vector_load %arg7[%get3A_517, %get3A_518, %get3A_519] {strides = array<i32>} : memref<16x2x512xf32, #tpu.memory_space<vmem>>, vector<16xf32>,
        %get3A_521 = arith.constant 1 : i32
        %get3A_522 = arith.index_cast %shift_right_logical3A_437 : i32 to index
        %get3A_523 = arith.index_cast %get3A_521 : i32 to index
        %get3A_524 = arith.index_cast %mul3A_441 : i32 to index
        %get3A_525 = tpu.vector_load %arg7[%get3A_522, %get3A_523, %get3A_524] {strides = array<i32>} : memref<16x2x512xf32, #tpu.memory_space<vmem>>, vector<16xf32>,
        %get3A_526 = arith.constant 1 : i32
        %get3A_527 = arith.index_cast %shift_right_logical3A_447 : i32 to index
        %get3A_528 = arith.index_cast %get3A_526 : i32 to index
        %get3A_529 = arith.index_cast %mul3A_451 : i32 to index
        %get3A_530 = tpu.vector_load %arg7[%get3A_527, %get3A_528, %get3A_529] {strides = array<i32>} : memref<16x2x512xf32, #tpu.memory_space<vmem>>, vector<16xf32>,
        %mul3A_531 = arith.mulf %get3A_455, %get3A_455 : vector<16xf32>
        %mul3A_532 = arith.mulf %get3A_495, %get3A_495 : vector<16xf32>
        %add3A_533 = arith.addf %mul3A_531, %mul3A_532 : vector<16xf32>
        %mul3A_534 = arith.mulf %get3A_460, %get3A_460 : vector<16xf32>
        %mul3A_535 = arith.mulf %get3A_500, %get3A_500 : vector<16xf32>
        %add3A_536 = arith.addf %mul3A_534, %mul3A_535 : vector<16xf32>
        %mul3A_537 = arith.mulf %get3A_465, %get3A_465 : vector<16xf32>
        %mul3A_538 = arith.mulf %get3A_505, %get3A_505 : vector<16xf32>
        %add3A_539 = arith.addf %mul3A_537, %mul3A_538 : vector<16xf32>
        %mul3A_540 = arith.mulf %get3A_470, %get3A_470 : vector<16xf32>
        %mul3A_541 = arith.mulf %get3A_510, %get3A_510 : vector<16xf32>
        %add3A_542 = arith.addf %mul3A_540, %mul3A_541 : vector<16xf32>
        %mul3A_543 = arith.mulf %get3A_475, %get3A_475 : vector<16xf32>
        %mul3A_544 = arith.mulf %get3A_515, %get3A_515 : vector<16xf32>
        %add3A_545 = arith.addf %mul3A_543, %mul3A_544 : vector<16xf32>
        %mul3A_546 = arith.mulf %get3A_480, %get3A_480 : vector<16xf32>
        %mul3A_547 = arith.mulf %get3A_520, %get3A_520 : vector<16xf32>
        %add3A_548 = arith.addf %mul3A_546, %mul3A_547 : vector<16xf32>
        %mul3A_549 = arith.mulf %get3A_485, %get3A_485 : vector<16xf32>
        %mul3A_550 = arith.mulf %get3A_525, %get3A_525 : vector<16xf32>
        %add3A_551 = arith.addf %mul3A_549, %mul3A_550 : vector<16xf32>
        %mul3A_552 = arith.mulf %get3A_490, %get3A_490 : vector<16xf32>
        %mul3A_553 = arith.mulf %get3A_530, %get3A_530 : vector<16xf32>
        %add3A_554 = arith.addf %mul3A_552, %mul3A_553 : vector<16xf32>
        %bitcast3A_555 = vector.bitcast %add3A_533 : vector<16xf32> to vector<16xi32>
        %shift_right_logical3A_556 = arith.constant 20 : i32
        %shift_right_logical3A_557 = vector.broadcast %shift_right_logical3A_556 : i32 to vector<16xi32>
        %shift_right_logical3A_558 = arith.shrui %bitcast3A_555, %shift_right_logical3A_557 : vector<16xi32>
        %add3A_559 = arith.addi %mul3A_5, %shift_right_logical3A_558 : vector<16xi32>
        %bitcast3A_560 = vector.bitcast %add3A_536 : vector<16xf32> to vector<16xi32>
        %shift_right_logical3A_561 = arith.constant 20 : i32
        %shift_right_logical3A_562 = vector.broadcast %shift_right_logical3A_561 : i32 to vector<16xi32>
        %shift_right_logical3A_563 = arith.shrui %bitcast3A_560, %shift_right_logical3A_562 : vector<16xi32>
        %add3A_564 = arith.addi %mul3A_5, %shift_right_logical3A_563 : vector<16xi32>
        %bitcast3A_565 = vector.bitcast %add3A_539 : vector<16xf32> to vector<16xi32>
        %shift_right_logical3A_566 = arith.constant 20 : i32
        %shift_right_logical3A_567 = vector.broadcast %shift_right_logical3A_566 : i32 to vector<16xi32>
        %shift_right_logical3A_568 = arith.shrui %bitcast3A_565, %shift_right_logical3A_567 : vector<16xi32>
        %add3A_569 = arith.addi %mul3A_5, %shift_right_logical3A_568 : vector<16xi32>
        %bitcast3A_570 = vector.bitcast %add3A_542 : vector<16xf32> to vector<16xi32>
        %shift_right_logical3A_571 = arith.constant 20 : i32
        %shift_right_logical3A_572 = vector.broadcast %shift_right_logical3A_571 : i32 to vector<16xi32>
        %shift_right_logical3A_573 = arith.shrui %bitcast3A_570, %shift_right_logical3A_572 : vector<16xi32>
        %add3A_574 = arith.addi %mul3A_5, %shift_right_logical3A_573 : vector<16xi32>
        %bitcast3A_575 = vector.bitcast %add3A_545 : vector<16xf32> to vector<16xi32>
        %shift_right_logical3A_576 = arith.constant 20 : i32
        %shift_right_logical3A_577 = vector.broadcast %shift_right_logical3A_576 : i32 to vector<16xi32>
        %shift_right_logical3A_578 = arith.shrui %bitcast3A_575, %shift_right_logical3A_577 : vector<16xi32>
        %add3A_579 = arith.addi %mul3A_5, %shift_right_logical3A_578 : vector<16xi32>
        %bitcast3A_580 = vector.bitcast %add3A_548 : vector<16xf32> to vector<16xi32>
        %shift_right_logical3A_581 = arith.constant 20 : i32
        %shift_right_logical3A_582 = vector.broadcast %shift_right_logical3A_581 : i32 to vector<16xi32>
        %shift_right_logical3A_583 = arith.shrui %bitcast3A_580, %shift_right_logical3A_582 : vector<16xi32>
        %add3A_584 = arith.addi %mul3A_5, %shift_right_logical3A_583 : vector<16xi32>
        %bitcast3A_585 = vector.bitcast %add3A_551 : vector<16xf32> to vector<16xi32>
        %shift_right_logical3A_586 = arith.constant 20 : i32
        %shift_right_logical3A_587 = vector.broadcast %shift_right_logical3A_586 : i32 to vector<16xi32>
        %shift_right_logical3A_588 = arith.shrui %bitcast3A_585, %shift_right_logical3A_587 : vector<16xi32>
        %add3A_589 = arith.addi %mul3A_5, %shift_right_logical3A_588 : vector<16xi32>
        %bitcast3A_590 = vector.bitcast %add3A_554 : vector<16xf32> to vector<16xi32>
        %shift_right_logical3A_591 = arith.constant 20 : i32
        %shift_right_logical3A_592 = vector.broadcast %shift_right_logical3A_591 : i32 to vector<16xi32>
        %shift_right_logical3A_593 = arith.shrui %bitcast3A_590, %shift_right_logical3A_592 : vector<16xi32>
        %add3A_594 = arith.addi %mul3A_5, %shift_right_logical3A_593 : vector<16xi32>
        %swap3A = arith.index_cast %shift_right_logical3A_377 : i32 to index
        %swap3A_595 = arith.index_cast %mul3A_381 : i32 to index
        %swap3A_596 = tpu.vector_load %arg9[%swap3A, %swap3A_595] {strides = array<i32>} : memref<16x512xf32, #tpu.memory_space<vmem>>, vector<16xf32>,
        tpu.vector_store %arg9[%swap3A, %swap3A_595], %add3A_533 {strides = array<i32>} : memref<16x512xf32, #tpu.memory_space<vmem>>, vector<16xf32>,
        %swap3A_597 = arith.index_cast %shift_right_logical3A_387 : i32 to index
        %swap3A_598 = arith.index_cast %mul3A_391 : i32 to index
        %swap3A_599 = tpu.vector_load %arg9[%swap3A_597, %swap3A_598] {strides = array<i32>} : memref<16x512xf32, #tpu.memory_space<vmem>>, vector<16xf32>,
        tpu.vector_store %arg9[%swap3A_597, %swap3A_598], %add3A_536 {strides = array<i32>} : memref<16x512xf32, #tpu.memory_space<vmem>>, vector<16xf32>,
        %swap3A_600 = arith.index_cast %shift_right_logical3A_397 : i32 to index
        %swap3A_601 = arith.index_cast %mul3A_401 : i32 to index
        %swap3A_602 = tpu.vector_load %arg9[%swap3A_600, %swap3A_601] {strides = array<i32>} : memref<16x512xf32, #tpu.memory_space<vmem>>, vector<16xf32>,
        tpu.vector_store %arg9[%swap3A_600, %swap3A_601], %add3A_539 {strides = array<i32>} : memref<16x512xf32, #tpu.memory_space<vmem>>, vector<16xf32>,
        %swap3A_603 = arith.index_cast %shift_right_logical3A_407 : i32 to index
        %swap3A_604 = arith.index_cast %mul3A_411 : i32 to index
        %swap3A_605 = tpu.vector_load %arg9[%swap3A_603, %swap3A_604] {strides = array<i32>} : memref<16x512xf32, #tpu.memory_space<vmem>>, vector<16xf32>,
        tpu.vector_store %arg9[%swap3A_603, %swap3A_604], %add3A_542 {strides = array<i32>} : memref<16x512xf32, #tpu.memory_space<vmem>>, vector<16xf32>,
        %swap3A_606 = arith.index_cast %shift_right_logical3A_417 : i32 to index
        %swap3A_607 = arith.index_cast %mul3A_421 : i32 to index
        %swap3A_608 = tpu.vector_load %arg9[%swap3A_606, %swap3A_607] {strides = array<i32>} : memref<16x512xf32, #tpu.memory_space<vmem>>, vector<16xf32>,
        tpu.vector_store %arg9[%swap3A_606, %swap3A_607], %add3A_545 {strides = array<i32>} : memref<16x512xf32, #tpu.memory_space<vmem>>, vector<16xf32>,
        %swap3A_609 = arith.index_cast %shift_right_logical3A_427 : i32 to index
        %swap3A_610 = arith.index_cast %mul3A_431 : i32 to index
        %swap3A_611 = tpu.vector_load %arg9[%swap3A_609, %swap3A_610] {strides = array<i32>} : memref<16x512xf32, #tpu.memory_space<vmem>>, vector<16xf32>,
        tpu.vector_store %arg9[%swap3A_609, %swap3A_610], %add3A_548 {strides = array<i32>} : memref<16x512xf32, #tpu.memory_space<vmem>>, vector<16xf32>,
        %swap3A_612 = arith.index_cast %shift_right_logical3A_437 : i32 to index
        %swap3A_613 = arith.index_cast %mul3A_441 : i32 to index
        %swap3A_614 = tpu.vector_load %arg9[%swap3A_612, %swap3A_613] {strides = array<i32>} : memref<16x512xf32, #tpu.memory_space<vmem>>, vector<16xf32>,
        tpu.vector_store %arg9[%swap3A_612, %swap3A_613], %add3A_551 {strides = array<i32>} : memref<16x512xf32, #tpu.memory_space<vmem>>, vector<16xf32>,
        %swap3A_615 = arith.index_cast %shift_right_logical3A_447 : i32 to index
        %swap3A_616 = arith.index_cast %mul3A_451 : i32 to index
        %swap3A_617 = tpu.vector_load %arg9[%swap3A_615, %swap3A_616] {strides = array<i32>} : memref<16x512xf32, #tpu.memory_space<vmem>>, vector<16xf32>,
        tpu.vector_store %arg9[%swap3A_615, %swap3A_616], %add3A_554 {strides = array<i32>} : memref<16x512xf32, #tpu.memory_space<vmem>>, vector<16xf32>,
        tpu.vector_store_idx %arg11[%add3A_559], %add3A_533 {add = true} : memref<32896xf32, #tpu.memory_space<vmem>>[vector<16xi32>], vector<16xf32>,
        tpu.vector_store_idx %arg11[%add3A_564], %add3A_536 {add = true} : memref<32896xf32, #tpu.memory_space<vmem>>[vector<16xi32>], vector<16xf32>,
        tpu.vector_store_idx %arg11[%add3A_569], %add3A_539 {add = true} : memref<32896xf32, #tpu.memory_space<vmem>>[vector<16xi32>], vector<16xf32>,
        tpu.vector_store_idx %arg11[%add3A_574], %add3A_542 {add = true} : memref<32896xf32, #tpu.memory_space<vmem>>[vector<16xi32>], vector<16xf32>,
        tpu.vector_store_idx %arg11[%add3A_579], %add3A_545 {add = true} : memref<32896xf32, #tpu.memory_space<vmem>>[vector<16xi32>], vector<16xf32>,
        tpu.vector_store_idx %arg11[%add3A_584], %add3A_548 {add = true} : memref<32896xf32, #tpu.memory_space<vmem>>[vector<16xi32>], vector<16xf32>,
        tpu.vector_store_idx %arg11[%add3A_589], %add3A_551 {add = true} : memref<32896xf32, #tpu.memory_space<vmem>>[vector<16xi32>], vector<16xf32>,
        tpu.vector_store_idx %arg11[%add3A_594], %add3A_554 {add = true} : memref<32896xf32, #tpu.memory_space<vmem>>[vector<16xi32>], vector<16xf32>,
      }
      %scan3A_313 = arith.constant 64 : i32
      %mul3A_314 = arith.constant 2 : i32
      %mul3A_315 = arith.muli %mul3A_314, %scan3A_277 : i32
      %mul3A_316 = arith.constant 16 : i32
      %mul3A_317 = arith.muli %mul3A_315, %mul3A_316 : i32
      %add3A_318 = arith.addi %mul3A_10, %mul3A_317 : i32
      %dma_start3A_319 = arith.constant 0 : i32
      %dma_start3A_320 = tpu.memref_slice %arg3[%add3A, %add3A_318, %dma_start3A_319] : memref<16x512x512xf32, #tpu.memory_space<hbm>> -> memref<1x16x512xf32, #tpu.memory_space<hbm>>
      %dma_start3A_321 = tpu.memref_squeeze %dma_start3A_320 : memref<1x16x512xf32, #tpu.memory_space<hbm>> -> memref<16x512xf32, #tpu.memory_space<hbm>>
      %dma_start3A_322 = arith.constant 0 : i32
      %dma_start3A_323 = tpu.memref_slice %arg3[%add3A, %add3A_318, %dma_start3A_322] : memref<16x512x512xf32, #tpu.memory_space<hbm>> -> memref<1x16x512xf32, #tpu.memory_space<hbm>>
      %dma_start3A_324 = tpu.memref_squeeze %dma_start3A_323 : memref<1x16x512xf32, #tpu.memory_space<hbm>> -> memref<16x512xf32, #tpu.memory_space<hbm>>
      tpu.enqueue_dma source(%arg9 : memref<16x512xf32, #tpu.memory_space<vmem>>) target(%dma_start3A_324 : memref<16x512xf32, #tpu.memory_space<hbm>>) target_semaphore(%arg20 : memref<!tpu.dma_semaphore, #tpu.memory_space<semaphore_mem>>)
      %add3A_325 = arith.constant 1 : i32
      %add3A_326 = arith.addi %scan3A_277, %add3A_325 : i32
      %lt3A_327 = arith.constant 8 : i32
      %lt3A_328 = arith.cmpi slt, %add3A_326, %lt3A_327 : i32
      %convert_element_type3A_329 = arith.extui %lt3A_328 : i1 to i32
      %cond3A_330 = arith.constant 0 : i32
      %cond3A_331 = arith.cmpi ne, %convert_element_type3A_329, %cond3A_330 : i32
      scf.if %cond3A_331 {
        %mul3A_371 = arith.constant 2 : i32
        %mul3A_372 = arith.muli %mul3A_371, %scan3A_277 : i32
        %add3A_373 = arith.constant 2 : i32
        %add3A_374 = arith.addi %mul3A_372, %add3A_373 : i32
        %mul3A_375 = arith.constant 16 : i32
        %mul3A_376 = arith.muli %add3A_374, %mul3A_375 : i32
        %add3A_377 = arith.addi %mul3A_10, %mul3A_376 : i32
        %dma_start3A_378 = arith.constant 0 : i32
        %dma_start3A_379 = arith.constant 0 : i32
        %dma_start3A_380 = tpu.memref_slice %arg2[%add3A, %add3A_377, %dma_start3A_378, %dma_start3A_379] : memref<16x512x2x512xf32, #tpu.memory_space<hbm>> -> memref<1x16x2x512xf32, #tpu.memory_space<hbm>>
        %dma_start3A_381 = tpu.memref_squeeze %dma_start3A_380 : memref<1x16x2x512xf32, #tpu.memory_space<hbm>> -> memref<16x2x512xf32, #tpu.memory_space<hbm>>
        %dma_start3A_382 = arith.constant 0 : i32
        %dma_start3A_383 = arith.constant 0 : i32
        %dma_start3A_384 = tpu.memref_slice %arg2[%add3A, %add3A_377, %dma_start3A_382, %dma_start3A_383] : memref<16x512x2x512xf32, #tpu.memory_space<hbm>> -> memref<1x16x2x512xf32, #tpu.memory_space<hbm>>
        %dma_start3A_385 = tpu.memref_squeeze %dma_start3A_384 : memref<1x16x2x512xf32, #tpu.memory_space<hbm>> -> memref<16x2x512xf32, #tpu.memory_space<hbm>>
        tpu.enqueue_dma source(%dma_start3A_385 : memref<16x2x512xf32, #tpu.memory_space<hbm>>) target(%arg7 : memref<16x2x512xf32, #tpu.memory_space<vmem>>) target_semaphore(%arg18 : memref<!tpu.dma_semaphore, #tpu.memory_space<semaphore_mem>>)
      } else {
      }
      %mul3A_332 = arith.constant 2 : i32
      %mul3A_333 = arith.muli %mul3A_332, %scan3A_277 : i32
      %add3A_334 = arith.constant 1 : i32
      %add3A_335 = arith.addi %mul3A_333, %add3A_334 : i32
      %mul3A_336 = arith.constant 16 : i32
      %mul3A_337 = arith.muli %add3A_335, %mul3A_336 : i32
      %add3A_338 = arith.addi %mul3A_10, %mul3A_337 : i32
      %dma_wait3A_339 = arith.constant 0 : i32
      %dma_wait3A_340 = arith.constant 0 : i32
      %dma_wait3A_341 = tpu.memref_slice %arg2[%add3A, %add3A_338, %dma_wait3A_339, %dma_wait3A_340] : memref<16x512x2x512xf32, #tpu.memory_space<hbm>> -> memref<1x16x2x512xf32, #tpu.memory_space<hbm>>
      %dma_wait3A_342 = tpu.memref_squeeze %dma_wait3A_341 : memref<1x16x2x512xf32, #tpu.memory_space<hbm>> -> memref<16x2x512xf32, #tpu.memory_space<hbm>>
      %dma_wait3A_343 = arith.constant 0 : i32
      %dma_wait3A_344 = arith.constant 0 : i32
      %dma_wait3A_345 = tpu.memref_slice %arg2[%add3A, %add3A_338, %dma_wait3A_343, %dma_wait3A_344] : memref<16x512x2x512xf32, #tpu.memory_space<hbm>> -> memref<1x16x2x512xf32, #tpu.memory_space<hbm>>
      %dma_wait3A_346 = tpu.memref_squeeze %dma_wait3A_345 : memref<1x16x2x512xf32, #tpu.memory_space<hbm>> -> memref<16x2x512xf32, #tpu.memory_space<hbm>>
      tpu.wait_dma2 semaphore(%arg19 : memref<!tpu.dma_semaphore, #tpu.memory_space<semaphore_mem>>) src(%dma_wait3A_346 : memref<16x2x512xf32, #tpu.memory_space<hbm>>) dst(%arg8 : memref<16x2x512xf32, #tpu.memory_space<vmem>>)
      %gt3A_347 = arith.constant 0 : i32
      %gt3A_348 = arith.cmpi sgt, %scan3A_277, %gt3A_347 : i32
      %convert_element_type3A_349 = arith.extui %gt3A_348 : i1 to i32
      %cond3A_350 = arith.constant 0 : i32
      %cond3A_351 = arith.cmpi ne, %convert_element_type3A_349, %cond3A_350 : i32
      scf.if %cond3A_351 {
        %mul3A_371 = arith.constant 2 : i32
        %mul3A_372 = arith.muli %mul3A_371, %scan3A_277 : i32
        %sub3A_373 = arith.constant 1 : i32
        %sub3A_374 = arith.subi %mul3A_372, %sub3A_373 : i32
        %mul3A_375 = arith.constant 16 : i32
        %mul3A_376 = arith.muli %sub3A_374, %mul3A_375 : i32
        %add3A_377 = arith.addi %mul3A_10, %mul3A_376 : i32
        %dma_wait3A_378 = arith.constant 0 : i32
        %dma_wait3A_379 = tpu.memref_slice %arg3[%add3A, %add3A_377, %dma_wait3A_378] : memref<16x512x512xf32, #tpu.memory_space<hbm>> -> memref<1x16x512xf32, #tpu.memory_space<hbm>>
        %dma_wait3A_380 = tpu.memref_squeeze %dma_wait3A_379 : memref<1x16x512xf32, #tpu.memory_space<hbm>> -> memref<16x512xf32, #tpu.memory_space<hbm>>
        %dma_wait3A_381 = arith.constant 0 : i32
        %dma_wait3A_382 = tpu.memref_slice %arg3[%add3A, %add3A_377, %dma_wait3A_381] : memref<16x512x512xf32, #tpu.memory_space<hbm>> -> memref<1x16x512xf32, #tpu.memory_space<hbm>>
        %dma_wait3A_383 = tpu.memref_squeeze %dma_wait3A_382 : memref<1x16x512xf32, #tpu.memory_space<hbm>> -> memref<16x512xf32, #tpu.memory_space<hbm>>
        tpu.wait_dma2 semaphore(%arg21 : memref<!tpu.dma_semaphore, #tpu.memory_space<semaphore_mem>>) src(%arg10 : memref<16x512xf32, #tpu.memory_space<vmem>>) dst(%dma_wait3A_383 : memref<16x512xf32, #tpu.memory_space<hbm>>)
      } else {
      }
      %scan3A_352 = arith.constant 0 : i32
      %scan3A_353 = arith.constant 0 : i32
      %scan3A_354 = arith.constant 64 : i32
      %scan3A_355 = arith.addi %scan3A_353, %scan3A_354 : i32
      %scan3A_356 = arith.constant 1 : i32
      scf.for %scan3A_371 = %scan3A_353 to %scan3A_355 step %scan3A_356  : i32 {
        %mul3A_372 = arith.constant 8 : i32
        %mul3A_373 = arith.muli %scan3A_371, %mul3A_372 : i32
        %add3A_374 = arith.constant 0 : i32
        %add3A_375 = arith.addi %mul3A_373, %add3A_374 : i32
        %shift_right_logical3A_376 = arith.constant 5 : i32
        %shift_right_logical3A_377 = arith.shrui %add3A_375, %shift_right_logical3A_376 : i32
        %and3A_378 = arith.constant 31 : i32
        %and3A_379 = arith.andi %add3A_375, %and3A_378 : i32
        %mul3A_380 = arith.constant 16 : i32
        %mul3A_381 = arith.muli %and3A_379, %mul3A_380 : i32
        %mul3A_382 = arith.constant 8 : i32
        %mul3A_383 = arith.muli %scan3A_371, %mul3A_382 : i32
        %add3A_384 = arith.constant 1 : i32
        %add3A_385 = arith.addi %mul3A_383, %add3A_384 : i32
        %shift_right_logical3A_386 = arith.constant 5 : i32
        %shift_right_logical3A_387 = arith.shrui %add3A_385, %shift_right_logical3A_386 : i32
        %and3A_388 = arith.constant 31 : i32
        %and3A_389 = arith.andi %add3A_385, %and3A_388 : i32
        %mul3A_390 = arith.constant 16 : i32
        %mul3A_391 = arith.muli %and3A_389, %mul3A_390 : i32
        %mul3A_392 = arith.constant 8 : i32
        %mul3A_393 = arith.muli %scan3A_371, %mul3A_392 : i32
        %add3A_394 = arith.constant 2 : i32
        %add3A_395 = arith.addi %mul3A_393, %add3A_394 : i32
        %shift_right_logical3A_396 = arith.constant 5 : i32
        %shift_right_logical3A_397 = arith.shrui %add3A_395, %shift_right_logical3A_396 : i32
        %and3A_398 = arith.constant 31 : i32
        %and3A_399 = arith.andi %add3A_395, %and3A_398 : i32
        %mul3A_400 = arith.constant 16 : i32
        %mul3A_401 = arith.muli %and3A_399, %mul3A_400 : i32
        %mul3A_402 = arith.constant 8 : i32
        %mul3A_403 = arith.muli %scan3A_371, %mul3A_402 : i32
        %add3A_404 = arith.constant 3 : i32
        %add3A_405 = arith.addi %mul3A_403, %add3A_404 : i32
        %shift_right_logical3A_406 = arith.constant 5 : i32
        %shift_right_logical3A_407 = arith.shrui %add3A_405, %shift_right_logical3A_406 : i32
        %and3A_408 = arith.constant 31 : i32
        %and3A_409 = arith.andi %add3A_405, %and3A_408 : i32
        %mul3A_410 = arith.constant 16 : i32
        %mul3A_411 = arith.muli %and3A_409, %mul3A_410 : i32
        %mul3A_412 = arith.constant 8 : i32
        %mul3A_413 = arith.muli %scan3A_371, %mul3A_412 : i32
        %add3A_414 = arith.constant 4 : i32
        %add3A_415 = arith.addi %mul3A_413, %add3A_414 : i32
        %shift_right_logical3A_416 = arith.constant 5 : i32
        %shift_right_logical3A_417 = arith.shrui %add3A_415, %shift_right_logical3A_416 : i32
        %and3A_418 = arith.constant 31 : i32
        %and3A_419 = arith.andi %add3A_415, %and3A_418 : i32
        %mul3A_420 = arith.constant 16 : i32
        %mul3A_421 = arith.muli %and3A_419, %mul3A_420 : i32
        %mul3A_422 = arith.constant 8 : i32
        %mul3A_423 = arith.muli %scan3A_371, %mul3A_422 : i32
        %add3A_424 = arith.constant 5 : i32
        %add3A_425 = arith.addi %mul3A_423, %add3A_424 : i32
        %shift_right_logical3A_426 = arith.constant 5 : i32
        %shift_right_logical3A_427 = arith.shrui %add3A_425, %shift_right_logical3A_426 : i32
        %and3A_428 = arith.constant 31 : i32
        %and3A_429 = arith.andi %add3A_425, %and3A_428 : i32
        %mul3A_430 = arith.constant 16 : i32
        %mul3A_431 = arith.muli %and3A_429, %mul3A_430 : i32
        %mul3A_432 = arith.constant 8 : i32
        %mul3A_433 = arith.muli %scan3A_371, %mul3A_432 : i32
        %add3A_434 = arith.constant 6 : i32
        %add3A_435 = arith.addi %mul3A_433, %add3A_434 : i32
        %shift_right_logical3A_436 = arith.constant 5 : i32
        %shift_right_logical3A_437 = arith.shrui %add3A_435, %shift_right_logical3A_436 : i32
        %and3A_438 = arith.constant 31 : i32
        %and3A_439 = arith.andi %add3A_435, %and3A_438 : i32
        %mul3A_440 = arith.constant 16 : i32
        %mul3A_441 = arith.muli %and3A_439, %mul3A_440 : i32
        %mul3A_442 = arith.constant 8 : i32
        %mul3A_443 = arith.muli %scan3A_371, %mul3A_442 : i32
        %add3A_444 = arith.constant 7 : i32
        %add3A_445 = arith.addi %mul3A_443, %add3A_444 : i32
        %shift_right_logical3A_446 = arith.constant 5 : i32
        %shift_right_logical3A_447 = arith.shrui %add3A_445, %shift_right_logical3A_446 : i32
        %and3A_448 = arith.constant 31 : i32
        %and3A_449 = arith.andi %add3A_445, %and3A_448 : i32
        %mul3A_450 = arith.constant 16 : i32
        %mul3A_451 = arith.muli %and3A_449, %mul3A_450 : i32
        %get3A = arith.constant 0 : i32
        %get3A_452 = arith.index_cast %shift_right_logical3A_377 : i32 to index
        %get3A_453 = arith.index_cast %get3A : i32 to index
        %get3A_454 = arith.index_cast %mul3A_381 : i32 to index
        %get3A_455 = tpu.vector_load %arg8[%get3A_452, %get3A_453, %get3A_454] {strides = array<i32>} : memref<16x2x512xf32, #tpu.memory_space<vmem>>, vector<16xf32>,
        %get3A_456 = arith.constant 0 : i32
        %get3A_457 = arith.index_cast %shift_right_logical3A_387 : i32 to index
        %get3A_458 = arith.index_cast %get3A_456 : i32 to index
        %get3A_459 = arith.index_cast %mul3A_391 : i32 to index
        %get3A_460 = tpu.vector_load %arg8[%get3A_457, %get3A_458, %get3A_459] {strides = array<i32>} : memref<16x2x512xf32, #tpu.memory_space<vmem>>, vector<16xf32>,
        %get3A_461 = arith.constant 0 : i32
        %get3A_462 = arith.index_cast %shift_right_logical3A_397 : i32 to index
        %get3A_463 = arith.index_cast %get3A_461 : i32 to index
        %get3A_464 = arith.index_cast %mul3A_401 : i32 to index
        %get3A_465 = tpu.vector_load %arg8[%get3A_462, %get3A_463, %get3A_464] {strides = array<i32>} : memref<16x2x512xf32, #tpu.memory_space<vmem>>, vector<16xf32>,
        %get3A_466 = arith.constant 0 : i32
        %get3A_467 = arith.index_cast %shift_right_logical3A_407 : i32 to index
        %get3A_468 = arith.index_cast %get3A_466 : i32 to index
        %get3A_469 = arith.index_cast %mul3A_411 : i32 to index
        %get3A_470 = tpu.vector_load %arg8[%get3A_467, %get3A_468, %get3A_469] {strides = array<i32>} : memref<16x2x512xf32, #tpu.memory_space<vmem>>, vector<16xf32>,
        %get3A_471 = arith.constant 0 : i32
        %get3A_472 = arith.index_cast %shift_right_logical3A_417 : i32 to index
        %get3A_473 = arith.index_cast %get3A_471 : i32 to index
        %get3A_474 = arith.index_cast %mul3A_421 : i32 to index
        %get3A_475 = tpu.vector_load %arg8[%get3A_472, %get3A_473, %get3A_474] {strides = array<i32>} : memref<16x2x512xf32, #tpu.memory_space<vmem>>, vector<16xf32>,
        %get3A_476 = arith.constant 0 : i32
        %get3A_477 = arith.index_cast %shift_right_logical3A_427 : i32 to index
        %get3A_478 = arith.index_cast %get3A_476 : i32 to index
        %get3A_479 = arith.index_cast %mul3A_431 : i32 to index
        %get3A_480 = tpu.vector_load %arg8[%get3A_477, %get3A_478, %get3A_479] {strides = array<i32>} : memref<16x2x512xf32, #tpu.memory_space<vmem>>, vector<16xf32>,
        %get3A_481 = arith.constant 0 : i32
        %get3A_482 = arith.index_cast %shift_right_logical3A_437 : i32 to index
        %get3A_483 = arith.index_cast %get3A_481 : i32 to index
        %get3A_484 = arith.index_cast %mul3A_441 : i32 to index
        %get3A_485 = tpu.vector_load %arg8[%get3A_482, %get3A_483, %get3A_484] {strides = array<i32>} : memref<16x2x512xf32, #tpu.memory_space<vmem>>, vector<16xf32>,
        %get3A_486 = arith.constant 0 : i32
        %get3A_487 = arith.index_cast %shift_right_logical3A_447 : i32 to index
        %get3A_488 = arith.index_cast %get3A_486 : i32 to index
        %get3A_489 = arith.index_cast %mul3A_451 : i32 to index
        %get3A_490 = tpu.vector_load %arg8[%get3A_487, %get3A_488, %get3A_489] {strides = array<i32>} : memref<16x2x512xf32, #tpu.memory_space<vmem>>, vector<16xf32>,
        %get3A_491 = arith.constant 1 : i32
        %get3A_492 = arith.index_cast %shift_right_logical3A_377 : i32 to index
        %get3A_493 = arith.index_cast %get3A_491 : i32 to index
        %get3A_494 = arith.index_cast %mul3A_381 : i32 to index
        %get3A_495 = tpu.vector_load %arg8[%get3A_492, %get3A_493, %get3A_494] {strides = array<i32>} : memref<16x2x512xf32, #tpu.memory_space<vmem>>, vector<16xf32>,
        %get3A_496 = arith.constant 1 : i32
        %get3A_497 = arith.index_cast %shift_right_logical3A_387 : i32 to index
        %get3A_498 = arith.index_cast %get3A_496 : i32 to index
        %get3A_499 = arith.index_cast %mul3A_391 : i32 to index
        %get3A_500 = tpu.vector_load %arg8[%get3A_497, %get3A_498, %get3A_499] {strides = array<i32>} : memref<16x2x512xf32, #tpu.memory_space<vmem>>, vector<16xf32>,
        %get3A_501 = arith.constant 1 : i32
        %get3A_502 = arith.index_cast %shift_right_logical3A_397 : i32 to index
        %get3A_503 = arith.index_cast %get3A_501 : i32 to index
        %get3A_504 = arith.index_cast %mul3A_401 : i32 to index
        %get3A_505 = tpu.vector_load %arg8[%get3A_502, %get3A_503, %get3A_504] {strides = array<i32>} : memref<16x2x512xf32, #tpu.memory_space<vmem>>, vector<16xf32>,
        %get3A_506 = arith.constant 1 : i32
        %get3A_507 = arith.index_cast %shift_right_logical3A_407 : i32 to index
        %get3A_508 = arith.index_cast %get3A_506 : i32 to index
        %get3A_509 = arith.index_cast %mul3A_411 : i32 to index
        %get3A_510 = tpu.vector_load %arg8[%get3A_507, %get3A_508, %get3A_509] {strides = array<i32>} : memref<16x2x512xf32, #tpu.memory_space<vmem>>, vector<16xf32>,
        %get3A_511 = arith.constant 1 : i32
        %get3A_512 = arith.index_cast %shift_right_logical3A_417 : i32 to index
        %get3A_513 = arith.index_cast %get3A_511 : i32 to index
        %get3A_514 = arith.index_cast %mul3A_421 : i32 to index
        %get3A_515 = tpu.vector_load %arg8[%get3A_512, %get3A_513, %get3A_514] {strides = array<i32>} : memref<16x2x512xf32, #tpu.memory_space<vmem>>, vector<16xf32>,
        %get3A_516 = arith.constant 1 : i32
        %get3A_517 = arith.index_cast %shift_right_logical3A_427 : i32 to index
        %get3A_518 = arith.index_cast %get3A_516 : i32 to index
        %get3A_519 = arith.index_cast %mul3A_431 : i32 to index
        %get3A_520 = tpu.vector_load %arg8[%get3A_517, %get3A_518, %get3A_519] {strides = array<i32>} : memref<16x2x512xf32, #tpu.memory_space<vmem>>, vector<16xf32>,
        %get3A_521 = arith.constant 1 : i32
        %get3A_522 = arith.index_cast %shift_right_logical3A_437 : i32 to index
        %get3A_523 = arith.index_cast %get3A_521 : i32 to index
        %get3A_524 = arith.index_cast %mul3A_441 : i32 to index
        %get3A_525 = tpu.vector_load %arg8[%get3A_522, %get3A_523, %get3A_524] {strides = array<i32>} : memref<16x2x512xf32, #tpu.memory_space<vmem>>, vector<16xf32>,
        %get3A_526 = arith.constant 1 : i32
        %get3A_527 = arith.index_cast %shift_right_logical3A_447 : i32 to index
        %get3A_528 = arith.index_cast %get3A_526 : i32 to index
        %get3A_529 = arith.index_cast %mul3A_451 : i32 to index
        %get3A_530 = tpu.vector_load %arg8[%get3A_527, %get3A_528, %get3A_529] {strides = array<i32>} : memref<16x2x512xf32, #tpu.memory_space<vmem>>, vector<16xf32>,
        %mul3A_531 = arith.mulf %get3A_455, %get3A_455 : vector<16xf32>
        %mul3A_532 = arith.mulf %get3A_495, %get3A_495 : vector<16xf32>
        %add3A_533 = arith.addf %mul3A_531, %mul3A_532 : vector<16xf32>
        %mul3A_534 = arith.mulf %get3A_460, %get3A_460 : vector<16xf32>
        %mul3A_535 = arith.mulf %get3A_500, %get3A_500 : vector<16xf32>
        %add3A_536 = arith.addf %mul3A_534, %mul3A_535 : vector<16xf32>
        %mul3A_537 = arith.mulf %get3A_465, %get3A_465 : vector<16xf32>
        %mul3A_538 = arith.mulf %get3A_505, %get3A_505 : vector<16xf32>
        %add3A_539 = arith.addf %mul3A_537, %mul3A_538 : vector<16xf32>
        %mul3A_540 = arith.mulf %get3A_470, %get3A_470 : vector<16xf32>
        %mul3A_541 = arith.mulf %get3A_510, %get3A_510 : vector<16xf32>
        %add3A_542 = arith.addf %mul3A_540, %mul3A_541 : vector<16xf32>
        %mul3A_543 = arith.mulf %get3A_475, %get3A_475 : vector<16xf32>
        %mul3A_544 = arith.mulf %get3A_515, %get3A_515 : vector<16xf32>
        %add3A_545 = arith.addf %mul3A_543, %mul3A_544 : vector<16xf32>
        %mul3A_546 = arith.mulf %get3A_480, %get3A_480 : vector<16xf32>
        %mul3A_547 = arith.mulf %get3A_520, %get3A_520 : vector<16xf32>
        %add3A_548 = arith.addf %mul3A_546, %mul3A_547 : vector<16xf32>
        %mul3A_549 = arith.mulf %get3A_485, %get3A_485 : vector<16xf32>
        %mul3A_550 = arith.mulf %get3A_525, %get3A_525 : vector<16xf32>
        %add3A_551 = arith.addf %mul3A_549, %mul3A_550 : vector<16xf32>
        %mul3A_552 = arith.mulf %get3A_490, %get3A_490 : vector<16xf32>
        %mul3A_553 = arith.mulf %get3A_530, %get3A_530 : vector<16xf32>
        %add3A_554 = arith.addf %mul3A_552, %mul3A_553 : vector<16xf32>
        %bitcast3A_555 = vector.bitcast %add3A_533 : vector<16xf32> to vector<16xi32>
        %shift_right_logical3A_556 = arith.constant 20 : i32
        %shift_right_logical3A_557 = vector.broadcast %shift_right_logical3A_556 : i32 to vector<16xi32>
        %shift_right_logical3A_558 = arith.shrui %bitcast3A_555, %shift_right_logical3A_557 : vector<16xi32>
        %add3A_559 = arith.addi %mul3A_5, %shift_right_logical3A_558 : vector<16xi32>
        %bitcast3A_560 = vector.bitcast %add3A_536 : vector<16xf32> to vector<16xi32>
        %shift_right_logical3A_561 = arith.constant 20 : i32
        %shift_right_logical3A_562 = vector.broadcast %shift_right_logical3A_561 : i32 to vector<16xi32>
        %shift_right_logical3A_563 = arith.shrui %bitcast3A_560, %shift_right_logical3A_562 : vector<16xi32>
        %add3A_564 = arith.addi %mul3A_5, %shift_right_logical3A_563 : vector<16xi32>
        %bitcast3A_565 = vector.bitcast %add3A_539 : vector<16xf32> to vector<16xi32>
        %shift_right_logical3A_566 = arith.constant 20 : i32
        %shift_right_logical3A_567 = vector.broadcast %shift_right_logical3A_566 : i32 to vector<16xi32>
        %shift_right_logical3A_568 = arith.shrui %bitcast3A_565, %shift_right_logical3A_567 : vector<16xi32>
        %add3A_569 = arith.addi %mul3A_5, %shift_right_logical3A_568 : vector<16xi32>
        %bitcast3A_570 = vector.bitcast %add3A_542 : vector<16xf32> to vector<16xi32>
        %shift_right_logical3A_571 = arith.constant 20 : i32
        %shift_right_logical3A_572 = vector.broadcast %shift_right_logical3A_571 : i32 to vector<16xi32>
        %shift_right_logical3A_573 = arith.shrui %bitcast3A_570, %shift_right_logical3A_572 : vector<16xi32>
        %add3A_574 = arith.addi %mul3A_5, %shift_right_logical3A_573 : vector<16xi32>
        %bitcast3A_575 = vector.bitcast %add3A_545 : vector<16xf32> to vector<16xi32>
        %shift_right_logical3A_576 = arith.constant 20 : i32
        %shift_right_logical3A_577 = vector.broadcast %shift_right_logical3A_576 : i32 to vector<16xi32>
        %shift_right_logical3A_578 = arith.shrui %bitcast3A_575, %shift_right_logical3A_577 : vector<16xi32>
        %add3A_579 = arith.addi %mul3A_5, %shift_right_logical3A_578 : vector<16xi32>
        %bitcast3A_580 = vector.bitcast %add3A_548 : vector<16xf32> to vector<16xi32>
        %shift_right_logical3A_581 = arith.constant 20 : i32
        %shift_right_logical3A_582 = vector.broadcast %shift_right_logical3A_581 : i32 to vector<16xi32>
        %shift_right_logical3A_583 = arith.shrui %bitcast3A_580, %shift_right_logical3A_582 : vector<16xi32>
        %add3A_584 = arith.addi %mul3A_5, %shift_right_logical3A_583 : vector<16xi32>
        %bitcast3A_585 = vector.bitcast %add3A_551 : vector<16xf32> to vector<16xi32>
        %shift_right_logical3A_586 = arith.constant 20 : i32
        %shift_right_logical3A_587 = vector.broadcast %shift_right_logical3A_586 : i32 to vector<16xi32>
        %shift_right_logical3A_588 = arith.shrui %bitcast3A_585, %shift_right_logical3A_587 : vector<16xi32>
        %add3A_589 = arith.addi %mul3A_5, %shift_right_logical3A_588 : vector<16xi32>
        %bitcast3A_590 = vector.bitcast %add3A_554 : vector<16xf32> to vector<16xi32>
        %shift_right_logical3A_591 = arith.constant 20 : i32
        %shift_right_logical3A_592 = vector.broadcast %shift_right_logical3A_591 : i32 to vector<16xi32>
        %shift_right_logical3A_593 = arith.shrui %bitcast3A_590, %shift_right_logical3A_592 : vector<16xi32>
        %add3A_594 = arith.addi %mul3A_5, %shift_right_logical3A_593 : vector<16xi32>
        %swap3A = arith.index_cast %shift_right_logical3A_377 : i32 to index
        %swap3A_595 = arith.index_cast %mul3A_381 : i32 to index
        %swap3A_596 = tpu.vector_load %arg10[%swap3A, %swap3A_595] {strides = array<i32>} : memref<16x512xf32, #tpu.memory_space<vmem>>, vector<16xf32>,
        tpu.vector_store %arg10[%swap3A, %swap3A_595], %add3A_533 {strides = array<i32>} : memref<16x512xf32, #tpu.memory_space<vmem>>, vector<16xf32>,
        %swap3A_597 = arith.index_cast %shift_right_logical3A_387 : i32 to index
        %swap3A_598 = arith.index_cast %mul3A_391 : i32 to index
        %swap3A_599 = tpu.vector_load %arg10[%swap3A_597, %swap3A_598] {strides = array<i32>} : memref<16x512xf32, #tpu.memory_space<vmem>>, vector<16xf32>,
        tpu.vector_store %arg10[%swap3A_597, %swap3A_598], %add3A_536 {strides = array<i32>} : memref<16x512xf32, #tpu.memory_space<vmem>>, vector<16xf32>,
        %swap3A_600 = arith.index_cast %shift_right_logical3A_397 : i32 to index
        %swap3A_601 = arith.index_cast %mul3A_401 : i32 to index
        %swap3A_602 = tpu.vector_load %arg10[%swap3A_600, %swap3A_601] {strides = array<i32>} : memref<16x512xf32, #tpu.memory_space<vmem>>, vector<16xf32>,
        tpu.vector_store %arg10[%swap3A_600, %swap3A_601], %add3A_539 {strides = array<i32>} : memref<16x512xf32, #tpu.memory_space<vmem>>, vector<16xf32>,
        %swap3A_603 = arith.index_cast %shift_right_logical3A_407 : i32 to index
        %swap3A_604 = arith.index_cast %mul3A_411 : i32 to index
        %swap3A_605 = tpu.vector_load %arg10[%swap3A_603, %swap3A_604] {strides = array<i32>} : memref<16x512xf32, #tpu.memory_space<vmem>>, vector<16xf32>,
        tpu.vector_store %arg10[%swap3A_603, %swap3A_604], %add3A_542 {strides = array<i32>} : memref<16x512xf32, #tpu.memory_space<vmem>>, vector<16xf32>,
        %swap3A_606 = arith.index_cast %shift_right_logical3A_417 : i32 to index
        %swap3A_607 = arith.index_cast %mul3A_421 : i32 to index
        %swap3A_608 = tpu.vector_load %arg10[%swap3A_606, %swap3A_607] {strides = array<i32>} : memref<16x512xf32, #tpu.memory_space<vmem>>, vector<16xf32>,
        tpu.vector_store %arg10[%swap3A_606, %swap3A_607], %add3A_545 {strides = array<i32>} : memref<16x512xf32, #tpu.memory_space<vmem>>, vector<16xf32>,
        %swap3A_609 = arith.index_cast %shift_right_logical3A_427 : i32 to index
        %swap3A_610 = arith.index_cast %mul3A_431 : i32 to index
        %swap3A_611 = tpu.vector_load %arg10[%swap3A_609, %swap3A_610] {strides = array<i32>} : memref<16x512xf32, #tpu.memory_space<vmem>>, vector<16xf32>,
        tpu.vector_store %arg10[%swap3A_609, %swap3A_610], %add3A_548 {strides = array<i32>} : memref<16x512xf32, #tpu.memory_space<vmem>>, vector<16xf32>,
        %swap3A_612 = arith.index_cast %shift_right_logical3A_437 : i32 to index
        %swap3A_613 = arith.index_cast %mul3A_441 : i32 to index
        %swap3A_614 = tpu.vector_load %arg10[%swap3A_612, %swap3A_613] {strides = array<i32>} : memref<16x512xf32, #tpu.memory_space<vmem>>, vector<16xf32>,
        tpu.vector_store %arg10[%swap3A_612, %swap3A_613], %add3A_551 {strides = array<i32>} : memref<16x512xf32, #tpu.memory_space<vmem>>, vector<16xf32>,
        %swap3A_615 = arith.index_cast %shift_right_logical3A_447 : i32 to index
        %swap3A_616 = arith.index_cast %mul3A_451 : i32 to index
        %swap3A_617 = tpu.vector_load %arg10[%swap3A_615, %swap3A_616] {strides = array<i32>} : memref<16x512xf32, #tpu.memory_space<vmem>>, vector<16xf32>,
        tpu.vector_store %arg10[%swap3A_615, %swap3A_616], %add3A_554 {strides = array<i32>} : memref<16x512xf32, #tpu.memory_space<vmem>>, vector<16xf32>,
        tpu.vector_store_idx %arg11[%add3A_559], %add3A_533 {add = true} : memref<32896xf32, #tpu.memory_space<vmem>>[vector<16xi32>], vector<16xf32>,
        tpu.vector_store_idx %arg11[%add3A_564], %add3A_536 {add = true} : memref<32896xf32, #tpu.memory_space<vmem>>[vector<16xi32>], vector<16xf32>,
        tpu.vector_store_idx %arg11[%add3A_569], %add3A_539 {add = true} : memref<32896xf32, #tpu.memory_space<vmem>>[vector<16xi32>], vector<16xf32>,
        tpu.vector_store_idx %arg11[%add3A_574], %add3A_542 {add = true} : memref<32896xf32, #tpu.memory_space<vmem>>[vector<16xi32>], vector<16xf32>,
        tpu.vector_store_idx %arg11[%add3A_579], %add3A_545 {add = true} : memref<32896xf32, #tpu.memory_space<vmem>>[vector<16xi32>], vector<16xf32>,
        tpu.vector_store_idx %arg11[%add3A_584], %add3A_548 {add = true} : memref<32896xf32, #tpu.memory_space<vmem>>[vector<16xi32>], vector<16xf32>,
        tpu.vector_store_idx %arg11[%add3A_589], %add3A_551 {add = true} : memref<32896xf32, #tpu.memory_space<vmem>>[vector<16xi32>], vector<16xf32>,
        tpu.vector_store_idx %arg11[%add3A_594], %add3A_554 {add = true} : memref<32896xf32, #tpu.memory_space<vmem>>[vector<16xi32>], vector<16xf32>,
      }
      %scan3A_357 = arith.constant 64 : i32
      %mul3A_358 = arith.constant 2 : i32
      %mul3A_359 = arith.muli %mul3A_358, %scan3A_277 : i32
      %add3A_360 = arith.constant 1 : i32
      %add3A_361 = arith.addi %mul3A_359, %add3A_360 : i32
      %mul3A_362 = arith.constant 16 : i32
      %mul3A_363 = arith.muli %add3A_361, %mul3A_362 : i32
      %add3A_364 = arith.addi %mul3A_10, %mul3A_363 : i32
      %dma_start3A_365 = arith.constant 0 : i32
      %dma_start3A_366 = tpu.memref_slice %arg3[%add3A, %add3A_364, %dma_start3A_365] : memref<16x512x512xf32, #tpu.memory_space<hbm>> -> memref<1x16x512xf32, #tpu.memory_space<hbm>>
      %dma_start3A_367 = tpu.memref_squeeze %dma_start3A_366 : memref<1x16x512xf32, #tpu.memory_space<hbm>> -> memref<16x512xf32, #tpu.memory_space<hbm>>
      %dma_start3A_368 = arith.constant 0 : i32
      %dma_start3A_369 = tpu.memref_slice %arg3[%add3A, %add3A_364, %dma_start3A_368] : memref<16x512x512xf32, #tpu.memory_space<hbm>> -> memref<1x16x512xf32, #tpu.memory_space<hbm>>
      %dma_start3A_370 = tpu.memref_squeeze %dma_start3A_369 : memref<1x16x512xf32, #tpu.memory_space<hbm>> -> memref<16x512xf32, #tpu.memory_space<hbm>>
      tpu.enqueue_dma source(%arg10 : memref<16x512xf32, #tpu.memory_space<vmem>>) target(%dma_start3A_370 : memref<16x512xf32, #tpu.memory_space<hbm>>) target_semaphore(%arg21 : memref<!tpu.dma_semaphore, #tpu.memory_space<semaphore_mem>>)
    }
    %scan3A_31 = arith.constant 8 : i32
    %add3A_32 = arith.constant 224 : i32
    %add3A_33 = arith.addi %mul3A_10, %add3A_32 : i32
    %dma_wait3A = arith.constant 0 : i32
    %dma_wait3A_34 = tpu.memref_slice %arg3[%add3A, %add3A_33, %dma_wait3A] : memref<16x512x512xf32, #tpu.memory_space<hbm>> -> memref<1x16x512xf32, #tpu.memory_space<hbm>>
    %dma_wait3A_35 = tpu.memref_squeeze %dma_wait3A_34 : memref<1x16x512xf32, #tpu.memory_space<hbm>> -> memref<16x512xf32, #tpu.memory_space<hbm>>
    %dma_wait3A_36 = arith.constant 0 : i32
    %dma_wait3A_37 = tpu.memref_slice %arg3[%add3A, %add3A_33, %dma_wait3A_36] : memref<16x512x512xf32, #tpu.memory_space<hbm>> -> memref<1x16x512xf32, #tpu.memory_space<hbm>>
    %dma_wait3A_38 = tpu.memref_squeeze %dma_wait3A_37 : memref<1x16x512xf32, #tpu.memory_space<hbm>> -> memref<16x512xf32, #tpu.memory_space<hbm>>
    tpu.wait_dma2 semaphore(%arg20 : memref<!tpu.dma_semaphore, #tpu.memory_space<semaphore_mem>>) src(%arg9 : memref<16x512xf32, #tpu.memory_space<vmem>>) dst(%dma_wait3A_38 : memref<16x512xf32, #tpu.memory_space<hbm>>)
    %add3A_39 = arith.constant 240 : i32
    %add3A_40 = arith.addi %mul3A_10, %add3A_39 : i32
    %dma_wait3A_41 = arith.constant 0 : i32
    %dma_wait3A_42 = tpu.memref_slice %arg3[%add3A, %add3A_40, %dma_wait3A_41] : memref<16x512x512xf32, #tpu.memory_space<hbm>> -> memref<1x16x512xf32, #tpu.memory_space<hbm>>
    %dma_wait3A_43 = tpu.memref_squeeze %dma_wait3A_42 : memref<1x16x512xf32, #tpu.memory_space<hbm>> -> memref<16x512xf32, #tpu.memory_space<hbm>>
    %dma_wait3A_44 = arith.constant 0 : i32
    %dma_wait3A_45 = tpu.memref_slice %arg3[%add3A, %add3A_40, %dma_wait3A_44] : memref<16x512x512xf32, #tpu.memory_space<hbm>> -> memref<1x16x512xf32, #tpu.memory_space<hbm>>
    %dma_wait3A_46 = tpu.memref_squeeze %dma_wait3A_45 : memref<1x16x512xf32, #tpu.memory_space<hbm>> -> memref<16x512xf32, #tpu.memory_space<hbm>>
    tpu.wait_dma2 semaphore(%arg21 : memref<!tpu.dma_semaphore, #tpu.memory_space<semaphore_mem>>) src(%arg10 : memref<16x512xf32, #tpu.memory_space<vmem>>) dst(%dma_wait3A_46 : memref<16x512xf32, #tpu.memory_space<hbm>>)
    %scan3A_47 = arith.constant 0 : i32
    %scan3A_48 = arith.constant 0 : i32
    %scan3A_49 = arith.constant 128 : i32
    %scan3A_50 = arith.addi %scan3A_48, %scan3A_49 : i32
    %scan3A_51 = arith.constant 1 : i32
    scf.for %scan3A_277 = %scan3A_48 to %scan3A_50 step %scan3A_51  : i32 {
      %mul3A_278 = arith.constant 16 : i32
      %mul3A_279 = arith.muli %scan3A_277, %mul3A_278 : i32
      %get3A = arith.index_cast %mul3A_279 : i32 to index
      %get3A_280 = tpu.vector_load %arg11[%get3A] {strides = array<i32>} : memref<32896xf32, #tpu.memory_space<vmem>>, vector<16xf32>,
      %mul3A_281 = arith.constant 16 : i32
      %mul3A_282 = arith.muli %scan3A_277, %mul3A_281 : i32
      %add3A_283 = arith.constant 2049 : i32
      %add3A_284 = arith.addi %add3A_283, %mul3A_282 : i32
      %get3A_285 = arith.index_cast %add3A_284 : i32 to index
      %get3A_286 = tpu.vector_load %arg11[%get3A_285] {strides = array<i32>} : memref<32896xf32, #tpu.memory_space<vmem>>, vector<16xf32>,
      %add3A_287 = arith.addf %get3A_280, %get3A_286 : vector<16xf32>
      %mul3A_288 = arith.constant 16 : i32
      %mul3A_289 = arith.muli %scan3A_277, %mul3A_288 : i32
      %add3A_290 = arith.constant 4098 : i32
      %add3A_291 = arith.addi %add3A_290, %mul3A_289 : i32
      %get3A_292 = arith.index_cast %add3A_291 : i32 to index
      %get3A_293 = tpu.vector_load %arg11[%get3A_292] {strides = array<i32>} : memref<32896xf32, #tpu.memory_space<vmem>>, vector<16xf32>,
      %add3A_294 = arith.addf %add3A_287, %get3A_293 : vector<16xf32>
      %mul3A_295 = arith.constant 16 : i32
      %mul3A_296 = arith.muli %scan3A_277, %mul3A_295 : i32
      %add3A_297 = arith.constant 6147 : i32
      %add3A_298 = arith.addi %add3A_297, %mul3A_296 : i32
      %get3A_299 = arith.index_cast %add3A_298 : i32 to index
      %get3A_300 = tpu.vector_load %arg11[%get3A_299] {strides = array<i32>} : memref<32896xf32, #tpu.memory_space<vmem>>, vector<16xf32>,
      %add3A_301 = arith.addf %add3A_294, %get3A_300 : vector<16xf32>
      %mul3A_302 = arith.constant 16 : i32
      %mul3A_303 = arith.muli %scan3A_277, %mul3A_302 : i32
      %add3A_304 = arith.constant 8196 : i32
      %add3A_305 = arith.addi %add3A_304, %mul3A_303 : i32
      %get3A_306 = arith.index_cast %add3A_305 : i32 to index
      %get3A_307 = tpu.vector_load %arg11[%get3A_306] {strides = array<i32>} : memref<32896xf32, #tpu.memory_space<vmem>>, vector<16xf32>,
      %add3A_308 = arith.addf %add3A_301, %get3A_307 : vector<16xf32>
      %mul3A_309 = arith.constant 16 : i32
      %mul3A_310 = arith.muli %scan3A_277, %mul3A_309 : i32
      %add3A_311 = arith.constant 10245 : i32
      %add3A_312 = arith.addi %add3A_311, %mul3A_310 : i32
      %get3A_313 = arith.index_cast %add3A_312 : i32 to index
      %get3A_314 = tpu.vector_load %arg11[%get3A_313] {strides = array<i32>} : memref<32896xf32, #tpu.memory_space<vmem>>, vector<16xf32>,
      %add3A_315 = arith.addf %add3A_308, %get3A_314 : vector<16xf32>
      %mul3A_316 = arith.constant 16 : i32
      %mul3A_317 = arith.muli %scan3A_277, %mul3A_316 : i32
      %add3A_318 = arith.constant 12294 : i32
      %add3A_319 = arith.addi %add3A_318, %mul3A_317 : i32
      %get3A_320 = arith.index_cast %add3A_319 : i32 to index
      %get3A_321 = tpu.vector_load %arg11[%get3A_320] {strides = array<i32>} : memref<32896xf32, #tpu.memory_space<vmem>>, vector<16xf32>,
      %add3A_322 = arith.addf %add3A_315, %get3A_321 : vector<16xf32>
      %mul3A_323 = arith.constant 16 : i32
      %mul3A_324 = arith.muli %scan3A_277, %mul3A_323 : i32
      %add3A_325 = arith.constant 14343 : i32
      %add3A_326 = arith.addi %add3A_325, %mul3A_324 : i32
      %get3A_327 = arith.index_cast %add3A_326 : i32 to index
      %get3A_328 = tpu.vector_load %arg11[%get3A_327] {strides = array<i32>} : memref<32896xf32, #tpu.memory_space<vmem>>, vector<16xf32>,
      %add3A_329 = arith.addf %add3A_322, %get3A_328 : vector<16xf32>
      %mul3A_330 = arith.constant 16 : i32
      %mul3A_331 = arith.muli %scan3A_277, %mul3A_330 : i32
      %add3A_332 = arith.constant 16392 : i32
      %add3A_333 = arith.addi %add3A_332, %mul3A_331 : i32
      %get3A_334 = arith.index_cast %add3A_333 : i32 to index
      %get3A_335 = tpu.vector_load %arg11[%get3A_334] {strides = array<i32>} : memref<32896xf32, #tpu.memory_space<vmem>>, vector<16xf32>,
      %add3A_336 = arith.addf %add3A_329, %get3A_335 : vector<16xf32>
      %mul3A_337 = arith.constant 16 : i32
      %mul3A_338 = arith.muli %scan3A_277, %mul3A_337 : i32
      %add3A_339 = arith.constant 18441 : i32
      %add3A_340 = arith.addi %add3A_339, %mul3A_338 : i32
      %get3A_341 = arith.index_cast %add3A_340 : i32 to index
      %get3A_342 = tpu.vector_load %arg11[%get3A_341] {strides = array<i32>} : memref<32896xf32, #tpu.memory_space<vmem>>, vector<16xf32>,
      %add3A_343 = arith.addf %add3A_336, %get3A_342 : vector<16xf32>
      %mul3A_344 = arith.constant 16 : i32
      %mul3A_345 = arith.muli %scan3A_277, %mul3A_344 : i32
      %add3A_346 = arith.constant 20490 : i32
      %add3A_347 = arith.addi %add3A_346, %mul3A_345 : i32
      %get3A_348 = arith.index_cast %add3A_347 : i32 to index
      %get3A_349 = tpu.vector_load %arg11[%get3A_348] {strides = array<i32>} : memref<32896xf32, #tpu.memory_space<vmem>>, vector<16xf32>,
      %add3A_350 = arith.addf %add3A_343, %get3A_349 : vector<16xf32>
      %mul3A_351 = arith.constant 16 : i32
      %mul3A_352 = arith.muli %scan3A_277, %mul3A_351 : i32
      %add3A_353 = arith.constant 22539 : i32
      %add3A_354 = arith.addi %add3A_353, %mul3A_352 : i32
      %get3A_355 = arith.index_cast %add3A_354 : i32 to index
      %get3A_356 = tpu.vector_load %arg11[%get3A_355] {strides = array<i32>} : memref<32896xf32, #tpu.memory_space<vmem>>, vector<16xf32>,
      %add3A_357 = arith.addf %add3A_350, %get3A_356 : vector<16xf32>
      %mul3A_358 = arith.constant 16 : i32
      %mul3A_359 = arith.muli %scan3A_277, %mul3A_358 : i32
      %add3A_360 = arith.constant 24588 : i32
      %add3A_361 = arith.addi %add3A_360, %mul3A_359 : i32
      %get3A_362 = arith.index_cast %add3A_361 : i32 to index
      %get3A_363 = tpu.vector_load %arg11[%get3A_362] {strides = array<i32>} : memref<32896xf32, #tpu.memory_space<vmem>>, vector<16xf32>,
      %add3A_364 = arith.addf %add3A_357, %get3A_363 : vector<16xf32>
      %mul3A_365 = arith.constant 16 : i32
      %mul3A_366 = arith.muli %scan3A_277, %mul3A_365 : i32
      %add3A_367 = arith.constant 26637 : i32
      %add3A_368 = arith.addi %add3A_367, %mul3A_366 : i32
      %get3A_369 = arith.index_cast %add3A_368 : i32 to index
      %get3A_370 = tpu.vector_load %arg11[%get3A_369] {strides = array<i32>} : memref<32896xf32, #tpu.memory_space<vmem>>, vector<16xf32>,
      %add3A_371 = arith.addf %add3A_364, %get3A_370 : vector<16xf32>
      %mul3A_372 = arith.constant 16 : i32
      %mul3A_373 = arith.muli %scan3A_277, %mul3A_372 : i32
      %add3A_374 = arith.constant 28686 : i32
      %add3A_375 = arith.addi %add3A_374, %mul3A_373 : i32
      %get3A_376 = arith.index_cast %add3A_375 : i32 to index
      %get3A_377 = tpu.vector_load %arg11[%get3A_376] {strides = array<i32>} : memref<32896xf32, #tpu.memory_space<vmem>>, vector<16xf32>,
      %add3A_378 = arith.addf %add3A_371, %get3A_377 : vector<16xf32>
      %mul3A_379 = arith.constant 16 : i32
      %mul3A_380 = arith.muli %scan3A_277, %mul3A_379 : i32
      %add3A_381 = arith.constant 30735 : i32
      %add3A_382 = arith.addi %add3A_381, %mul3A_380 : i32
      %get3A_383 = arith.index_cast %add3A_382 : i32 to index
      %get3A_384 = tpu.vector_load %arg11[%get3A_383] {strides = array<i32>} : memref<32896xf32, #tpu.memory_space<vmem>>, vector<16xf32>,
      %add3A_385 = arith.addf %add3A_378, %get3A_384 : vector<16xf32>
      %mul3A_386 = arith.constant 16 : i32
      %mul3A_387 = arith.muli %scan3A_277, %mul3A_386 : i32
      %swap3A = arith.index_cast %mul3A_387 : i32 to index
      %swap3A_388 = tpu.vector_load %arg12[%swap3A] {strides = array<i32>} : memref<2048xf32, #tpu.memory_space<vmem>>, vector<16xf32>,
      tpu.vector_store %arg12[%swap3A], %add3A_385 {strides = array<i32>} : memref<2048xf32, #tpu.memory_space<vmem>>, vector<16xf32>,
    }
    %scan3A_52 = arith.constant 128 : i32
    "tpu.region"() ({
      %run_scoped3A = tpu.sem_alloc : memref<!tpu.dma_semaphore, #tpu.memory_space<semaphore_mem>>
      %dma_start3A_277 = arith.constant 0 : i32
      %dma_start3A_278 = tpu.memref_slice %arg12[%dma_start3A_277] : memref<2048xf32, #tpu.memory_space<vmem>> -> memref<2048xf32, #tpu.memory_space<vmem>>
      %dma_start3A_279 = arith.constant 0 : i32
      %dma_start3A_280 = tpu.memref_slice %arg15[%arg1, %dma_start3A_279] : memref<16x2048xf32, #tpu.memory_space<vmem_shared>> -> memref<1x2048xf32, #tpu.memory_space<vmem_shared>>
      %dma_start3A_281 = tpu.memref_squeeze %dma_start3A_280 : memref<1x2048xf32, #tpu.memory_space<vmem_shared>> -> memref<2048xf32, #tpu.memory_space<vmem_shared>>
      %dma_start3A_282 = arith.constant 0 : i32
      %dma_start3A_283 = tpu.memref_slice %arg15[%arg1, %dma_start3A_282] : memref<16x2048xf32, #tpu.memory_space<vmem_shared>> -> memref<1x2048xf32, #tpu.memory_space<vmem_shared>>
      %dma_start3A_284 = tpu.memref_squeeze %dma_start3A_283 : memref<1x2048xf32, #tpu.memory_space<vmem_shared>> -> memref<2048xf32, #tpu.memory_space<vmem_shared>>
      %dma_start3A_285 = arith.constant 0 : i32
      %dma_start3A_286 = tpu.memref_slice %arg12[%dma_start3A_285] : memref<2048xf32, #tpu.memory_space<vmem>> -> memref<2048xf32, #tpu.memory_space<vmem>>
      tpu.enqueue_dma source(%dma_start3A_286 : memref<2048xf32, #tpu.memory_space<vmem>>) target(%dma_start3A_284 : memref<2048xf32, #tpu.memory_space<vmem_shared>>) target_semaphore(%run_scoped3A : memref<!tpu.dma_semaphore, #tpu.memory_space<semaphore_mem>>)
      %dma_wait3A_287 = arith.constant 0 : i32
      %dma_wait3A_288 = tpu.memref_slice %arg12[%dma_wait3A_287] : memref<2048xf32, #tpu.memory_space<vmem>> -> memref<2048xf32, #tpu.memory_space<vmem>>
      %dma_wait3A_289 = arith.constant 0 : i32
      %dma_wait3A_290 = tpu.memref_slice %arg15[%arg1, %dma_wait3A_289] : memref<16x2048xf32, #tpu.memory_space<vmem_shared>> -> memref<1x2048xf32, #tpu.memory_space<vmem_shared>>
      %dma_wait3A_291 = tpu.memref_squeeze %dma_wait3A_290 : memref<1x2048xf32, #tpu.memory_space<vmem_shared>> -> memref<2048xf32, #tpu.memory_space<vmem_shared>>
      %dma_wait3A_292 = arith.constant 0 : i32
      %dma_wait3A_293 = tpu.memref_slice %arg15[%arg1, %dma_wait3A_292] : memref<16x2048xf32, #tpu.memory_space<vmem_shared>> -> memref<1x2048xf32, #tpu.memory_space<vmem_shared>>
      %dma_wait3A_294 = tpu.memref_squeeze %dma_wait3A_293 : memref<1x2048xf32, #tpu.memory_space<vmem_shared>> -> memref<2048xf32, #tpu.memory_space<vmem_shared>>
      %dma_wait3A_295 = arith.constant 0 : i32
      %dma_wait3A_296 = tpu.memref_slice %arg12[%dma_wait3A_295] : memref<2048xf32, #tpu.memory_space<vmem>> -> memref<2048xf32, #tpu.memory_space<vmem>>
      tpu.wait_dma2 semaphore(%run_scoped3A : memref<!tpu.dma_semaphore, #tpu.memory_space<semaphore_mem>>) src(%dma_wait3A_296 : memref<2048xf32, #tpu.memory_space<vmem>>) dst(%dma_wait3A_294 : memref<2048xf32, #tpu.memory_space<vmem_shared>>)
      tpu.yield
    }) : () -> ()
    %barrier3A = arith.constant 0 : index
    tpu.barrier barrier_id(%barrier3A)
    %xor3A = arith.constant 1 : i32
    %xor3A_53 = arith.xori %arg1, %xor3A : i32
    "tpu.region"() ({
      %run_scoped3A = tpu.sem_alloc : memref<!tpu.dma_semaphore, #tpu.memory_space<semaphore_mem>>
      %dma_start3A_277 = arith.constant 0 : i32
      %dma_start3A_278 = tpu.memref_slice %arg13[%dma_start3A_277] : memref<2048xf32, #tpu.memory_space<vmem>> -> memref<2048xf32, #tpu.memory_space<vmem>>
      %dma_start3A_279 = arith.constant 0 : i32
      %dma_start3A_280 = tpu.memref_slice %arg15[%xor3A_53, %dma_start3A_279] : memref<16x2048xf32, #tpu.memory_space<vmem_shared>> -> memref<1x2048xf32, #tpu.memory_space<vmem_shared>>
      %dma_start3A_281 = tpu.memref_squeeze %dma_start3A_280 : memref<1x2048xf32, #tpu.memory_space<vmem_shared>> -> memref<2048xf32, #tpu.memory_space<vmem_shared>>
      %dma_start3A_282 = arith.constant 0 : i32
      %dma_start3A_283 = tpu.memref_slice %arg13[%dma_start3A_282] : memref<2048xf32, #tpu.memory_space<vmem>> -> memref<2048xf32, #tpu.memory_space<vmem>>
      %dma_start3A_284 = arith.constant 0 : i32
      %dma_start3A_285 = tpu.memref_slice %arg15[%xor3A_53, %dma_start3A_284] : memref<16x2048xf32, #tpu.memory_space<vmem_shared>> -> memref<1x2048xf32, #tpu.memory_space<vmem_shared>>
      %dma_start3A_286 = tpu.memref_squeeze %dma_start3A_285 : memref<1x2048xf32, #tpu.memory_space<vmem_shared>> -> memref<2048xf32, #tpu.memory_space<vmem_shared>>
      tpu.enqueue_dma source(%dma_start3A_286 : memref<2048xf32, #tpu.memory_space<vmem_shared>>) target(%dma_start3A_283 : memref<2048xf32, #tpu.memory_space<vmem>>) target_semaphore(%run_scoped3A : memref<!tpu.dma_semaphore, #tpu.memory_space<semaphore_mem>>)
      %dma_wait3A_287 = arith.constant 0 : i32
      %dma_wait3A_288 = tpu.memref_slice %arg13[%dma_wait3A_287] : memref<2048xf32, #tpu.memory_space<vmem>> -> memref<2048xf32, #tpu.memory_space<vmem>>
      %dma_wait3A_289 = arith.constant 0 : i32
      %dma_wait3A_290 = tpu.memref_slice %arg15[%xor3A_53, %dma_wait3A_289] : memref<16x2048xf32, #tpu.memory_space<vmem_shared>> -> memref<1x2048xf32, #tpu.memory_space<vmem_shared>>
      %dma_wait3A_291 = tpu.memref_squeeze %dma_wait3A_290 : memref<1x2048xf32, #tpu.memory_space<vmem_shared>> -> memref<2048xf32, #tpu.memory_space<vmem_shared>>
      %dma_wait3A_292 = arith.constant 0 : i32
      %dma_wait3A_293 = tpu.memref_slice %arg13[%dma_wait3A_292] : memref<2048xf32, #tpu.memory_space<vmem>> -> memref<2048xf32, #tpu.memory_space<vmem>>
      %dma_wait3A_294 = arith.constant 0 : i32
      %dma_wait3A_295 = tpu.memref_slice %arg15[%xor3A_53, %dma_wait3A_294] : memref<16x2048xf32, #tpu.memory_space<vmem_shared>> -> memref<1x2048xf32, #tpu.memory_space<vmem_shared>>
      %dma_wait3A_296 = tpu.memref_squeeze %dma_wait3A_295 : memref<1x2048xf32, #tpu.memory_space<vmem_shared>> -> memref<2048xf32, #tpu.memory_space<vmem_shared>>
      tpu.wait_dma2 semaphore(%run_scoped3A : memref<!tpu.dma_semaphore, #tpu.memory_space<semaphore_mem>>) src(%dma_wait3A_296 : memref<2048xf32, #tpu.memory_space<vmem_shared>>) dst(%dma_wait3A_293 : memref<2048xf32, #tpu.memory_space<vmem>>)
      tpu.yield
    }) : () -> ()
    %barrier3A_54 = arith.constant 0 : index
    tpu.barrier barrier_id(%barrier3A_54)
    %scan3A_55 = arith.constant 0 : i32
    %scan3A_56 = arith.constant 0 : i32
    %scan3A_57 = arith.constant 128 : i32
    %scan3A_58 = arith.addi %scan3A_56, %scan3A_57 : i32
    %scan3A_59 = arith.constant 1 : i32
    scf.for %scan3A_277 = %scan3A_56 to %scan3A_58 step %scan3A_59  : i32 {
      %mul3A_278 = arith.constant 16 : i32
      %mul3A_279 = arith.muli %scan3A_277, %mul3A_278 : i32
      %get3A = arith.index_cast %mul3A_279 : i32 to index
      %get3A_280 = tpu.vector_load %arg12[%get3A] {strides = array<i32>} : memref<2048xf32, #tpu.memory_space<vmem>>, vector<16xf32>,
      %mul3A_281 = arith.constant 16 : i32
      %mul3A_282 = arith.muli %scan3A_277, %mul3A_281 : i32
      %get3A_283 = arith.index_cast %mul3A_282 : i32 to index
      %get3A_284 = tpu.vector_load %arg13[%get3A_283] {strides = array<i32>} : memref<2048xf32, #tpu.memory_space<vmem>>, vector<16xf32>,
      %add3A_285 = arith.addf %get3A_280, %get3A_284 : vector<16xf32>
      %mul3A_286 = arith.constant 16 : i32
      %mul3A_287 = arith.muli %scan3A_277, %mul3A_286 : i32
      %swap3A = arith.index_cast %mul3A_287 : i32 to index
      %swap3A_288 = tpu.vector_load %arg12[%swap3A] {strides = array<i32>} : memref<2048xf32, #tpu.memory_space<vmem>>, vector<16xf32>,
      tpu.vector_store %arg12[%swap3A], %add3A_285 {strides = array<i32>} : memref<2048xf32, #tpu.memory_space<vmem>>, vector<16xf32>,
    }
    %scan3A_60 = arith.constant 128 : i32
    %scan3A_61 = arith.constant 0.000000e+00 : f32
    %scan3A_62 = arith.constant 0 : i32
    %scan3A_63 = arith.constant 128 : i32
    %scan3A_64 = arith.addi %scan3A_62, %scan3A_63 : i32
    %scan3A_65 = arith.constant 1 : i32
    %scan3A_66 = scf.for %scan3A_277 = %scan3A_62 to %scan3A_64 step %scan3A_65 iter_args(%scan3A_278 = %scan3A_61) -> (f32)  : i32 {
      %mul3A_279 = arith.constant 16 : i32
      %mul3A_280 = arith.muli %scan3A_277, %mul3A_279 : i32
      %get3A = arith.index_cast %mul3A_280 : i32 to index
      %get3A_281 = tpu.vector_load %arg12[%get3A] {strides = array<i32>} : memref<2048xf32, #tpu.memory_space<vmem>>, vector<16xf32>,
      %reduce_sum3A = arith.constant true
      %reduce_sum3A_282 = vector.broadcast %reduce_sum3A : i1 to vector<16xi1>
      %reduce_sum3A_283 = tpu.scan <sum>, %get3A_281 masked %reduce_sum3A_282 : vector<16xf32>, vector<16xi1> -> vector<16xf32>
      %reduce_sum3A_284 = vector.extract %reduce_sum3A_283[15] : f32 from vector<16xf32>
      %add3A_285 = arith.addf %scan3A_278, %reduce_sum3A_284 : f32
      scf.yield %add3A_285 : f32
    }
    %scan3A_67 = arith.constant 128 : i32
    %add3A_68 = arith.constant 1.000000e-10 : f32
    %add3A_69 = arith.addf %scan3A_66, %add3A_68 : f32
    %mul3A_70 = arith.constant 0.899999976 : f32
    %mul3A_71 = arith.mulf %mul3A_70, %add3A_69 : f32
    %iota3A_72 = tpu.iota {dimensions = array<i32: 0>} : vector<16xi32>
    %scan3A_73 = arith.constant 0.000000e+00 : f32
    %scan3A_74 = arith.constant -1 : i32
    %scan3A_75 = arith.constant -1 : i32
    %scan3A_76 = arith.constant 0.000000e+00 : f32
    %scan3A_77 = arith.constant 0 : i32
    %scan3A_78 = arith.constant 128 : i32
    %scan3A_79 = arith.addi %scan3A_77, %scan3A_78 : i32
    %scan3A_80 = arith.constant 1 : i32
    %scan3A_81:3 = scf.for %scan3A_277 = %scan3A_77 to %scan3A_79 step %scan3A_80 iter_args(%scan3A_278 = %scan3A_74, %scan3A_279 = %scan3A_75, %scan3A_280 = %scan3A_76) -> (i32, i32, f32)  : i32 {
      %sub3A_281 = arith.constant 127 : i32
      %sub3A_282 = arith.subi %sub3A_281, %scan3A_277 : i32
      %mul3A_283 = arith.constant 16 : i32
      %mul3A_284 = arith.muli %sub3A_282, %mul3A_283 : i32
      %get3A = arith.index_cast %mul3A_284 : i32 to index
      %get3A_285 = tpu.vector_load %arg12[%get3A] {strides = array<i32>} : memref<2048xf32, #tpu.memory_space<vmem>>, vector<16xf32>,
      %broadcast_in_dim3A_286 = arith.constant true
      %broadcast_in_dim3A_287 = vector.broadcast %broadcast_in_dim3A_286 : i1 to vector<16xi1>
      %masked_cumsum3A = tpu.scan <sum>, %get3A_285 masked %broadcast_in_dim3A_287 : vector<16xf32>, vector<16xi1> -> vector<16xf32>
      %reduce_sum3A = arith.constant true
      %reduce_sum3A_288 = vector.broadcast %reduce_sum3A : i1 to vector<16xi1>
      %reduce_sum3A_289 = tpu.scan <sum>, %get3A_285 masked %reduce_sum3A_288 : vector<16xf32>, vector<16xi1> -> vector<16xf32>
      %reduce_sum3A_290 = vector.extract %reduce_sum3A_289[15] : f32 from vector<16xf32>
      %add3A_291 = arith.addf %scan3A_73, %scan3A_280 : f32
      %sub3A_292 = vector.broadcast %reduce_sum3A_290 : f32 to vector<16xf32>
      %sub3A_293 = arith.subf %sub3A_292, %masked_cumsum3A : vector<16xf32>
      %add3A_294 = arith.addf %sub3A_293, %get3A_285 : vector<16xf32>
      %add3A_295 = vector.broadcast %add3A_291 : f32 to vector<16xf32>
      %add3A_296 = arith.addf %add3A_295, %add3A_294 : vector<16xf32>
      %mul3A_297 = arith.constant 16 : i32
      %mul3A_298 = arith.muli %sub3A_282, %mul3A_297 : i32
      %add3A_299 = vector.broadcast %mul3A_298 : i32 to vector<16xi32>
      %add3A_300 = arith.addi %add3A_299, %iota3A_72 : vector<16xi32>
      %gt3A = vector.broadcast %mul3A_71 : f32 to vector<16xf32>
      %gt3A_301 = arith.cmpf ogt, %add3A_296, %gt3A : vector<16xf32>
      %jit3A_302 = arith.constant -1 : i32
      %broadcast_in_dim3A_303 = vector.broadcast %jit3A_302 : i32 to vector<16xi32>
      %select_n3A_304 = arith.select %gt3A_301, %add3A_300, %broadcast_in_dim3A_303 : vector<16xi1>, vector<16xi32>
      %reduce_max3A = arith.constant true
      %reduce_max3A_305 = vector.broadcast %reduce_max3A : i1 to vector<16xi1>
      %reduce_max3A_306 = arith.constant -2147483648 : i32
      %reduce_max3A_307 = vector.broadcast %reduce_max3A_306 : i32 to vector<16xi32>
      %reduce_max3A_308 = arith.xori %select_n3A_304, %reduce_max3A_307 : vector<16xi32>
      %reduce_max3A_309 = tpu.scan <max>, %reduce_max3A_308 masked %reduce_max3A_305 : vector<16xi32>, vector<16xi1> -> vector<16xi32>
      %reduce_max3A_310 = arith.xori %reduce_max3A_309, %reduce_max3A_307 : vector<16xi32>
      %reduce_max3A_311 = vector.extract %reduce_max3A_310[15] : i32 from vector<16xi32>
      %gt3A_312 = arith.constant 0.000000e+00 : f32
      %gt3A_313 = vector.broadcast %gt3A_312 : f32 to vector<16xf32>
      %gt3A_314 = arith.cmpf ogt, %get3A_285, %gt3A_313 : vector<16xf32>
      %jit3A_315 = arith.constant -1 : i32
      %broadcast_in_dim3A_316 = vector.broadcast %jit3A_315 : i32 to vector<16xi32>
      %select_n3A_317 = arith.select %gt3A_314, %add3A_300, %broadcast_in_dim3A_316 : vector<16xi1>, vector<16xi32>
      %reduce_max3A_318 = arith.constant true
      %reduce_max3A_319 = vector.broadcast %reduce_max3A_318 : i1 to vector<16xi1>
      %reduce_max3A_320 = arith.constant -2147483648 : i32
      %reduce_max3A_321 = vector.broadcast %reduce_max3A_320 : i32 to vector<16xi32>
      %reduce_max3A_322 = arith.xori %select_n3A_317, %reduce_max3A_321 : vector<16xi32>
      %reduce_max3A_323 = tpu.scan <max>, %reduce_max3A_322 masked %reduce_max3A_319 : vector<16xi32>, vector<16xi1> -> vector<16xi32>
      %reduce_max3A_324 = arith.xori %reduce_max3A_323, %reduce_max3A_321 : vector<16xi32>
      %reduce_max3A_325 = vector.extract %reduce_max3A_324[15] : i32 from vector<16xi32>
      %max3A_326 = arith.maxsi %scan3A_278, %reduce_max3A_311 : i32
      %max3A_327 = arith.maxsi %scan3A_279, %reduce_max3A_325 : i32
      %add3A_328 = arith.addf %scan3A_280, %reduce_sum3A_290 : f32
      scf.yield %max3A_326, %max3A_327, %add3A_328 : i32, i32, f32
    }
    %scan3A_82 = arith.constant 128 : i32
    %ge3A = arith.constant 0 : i32
    %ge3A_83 = arith.cmpi sge, %scan3A_81#0, %ge3A : i32
    %select_n3A = arith.select %ge3A_83, %scan3A_81#0, %scan3A_81#1 : i32
    %max3A = arith.constant 0 : i32
    %max3A_84 = arith.maxsi %select_n3A, %max3A : i32
    %scan3A_85 = arith.constant 0.000000e+00 : f32
    %scan3A_86 = arith.constant 0 : i32
    %scan3A_87 = arith.constant 128 : i32
    %scan3A_88 = arith.addi %scan3A_86, %scan3A_87 : i32
    %scan3A_89 = arith.constant 1 : i32
    %scan3A_90 = scf.for %scan3A_277 = %scan3A_86 to %scan3A_88 step %scan3A_89 iter_args(%scan3A_278 = %scan3A_85) -> (f32)  : i32 {
      %mul3A_279 = arith.constant 16 : i32
      %mul3A_280 = arith.muli %scan3A_277, %mul3A_279 : i32
      %get3A = arith.index_cast %mul3A_280 : i32 to index
      %get3A_281 = tpu.vector_load %arg12[%get3A] {strides = array<i32>} : memref<2048xf32, #tpu.memory_space<vmem>>, vector<16xf32>,
      %mul3A_282 = arith.constant 16 : i32
      %mul3A_283 = arith.muli %scan3A_277, %mul3A_282 : i32
      %add3A_284 = vector.broadcast %mul3A_283 : i32 to vector<16xi32>
      %add3A_285 = arith.addi %add3A_284, %iota3A_72 : vector<16xi32>
      %gt3A = vector.broadcast %max3A_84 : i32 to vector<16xi32>
      %gt3A_286 = arith.cmpi sgt, %add3A_285, %gt3A : vector<16xi32>
      %jit3A_287 = arith.constant 0.000000e+00 : f32
      %broadcast_in_dim3A_288 = vector.broadcast %jit3A_287 : f32 to vector<16xf32>
      %select_n3A_289 = arith.select %gt3A_286, %get3A_281, %broadcast_in_dim3A_288 : vector<16xi1>, vector<16xf32>
      %reduce_sum3A = arith.constant true
      %reduce_sum3A_290 = vector.broadcast %reduce_sum3A : i1 to vector<16xi1>
      %reduce_sum3A_291 = tpu.scan <sum>, %select_n3A_289 masked %reduce_sum3A_290 : vector<16xf32>, vector<16xi1> -> vector<16xf32>
      %reduce_sum3A_292 = vector.extract %reduce_sum3A_291[15] : f32 from vector<16xf32>
      %add3A_293 = arith.addf %scan3A_278, %reduce_sum3A_292 : f32
      scf.yield %add3A_293 : f32
    }
    %scan3A_91 = arith.constant 128 : i32
    %add3A_92 = arith.constant 0.000000e+00 : f32
    %add3A_93 = arith.addf %add3A_92, %scan3A_90 : f32
    %broadcast_in_dim3A_94 = arith.constant 0.000000e+00 : f32
    %broadcast_in_dim3A_95 = vector.broadcast %broadcast_in_dim3A_94 : f32 to vector<16xf32>
    %scan3A_96 = arith.constant 0 : i32
    %scan3A_97 = arith.constant 0 : i32
    %scan3A_98 = arith.constant 129 : i32
    %scan3A_99 = arith.addi %scan3A_97, %scan3A_98 : i32
    %scan3A_100 = arith.constant 1 : i32
    scf.for %scan3A_277 = %scan3A_97 to %scan3A_99 step %scan3A_100  : i32 {
      %mul3A_278 = arith.constant 8 : i32
      %mul3A_279 = arith.muli %scan3A_277, %mul3A_278 : i32
      %add3A_280 = arith.constant 0 : i32
      %add3A_281 = arith.addi %mul3A_279, %add3A_280 : i32
      %mul3A_282 = arith.constant 16 : i32
      %mul3A_283 = arith.muli %add3A_281, %mul3A_282 : i32
      %swap3A = arith.index_cast %mul3A_283 : i32 to index
      %swap3A_284 = tpu.vector_load %arg11[%swap3A] {strides = array<i32>} : memref<32896xf32, #tpu.memory_space<vmem>>, vector<16xf32>,
      tpu.vector_store %arg11[%swap3A], %broadcast_in_dim3A_95 {strides = array<i32>} : memref<32896xf32, #tpu.memory_space<vmem>>, vector<16xf32>,
      %mul3A_285 = arith.constant 8 : i32
      %mul3A_286 = arith.muli %scan3A_277, %mul3A_285 : i32
      %add3A_287 = arith.constant 1 : i32
      %add3A_288 = arith.addi %mul3A_286, %add3A_287 : i32
      %mul3A_289 = arith.constant 16 : i32
      %mul3A_290 = arith.muli %add3A_288, %mul3A_289 : i32
      %swap3A_291 = arith.index_cast %mul3A_290 : i32 to index
      %swap3A_292 = tpu.vector_load %arg11[%swap3A_291] {strides = array<i32>} : memref<32896xf32, #tpu.memory_space<vmem>>, vector<16xf32>,
      tpu.vector_store %arg11[%swap3A_291], %broadcast_in_dim3A_95 {strides = array<i32>} : memref<32896xf32, #tpu.memory_space<vmem>>, vector<16xf32>,
      %mul3A_293 = arith.constant 8 : i32
      %mul3A_294 = arith.muli %scan3A_277, %mul3A_293 : i32
      %add3A_295 = arith.constant 2 : i32
      %add3A_296 = arith.addi %mul3A_294, %add3A_295 : i32
      %mul3A_297 = arith.constant 16 : i32
      %mul3A_298 = arith.muli %add3A_296, %mul3A_297 : i32
      %swap3A_299 = arith.index_cast %mul3A_298 : i32 to index
      %swap3A_300 = tpu.vector_load %arg11[%swap3A_299] {strides = array<i32>} : memref<32896xf32, #tpu.memory_space<vmem>>, vector<16xf32>,
      tpu.vector_store %arg11[%swap3A_299], %broadcast_in_dim3A_95 {strides = array<i32>} : memref<32896xf32, #tpu.memory_space<vmem>>, vector<16xf32>,
      %mul3A_301 = arith.constant 8 : i32
      %mul3A_302 = arith.muli %scan3A_277, %mul3A_301 : i32
      %add3A_303 = arith.constant 3 : i32
      %add3A_304 = arith.addi %mul3A_302, %add3A_303 : i32
      %mul3A_305 = arith.constant 16 : i32
      %mul3A_306 = arith.muli %add3A_304, %mul3A_305 : i32
      %swap3A_307 = arith.index_cast %mul3A_306 : i32 to index
      %swap3A_308 = tpu.vector_load %arg11[%swap3A_307] {strides = array<i32>} : memref<32896xf32, #tpu.memory_space<vmem>>, vector<16xf32>,
      tpu.vector_store %arg11[%swap3A_307], %broadcast_in_dim3A_95 {strides = array<i32>} : memref<32896xf32, #tpu.memory_space<vmem>>, vector<16xf32>,
      %mul3A_309 = arith.constant 8 : i32
      %mul3A_310 = arith.muli %scan3A_277, %mul3A_309 : i32
      %add3A_311 = arith.constant 4 : i32
      %add3A_312 = arith.addi %mul3A_310, %add3A_311 : i32
      %mul3A_313 = arith.constant 16 : i32
      %mul3A_314 = arith.muli %add3A_312, %mul3A_313 : i32
      %swap3A_315 = arith.index_cast %mul3A_314 : i32 to index
      %swap3A_316 = tpu.vector_load %arg11[%swap3A_315] {strides = array<i32>} : memref<32896xf32, #tpu.memory_space<vmem>>, vector<16xf32>,
      tpu.vector_store %arg11[%swap3A_315], %broadcast_in_dim3A_95 {strides = array<i32>} : memref<32896xf32, #tpu.memory_space<vmem>>, vector<16xf32>,
      %mul3A_317 = arith.constant 8 : i32
      %mul3A_318 = arith.muli %scan3A_277, %mul3A_317 : i32
      %add3A_319 = arith.constant 5 : i32
      %add3A_320 = arith.addi %mul3A_318, %add3A_319 : i32
      %mul3A_321 = arith.constant 16 : i32
      %mul3A_322 = arith.muli %add3A_320, %mul3A_321 : i32
      %swap3A_323 = arith.index_cast %mul3A_322 : i32 to index
      %swap3A_324 = tpu.vector_load %arg11[%swap3A_323] {strides = array<i32>} : memref<32896xf32, #tpu.memory_space<vmem>>, vector<16xf32>,
      tpu.vector_store %arg11[%swap3A_323], %broadcast_in_dim3A_95 {strides = array<i32>} : memref<32896xf32, #tpu.memory_space<vmem>>, vector<16xf32>,
      %mul3A_325 = arith.constant 8 : i32
      %mul3A_326 = arith.muli %scan3A_277, %mul3A_325 : i32
      %add3A_327 = arith.constant 6 : i32
      %add3A_328 = arith.addi %mul3A_326, %add3A_327 : i32
      %mul3A_329 = arith.constant 16 : i32
      %mul3A_330 = arith.muli %add3A_328, %mul3A_329 : i32
      %swap3A_331 = arith.index_cast %mul3A_330 : i32 to index
      %swap3A_332 = tpu.vector_load %arg11[%swap3A_331] {strides = array<i32>} : memref<32896xf32, #tpu.memory_space<vmem>>, vector<16xf32>,
      tpu.vector_store %arg11[%swap3A_331], %broadcast_in_dim3A_95 {strides = array<i32>} : memref<32896xf32, #tpu.memory_space<vmem>>, vector<16xf32>,
      %mul3A_333 = arith.constant 8 : i32
      %mul3A_334 = arith.muli %scan3A_277, %mul3A_333 : i32
      %add3A_335 = arith.constant 7 : i32
      %add3A_336 = arith.addi %mul3A_334, %add3A_335 : i32
      %mul3A_337 = arith.constant 16 : i32
      %mul3A_338 = arith.muli %add3A_336, %mul3A_337 : i32
      %swap3A_339 = arith.index_cast %mul3A_338 : i32 to index
      %swap3A_340 = tpu.vector_load %arg11[%swap3A_339] {strides = array<i32>} : memref<32896xf32, #tpu.memory_space<vmem>>, vector<16xf32>,
      tpu.vector_store %arg11[%swap3A_339], %broadcast_in_dim3A_95 {strides = array<i32>} : memref<32896xf32, #tpu.memory_space<vmem>>, vector<16xf32>,
    }
    %scan3A_101 = arith.constant 129 : i32
    %add3A_102 = arith.constant 0 : i32
    %add3A_103 = arith.addi %mul3A_10, %add3A_102 : i32
    %dma_start3A_104 = arith.constant 0 : i32
    %dma_start3A_105 = tpu.memref_slice %arg3[%add3A, %add3A_103, %dma_start3A_104] : memref<16x512x512xf32, #tpu.memory_space<hbm>> -> memref<1x32x512xf32, #tpu.memory_space<hbm>>
    %dma_start3A_106 = tpu.memref_squeeze %dma_start3A_105 : memref<1x32x512xf32, #tpu.memory_space<hbm>> -> memref<32x512xf32, #tpu.memory_space<hbm>>
    %dma_start3A_107 = arith.constant 0 : i32
    %dma_start3A_108 = tpu.memref_slice %arg3[%add3A, %add3A_103, %dma_start3A_107] : memref<16x512x512xf32, #tpu.memory_space<hbm>> -> memref<1x32x512xf32, #tpu.memory_space<hbm>>
    %dma_start3A_109 = tpu.memref_squeeze %dma_start3A_108 : memref<1x32x512xf32, #tpu.memory_space<hbm>> -> memref<32x512xf32, #tpu.memory_space<hbm>>
    tpu.enqueue_dma source(%dma_start3A_109 : memref<32x512xf32, #tpu.memory_space<hbm>>) target(%arg5 : memref<32x512xf32, #tpu.memory_space<vmem>>) target_semaphore(%arg16 : memref<!tpu.dma_semaphore, #tpu.memory_space<semaphore_mem>>)
    %scan3A_110 = arith.constant 0 : i32
    %scan3A_111 = arith.constant 0 : i32
    %scan3A_112 = arith.constant 4 : i32
    %scan3A_113 = arith.addi %scan3A_111, %scan3A_112 : i32
    %scan3A_114 = arith.constant 1 : i32
    scf.for %scan3A_277 = %scan3A_111 to %scan3A_113 step %scan3A_114  : i32 {
      %mul3A_278 = arith.constant 2 : i32
      %mul3A_279 = arith.muli %mul3A_278, %scan3A_277 : i32
      %add3A_280 = arith.constant 1 : i32
      %add3A_281 = arith.addi %mul3A_279, %add3A_280 : i32
      %mul3A_282 = arith.constant 32 : i32
      %mul3A_283 = arith.muli %add3A_281, %mul3A_282 : i32
      %add3A_284 = arith.addi %mul3A_10, %mul3A_283 : i32
      %dma_start3A_285 = arith.constant 0 : i32
      %dma_start3A_286 = tpu.memref_slice %arg3[%add3A, %add3A_284, %dma_start3A_285] : memref<16x512x512xf32, #tpu.memory_space<hbm>> -> memref<1x32x512xf32, #tpu.memory_space<hbm>>
      %dma_start3A_287 = tpu.memref_squeeze %dma_start3A_286 : memref<1x32x512xf32, #tpu.memory_space<hbm>> -> memref<32x512xf32, #tpu.memory_space<hbm>>
      %dma_start3A_288 = arith.constant 0 : i32
      %dma_start3A_289 = tpu.memref_slice %arg3[%add3A, %add3A_284, %dma_start3A_288] : memref<16x512x512xf32, #tpu.memory_space<hbm>> -> memref<1x32x512xf32, #tpu.memory_space<hbm>>
      %dma_start3A_290 = tpu.memref_squeeze %dma_start3A_289 : memref<1x32x512xf32, #tpu.memory_space<hbm>> -> memref<32x512xf32, #tpu.memory_space<hbm>>
      tpu.enqueue_dma source(%dma_start3A_290 : memref<32x512xf32, #tpu.memory_space<hbm>>) target(%arg6 : memref<32x512xf32, #tpu.memory_space<vmem>>) target_semaphore(%arg17 : memref<!tpu.dma_semaphore, #tpu.memory_space<semaphore_mem>>)
      %mul3A_291 = arith.constant 2 : i32
      %mul3A_292 = arith.muli %mul3A_291, %scan3A_277 : i32
      %mul3A_293 = arith.constant 32 : i32
      %mul3A_294 = arith.muli %mul3A_292, %mul3A_293 : i32
      %add3A_295 = arith.addi %mul3A_10, %mul3A_294 : i32
      %dma_wait3A_296 = arith.constant 0 : i32
      %dma_wait3A_297 = tpu.memref_slice %arg3[%add3A, %add3A_295, %dma_wait3A_296] : memref<16x512x512xf32, #tpu.memory_space<hbm>> -> memref<1x32x512xf32, #tpu.memory_space<hbm>>
      %dma_wait3A_298 = tpu.memref_squeeze %dma_wait3A_297 : memref<1x32x512xf32, #tpu.memory_space<hbm>> -> memref<32x512xf32, #tpu.memory_space<hbm>>
      %dma_wait3A_299 = arith.constant 0 : i32
      %dma_wait3A_300 = tpu.memref_slice %arg3[%add3A, %add3A_295, %dma_wait3A_299] : memref<16x512x512xf32, #tpu.memory_space<hbm>> -> memref<1x32x512xf32, #tpu.memory_space<hbm>>
      %dma_wait3A_301 = tpu.memref_squeeze %dma_wait3A_300 : memref<1x32x512xf32, #tpu.memory_space<hbm>> -> memref<32x512xf32, #tpu.memory_space<hbm>>
      tpu.wait_dma2 semaphore(%arg16 : memref<!tpu.dma_semaphore, #tpu.memory_space<semaphore_mem>>) src(%dma_wait3A_301 : memref<32x512xf32, #tpu.memory_space<hbm>>) dst(%arg5 : memref<32x512xf32, #tpu.memory_space<vmem>>)
      %scan3A_302 = arith.constant 0 : i32
      %scan3A_303 = arith.constant 0 : i32
      %scan3A_304 = arith.constant 128 : i32
      %scan3A_305 = arith.addi %scan3A_303, %scan3A_304 : i32
      %scan3A_306 = arith.constant 1 : i32
      scf.for %scan3A_332 = %scan3A_303 to %scan3A_305 step %scan3A_306  : i32 {
        %mul3A_333 = arith.constant 8 : i32
        %mul3A_334 = arith.muli %scan3A_332, %mul3A_333 : i32
        %add3A_335 = arith.constant 0 : i32
        %add3A_336 = arith.addi %mul3A_334, %add3A_335 : i32
        %shift_right_logical3A_337 = arith.constant 5 : i32
        %shift_right_logical3A_338 = arith.shrui %add3A_336, %shift_right_logical3A_337 : i32
        %and3A_339 = arith.constant 31 : i32
        %and3A_340 = arith.andi %add3A_336, %and3A_339 : i32
        %mul3A_341 = arith.constant 16 : i32
        %mul3A_342 = arith.muli %and3A_340, %mul3A_341 : i32
        %mul3A_343 = arith.constant 8 : i32
        %mul3A_344 = arith.muli %scan3A_332, %mul3A_343 : i32
        %add3A_345 = arith.constant 1 : i32
        %add3A_346 = arith.addi %mul3A_344, %add3A_345 : i32
        %shift_right_logical3A_347 = arith.constant 5 : i32
        %shift_right_logical3A_348 = arith.shrui %add3A_346, %shift_right_logical3A_347 : i32
        %and3A_349 = arith.constant 31 : i32
        %and3A_350 = arith.andi %add3A_346, %and3A_349 : i32
        %mul3A_351 = arith.constant 16 : i32
        %mul3A_352 = arith.muli %and3A_350, %mul3A_351 : i32
        %mul3A_353 = arith.constant 8 : i32
        %mul3A_354 = arith.muli %scan3A_332, %mul3A_353 : i32
        %add3A_355 = arith.constant 2 : i32
        %add3A_356 = arith.addi %mul3A_354, %add3A_355 : i32
        %shift_right_logical3A_357 = arith.constant 5 : i32
        %shift_right_logical3A_358 = arith.shrui %add3A_356, %shift_right_logical3A_357 : i32
        %and3A_359 = arith.constant 31 : i32
        %and3A_360 = arith.andi %add3A_356, %and3A_359 : i32
        %mul3A_361 = arith.constant 16 : i32
        %mul3A_362 = arith.muli %and3A_360, %mul3A_361 : i32
        %mul3A_363 = arith.constant 8 : i32
        %mul3A_364 = arith.muli %scan3A_332, %mul3A_363 : i32
        %add3A_365 = arith.constant 3 : i32
        %add3A_366 = arith.addi %mul3A_364, %add3A_365 : i32
        %shift_right_logical3A_367 = arith.constant 5 : i32
        %shift_right_logical3A_368 = arith.shrui %add3A_366, %shift_right_logical3A_367 : i32
        %and3A_369 = arith.constant 31 : i32
        %and3A_370 = arith.andi %add3A_366, %and3A_369 : i32
        %mul3A_371 = arith.constant 16 : i32
        %mul3A_372 = arith.muli %and3A_370, %mul3A_371 : i32
        %mul3A_373 = arith.constant 8 : i32
        %mul3A_374 = arith.muli %scan3A_332, %mul3A_373 : i32
        %add3A_375 = arith.constant 4 : i32
        %add3A_376 = arith.addi %mul3A_374, %add3A_375 : i32
        %shift_right_logical3A_377 = arith.constant 5 : i32
        %shift_right_logical3A_378 = arith.shrui %add3A_376, %shift_right_logical3A_377 : i32
        %and3A_379 = arith.constant 31 : i32
        %and3A_380 = arith.andi %add3A_376, %and3A_379 : i32
        %mul3A_381 = arith.constant 16 : i32
        %mul3A_382 = arith.muli %and3A_380, %mul3A_381 : i32
        %mul3A_383 = arith.constant 8 : i32
        %mul3A_384 = arith.muli %scan3A_332, %mul3A_383 : i32
        %add3A_385 = arith.constant 5 : i32
        %add3A_386 = arith.addi %mul3A_384, %add3A_385 : i32
        %shift_right_logical3A_387 = arith.constant 5 : i32
        %shift_right_logical3A_388 = arith.shrui %add3A_386, %shift_right_logical3A_387 : i32
        %and3A_389 = arith.constant 31 : i32
        %and3A_390 = arith.andi %add3A_386, %and3A_389 : i32
        %mul3A_391 = arith.constant 16 : i32
        %mul3A_392 = arith.muli %and3A_390, %mul3A_391 : i32
        %mul3A_393 = arith.constant 8 : i32
        %mul3A_394 = arith.muli %scan3A_332, %mul3A_393 : i32
        %add3A_395 = arith.constant 6 : i32
        %add3A_396 = arith.addi %mul3A_394, %add3A_395 : i32
        %shift_right_logical3A_397 = arith.constant 5 : i32
        %shift_right_logical3A_398 = arith.shrui %add3A_396, %shift_right_logical3A_397 : i32
        %and3A_399 = arith.constant 31 : i32
        %and3A_400 = arith.andi %add3A_396, %and3A_399 : i32
        %mul3A_401 = arith.constant 16 : i32
        %mul3A_402 = arith.muli %and3A_400, %mul3A_401 : i32
        %mul3A_403 = arith.constant 8 : i32
        %mul3A_404 = arith.muli %scan3A_332, %mul3A_403 : i32
        %add3A_405 = arith.constant 7 : i32
        %add3A_406 = arith.addi %mul3A_404, %add3A_405 : i32
        %shift_right_logical3A_407 = arith.constant 5 : i32
        %shift_right_logical3A_408 = arith.shrui %add3A_406, %shift_right_logical3A_407 : i32
        %and3A_409 = arith.constant 31 : i32
        %and3A_410 = arith.andi %add3A_406, %and3A_409 : i32
        %mul3A_411 = arith.constant 16 : i32
        %mul3A_412 = arith.muli %and3A_410, %mul3A_411 : i32
        %get3A = arith.index_cast %shift_right_logical3A_338 : i32 to index
        %get3A_413 = arith.index_cast %mul3A_342 : i32 to index
        %get3A_414 = tpu.vector_load %arg5[%get3A, %get3A_413] {strides = array<i32>} : memref<32x512xf32, #tpu.memory_space<vmem>>, vector<16xf32>,
        %get3A_415 = arith.index_cast %shift_right_logical3A_348 : i32 to index
        %get3A_416 = arith.index_cast %mul3A_352 : i32 to index
        %get3A_417 = tpu.vector_load %arg5[%get3A_415, %get3A_416] {strides = array<i32>} : memref<32x512xf32, #tpu.memory_space<vmem>>, vector<16xf32>,
        %get3A_418 = arith.index_cast %shift_right_logical3A_358 : i32 to index
        %get3A_419 = arith.index_cast %mul3A_362 : i32 to index
        %get3A_420 = tpu.vector_load %arg5[%get3A_418, %get3A_419] {strides = array<i32>} : memref<32x512xf32, #tpu.memory_space<vmem>>, vector<16xf32>,
        %get3A_421 = arith.index_cast %shift_right_logical3A_368 : i32 to index
        %get3A_422 = arith.index_cast %mul3A_372 : i32 to index
        %get3A_423 = tpu.vector_load %arg5[%get3A_421, %get3A_422] {strides = array<i32>} : memref<32x512xf32, #tpu.memory_space<vmem>>, vector<16xf32>,
        %get3A_424 = arith.index_cast %shift_right_logical3A_378 : i32 to index
        %get3A_425 = arith.index_cast %mul3A_382 : i32 to index
        %get3A_426 = tpu.vector_load %arg5[%get3A_424, %get3A_425] {strides = array<i32>} : memref<32x512xf32, #tpu.memory_space<vmem>>, vector<16xf32>,
        %get3A_427 = arith.index_cast %shift_right_logical3A_388 : i32 to index
        %get3A_428 = arith.index_cast %mul3A_392 : i32 to index
        %get3A_429 = tpu.vector_load %arg5[%get3A_427, %get3A_428] {strides = array<i32>} : memref<32x512xf32, #tpu.memory_space<vmem>>, vector<16xf32>,
        %get3A_430 = arith.index_cast %shift_right_logical3A_398 : i32 to index
        %get3A_431 = arith.index_cast %mul3A_402 : i32 to index
        %get3A_432 = tpu.vector_load %arg5[%get3A_430, %get3A_431] {strides = array<i32>} : memref<32x512xf32, #tpu.memory_space<vmem>>, vector<16xf32>,
        %get3A_433 = arith.index_cast %shift_right_logical3A_408 : i32 to index
        %get3A_434 = arith.index_cast %mul3A_412 : i32 to index
        %get3A_435 = tpu.vector_load %arg5[%get3A_433, %get3A_434] {strides = array<i32>} : memref<32x512xf32, #tpu.memory_space<vmem>>, vector<16xf32>,
        %bitcast3A_436 = vector.bitcast %get3A_414 : vector<16xf32> to vector<16xi32>
        %bitcast3A_437 = vector.bitcast %get3A_417 : vector<16xf32> to vector<16xi32>
        %bitcast3A_438 = vector.bitcast %get3A_420 : vector<16xf32> to vector<16xi32>
        %bitcast3A_439 = vector.bitcast %get3A_423 : vector<16xf32> to vector<16xi32>
        %bitcast3A_440 = vector.bitcast %get3A_426 : vector<16xf32> to vector<16xi32>
        %bitcast3A_441 = vector.bitcast %get3A_429 : vector<16xf32> to vector<16xi32>
        %bitcast3A_442 = vector.bitcast %get3A_432 : vector<16xf32> to vector<16xi32>
        %bitcast3A_443 = vector.bitcast %get3A_435 : vector<16xf32> to vector<16xi32>
        %shift_right_logical3A_444 = arith.constant 20 : i32
        %shift_right_logical3A_445 = vector.broadcast %shift_right_logical3A_444 : i32 to vector<16xi32>
        %shift_right_logical3A_446 = arith.shrui %bitcast3A_436, %shift_right_logical3A_445 : vector<16xi32>
        %eq3A = vector.broadcast %max3A_84 : i32 to vector<16xi32>
        %eq3A_447 = arith.cmpi eq, %shift_right_logical3A_446, %eq3A : vector<16xi32>
        %shift_right_logical3A_448 = arith.constant 20 : i32
        %shift_right_logical3A_449 = vector.broadcast %shift_right_logical3A_448 : i32 to vector<16xi32>
        %shift_right_logical3A_450 = arith.shrui %bitcast3A_437, %shift_right_logical3A_449 : vector<16xi32>
        %eq3A_451 = vector.broadcast %max3A_84 : i32 to vector<16xi32>
        %eq3A_452 = arith.cmpi eq, %shift_right_logical3A_450, %eq3A_451 : vector<16xi32>
        %shift_right_logical3A_453 = arith.constant 20 : i32
        %shift_right_logical3A_454 = vector.broadcast %shift_right_logical3A_453 : i32 to vector<16xi32>
        %shift_right_logical3A_455 = arith.shrui %bitcast3A_438, %shift_right_logical3A_454 : vector<16xi32>
        %eq3A_456 = vector.broadcast %max3A_84 : i32 to vector<16xi32>
        %eq3A_457 = arith.cmpi eq, %shift_right_logical3A_455, %eq3A_456 : vector<16xi32>
        %shift_right_logical3A_458 = arith.constant 20 : i32
        %shift_right_logical3A_459 = vector.broadcast %shift_right_logical3A_458 : i32 to vector<16xi32>
        %shift_right_logical3A_460 = arith.shrui %bitcast3A_439, %shift_right_logical3A_459 : vector<16xi32>
        %eq3A_461 = vector.broadcast %max3A_84 : i32 to vector<16xi32>
        %eq3A_462 = arith.cmpi eq, %shift_right_logical3A_460, %eq3A_461 : vector<16xi32>
        %shift_right_logical3A_463 = arith.constant 20 : i32
        %shift_right_logical3A_464 = vector.broadcast %shift_right_logical3A_463 : i32 to vector<16xi32>
        %shift_right_logical3A_465 = arith.shrui %bitcast3A_440, %shift_right_logical3A_464 : vector<16xi32>
        %eq3A_466 = vector.broadcast %max3A_84 : i32 to vector<16xi32>
        %eq3A_467 = arith.cmpi eq, %shift_right_logical3A_465, %eq3A_466 : vector<16xi32>
        %shift_right_logical3A_468 = arith.constant 20 : i32
        %shift_right_logical3A_469 = vector.broadcast %shift_right_logical3A_468 : i32 to vector<16xi32>
        %shift_right_logical3A_470 = arith.shrui %bitcast3A_441, %shift_right_logical3A_469 : vector<16xi32>
        %eq3A_471 = vector.broadcast %max3A_84 : i32 to vector<16xi32>
        %eq3A_472 = arith.cmpi eq, %shift_right_logical3A_470, %eq3A_471 : vector<16xi32>
        %shift_right_logical3A_473 = arith.constant 20 : i32
        %shift_right_logical3A_474 = vector.broadcast %shift_right_logical3A_473 : i32 to vector<16xi32>
        %shift_right_logical3A_475 = arith.shrui %bitcast3A_442, %shift_right_logical3A_474 : vector<16xi32>
        %eq3A_476 = vector.broadcast %max3A_84 : i32 to vector<16xi32>
        %eq3A_477 = arith.cmpi eq, %shift_right_logical3A_475, %eq3A_476 : vector<16xi32>
        %shift_right_logical3A_478 = arith.constant 20 : i32
        %shift_right_logical3A_479 = vector.broadcast %shift_right_logical3A_478 : i32 to vector<16xi32>
        %shift_right_logical3A_480 = arith.shrui %bitcast3A_443, %shift_right_logical3A_479 : vector<16xi32>
        %eq3A_481 = vector.broadcast %max3A_84 : i32 to vector<16xi32>
        %eq3A_482 = arith.cmpi eq, %shift_right_logical3A_480, %eq3A_481 : vector<16xi32>
        %shift_right_logical3A_483 = arith.constant 10 : i32
        %shift_right_logical3A_484 = vector.broadcast %shift_right_logical3A_483 : i32 to vector<16xi32>
        %shift_right_logical3A_485 = arith.shrui %bitcast3A_436, %shift_right_logical3A_484 : vector<16xi32>
        %and3A_486 = arith.constant 1023 : i32
        %and3A_487 = vector.broadcast %and3A_486 : i32 to vector<16xi32>
        %and3A_488 = arith.andi %shift_right_logical3A_485, %and3A_487 : vector<16xi32>
        %add3A_489 = arith.addi %mul3A_8, %and3A_488 : vector<16xi32>
        %shift_right_logical3A_490 = arith.constant 10 : i32
        %shift_right_logical3A_491 = vector.broadcast %shift_right_logical3A_490 : i32 to vector<16xi32>
        %shift_right_logical3A_492 = arith.shrui %bitcast3A_437, %shift_right_logical3A_491 : vector<16xi32>
        %and3A_493 = arith.constant 1023 : i32
        %and3A_494 = vector.broadcast %and3A_493 : i32 to vector<16xi32>
        %and3A_495 = arith.andi %shift_right_logical3A_492, %and3A_494 : vector<16xi32>
        %add3A_496 = arith.addi %mul3A_8, %and3A_495 : vector<16xi32>
        %shift_right_logical3A_497 = arith.constant 10 : i32
        %shift_right_logical3A_498 = vector.broadcast %shift_right_logical3A_497 : i32 to vector<16xi32>
        %shift_right_logical3A_499 = arith.shrui %bitcast3A_438, %shift_right_logical3A_498 : vector<16xi32>
        %and3A_500 = arith.constant 1023 : i32
        %and3A_501 = vector.broadcast %and3A_500 : i32 to vector<16xi32>
        %and3A_502 = arith.andi %shift_right_logical3A_499, %and3A_501 : vector<16xi32>
        %add3A_503 = arith.addi %mul3A_8, %and3A_502 : vector<16xi32>
        %shift_right_logical3A_504 = arith.constant 10 : i32
        %shift_right_logical3A_505 = vector.broadcast %shift_right_logical3A_504 : i32 to vector<16xi32>
        %shift_right_logical3A_506 = arith.shrui %bitcast3A_439, %shift_right_logical3A_505 : vector<16xi32>
        %and3A_507 = arith.constant 1023 : i32
        %and3A_508 = vector.broadcast %and3A_507 : i32 to vector<16xi32>
        %and3A_509 = arith.andi %shift_right_logical3A_506, %and3A_508 : vector<16xi32>
        %add3A_510 = arith.addi %mul3A_8, %and3A_509 : vector<16xi32>
        %shift_right_logical3A_511 = arith.constant 10 : i32
        %shift_right_logical3A_512 = vector.broadcast %shift_right_logical3A_511 : i32 to vector<16xi32>
        %shift_right_logical3A_513 = arith.shrui %bitcast3A_440, %shift_right_logical3A_512 : vector<16xi32>
        %and3A_514 = arith.constant 1023 : i32
        %and3A_515 = vector.broadcast %and3A_514 : i32 to vector<16xi32>
        %and3A_516 = arith.andi %shift_right_logical3A_513, %and3A_515 : vector<16xi32>
        %add3A_517 = arith.addi %mul3A_8, %and3A_516 : vector<16xi32>
        %shift_right_logical3A_518 = arith.constant 10 : i32
        %shift_right_logical3A_519 = vector.broadcast %shift_right_logical3A_518 : i32 to vector<16xi32>
        %shift_right_logical3A_520 = arith.shrui %bitcast3A_441, %shift_right_logical3A_519 : vector<16xi32>
        %and3A_521 = arith.constant 1023 : i32
        %and3A_522 = vector.broadcast %and3A_521 : i32 to vector<16xi32>
        %and3A_523 = arith.andi %shift_right_logical3A_520, %and3A_522 : vector<16xi32>
        %add3A_524 = arith.addi %mul3A_8, %and3A_523 : vector<16xi32>
        %shift_right_logical3A_525 = arith.constant 10 : i32
        %shift_right_logical3A_526 = vector.broadcast %shift_right_logical3A_525 : i32 to vector<16xi32>
        %shift_right_logical3A_527 = arith.shrui %bitcast3A_442, %shift_right_logical3A_526 : vector<16xi32>
        %and3A_528 = arith.constant 1023 : i32
        %and3A_529 = vector.broadcast %and3A_528 : i32 to vector<16xi32>
        %and3A_530 = arith.andi %shift_right_logical3A_527, %and3A_529 : vector<16xi32>
        %add3A_531 = arith.addi %mul3A_8, %and3A_530 : vector<16xi32>
        %shift_right_logical3A_532 = arith.constant 10 : i32
        %shift_right_logical3A_533 = vector.broadcast %shift_right_logical3A_532 : i32 to vector<16xi32>
        %shift_right_logical3A_534 = arith.shrui %bitcast3A_443, %shift_right_logical3A_533 : vector<16xi32>
        %and3A_535 = arith.constant 1023 : i32
        %and3A_536 = vector.broadcast %and3A_535 : i32 to vector<16xi32>
        %and3A_537 = arith.andi %shift_right_logical3A_534, %and3A_536 : vector<16xi32>
        %add3A_538 = arith.addi %mul3A_8, %and3A_537 : vector<16xi32>
        tpu.vector_store_idx %arg11[%add3A_489], %get3A_414 masked %eq3A_447 {add = true} : memref<32896xf32, #tpu.memory_space<vmem>>[vector<16xi32>], vector<16xf32>, vector<16xi1>
        tpu.vector_store_idx %arg11[%add3A_496], %get3A_417 masked %eq3A_452 {add = true} : memref<32896xf32, #tpu.memory_space<vmem>>[vector<16xi32>], vector<16xf32>, vector<16xi1>
        tpu.vector_store_idx %arg11[%add3A_503], %get3A_420 masked %eq3A_457 {add = true} : memref<32896xf32, #tpu.memory_space<vmem>>[vector<16xi32>], vector<16xf32>, vector<16xi1>
        tpu.vector_store_idx %arg11[%add3A_510], %get3A_423 masked %eq3A_462 {add = true} : memref<32896xf32, #tpu.memory_space<vmem>>[vector<16xi32>], vector<16xf32>, vector<16xi1>
        tpu.vector_store_idx %arg11[%add3A_517], %get3A_426 masked %eq3A_467 {add = true} : memref<32896xf32, #tpu.memory_space<vmem>>[vector<16xi32>], vector<16xf32>, vector<16xi1>
        tpu.vector_store_idx %arg11[%add3A_524], %get3A_429 masked %eq3A_472 {add = true} : memref<32896xf32, #tpu.memory_space<vmem>>[vector<16xi32>], vector<16xf32>, vector<16xi1>
        tpu.vector_store_idx %arg11[%add3A_531], %get3A_432 masked %eq3A_477 {add = true} : memref<32896xf32, #tpu.memory_space<vmem>>[vector<16xi32>], vector<16xf32>, vector<16xi1>
        tpu.vector_store_idx %arg11[%add3A_538], %get3A_435 masked %eq3A_482 {add = true} : memref<32896xf32, #tpu.memory_space<vmem>>[vector<16xi32>], vector<16xf32>, vector<16xi1>
      }
      %scan3A_307 = arith.constant 128 : i32
      %add3A_308 = arith.constant 1 : i32
      %add3A_309 = arith.addi %scan3A_277, %add3A_308 : i32
      %lt3A_310 = arith.constant 4 : i32
      %lt3A_311 = arith.cmpi slt, %add3A_309, %lt3A_310 : i32
      %convert_element_type3A = arith.extui %lt3A_311 : i1 to i32
      %cond3A = arith.constant 0 : i32
      %cond3A_312 = arith.cmpi ne, %convert_element_type3A, %cond3A : i32
      scf.if %cond3A_312 {
        %mul3A_332 = arith.constant 2 : i32
        %mul3A_333 = arith.muli %mul3A_332, %scan3A_277 : i32
        %add3A_334 = arith.constant 2 : i32
        %add3A_335 = arith.addi %mul3A_333, %add3A_334 : i32
        %mul3A_336 = arith.constant 32 : i32
        %mul3A_337 = arith.muli %add3A_335, %mul3A_336 : i32
        %add3A_338 = arith.addi %mul3A_10, %mul3A_337 : i32
        %dma_start3A_339 = arith.constant 0 : i32
        %dma_start3A_340 = tpu.memref_slice %arg3[%add3A, %add3A_338, %dma_start3A_339] : memref<16x512x512xf32, #tpu.memory_space<hbm>> -> memref<1x32x512xf32, #tpu.memory_space<hbm>>
        %dma_start3A_341 = tpu.memref_squeeze %dma_start3A_340 : memref<1x32x512xf32, #tpu.memory_space<hbm>> -> memref<32x512xf32, #tpu.memory_space<hbm>>
        %dma_start3A_342 = arith.constant 0 : i32
        %dma_start3A_343 = tpu.memref_slice %arg3[%add3A, %add3A_338, %dma_start3A_342] : memref<16x512x512xf32, #tpu.memory_space<hbm>> -> memref<1x32x512xf32, #tpu.memory_space<hbm>>
        %dma_start3A_344 = tpu.memref_squeeze %dma_start3A_343 : memref<1x32x512xf32, #tpu.memory_space<hbm>> -> memref<32x512xf32, #tpu.memory_space<hbm>>
        tpu.enqueue_dma source(%dma_start3A_344 : memref<32x512xf32, #tpu.memory_space<hbm>>) target(%arg5 : memref<32x512xf32, #tpu.memory_space<vmem>>) target_semaphore(%arg16 : memref<!tpu.dma_semaphore, #tpu.memory_space<semaphore_mem>>)
      } else {
      }
      %mul3A_313 = arith.constant 2 : i32
      %mul3A_314 = arith.muli %mul3A_313, %scan3A_277 : i32
      %add3A_315 = arith.constant 1 : i32
      %add3A_316 = arith.addi %mul3A_314, %add3A_315 : i32
      %mul3A_317 = arith.constant 32 : i32
      %mul3A_318 = arith.muli %add3A_316, %mul3A_317 : i32
      %add3A_319 = arith.addi %mul3A_10, %mul3A_318 : i32
      %dma_wait3A_320 = arith.constant 0 : i32
      %dma_wait3A_321 = tpu.memref_slice %arg3[%add3A, %add3A_319, %dma_wait3A_320] : memref<16x512x512xf32, #tpu.memory_space<hbm>> -> memref<1x32x512xf32, #tpu.memory_space<hbm>>
      %dma_wait3A_322 = tpu.memref_squeeze %dma_wait3A_321 : memref<1x32x512xf32, #tpu.memory_space<hbm>> -> memref<32x512xf32, #tpu.memory_space<hbm>>
      %dma_wait3A_323 = arith.constant 0 : i32
      %dma_wait3A_324 = tpu.memref_slice %arg3[%add3A, %add3A_319, %dma_wait3A_323] : memref<16x512x512xf32, #tpu.memory_space<hbm>> -> memref<1x32x512xf32, #tpu.memory_space<hbm>>
      %dma_wait3A_325 = tpu.memref_squeeze %dma_wait3A_324 : memref<1x32x512xf32, #tpu.memory_space<hbm>> -> memref<32x512xf32, #tpu.memory_space<hbm>>
      tpu.wait_dma2 semaphore(%arg17 : memref<!tpu.dma_semaphore, #tpu.memory_space<semaphore_mem>>) src(%dma_wait3A_325 : memref<32x512xf32, #tpu.memory_space<hbm>>) dst(%arg6 : memref<32x512xf32, #tpu.memory_space<vmem>>)
      %scan3A_326 = arith.constant 0 : i32
      %scan3A_327 = arith.constant 0 : i32
      %scan3A_328 = arith.constant 128 : i32
      %scan3A_329 = arith.addi %scan3A_327, %scan3A_328 : i32
      %scan3A_330 = arith.constant 1 : i32
      scf.for %scan3A_332 = %scan3A_327 to %scan3A_329 step %scan3A_330  : i32 {
        %mul3A_333 = arith.constant 8 : i32
        %mul3A_334 = arith.muli %scan3A_332, %mul3A_333 : i32
        %add3A_335 = arith.constant 0 : i32
        %add3A_336 = arith.addi %mul3A_334, %add3A_335 : i32
        %shift_right_logical3A_337 = arith.constant 5 : i32
        %shift_right_logical3A_338 = arith.shrui %add3A_336, %shift_right_logical3A_337 : i32
        %and3A_339 = arith.constant 31 : i32
        %and3A_340 = arith.andi %add3A_336, %and3A_339 : i32
        %mul3A_341 = arith.constant 16 : i32
        %mul3A_342 = arith.muli %and3A_340, %mul3A_341 : i32
        %mul3A_343 = arith.constant 8 : i32
        %mul3A_344 = arith.muli %scan3A_332, %mul3A_343 : i32
        %add3A_345 = arith.constant 1 : i32
        %add3A_346 = arith.addi %mul3A_344, %add3A_345 : i32
        %shift_right_logical3A_347 = arith.constant 5 : i32
        %shift_right_logical3A_348 = arith.shrui %add3A_346, %shift_right_logical3A_347 : i32
        %and3A_349 = arith.constant 31 : i32
        %and3A_350 = arith.andi %add3A_346, %and3A_349 : i32
        %mul3A_351 = arith.constant 16 : i32
        %mul3A_352 = arith.muli %and3A_350, %mul3A_351 : i32
        %mul3A_353 = arith.constant 8 : i32
        %mul3A_354 = arith.muli %scan3A_332, %mul3A_353 : i32
        %add3A_355 = arith.constant 2 : i32
        %add3A_356 = arith.addi %mul3A_354, %add3A_355 : i32
        %shift_right_logical3A_357 = arith.constant 5 : i32
        %shift_right_logical3A_358 = arith.shrui %add3A_356, %shift_right_logical3A_357 : i32
        %and3A_359 = arith.constant 31 : i32
        %and3A_360 = arith.andi %add3A_356, %and3A_359 : i32
        %mul3A_361 = arith.constant 16 : i32
        %mul3A_362 = arith.muli %and3A_360, %mul3A_361 : i32
        %mul3A_363 = arith.constant 8 : i32
        %mul3A_364 = arith.muli %scan3A_332, %mul3A_363 : i32
        %add3A_365 = arith.constant 3 : i32
        %add3A_366 = arith.addi %mul3A_364, %add3A_365 : i32
        %shift_right_logical3A_367 = arith.constant 5 : i32
        %shift_right_logical3A_368 = arith.shrui %add3A_366, %shift_right_logical3A_367 : i32
        %and3A_369 = arith.constant 31 : i32
        %and3A_370 = arith.andi %add3A_366, %and3A_369 : i32
        %mul3A_371 = arith.constant 16 : i32
        %mul3A_372 = arith.muli %and3A_370, %mul3A_371 : i32
        %mul3A_373 = arith.constant 8 : i32
        %mul3A_374 = arith.muli %scan3A_332, %mul3A_373 : i32
        %add3A_375 = arith.constant 4 : i32
        %add3A_376 = arith.addi %mul3A_374, %add3A_375 : i32
        %shift_right_logical3A_377 = arith.constant 5 : i32
        %shift_right_logical3A_378 = arith.shrui %add3A_376, %shift_right_logical3A_377 : i32
        %and3A_379 = arith.constant 31 : i32
        %and3A_380 = arith.andi %add3A_376, %and3A_379 : i32
        %mul3A_381 = arith.constant 16 : i32
        %mul3A_382 = arith.muli %and3A_380, %mul3A_381 : i32
        %mul3A_383 = arith.constant 8 : i32
        %mul3A_384 = arith.muli %scan3A_332, %mul3A_383 : i32
        %add3A_385 = arith.constant 5 : i32
        %add3A_386 = arith.addi %mul3A_384, %add3A_385 : i32
        %shift_right_logical3A_387 = arith.constant 5 : i32
        %shift_right_logical3A_388 = arith.shrui %add3A_386, %shift_right_logical3A_387 : i32
        %and3A_389 = arith.constant 31 : i32
        %and3A_390 = arith.andi %add3A_386, %and3A_389 : i32
        %mul3A_391 = arith.constant 16 : i32
        %mul3A_392 = arith.muli %and3A_390, %mul3A_391 : i32
        %mul3A_393 = arith.constant 8 : i32
        %mul3A_394 = arith.muli %scan3A_332, %mul3A_393 : i32
        %add3A_395 = arith.constant 6 : i32
        %add3A_396 = arith.addi %mul3A_394, %add3A_395 : i32
        %shift_right_logical3A_397 = arith.constant 5 : i32
        %shift_right_logical3A_398 = arith.shrui %add3A_396, %shift_right_logical3A_397 : i32
        %and3A_399 = arith.constant 31 : i32
        %and3A_400 = arith.andi %add3A_396, %and3A_399 : i32
        %mul3A_401 = arith.constant 16 : i32
        %mul3A_402 = arith.muli %and3A_400, %mul3A_401 : i32
        %mul3A_403 = arith.constant 8 : i32
        %mul3A_404 = arith.muli %scan3A_332, %mul3A_403 : i32
        %add3A_405 = arith.constant 7 : i32
        %add3A_406 = arith.addi %mul3A_404, %add3A_405 : i32
        %shift_right_logical3A_407 = arith.constant 5 : i32
        %shift_right_logical3A_408 = arith.shrui %add3A_406, %shift_right_logical3A_407 : i32
        %and3A_409 = arith.constant 31 : i32
        %and3A_410 = arith.andi %add3A_406, %and3A_409 : i32
        %mul3A_411 = arith.constant 16 : i32
        %mul3A_412 = arith.muli %and3A_410, %mul3A_411 : i32
        %get3A = arith.index_cast %shift_right_logical3A_338 : i32 to index
        %get3A_413 = arith.index_cast %mul3A_342 : i32 to index
        %get3A_414 = tpu.vector_load %arg6[%get3A, %get3A_413] {strides = array<i32>} : memref<32x512xf32, #tpu.memory_space<vmem>>, vector<16xf32>,
        %get3A_415 = arith.index_cast %shift_right_logical3A_348 : i32 to index
        %get3A_416 = arith.index_cast %mul3A_352 : i32 to index
        %get3A_417 = tpu.vector_load %arg6[%get3A_415, %get3A_416] {strides = array<i32>} : memref<32x512xf32, #tpu.memory_space<vmem>>, vector<16xf32>,
        %get3A_418 = arith.index_cast %shift_right_logical3A_358 : i32 to index
        %get3A_419 = arith.index_cast %mul3A_362 : i32 to index
        %get3A_420 = tpu.vector_load %arg6[%get3A_418, %get3A_419] {strides = array<i32>} : memref<32x512xf32, #tpu.memory_space<vmem>>, vector<16xf32>,
        %get3A_421 = arith.index_cast %shift_right_logical3A_368 : i32 to index
        %get3A_422 = arith.index_cast %mul3A_372 : i32 to index
        %get3A_423 = tpu.vector_load %arg6[%get3A_421, %get3A_422] {strides = array<i32>} : memref<32x512xf32, #tpu.memory_space<vmem>>, vector<16xf32>,
        %get3A_424 = arith.index_cast %shift_right_logical3A_378 : i32 to index
        %get3A_425 = arith.index_cast %mul3A_382 : i32 to index
        %get3A_426 = tpu.vector_load %arg6[%get3A_424, %get3A_425] {strides = array<i32>} : memref<32x512xf32, #tpu.memory_space<vmem>>, vector<16xf32>,
        %get3A_427 = arith.index_cast %shift_right_logical3A_388 : i32 to index
        %get3A_428 = arith.index_cast %mul3A_392 : i32 to index
        %get3A_429 = tpu.vector_load %arg6[%get3A_427, %get3A_428] {strides = array<i32>} : memref<32x512xf32, #tpu.memory_space<vmem>>, vector<16xf32>,
        %get3A_430 = arith.index_cast %shift_right_logical3A_398 : i32 to index
        %get3A_431 = arith.index_cast %mul3A_402 : i32 to index
        %get3A_432 = tpu.vector_load %arg6[%get3A_430, %get3A_431] {strides = array<i32>} : memref<32x512xf32, #tpu.memory_space<vmem>>, vector<16xf32>,
        %get3A_433 = arith.index_cast %shift_right_logical3A_408 : i32 to index
        %get3A_434 = arith.index_cast %mul3A_412 : i32 to index
        %get3A_435 = tpu.vector_load %arg6[%get3A_433, %get3A_434] {strides = array<i32>} : memref<32x512xf32, #tpu.memory_space<vmem>>, vector<16xf32>,
        %bitcast3A_436 = vector.bitcast %get3A_414 : vector<16xf32> to vector<16xi32>
        %bitcast3A_437 = vector.bitcast %get3A_417 : vector<16xf32> to vector<16xi32>
        %bitcast3A_438 = vector.bitcast %get3A_420 : vector<16xf32> to vector<16xi32>
        %bitcast3A_439 = vector.bitcast %get3A_423 : vector<16xf32> to vector<16xi32>
        %bitcast3A_440 = vector.bitcast %get3A_426 : vector<16xf32> to vector<16xi32>
        %bitcast3A_441 = vector.bitcast %get3A_429 : vector<16xf32> to vector<16xi32>
        %bitcast3A_442 = vector.bitcast %get3A_432 : vector<16xf32> to vector<16xi32>
        %bitcast3A_443 = vector.bitcast %get3A_435 : vector<16xf32> to vector<16xi32>
        %shift_right_logical3A_444 = arith.constant 20 : i32
        %shift_right_logical3A_445 = vector.broadcast %shift_right_logical3A_444 : i32 to vector<16xi32>
        %shift_right_logical3A_446 = arith.shrui %bitcast3A_436, %shift_right_logical3A_445 : vector<16xi32>
        %eq3A = vector.broadcast %max3A_84 : i32 to vector<16xi32>
        %eq3A_447 = arith.cmpi eq, %shift_right_logical3A_446, %eq3A : vector<16xi32>
        %shift_right_logical3A_448 = arith.constant 20 : i32
        %shift_right_logical3A_449 = vector.broadcast %shift_right_logical3A_448 : i32 to vector<16xi32>
        %shift_right_logical3A_450 = arith.shrui %bitcast3A_437, %shift_right_logical3A_449 : vector<16xi32>
        %eq3A_451 = vector.broadcast %max3A_84 : i32 to vector<16xi32>
        %eq3A_452 = arith.cmpi eq, %shift_right_logical3A_450, %eq3A_451 : vector<16xi32>
        %shift_right_logical3A_453 = arith.constant 20 : i32
        %shift_right_logical3A_454 = vector.broadcast %shift_right_logical3A_453 : i32 to vector<16xi32>
        %shift_right_logical3A_455 = arith.shrui %bitcast3A_438, %shift_right_logical3A_454 : vector<16xi32>
        %eq3A_456 = vector.broadcast %max3A_84 : i32 to vector<16xi32>
        %eq3A_457 = arith.cmpi eq, %shift_right_logical3A_455, %eq3A_456 : vector<16xi32>
        %shift_right_logical3A_458 = arith.constant 20 : i32
        %shift_right_logical3A_459 = vector.broadcast %shift_right_logical3A_458 : i32 to vector<16xi32>
        %shift_right_logical3A_460 = arith.shrui %bitcast3A_439, %shift_right_logical3A_459 : vector<16xi32>
        %eq3A_461 = vector.broadcast %max3A_84 : i32 to vector<16xi32>
        %eq3A_462 = arith.cmpi eq, %shift_right_logical3A_460, %eq3A_461 : vector<16xi32>
        %shift_right_logical3A_463 = arith.constant 20 : i32
        %shift_right_logical3A_464 = vector.broadcast %shift_right_logical3A_463 : i32 to vector<16xi32>
        %shift_right_logical3A_465 = arith.shrui %bitcast3A_440, %shift_right_logical3A_464 : vector<16xi32>
        %eq3A_466 = vector.broadcast %max3A_84 : i32 to vector<16xi32>
        %eq3A_467 = arith.cmpi eq, %shift_right_logical3A_465, %eq3A_466 : vector<16xi32>
        %shift_right_logical3A_468 = arith.constant 20 : i32
        %shift_right_logical3A_469 = vector.broadcast %shift_right_logical3A_468 : i32 to vector<16xi32>
        %shift_right_logical3A_470 = arith.shrui %bitcast3A_441, %shift_right_logical3A_469 : vector<16xi32>
        %eq3A_471 = vector.broadcast %max3A_84 : i32 to vector<16xi32>
        %eq3A_472 = arith.cmpi eq, %shift_right_logical3A_470, %eq3A_471 : vector<16xi32>
        %shift_right_logical3A_473 = arith.constant 20 : i32
        %shift_right_logical3A_474 = vector.broadcast %shift_right_logical3A_473 : i32 to vector<16xi32>
        %shift_right_logical3A_475 = arith.shrui %bitcast3A_442, %shift_right_logical3A_474 : vector<16xi32>
        %eq3A_476 = vector.broadcast %max3A_84 : i32 to vector<16xi32>
        %eq3A_477 = arith.cmpi eq, %shift_right_logical3A_475, %eq3A_476 : vector<16xi32>
        %shift_right_logical3A_478 = arith.constant 20 : i32
        %shift_right_logical3A_479 = vector.broadcast %shift_right_logical3A_478 : i32 to vector<16xi32>
        %shift_right_logical3A_480 = arith.shrui %bitcast3A_443, %shift_right_logical3A_479 : vector<16xi32>
        %eq3A_481 = vector.broadcast %max3A_84 : i32 to vector<16xi32>
        %eq3A_482 = arith.cmpi eq, %shift_right_logical3A_480, %eq3A_481 : vector<16xi32>
        %shift_right_logical3A_483 = arith.constant 10 : i32
        %shift_right_logical3A_484 = vector.broadcast %shift_right_logical3A_483 : i32 to vector<16xi32>
        %shift_right_logical3A_485 = arith.shrui %bitcast3A_436, %shift_right_logical3A_484 : vector<16xi32>
        %and3A_486 = arith.constant 1023 : i32
        %and3A_487 = vector.broadcast %and3A_486 : i32 to vector<16xi32>
        %and3A_488 = arith.andi %shift_right_logical3A_485, %and3A_487 : vector<16xi32>
        %add3A_489 = arith.addi %mul3A_8, %and3A_488 : vector<16xi32>
        %shift_right_logical3A_490 = arith.constant 10 : i32
        %shift_right_logical3A_491 = vector.broadcast %shift_right_logical3A_490 : i32 to vector<16xi32>
        %shift_right_logical3A_492 = arith.shrui %bitcast3A_437, %shift_right_logical3A_491 : vector<16xi32>
        %and3A_493 = arith.constant 1023 : i32
        %and3A_494 = vector.broadcast %and3A_493 : i32 to vector<16xi32>
        %and3A_495 = arith.andi %shift_right_logical3A_492, %and3A_494 : vector<16xi32>
        %add3A_496 = arith.addi %mul3A_8, %and3A_495 : vector<16xi32>
        %shift_right_logical3A_497 = arith.constant 10 : i32
        %shift_right_logical3A_498 = vector.broadcast %shift_right_logical3A_497 : i32 to vector<16xi32>
        %shift_right_logical3A_499 = arith.shrui %bitcast3A_438, %shift_right_logical3A_498 : vector<16xi32>
        %and3A_500 = arith.constant 1023 : i32
        %and3A_501 = vector.broadcast %and3A_500 : i32 to vector<16xi32>
        %and3A_502 = arith.andi %shift_right_logical3A_499, %and3A_501 : vector<16xi32>
        %add3A_503 = arith.addi %mul3A_8, %and3A_502 : vector<16xi32>
        %shift_right_logical3A_504 = arith.constant 10 : i32
        %shift_right_logical3A_505 = vector.broadcast %shift_right_logical3A_504 : i32 to vector<16xi32>
        %shift_right_logical3A_506 = arith.shrui %bitcast3A_439, %shift_right_logical3A_505 : vector<16xi32>
        %and3A_507 = arith.constant 1023 : i32
        %and3A_508 = vector.broadcast %and3A_507 : i32 to vector<16xi32>
        %and3A_509 = arith.andi %shift_right_logical3A_506, %and3A_508 : vector<16xi32>
        %add3A_510 = arith.addi %mul3A_8, %and3A_509 : vector<16xi32>
        %shift_right_logical3A_511 = arith.constant 10 : i32
        %shift_right_logical3A_512 = vector.broadcast %shift_right_logical3A_511 : i32 to vector<16xi32>
        %shift_right_logical3A_513 = arith.shrui %bitcast3A_440, %shift_right_logical3A_512 : vector<16xi32>
        %and3A_514 = arith.constant 1023 : i32
        %and3A_515 = vector.broadcast %and3A_514 : i32 to vector<16xi32>
        %and3A_516 = arith.andi %shift_right_logical3A_513, %and3A_515 : vector<16xi32>
        %add3A_517 = arith.addi %mul3A_8, %and3A_516 : vector<16xi32>
        %shift_right_logical3A_518 = arith.constant 10 : i32
        %shift_right_logical3A_519 = vector.broadcast %shift_right_logical3A_518 : i32 to vector<16xi32>
        %shift_right_logical3A_520 = arith.shrui %bitcast3A_441, %shift_right_logical3A_519 : vector<16xi32>
        %and3A_521 = arith.constant 1023 : i32
        %and3A_522 = vector.broadcast %and3A_521 : i32 to vector<16xi32>
        %and3A_523 = arith.andi %shift_right_logical3A_520, %and3A_522 : vector<16xi32>
        %add3A_524 = arith.addi %mul3A_8, %and3A_523 : vector<16xi32>
        %shift_right_logical3A_525 = arith.constant 10 : i32
        %shift_right_logical3A_526 = vector.broadcast %shift_right_logical3A_525 : i32 to vector<16xi32>
        %shift_right_logical3A_527 = arith.shrui %bitcast3A_442, %shift_right_logical3A_526 : vector<16xi32>
        %and3A_528 = arith.constant 1023 : i32
        %and3A_529 = vector.broadcast %and3A_528 : i32 to vector<16xi32>
        %and3A_530 = arith.andi %shift_right_logical3A_527, %and3A_529 : vector<16xi32>
        %add3A_531 = arith.addi %mul3A_8, %and3A_530 : vector<16xi32>
        %shift_right_logical3A_532 = arith.constant 10 : i32
        %shift_right_logical3A_533 = vector.broadcast %shift_right_logical3A_532 : i32 to vector<16xi32>
        %shift_right_logical3A_534 = arith.shrui %bitcast3A_443, %shift_right_logical3A_533 : vector<16xi32>
        %and3A_535 = arith.constant 1023 : i32
        %and3A_536 = vector.broadcast %and3A_535 : i32 to vector<16xi32>
        %and3A_537 = arith.andi %shift_right_logical3A_534, %and3A_536 : vector<16xi32>
        %add3A_538 = arith.addi %mul3A_8, %and3A_537 : vector<16xi32>
        tpu.vector_store_idx %arg11[%add3A_489], %get3A_414 masked %eq3A_447 {add = true} : memref<32896xf32, #tpu.memory_space<vmem>>[vector<16xi32>], vector<16xf32>, vector<16xi1>
        tpu.vector_store_idx %arg11[%add3A_496], %get3A_417 masked %eq3A_452 {add = true} : memref<32896xf32, #tpu.memory_space<vmem>>[vector<16xi32>], vector<16xf32>, vector<16xi1>
        tpu.vector_store_idx %arg11[%add3A_503], %get3A_420 masked %eq3A_457 {add = true} : memref<32896xf32, #tpu.memory_space<vmem>>[vector<16xi32>], vector<16xf32>, vector<16xi1>
        tpu.vector_store_idx %arg11[%add3A_510], %get3A_423 masked %eq3A_462 {add = true} : memref<32896xf32, #tpu.memory_space<vmem>>[vector<16xi32>], vector<16xf32>, vector<16xi1>
        tpu.vector_store_idx %arg11[%add3A_517], %get3A_426 masked %eq3A_467 {add = true} : memref<32896xf32, #tpu.memory_space<vmem>>[vector<16xi32>], vector<16xf32>, vector<16xi1>
        tpu.vector_store_idx %arg11[%add3A_524], %get3A_429 masked %eq3A_472 {add = true} : memref<32896xf32, #tpu.memory_space<vmem>>[vector<16xi32>], vector<16xf32>, vector<16xi1>
        tpu.vector_store_idx %arg11[%add3A_531], %get3A_432 masked %eq3A_477 {add = true} : memref<32896xf32, #tpu.memory_space<vmem>>[vector<16xi32>], vector<16xf32>, vector<16xi1>
        tpu.vector_store_idx %arg11[%add3A_538], %get3A_435 masked %eq3A_482 {add = true} : memref<32896xf32, #tpu.memory_space<vmem>>[vector<16xi32>], vector<16xf32>, vector<16xi1>
      }
      %scan3A_331 = arith.constant 128 : i32
    }
    %scan3A_115 = arith.constant 4 : i32
    %scan3A_116 = arith.constant 0 : i32
    %scan3A_117 = arith.constant 0 : i32
    %scan3A_118 = arith.constant 64 : i32
    %scan3A_119 = arith.addi %scan3A_117, %scan3A_118 : i32
    %scan3A_120 = arith.constant 1 : i32
    scf.for %scan3A_277 = %scan3A_117 to %scan3A_119 step %scan3A_120  : i32 {
      %mul3A_278 = arith.constant 16 : i32
      %mul3A_279 = arith.muli %scan3A_277, %mul3A_278 : i32
      %get3A = arith.index_cast %mul3A_279 : i32 to index
      %get3A_280 = tpu.vector_load %arg11[%get3A] {strides = array<i32>} : memref<32896xf32, #tpu.memory_space<vmem>>, vector<16xf32>,
      %mul3A_281 = arith.constant 16 : i32
      %mul3A_282 = arith.muli %scan3A_277, %mul3A_281 : i32
      %add3A_283 = arith.constant 1025 : i32
      %add3A_284 = arith.addi %add3A_283, %mul3A_282 : i32
      %get3A_285 = arith.index_cast %add3A_284 : i32 to index
      %get3A_286 = tpu.vector_load %arg11[%get3A_285] {strides = array<i32>} : memref<32896xf32, #tpu.memory_space<vmem>>, vector<16xf32>,
      %add3A_287 = arith.addf %get3A_280, %get3A_286 : vector<16xf32>
      %mul3A_288 = arith.constant 16 : i32
      %mul3A_289 = arith.muli %scan3A_277, %mul3A_288 : i32
      %add3A_290 = arith.constant 2050 : i32
      %add3A_291 = arith.addi %add3A_290, %mul3A_289 : i32
      %get3A_292 = arith.index_cast %add3A_291 : i32 to index
      %get3A_293 = tpu.vector_load %arg11[%get3A_292] {strides = array<i32>} : memref<32896xf32, #tpu.memory_space<vmem>>, vector<16xf32>,
      %add3A_294 = arith.addf %add3A_287, %get3A_293 : vector<16xf32>
      %mul3A_295 = arith.constant 16 : i32
      %mul3A_296 = arith.muli %scan3A_277, %mul3A_295 : i32
      %add3A_297 = arith.constant 3075 : i32
      %add3A_298 = arith.addi %add3A_297, %mul3A_296 : i32
      %get3A_299 = arith.index_cast %add3A_298 : i32 to index
      %get3A_300 = tpu.vector_load %arg11[%get3A_299] {strides = array<i32>} : memref<32896xf32, #tpu.memory_space<vmem>>, vector<16xf32>,
      %add3A_301 = arith.addf %add3A_294, %get3A_300 : vector<16xf32>
      %mul3A_302 = arith.constant 16 : i32
      %mul3A_303 = arith.muli %scan3A_277, %mul3A_302 : i32
      %add3A_304 = arith.constant 4100 : i32
      %add3A_305 = arith.addi %add3A_304, %mul3A_303 : i32
      %get3A_306 = arith.index_cast %add3A_305 : i32 to index
      %get3A_307 = tpu.vector_load %arg11[%get3A_306] {strides = array<i32>} : memref<32896xf32, #tpu.memory_space<vmem>>, vector<16xf32>,
      %add3A_308 = arith.addf %add3A_301, %get3A_307 : vector<16xf32>
      %mul3A_309 = arith.constant 16 : i32
      %mul3A_310 = arith.muli %scan3A_277, %mul3A_309 : i32
      %add3A_311 = arith.constant 5125 : i32
      %add3A_312 = arith.addi %add3A_311, %mul3A_310 : i32
      %get3A_313 = arith.index_cast %add3A_312 : i32 to index
      %get3A_314 = tpu.vector_load %arg11[%get3A_313] {strides = array<i32>} : memref<32896xf32, #tpu.memory_space<vmem>>, vector<16xf32>,
      %add3A_315 = arith.addf %add3A_308, %get3A_314 : vector<16xf32>
      %mul3A_316 = arith.constant 16 : i32
      %mul3A_317 = arith.muli %scan3A_277, %mul3A_316 : i32
      %add3A_318 = arith.constant 6150 : i32
      %add3A_319 = arith.addi %add3A_318, %mul3A_317 : i32
      %get3A_320 = arith.index_cast %add3A_319 : i32 to index
      %get3A_321 = tpu.vector_load %arg11[%get3A_320] {strides = array<i32>} : memref<32896xf32, #tpu.memory_space<vmem>>, vector<16xf32>,
      %add3A_322 = arith.addf %add3A_315, %get3A_321 : vector<16xf32>
      %mul3A_323 = arith.constant 16 : i32
      %mul3A_324 = arith.muli %scan3A_277, %mul3A_323 : i32
      %add3A_325 = arith.constant 7175 : i32
      %add3A_326 = arith.addi %add3A_325, %mul3A_324 : i32
      %get3A_327 = arith.index_cast %add3A_326 : i32 to index
      %get3A_328 = tpu.vector_load %arg11[%get3A_327] {strides = array<i32>} : memref<32896xf32, #tpu.memory_space<vmem>>, vector<16xf32>,
      %add3A_329 = arith.addf %add3A_322, %get3A_328 : vector<16xf32>
      %mul3A_330 = arith.constant 16 : i32
      %mul3A_331 = arith.muli %scan3A_277, %mul3A_330 : i32
      %add3A_332 = arith.constant 8200 : i32
      %add3A_333 = arith.addi %add3A_332, %mul3A_331 : i32
      %get3A_334 = arith.index_cast %add3A_333 : i32 to index
      %get3A_335 = tpu.vector_load %arg11[%get3A_334] {strides = array<i32>} : memref<32896xf32, #tpu.memory_space<vmem>>, vector<16xf32>,
      %add3A_336 = arith.addf %add3A_329, %get3A_335 : vector<16xf32>
      %mul3A_337 = arith.constant 16 : i32
      %mul3A_338 = arith.muli %scan3A_277, %mul3A_337 : i32
      %add3A_339 = arith.constant 9225 : i32
      %add3A_340 = arith.addi %add3A_339, %mul3A_338 : i32
      %get3A_341 = arith.index_cast %add3A_340 : i32 to index
      %get3A_342 = tpu.vector_load %arg11[%get3A_341] {strides = array<i32>} : memref<32896xf32, #tpu.memory_space<vmem>>, vector<16xf32>,
      %add3A_343 = arith.addf %add3A_336, %get3A_342 : vector<16xf32>
      %mul3A_344 = arith.constant 16 : i32
      %mul3A_345 = arith.muli %scan3A_277, %mul3A_344 : i32
      %add3A_346 = arith.constant 10250 : i32
      %add3A_347 = arith.addi %add3A_346, %mul3A_345 : i32
      %get3A_348 = arith.index_cast %add3A_347 : i32 to index
      %get3A_349 = tpu.vector_load %arg11[%get3A_348] {strides = array<i32>} : memref<32896xf32, #tpu.memory_space<vmem>>, vector<16xf32>,
      %add3A_350 = arith.addf %add3A_343, %get3A_349 : vector<16xf32>
      %mul3A_351 = arith.constant 16 : i32
      %mul3A_352 = arith.muli %scan3A_277, %mul3A_351 : i32
      %add3A_353 = arith.constant 11275 : i32
      %add3A_354 = arith.addi %add3A_353, %mul3A_352 : i32
      %get3A_355 = arith.index_cast %add3A_354 : i32 to index
      %get3A_356 = tpu.vector_load %arg11[%get3A_355] {strides = array<i32>} : memref<32896xf32, #tpu.memory_space<vmem>>, vector<16xf32>,
      %add3A_357 = arith.addf %add3A_350, %get3A_356 : vector<16xf32>
      %mul3A_358 = arith.constant 16 : i32
      %mul3A_359 = arith.muli %scan3A_277, %mul3A_358 : i32
      %add3A_360 = arith.constant 12300 : i32
      %add3A_361 = arith.addi %add3A_360, %mul3A_359 : i32
      %get3A_362 = arith.index_cast %add3A_361 : i32 to index
      %get3A_363 = tpu.vector_load %arg11[%get3A_362] {strides = array<i32>} : memref<32896xf32, #tpu.memory_space<vmem>>, vector<16xf32>,
      %add3A_364 = arith.addf %add3A_357, %get3A_363 : vector<16xf32>
      %mul3A_365 = arith.constant 16 : i32
      %mul3A_366 = arith.muli %scan3A_277, %mul3A_365 : i32
      %add3A_367 = arith.constant 13325 : i32
      %add3A_368 = arith.addi %add3A_367, %mul3A_366 : i32
      %get3A_369 = arith.index_cast %add3A_368 : i32 to index
      %get3A_370 = tpu.vector_load %arg11[%get3A_369] {strides = array<i32>} : memref<32896xf32, #tpu.memory_space<vmem>>, vector<16xf32>,
      %add3A_371 = arith.addf %add3A_364, %get3A_370 : vector<16xf32>
      %mul3A_372 = arith.constant 16 : i32
      %mul3A_373 = arith.muli %scan3A_277, %mul3A_372 : i32
      %add3A_374 = arith.constant 14350 : i32
      %add3A_375 = arith.addi %add3A_374, %mul3A_373 : i32
      %get3A_376 = arith.index_cast %add3A_375 : i32 to index
      %get3A_377 = tpu.vector_load %arg11[%get3A_376] {strides = array<i32>} : memref<32896xf32, #tpu.memory_space<vmem>>, vector<16xf32>,
      %add3A_378 = arith.addf %add3A_371, %get3A_377 : vector<16xf32>
      %mul3A_379 = arith.constant 16 : i32
      %mul3A_380 = arith.muli %scan3A_277, %mul3A_379 : i32
      %add3A_381 = arith.constant 15375 : i32
      %add3A_382 = arith.addi %add3A_381, %mul3A_380 : i32
      %get3A_383 = arith.index_cast %add3A_382 : i32 to index
      %get3A_384 = tpu.vector_load %arg11[%get3A_383] {strides = array<i32>} : memref<32896xf32, #tpu.memory_space<vmem>>, vector<16xf32>,
      %add3A_385 = arith.addf %add3A_378, %get3A_384 : vector<16xf32>
      %mul3A_386 = arith.constant 16 : i32
      %mul3A_387 = arith.muli %scan3A_277, %mul3A_386 : i32
      %swap3A = arith.index_cast %mul3A_387 : i32 to index
      %swap3A_388 = tpu.vector_load %arg12[%swap3A] {strides = array<i32>} : memref<2048xf32, #tpu.memory_space<vmem>>, vector<16xf32>,
      tpu.vector_store %arg12[%swap3A], %add3A_385 {strides = array<i32>} : memref<2048xf32, #tpu.memory_space<vmem>>, vector<16xf32>,
    }
    %scan3A_121 = arith.constant 64 : i32
    "tpu.region"() ({
      %run_scoped3A = tpu.sem_alloc : memref<!tpu.dma_semaphore, #tpu.memory_space<semaphore_mem>>
      %dma_start3A_277 = arith.constant 0 : i32
      %dma_start3A_278 = tpu.memref_slice %arg12[%dma_start3A_277] : memref<2048xf32, #tpu.memory_space<vmem>> -> memref<1024xf32, #tpu.memory_space<vmem>>
      %dma_start3A_279 = arith.constant 0 : i32
      %dma_start3A_280 = tpu.memref_slice %arg15[%arg1, %dma_start3A_279] : memref<16x2048xf32, #tpu.memory_space<vmem_shared>> -> memref<1x1024xf32, #tpu.memory_space<vmem_shared>>
      %dma_start3A_281 = tpu.memref_squeeze %dma_start3A_280 : memref<1x1024xf32, #tpu.memory_space<vmem_shared>> -> memref<1024xf32, #tpu.memory_space<vmem_shared>>
      %dma_start3A_282 = arith.constant 0 : i32
      %dma_start3A_283 = tpu.memref_slice %arg15[%arg1, %dma_start3A_282] : memref<16x2048xf32, #tpu.memory_space<vmem_shared>> -> memref<1x1024xf32, #tpu.memory_space<vmem_shared>>
      %dma_start3A_284 = tpu.memref_squeeze %dma_start3A_283 : memref<1x1024xf32, #tpu.memory_space<vmem_shared>> -> memref<1024xf32, #tpu.memory_space<vmem_shared>>
      %dma_start3A_285 = arith.constant 0 : i32
      %dma_start3A_286 = tpu.memref_slice %arg12[%dma_start3A_285] : memref<2048xf32, #tpu.memory_space<vmem>> -> memref<1024xf32, #tpu.memory_space<vmem>>
      tpu.enqueue_dma source(%dma_start3A_286 : memref<1024xf32, #tpu.memory_space<vmem>>) target(%dma_start3A_284 : memref<1024xf32, #tpu.memory_space<vmem_shared>>) target_semaphore(%run_scoped3A : memref<!tpu.dma_semaphore, #tpu.memory_space<semaphore_mem>>)
      %dma_wait3A_287 = arith.constant 0 : i32
      %dma_wait3A_288 = tpu.memref_slice %arg12[%dma_wait3A_287] : memref<2048xf32, #tpu.memory_space<vmem>> -> memref<1024xf32, #tpu.memory_space<vmem>>
      %dma_wait3A_289 = arith.constant 0 : i32
      %dma_wait3A_290 = tpu.memref_slice %arg15[%arg1, %dma_wait3A_289] : memref<16x2048xf32, #tpu.memory_space<vmem_shared>> -> memref<1x1024xf32, #tpu.memory_space<vmem_shared>>
      %dma_wait3A_291 = tpu.memref_squeeze %dma_wait3A_290 : memref<1x1024xf32, #tpu.memory_space<vmem_shared>> -> memref<1024xf32, #tpu.memory_space<vmem_shared>>
      %dma_wait3A_292 = arith.constant 0 : i32
      %dma_wait3A_293 = tpu.memref_slice %arg15[%arg1, %dma_wait3A_292] : memref<16x2048xf32, #tpu.memory_space<vmem_shared>> -> memref<1x1024xf32, #tpu.memory_space<vmem_shared>>
      %dma_wait3A_294 = tpu.memref_squeeze %dma_wait3A_293 : memref<1x1024xf32, #tpu.memory_space<vmem_shared>> -> memref<1024xf32, #tpu.memory_space<vmem_shared>>
      %dma_wait3A_295 = arith.constant 0 : i32
      %dma_wait3A_296 = tpu.memref_slice %arg12[%dma_wait3A_295] : memref<2048xf32, #tpu.memory_space<vmem>> -> memref<1024xf32, #tpu.memory_space<vmem>>
      tpu.wait_dma2 semaphore(%run_scoped3A : memref<!tpu.dma_semaphore, #tpu.memory_space<semaphore_mem>>) src(%dma_wait3A_296 : memref<1024xf32, #tpu.memory_space<vmem>>) dst(%dma_wait3A_294 : memref<1024xf32, #tpu.memory_space<vmem_shared>>)
      tpu.yield
    }) : () -> ()
    %barrier3A_122 = arith.constant 0 : index
    tpu.barrier barrier_id(%barrier3A_122)
    %xor3A_123 = arith.constant 1 : i32
    %xor3A_124 = arith.xori %arg1, %xor3A_123 : i32
    "tpu.region"() ({
      %run_scoped3A = tpu.sem_alloc : memref<!tpu.dma_semaphore, #tpu.memory_space<semaphore_mem>>
      %dma_start3A_277 = arith.constant 0 : i32
      %dma_start3A_278 = tpu.memref_slice %arg13[%dma_start3A_277] : memref<2048xf32, #tpu.memory_space<vmem>> -> memref<1024xf32, #tpu.memory_space<vmem>>
      %dma_start3A_279 = arith.constant 0 : i32
      %dma_start3A_280 = tpu.memref_slice %arg15[%xor3A_124, %dma_start3A_279] : memref<16x2048xf32, #tpu.memory_space<vmem_shared>> -> memref<1x1024xf32, #tpu.memory_space<vmem_shared>>
      %dma_start3A_281 = tpu.memref_squeeze %dma_start3A_280 : memref<1x1024xf32, #tpu.memory_space<vmem_shared>> -> memref<1024xf32, #tpu.memory_space<vmem_shared>>
      %dma_start3A_282 = arith.constant 0 : i32
      %dma_start3A_283 = tpu.memref_slice %arg13[%dma_start3A_282] : memref<2048xf32, #tpu.memory_space<vmem>> -> memref<1024xf32, #tpu.memory_space<vmem>>
      %dma_start3A_284 = arith.constant 0 : i32
      %dma_start3A_285 = tpu.memref_slice %arg15[%xor3A_124, %dma_start3A_284] : memref<16x2048xf32, #tpu.memory_space<vmem_shared>> -> memref<1x1024xf32, #tpu.memory_space<vmem_shared>>
      %dma_start3A_286 = tpu.memref_squeeze %dma_start3A_285 : memref<1x1024xf32, #tpu.memory_space<vmem_shared>> -> memref<1024xf32, #tpu.memory_space<vmem_shared>>
      tpu.enqueue_dma source(%dma_start3A_286 : memref<1024xf32, #tpu.memory_space<vmem_shared>>) target(%dma_start3A_283 : memref<1024xf32, #tpu.memory_space<vmem>>) target_semaphore(%run_scoped3A : memref<!tpu.dma_semaphore, #tpu.memory_space<semaphore_mem>>)
      %dma_wait3A_287 = arith.constant 0 : i32
      %dma_wait3A_288 = tpu.memref_slice %arg13[%dma_wait3A_287] : memref<2048xf32, #tpu.memory_space<vmem>> -> memref<1024xf32, #tpu.memory_space<vmem>>
      %dma_wait3A_289 = arith.constant 0 : i32
      %dma_wait3A_290 = tpu.memref_slice %arg15[%xor3A_124, %dma_wait3A_289] : memref<16x2048xf32, #tpu.memory_space<vmem_shared>> -> memref<1x1024xf32, #tpu.memory_space<vmem_shared>>
      %dma_wait3A_291 = tpu.memref_squeeze %dma_wait3A_290 : memref<1x1024xf32, #tpu.memory_space<vmem_shared>> -> memref<1024xf32, #tpu.memory_space<vmem_shared>>
      %dma_wait3A_292 = arith.constant 0 : i32
      %dma_wait3A_293 = tpu.memref_slice %arg13[%dma_wait3A_292] : memref<2048xf32, #tpu.memory_space<vmem>> -> memref<1024xf32, #tpu.memory_space<vmem>>
      %dma_wait3A_294 = arith.constant 0 : i32
      %dma_wait3A_295 = tpu.memref_slice %arg15[%xor3A_124, %dma_wait3A_294] : memref<16x2048xf32, #tpu.memory_space<vmem_shared>> -> memref<1x1024xf32, #tpu.memory_space<vmem_shared>>
      %dma_wait3A_296 = tpu.memref_squeeze %dma_wait3A_295 : memref<1x1024xf32, #tpu.memory_space<vmem_shared>> -> memref<1024xf32, #tpu.memory_space<vmem_shared>>
      tpu.wait_dma2 semaphore(%run_scoped3A : memref<!tpu.dma_semaphore, #tpu.memory_space<semaphore_mem>>) src(%dma_wait3A_296 : memref<1024xf32, #tpu.memory_space<vmem_shared>>) dst(%dma_wait3A_293 : memref<1024xf32, #tpu.memory_space<vmem>>)
      tpu.yield
    }) : () -> ()
    %barrier3A_125 = arith.constant 0 : index
    tpu.barrier barrier_id(%barrier3A_125)
    %scan3A_126 = arith.constant 0 : i32
    %scan3A_127 = arith.constant 0 : i32
    %scan3A_128 = arith.constant 64 : i32
    %scan3A_129 = arith.addi %scan3A_127, %scan3A_128 : i32
    %scan3A_130 = arith.constant 1 : i32
    scf.for %scan3A_277 = %scan3A_127 to %scan3A_129 step %scan3A_130  : i32 {
      %mul3A_278 = arith.constant 16 : i32
      %mul3A_279 = arith.muli %scan3A_277, %mul3A_278 : i32
      %get3A = arith.index_cast %mul3A_279 : i32 to index
      %get3A_280 = tpu.vector_load %arg12[%get3A] {strides = array<i32>} : memref<2048xf32, #tpu.memory_space<vmem>>, vector<16xf32>,
      %mul3A_281 = arith.constant 16 : i32
      %mul3A_282 = arith.muli %scan3A_277, %mul3A_281 : i32
      %get3A_283 = arith.index_cast %mul3A_282 : i32 to index
      %get3A_284 = tpu.vector_load %arg13[%get3A_283] {strides = array<i32>} : memref<2048xf32, #tpu.memory_space<vmem>>, vector<16xf32>,
      %add3A_285 = arith.addf %get3A_280, %get3A_284 : vector<16xf32>
      %mul3A_286 = arith.constant 16 : i32
      %mul3A_287 = arith.muli %scan3A_277, %mul3A_286 : i32
      %swap3A = arith.index_cast %mul3A_287 : i32 to index
      %swap3A_288 = tpu.vector_load %arg12[%swap3A] {strides = array<i32>} : memref<2048xf32, #tpu.memory_space<vmem>>, vector<16xf32>,
      tpu.vector_store %arg12[%swap3A], %add3A_285 {strides = array<i32>} : memref<2048xf32, #tpu.memory_space<vmem>>, vector<16xf32>,
    }
    %scan3A_131 = arith.constant 64 : i32
    %iota3A_132 = tpu.iota {dimensions = array<i32: 0>} : vector<16xi32>
    %scan3A_133 = arith.constant -1 : i32
    %scan3A_134 = arith.constant -1 : i32
    %scan3A_135 = arith.constant 0.000000e+00 : f32
    %scan3A_136 = arith.constant 0 : i32
    %scan3A_137 = arith.constant 64 : i32
    %scan3A_138 = arith.addi %scan3A_136, %scan3A_137 : i32
    %scan3A_139 = arith.constant 1 : i32
    %scan3A_140:3 = scf.for %scan3A_277 = %scan3A_136 to %scan3A_138 step %scan3A_139 iter_args(%scan3A_278 = %scan3A_133, %scan3A_279 = %scan3A_134, %scan3A_280 = %scan3A_135) -> (i32, i32, f32)  : i32 {
      %sub3A_281 = arith.constant 63 : i32
      %sub3A_282 = arith.subi %sub3A_281, %scan3A_277 : i32
      %mul3A_283 = arith.constant 16 : i32
      %mul3A_284 = arith.muli %sub3A_282, %mul3A_283 : i32
      %get3A = arith.index_cast %mul3A_284 : i32 to index
      %get3A_285 = tpu.vector_load %arg12[%get3A] {strides = array<i32>} : memref<2048xf32, #tpu.memory_space<vmem>>, vector<16xf32>,
      %broadcast_in_dim3A_286 = arith.constant true
      %broadcast_in_dim3A_287 = vector.broadcast %broadcast_in_dim3A_286 : i1 to vector<16xi1>
      %masked_cumsum3A = tpu.scan <sum>, %get3A_285 masked %broadcast_in_dim3A_287 : vector<16xf32>, vector<16xi1> -> vector<16xf32>
      %reduce_sum3A = arith.constant true
      %reduce_sum3A_288 = vector.broadcast %reduce_sum3A : i1 to vector<16xi1>
      %reduce_sum3A_289 = tpu.scan <sum>, %get3A_285 masked %reduce_sum3A_288 : vector<16xf32>, vector<16xi1> -> vector<16xf32>
      %reduce_sum3A_290 = vector.extract %reduce_sum3A_289[15] : f32 from vector<16xf32>
      %add3A_291 = arith.addf %add3A_93, %scan3A_280 : f32
      %sub3A_292 = vector.broadcast %reduce_sum3A_290 : f32 to vector<16xf32>
      %sub3A_293 = arith.subf %sub3A_292, %masked_cumsum3A : vector<16xf32>
      %add3A_294 = arith.addf %sub3A_293, %get3A_285 : vector<16xf32>
      %add3A_295 = vector.broadcast %add3A_291 : f32 to vector<16xf32>
      %add3A_296 = arith.addf %add3A_295, %add3A_294 : vector<16xf32>
      %mul3A_297 = arith.constant 16 : i32
      %mul3A_298 = arith.muli %sub3A_282, %mul3A_297 : i32
      %add3A_299 = vector.broadcast %mul3A_298 : i32 to vector<16xi32>
      %add3A_300 = arith.addi %add3A_299, %iota3A_132 : vector<16xi32>
      %gt3A = vector.broadcast %mul3A_71 : f32 to vector<16xf32>
      %gt3A_301 = arith.cmpf ogt, %add3A_296, %gt3A : vector<16xf32>
      %jit3A_302 = arith.constant -1 : i32
      %broadcast_in_dim3A_303 = vector.broadcast %jit3A_302 : i32 to vector<16xi32>
      %select_n3A_304 = arith.select %gt3A_301, %add3A_300, %broadcast_in_dim3A_303 : vector<16xi1>, vector<16xi32>
      %reduce_max3A = arith.constant true
      %reduce_max3A_305 = vector.broadcast %reduce_max3A : i1 to vector<16xi1>
      %reduce_max3A_306 = arith.constant -2147483648 : i32
      %reduce_max3A_307 = vector.broadcast %reduce_max3A_306 : i32 to vector<16xi32>
      %reduce_max3A_308 = arith.xori %select_n3A_304, %reduce_max3A_307 : vector<16xi32>
      %reduce_max3A_309 = tpu.scan <max>, %reduce_max3A_308 masked %reduce_max3A_305 : vector<16xi32>, vector<16xi1> -> vector<16xi32>
      %reduce_max3A_310 = arith.xori %reduce_max3A_309, %reduce_max3A_307 : vector<16xi32>
      %reduce_max3A_311 = vector.extract %reduce_max3A_310[15] : i32 from vector<16xi32>
      %gt3A_312 = arith.constant 0.000000e+00 : f32
      %gt3A_313 = vector.broadcast %gt3A_312 : f32 to vector<16xf32>
      %gt3A_314 = arith.cmpf ogt, %get3A_285, %gt3A_313 : vector<16xf32>
      %jit3A_315 = arith.constant -1 : i32
      %broadcast_in_dim3A_316 = vector.broadcast %jit3A_315 : i32 to vector<16xi32>
      %select_n3A_317 = arith.select %gt3A_314, %add3A_300, %broadcast_in_dim3A_316 : vector<16xi1>, vector<16xi32>
      %reduce_max3A_318 = arith.constant true
      %reduce_max3A_319 = vector.broadcast %reduce_max3A_318 : i1 to vector<16xi1>
      %reduce_max3A_320 = arith.constant -2147483648 : i32
      %reduce_max3A_321 = vector.broadcast %reduce_max3A_320 : i32 to vector<16xi32>
      %reduce_max3A_322 = arith.xori %select_n3A_317, %reduce_max3A_321 : vector<16xi32>
      %reduce_max3A_323 = tpu.scan <max>, %reduce_max3A_322 masked %reduce_max3A_319 : vector<16xi32>, vector<16xi1> -> vector<16xi32>
      %reduce_max3A_324 = arith.xori %reduce_max3A_323, %reduce_max3A_321 : vector<16xi32>
      %reduce_max3A_325 = vector.extract %reduce_max3A_324[15] : i32 from vector<16xi32>
      %max3A_326 = arith.maxsi %scan3A_278, %reduce_max3A_311 : i32
      %max3A_327 = arith.maxsi %scan3A_279, %reduce_max3A_325 : i32
      %add3A_328 = arith.addf %scan3A_280, %reduce_sum3A_290 : f32
      scf.yield %max3A_326, %max3A_327, %add3A_328 : i32, i32, f32
    }
    %scan3A_141 = arith.constant 64 : i32
    %ge3A_142 = arith.constant 0 : i32
    %ge3A_143 = arith.cmpi sge, %scan3A_140#0, %ge3A_142 : i32
    %select_n3A_144 = arith.select %ge3A_143, %scan3A_140#0, %scan3A_140#1 : i32
    %max3A_145 = arith.constant 0 : i32
    %max3A_146 = arith.maxsi %select_n3A_144, %max3A_145 : i32
    %scan3A_147 = arith.constant 0.000000e+00 : f32
    %scan3A_148 = arith.constant 0 : i32
    %scan3A_149 = arith.constant 64 : i32
    %scan3A_150 = arith.addi %scan3A_148, %scan3A_149 : i32
    %scan3A_151 = arith.constant 1 : i32
    %scan3A_152 = scf.for %scan3A_277 = %scan3A_148 to %scan3A_150 step %scan3A_151 iter_args(%scan3A_278 = %scan3A_147) -> (f32)  : i32 {
      %mul3A_279 = arith.constant 16 : i32
      %mul3A_280 = arith.muli %scan3A_277, %mul3A_279 : i32
      %get3A = arith.index_cast %mul3A_280 : i32 to index
      %get3A_281 = tpu.vector_load %arg12[%get3A] {strides = array<i32>} : memref<2048xf32, #tpu.memory_space<vmem>>, vector<16xf32>,
      %mul3A_282 = arith.constant 16 : i32
      %mul3A_283 = arith.muli %scan3A_277, %mul3A_282 : i32
      %add3A_284 = vector.broadcast %mul3A_283 : i32 to vector<16xi32>
      %add3A_285 = arith.addi %add3A_284, %iota3A_132 : vector<16xi32>
      %gt3A = vector.broadcast %max3A_146 : i32 to vector<16xi32>
      %gt3A_286 = arith.cmpi sgt, %add3A_285, %gt3A : vector<16xi32>
      %jit3A_287 = arith.constant 0.000000e+00 : f32
      %broadcast_in_dim3A_288 = vector.broadcast %jit3A_287 : f32 to vector<16xf32>
      %select_n3A_289 = arith.select %gt3A_286, %get3A_281, %broadcast_in_dim3A_288 : vector<16xi1>, vector<16xf32>
      %reduce_sum3A = arith.constant true
      %reduce_sum3A_290 = vector.broadcast %reduce_sum3A : i1 to vector<16xi1>
      %reduce_sum3A_291 = tpu.scan <sum>, %select_n3A_289 masked %reduce_sum3A_290 : vector<16xf32>, vector<16xi1> -> vector<16xf32>
      %reduce_sum3A_292 = vector.extract %reduce_sum3A_291[15] : f32 from vector<16xf32>
      %add3A_293 = arith.addf %scan3A_278, %reduce_sum3A_292 : f32
      scf.yield %add3A_293 : f32
    }
    %scan3A_153 = arith.constant 64 : i32
    %add3A_154 = arith.addf %add3A_93, %scan3A_152 : f32
    %shift_left3A = arith.constant 10 : i32
    %shift_left3A_155 = arith.shli %max3A_84, %shift_left3A : i32
    %or3A = arith.ori %shift_left3A_155, %max3A_146 : i32
    %broadcast_in_dim3A_156 = arith.constant 0.000000e+00 : f32
    %broadcast_in_dim3A_157 = vector.broadcast %broadcast_in_dim3A_156 : f32 to vector<16xf32>
    %scan3A_158 = arith.constant 0 : i32
    %scan3A_159 = arith.constant 0 : i32
    %scan3A_160 = arith.constant 129 : i32
    %scan3A_161 = arith.addi %scan3A_159, %scan3A_160 : i32
    %scan3A_162 = arith.constant 1 : i32
    scf.for %scan3A_277 = %scan3A_159 to %scan3A_161 step %scan3A_162  : i32 {
      %mul3A_278 = arith.constant 8 : i32
      %mul3A_279 = arith.muli %scan3A_277, %mul3A_278 : i32
      %add3A_280 = arith.constant 0 : i32
      %add3A_281 = arith.addi %mul3A_279, %add3A_280 : i32
      %mul3A_282 = arith.constant 16 : i32
      %mul3A_283 = arith.muli %add3A_281, %mul3A_282 : i32
      %swap3A = arith.index_cast %mul3A_283 : i32 to index
      %swap3A_284 = tpu.vector_load %arg11[%swap3A] {strides = array<i32>} : memref<32896xf32, #tpu.memory_space<vmem>>, vector<16xf32>,
      tpu.vector_store %arg11[%swap3A], %broadcast_in_dim3A_157 {strides = array<i32>} : memref<32896xf32, #tpu.memory_space<vmem>>, vector<16xf32>,
      %mul3A_285 = arith.constant 8 : i32
      %mul3A_286 = arith.muli %scan3A_277, %mul3A_285 : i32
      %add3A_287 = arith.constant 1 : i32
      %add3A_288 = arith.addi %mul3A_286, %add3A_287 : i32
      %mul3A_289 = arith.constant 16 : i32
      %mul3A_290 = arith.muli %add3A_288, %mul3A_289 : i32
      %swap3A_291 = arith.index_cast %mul3A_290 : i32 to index
      %swap3A_292 = tpu.vector_load %arg11[%swap3A_291] {strides = array<i32>} : memref<32896xf32, #tpu.memory_space<vmem>>, vector<16xf32>,
      tpu.vector_store %arg11[%swap3A_291], %broadcast_in_dim3A_157 {strides = array<i32>} : memref<32896xf32, #tpu.memory_space<vmem>>, vector<16xf32>,
      %mul3A_293 = arith.constant 8 : i32
      %mul3A_294 = arith.muli %scan3A_277, %mul3A_293 : i32
      %add3A_295 = arith.constant 2 : i32
      %add3A_296 = arith.addi %mul3A_294, %add3A_295 : i32
      %mul3A_297 = arith.constant 16 : i32
      %mul3A_298 = arith.muli %add3A_296, %mul3A_297 : i32
      %swap3A_299 = arith.index_cast %mul3A_298 : i32 to index
      %swap3A_300 = tpu.vector_load %arg11[%swap3A_299] {strides = array<i32>} : memref<32896xf32, #tpu.memory_space<vmem>>, vector<16xf32>,
      tpu.vector_store %arg11[%swap3A_299], %broadcast_in_dim3A_157 {strides = array<i32>} : memref<32896xf32, #tpu.memory_space<vmem>>, vector<16xf32>,
      %mul3A_301 = arith.constant 8 : i32
      %mul3A_302 = arith.muli %scan3A_277, %mul3A_301 : i32
      %add3A_303 = arith.constant 3 : i32
      %add3A_304 = arith.addi %mul3A_302, %add3A_303 : i32
      %mul3A_305 = arith.constant 16 : i32
      %mul3A_306 = arith.muli %add3A_304, %mul3A_305 : i32
      %swap3A_307 = arith.index_cast %mul3A_306 : i32 to index
      %swap3A_308 = tpu.vector_load %arg11[%swap3A_307] {strides = array<i32>} : memref<32896xf32, #tpu.memory_space<vmem>>, vector<16xf32>,
      tpu.vector_store %arg11[%swap3A_307], %broadcast_in_dim3A_157 {strides = array<i32>} : memref<32896xf32, #tpu.memory_space<vmem>>, vector<16xf32>,
      %mul3A_309 = arith.constant 8 : i32
      %mul3A_310 = arith.muli %scan3A_277, %mul3A_309 : i32
      %add3A_311 = arith.constant 4 : i32
      %add3A_312 = arith.addi %mul3A_310, %add3A_311 : i32
      %mul3A_313 = arith.constant 16 : i32
      %mul3A_314 = arith.muli %add3A_312, %mul3A_313 : i32
      %swap3A_315 = arith.index_cast %mul3A_314 : i32 to index
      %swap3A_316 = tpu.vector_load %arg11[%swap3A_315] {strides = array<i32>} : memref<32896xf32, #tpu.memory_space<vmem>>, vector<16xf32>,
      tpu.vector_store %arg11[%swap3A_315], %broadcast_in_dim3A_157 {strides = array<i32>} : memref<32896xf32, #tpu.memory_space<vmem>>, vector<16xf32>,
      %mul3A_317 = arith.constant 8 : i32
      %mul3A_318 = arith.muli %scan3A_277, %mul3A_317 : i32
      %add3A_319 = arith.constant 5 : i32
      %add3A_320 = arith.addi %mul3A_318, %add3A_319 : i32
      %mul3A_321 = arith.constant 16 : i32
      %mul3A_322 = arith.muli %add3A_320, %mul3A_321 : i32
      %swap3A_323 = arith.index_cast %mul3A_322 : i32 to index
      %swap3A_324 = tpu.vector_load %arg11[%swap3A_323] {strides = array<i32>} : memref<32896xf32, #tpu.memory_space<vmem>>, vector<16xf32>,
      tpu.vector_store %arg11[%swap3A_323], %broadcast_in_dim3A_157 {strides = array<i32>} : memref<32896xf32, #tpu.memory_space<vmem>>, vector<16xf32>,
      %mul3A_325 = arith.constant 8 : i32
      %mul3A_326 = arith.muli %scan3A_277, %mul3A_325 : i32
      %add3A_327 = arith.constant 6 : i32
      %add3A_328 = arith.addi %mul3A_326, %add3A_327 : i32
      %mul3A_329 = arith.constant 16 : i32
      %mul3A_330 = arith.muli %add3A_328, %mul3A_329 : i32
      %swap3A_331 = arith.index_cast %mul3A_330 : i32 to index
      %swap3A_332 = tpu.vector_load %arg11[%swap3A_331] {strides = array<i32>} : memref<32896xf32, #tpu.memory_space<vmem>>, vector<16xf32>,
      tpu.vector_store %arg11[%swap3A_331], %broadcast_in_dim3A_157 {strides = array<i32>} : memref<32896xf32, #tpu.memory_space<vmem>>, vector<16xf32>,
      %mul3A_333 = arith.constant 8 : i32
      %mul3A_334 = arith.muli %scan3A_277, %mul3A_333 : i32
      %add3A_335 = arith.constant 7 : i32
      %add3A_336 = arith.addi %mul3A_334, %add3A_335 : i32
      %mul3A_337 = arith.constant 16 : i32
      %mul3A_338 = arith.muli %add3A_336, %mul3A_337 : i32
      %swap3A_339 = arith.index_cast %mul3A_338 : i32 to index
      %swap3A_340 = tpu.vector_load %arg11[%swap3A_339] {strides = array<i32>} : memref<32896xf32, #tpu.memory_space<vmem>>, vector<16xf32>,
      tpu.vector_store %arg11[%swap3A_339], %broadcast_in_dim3A_157 {strides = array<i32>} : memref<32896xf32, #tpu.memory_space<vmem>>, vector<16xf32>,
    }
    %scan3A_163 = arith.constant 129 : i32
    %add3A_164 = arith.constant 0 : i32
    %add3A_165 = arith.addi %mul3A_10, %add3A_164 : i32
    %dma_start3A_166 = arith.constant 0 : i32
    %dma_start3A_167 = tpu.memref_slice %arg3[%add3A, %add3A_165, %dma_start3A_166] : memref<16x512x512xf32, #tpu.memory_space<hbm>> -> memref<1x32x512xf32, #tpu.memory_space<hbm>>
    %dma_start3A_168 = tpu.memref_squeeze %dma_start3A_167 : memref<1x32x512xf32, #tpu.memory_space<hbm>> -> memref<32x512xf32, #tpu.memory_space<hbm>>
    %dma_start3A_169 = arith.constant 0 : i32
    %dma_start3A_170 = tpu.memref_slice %arg3[%add3A, %add3A_165, %dma_start3A_169] : memref<16x512x512xf32, #tpu.memory_space<hbm>> -> memref<1x32x512xf32, #tpu.memory_space<hbm>>
    %dma_start3A_171 = tpu.memref_squeeze %dma_start3A_170 : memref<1x32x512xf32, #tpu.memory_space<hbm>> -> memref<32x512xf32, #tpu.memory_space<hbm>>
    tpu.enqueue_dma source(%dma_start3A_171 : memref<32x512xf32, #tpu.memory_space<hbm>>) target(%arg5 : memref<32x512xf32, #tpu.memory_space<vmem>>) target_semaphore(%arg16 : memref<!tpu.dma_semaphore, #tpu.memory_space<semaphore_mem>>)
    %scan3A_172 = arith.constant 0 : i32
    %scan3A_173 = arith.constant 0 : i32
    %scan3A_174 = arith.constant 4 : i32
    %scan3A_175 = arith.addi %scan3A_173, %scan3A_174 : i32
    %scan3A_176 = arith.constant 1 : i32
    scf.for %scan3A_277 = %scan3A_173 to %scan3A_175 step %scan3A_176  : i32 {
      %mul3A_278 = arith.constant 2 : i32
      %mul3A_279 = arith.muli %mul3A_278, %scan3A_277 : i32
      %add3A_280 = arith.constant 1 : i32
      %add3A_281 = arith.addi %mul3A_279, %add3A_280 : i32
      %mul3A_282 = arith.constant 32 : i32
      %mul3A_283 = arith.muli %add3A_281, %mul3A_282 : i32
      %add3A_284 = arith.addi %mul3A_10, %mul3A_283 : i32
      %dma_start3A_285 = arith.constant 0 : i32
      %dma_start3A_286 = tpu.memref_slice %arg3[%add3A, %add3A_284, %dma_start3A_285] : memref<16x512x512xf32, #tpu.memory_space<hbm>> -> memref<1x32x512xf32, #tpu.memory_space<hbm>>
      %dma_start3A_287 = tpu.memref_squeeze %dma_start3A_286 : memref<1x32x512xf32, #tpu.memory_space<hbm>> -> memref<32x512xf32, #tpu.memory_space<hbm>>
      %dma_start3A_288 = arith.constant 0 : i32
      %dma_start3A_289 = tpu.memref_slice %arg3[%add3A, %add3A_284, %dma_start3A_288] : memref<16x512x512xf32, #tpu.memory_space<hbm>> -> memref<1x32x512xf32, #tpu.memory_space<hbm>>
      %dma_start3A_290 = tpu.memref_squeeze %dma_start3A_289 : memref<1x32x512xf32, #tpu.memory_space<hbm>> -> memref<32x512xf32, #tpu.memory_space<hbm>>
      tpu.enqueue_dma source(%dma_start3A_290 : memref<32x512xf32, #tpu.memory_space<hbm>>) target(%arg6 : memref<32x512xf32, #tpu.memory_space<vmem>>) target_semaphore(%arg17 : memref<!tpu.dma_semaphore, #tpu.memory_space<semaphore_mem>>)
      %mul3A_291 = arith.constant 2 : i32
      %mul3A_292 = arith.muli %mul3A_291, %scan3A_277 : i32
      %mul3A_293 = arith.constant 32 : i32
      %mul3A_294 = arith.muli %mul3A_292, %mul3A_293 : i32
      %add3A_295 = arith.addi %mul3A_10, %mul3A_294 : i32
      %dma_wait3A_296 = arith.constant 0 : i32
      %dma_wait3A_297 = tpu.memref_slice %arg3[%add3A, %add3A_295, %dma_wait3A_296] : memref<16x512x512xf32, #tpu.memory_space<hbm>> -> memref<1x32x512xf32, #tpu.memory_space<hbm>>
      %dma_wait3A_298 = tpu.memref_squeeze %dma_wait3A_297 : memref<1x32x512xf32, #tpu.memory_space<hbm>> -> memref<32x512xf32, #tpu.memory_space<hbm>>
      %dma_wait3A_299 = arith.constant 0 : i32
      %dma_wait3A_300 = tpu.memref_slice %arg3[%add3A, %add3A_295, %dma_wait3A_299] : memref<16x512x512xf32, #tpu.memory_space<hbm>> -> memref<1x32x512xf32, #tpu.memory_space<hbm>>
      %dma_wait3A_301 = tpu.memref_squeeze %dma_wait3A_300 : memref<1x32x512xf32, #tpu.memory_space<hbm>> -> memref<32x512xf32, #tpu.memory_space<hbm>>
      tpu.wait_dma2 semaphore(%arg16 : memref<!tpu.dma_semaphore, #tpu.memory_space<semaphore_mem>>) src(%dma_wait3A_301 : memref<32x512xf32, #tpu.memory_space<hbm>>) dst(%arg5 : memref<32x512xf32, #tpu.memory_space<vmem>>)
      %scan3A_302 = arith.constant 0 : i32
      %scan3A_303 = arith.constant 0 : i32
      %scan3A_304 = arith.constant 128 : i32
      %scan3A_305 = arith.addi %scan3A_303, %scan3A_304 : i32
      %scan3A_306 = arith.constant 1 : i32
      scf.for %scan3A_332 = %scan3A_303 to %scan3A_305 step %scan3A_306  : i32 {
        %mul3A_333 = arith.constant 8 : i32
        %mul3A_334 = arith.muli %scan3A_332, %mul3A_333 : i32
        %add3A_335 = arith.constant 0 : i32
        %add3A_336 = arith.addi %mul3A_334, %add3A_335 : i32
        %shift_right_logical3A_337 = arith.constant 5 : i32
        %shift_right_logical3A_338 = arith.shrui %add3A_336, %shift_right_logical3A_337 : i32
        %and3A_339 = arith.constant 31 : i32
        %and3A_340 = arith.andi %add3A_336, %and3A_339 : i32
        %mul3A_341 = arith.constant 16 : i32
        %mul3A_342 = arith.muli %and3A_340, %mul3A_341 : i32
        %mul3A_343 = arith.constant 8 : i32
        %mul3A_344 = arith.muli %scan3A_332, %mul3A_343 : i32
        %add3A_345 = arith.constant 1 : i32
        %add3A_346 = arith.addi %mul3A_344, %add3A_345 : i32
        %shift_right_logical3A_347 = arith.constant 5 : i32
        %shift_right_logical3A_348 = arith.shrui %add3A_346, %shift_right_logical3A_347 : i32
        %and3A_349 = arith.constant 31 : i32
        %and3A_350 = arith.andi %add3A_346, %and3A_349 : i32
        %mul3A_351 = arith.constant 16 : i32
        %mul3A_352 = arith.muli %and3A_350, %mul3A_351 : i32
        %mul3A_353 = arith.constant 8 : i32
        %mul3A_354 = arith.muli %scan3A_332, %mul3A_353 : i32
        %add3A_355 = arith.constant 2 : i32
        %add3A_356 = arith.addi %mul3A_354, %add3A_355 : i32
        %shift_right_logical3A_357 = arith.constant 5 : i32
        %shift_right_logical3A_358 = arith.shrui %add3A_356, %shift_right_logical3A_357 : i32
        %and3A_359 = arith.constant 31 : i32
        %and3A_360 = arith.andi %add3A_356, %and3A_359 : i32
        %mul3A_361 = arith.constant 16 : i32
        %mul3A_362 = arith.muli %and3A_360, %mul3A_361 : i32
        %mul3A_363 = arith.constant 8 : i32
        %mul3A_364 = arith.muli %scan3A_332, %mul3A_363 : i32
        %add3A_365 = arith.constant 3 : i32
        %add3A_366 = arith.addi %mul3A_364, %add3A_365 : i32
        %shift_right_logical3A_367 = arith.constant 5 : i32
        %shift_right_logical3A_368 = arith.shrui %add3A_366, %shift_right_logical3A_367 : i32
        %and3A_369 = arith.constant 31 : i32
        %and3A_370 = arith.andi %add3A_366, %and3A_369 : i32
        %mul3A_371 = arith.constant 16 : i32
        %mul3A_372 = arith.muli %and3A_370, %mul3A_371 : i32
        %mul3A_373 = arith.constant 8 : i32
        %mul3A_374 = arith.muli %scan3A_332, %mul3A_373 : i32
        %add3A_375 = arith.constant 4 : i32
        %add3A_376 = arith.addi %mul3A_374, %add3A_375 : i32
        %shift_right_logical3A_377 = arith.constant 5 : i32
        %shift_right_logical3A_378 = arith.shrui %add3A_376, %shift_right_logical3A_377 : i32
        %and3A_379 = arith.constant 31 : i32
        %and3A_380 = arith.andi %add3A_376, %and3A_379 : i32
        %mul3A_381 = arith.constant 16 : i32
        %mul3A_382 = arith.muli %and3A_380, %mul3A_381 : i32
        %mul3A_383 = arith.constant 8 : i32
        %mul3A_384 = arith.muli %scan3A_332, %mul3A_383 : i32
        %add3A_385 = arith.constant 5 : i32
        %add3A_386 = arith.addi %mul3A_384, %add3A_385 : i32
        %shift_right_logical3A_387 = arith.constant 5 : i32
        %shift_right_logical3A_388 = arith.shrui %add3A_386, %shift_right_logical3A_387 : i32
        %and3A_389 = arith.constant 31 : i32
        %and3A_390 = arith.andi %add3A_386, %and3A_389 : i32
        %mul3A_391 = arith.constant 16 : i32
        %mul3A_392 = arith.muli %and3A_390, %mul3A_391 : i32
        %mul3A_393 = arith.constant 8 : i32
        %mul3A_394 = arith.muli %scan3A_332, %mul3A_393 : i32
        %add3A_395 = arith.constant 6 : i32
        %add3A_396 = arith.addi %mul3A_394, %add3A_395 : i32
        %shift_right_logical3A_397 = arith.constant 5 : i32
        %shift_right_logical3A_398 = arith.shrui %add3A_396, %shift_right_logical3A_397 : i32
        %and3A_399 = arith.constant 31 : i32
        %and3A_400 = arith.andi %add3A_396, %and3A_399 : i32
        %mul3A_401 = arith.constant 16 : i32
        %mul3A_402 = arith.muli %and3A_400, %mul3A_401 : i32
        %mul3A_403 = arith.constant 8 : i32
        %mul3A_404 = arith.muli %scan3A_332, %mul3A_403 : i32
        %add3A_405 = arith.constant 7 : i32
        %add3A_406 = arith.addi %mul3A_404, %add3A_405 : i32
        %shift_right_logical3A_407 = arith.constant 5 : i32
        %shift_right_logical3A_408 = arith.shrui %add3A_406, %shift_right_logical3A_407 : i32
        %and3A_409 = arith.constant 31 : i32
        %and3A_410 = arith.andi %add3A_406, %and3A_409 : i32
        %mul3A_411 = arith.constant 16 : i32
        %mul3A_412 = arith.muli %and3A_410, %mul3A_411 : i32
        %get3A = arith.index_cast %shift_right_logical3A_338 : i32 to index
        %get3A_413 = arith.index_cast %mul3A_342 : i32 to index
        %get3A_414 = tpu.vector_load %arg5[%get3A, %get3A_413] {strides = array<i32>} : memref<32x512xf32, #tpu.memory_space<vmem>>, vector<16xf32>,
        %get3A_415 = arith.index_cast %shift_right_logical3A_348 : i32 to index
        %get3A_416 = arith.index_cast %mul3A_352 : i32 to index
        %get3A_417 = tpu.vector_load %arg5[%get3A_415, %get3A_416] {strides = array<i32>} : memref<32x512xf32, #tpu.memory_space<vmem>>, vector<16xf32>,
        %get3A_418 = arith.index_cast %shift_right_logical3A_358 : i32 to index
        %get3A_419 = arith.index_cast %mul3A_362 : i32 to index
        %get3A_420 = tpu.vector_load %arg5[%get3A_418, %get3A_419] {strides = array<i32>} : memref<32x512xf32, #tpu.memory_space<vmem>>, vector<16xf32>,
        %get3A_421 = arith.index_cast %shift_right_logical3A_368 : i32 to index
        %get3A_422 = arith.index_cast %mul3A_372 : i32 to index
        %get3A_423 = tpu.vector_load %arg5[%get3A_421, %get3A_422] {strides = array<i32>} : memref<32x512xf32, #tpu.memory_space<vmem>>, vector<16xf32>,
        %get3A_424 = arith.index_cast %shift_right_logical3A_378 : i32 to index
        %get3A_425 = arith.index_cast %mul3A_382 : i32 to index
        %get3A_426 = tpu.vector_load %arg5[%get3A_424, %get3A_425] {strides = array<i32>} : memref<32x512xf32, #tpu.memory_space<vmem>>, vector<16xf32>,
        %get3A_427 = arith.index_cast %shift_right_logical3A_388 : i32 to index
        %get3A_428 = arith.index_cast %mul3A_392 : i32 to index
        %get3A_429 = tpu.vector_load %arg5[%get3A_427, %get3A_428] {strides = array<i32>} : memref<32x512xf32, #tpu.memory_space<vmem>>, vector<16xf32>,
        %get3A_430 = arith.index_cast %shift_right_logical3A_398 : i32 to index
        %get3A_431 = arith.index_cast %mul3A_402 : i32 to index
        %get3A_432 = tpu.vector_load %arg5[%get3A_430, %get3A_431] {strides = array<i32>} : memref<32x512xf32, #tpu.memory_space<vmem>>, vector<16xf32>,
        %get3A_433 = arith.index_cast %shift_right_logical3A_408 : i32 to index
        %get3A_434 = arith.index_cast %mul3A_412 : i32 to index
        %get3A_435 = tpu.vector_load %arg5[%get3A_433, %get3A_434] {strides = array<i32>} : memref<32x512xf32, #tpu.memory_space<vmem>>, vector<16xf32>,
        %bitcast3A_436 = vector.bitcast %get3A_414 : vector<16xf32> to vector<16xi32>
        %bitcast3A_437 = vector.bitcast %get3A_417 : vector<16xf32> to vector<16xi32>
        %bitcast3A_438 = vector.bitcast %get3A_420 : vector<16xf32> to vector<16xi32>
        %bitcast3A_439 = vector.bitcast %get3A_423 : vector<16xf32> to vector<16xi32>
        %bitcast3A_440 = vector.bitcast %get3A_426 : vector<16xf32> to vector<16xi32>
        %bitcast3A_441 = vector.bitcast %get3A_429 : vector<16xf32> to vector<16xi32>
        %bitcast3A_442 = vector.bitcast %get3A_432 : vector<16xf32> to vector<16xi32>
        %bitcast3A_443 = vector.bitcast %get3A_435 : vector<16xf32> to vector<16xi32>
        %shift_right_logical3A_444 = arith.constant 10 : i32
        %shift_right_logical3A_445 = vector.broadcast %shift_right_logical3A_444 : i32 to vector<16xi32>
        %shift_right_logical3A_446 = arith.shrui %bitcast3A_436, %shift_right_logical3A_445 : vector<16xi32>
        %eq3A = vector.broadcast %or3A : i32 to vector<16xi32>
        %eq3A_447 = arith.cmpi eq, %shift_right_logical3A_446, %eq3A : vector<16xi32>
        %shift_right_logical3A_448 = arith.constant 10 : i32
        %shift_right_logical3A_449 = vector.broadcast %shift_right_logical3A_448 : i32 to vector<16xi32>
        %shift_right_logical3A_450 = arith.shrui %bitcast3A_437, %shift_right_logical3A_449 : vector<16xi32>
        %eq3A_451 = vector.broadcast %or3A : i32 to vector<16xi32>
        %eq3A_452 = arith.cmpi eq, %shift_right_logical3A_450, %eq3A_451 : vector<16xi32>
        %shift_right_logical3A_453 = arith.constant 10 : i32
        %shift_right_logical3A_454 = vector.broadcast %shift_right_logical3A_453 : i32 to vector<16xi32>
        %shift_right_logical3A_455 = arith.shrui %bitcast3A_438, %shift_right_logical3A_454 : vector<16xi32>
        %eq3A_456 = vector.broadcast %or3A : i32 to vector<16xi32>
        %eq3A_457 = arith.cmpi eq, %shift_right_logical3A_455, %eq3A_456 : vector<16xi32>
        %shift_right_logical3A_458 = arith.constant 10 : i32
        %shift_right_logical3A_459 = vector.broadcast %shift_right_logical3A_458 : i32 to vector<16xi32>
        %shift_right_logical3A_460 = arith.shrui %bitcast3A_439, %shift_right_logical3A_459 : vector<16xi32>
        %eq3A_461 = vector.broadcast %or3A : i32 to vector<16xi32>
        %eq3A_462 = arith.cmpi eq, %shift_right_logical3A_460, %eq3A_461 : vector<16xi32>
        %shift_right_logical3A_463 = arith.constant 10 : i32
        %shift_right_logical3A_464 = vector.broadcast %shift_right_logical3A_463 : i32 to vector<16xi32>
        %shift_right_logical3A_465 = arith.shrui %bitcast3A_440, %shift_right_logical3A_464 : vector<16xi32>
        %eq3A_466 = vector.broadcast %or3A : i32 to vector<16xi32>
        %eq3A_467 = arith.cmpi eq, %shift_right_logical3A_465, %eq3A_466 : vector<16xi32>
        %shift_right_logical3A_468 = arith.constant 10 : i32
        %shift_right_logical3A_469 = vector.broadcast %shift_right_logical3A_468 : i32 to vector<16xi32>
        %shift_right_logical3A_470 = arith.shrui %bitcast3A_441, %shift_right_logical3A_469 : vector<16xi32>
        %eq3A_471 = vector.broadcast %or3A : i32 to vector<16xi32>
        %eq3A_472 = arith.cmpi eq, %shift_right_logical3A_470, %eq3A_471 : vector<16xi32>
        %shift_right_logical3A_473 = arith.constant 10 : i32
        %shift_right_logical3A_474 = vector.broadcast %shift_right_logical3A_473 : i32 to vector<16xi32>
        %shift_right_logical3A_475 = arith.shrui %bitcast3A_442, %shift_right_logical3A_474 : vector<16xi32>
        %eq3A_476 = vector.broadcast %or3A : i32 to vector<16xi32>
        %eq3A_477 = arith.cmpi eq, %shift_right_logical3A_475, %eq3A_476 : vector<16xi32>
        %shift_right_logical3A_478 = arith.constant 10 : i32
        %shift_right_logical3A_479 = vector.broadcast %shift_right_logical3A_478 : i32 to vector<16xi32>
        %shift_right_logical3A_480 = arith.shrui %bitcast3A_443, %shift_right_logical3A_479 : vector<16xi32>
        %eq3A_481 = vector.broadcast %or3A : i32 to vector<16xi32>
        %eq3A_482 = arith.cmpi eq, %shift_right_logical3A_480, %eq3A_481 : vector<16xi32>
        %shift_right_logical3A_483 = arith.constant 0 : i32
        %shift_right_logical3A_484 = vector.broadcast %shift_right_logical3A_483 : i32 to vector<16xi32>
        %shift_right_logical3A_485 = arith.shrui %bitcast3A_436, %shift_right_logical3A_484 : vector<16xi32>
        %and3A_486 = arith.constant 1023 : i32
        %and3A_487 = vector.broadcast %and3A_486 : i32 to vector<16xi32>
        %and3A_488 = arith.andi %shift_right_logical3A_485, %and3A_487 : vector<16xi32>
        %add3A_489 = arith.addi %mul3A_8, %and3A_488 : vector<16xi32>
        %shift_right_logical3A_490 = arith.constant 0 : i32
        %shift_right_logical3A_491 = vector.broadcast %shift_right_logical3A_490 : i32 to vector<16xi32>
        %shift_right_logical3A_492 = arith.shrui %bitcast3A_437, %shift_right_logical3A_491 : vector<16xi32>
        %and3A_493 = arith.constant 1023 : i32
        %and3A_494 = vector.broadcast %and3A_493 : i32 to vector<16xi32>
        %and3A_495 = arith.andi %shift_right_logical3A_492, %and3A_494 : vector<16xi32>
        %add3A_496 = arith.addi %mul3A_8, %and3A_495 : vector<16xi32>
        %shift_right_logical3A_497 = arith.constant 0 : i32
        %shift_right_logical3A_498 = vector.broadcast %shift_right_logical3A_497 : i32 to vector<16xi32>
        %shift_right_logical3A_499 = arith.shrui %bitcast3A_438, %shift_right_logical3A_498 : vector<16xi32>
        %and3A_500 = arith.constant 1023 : i32
        %and3A_501 = vector.broadcast %and3A_500 : i32 to vector<16xi32>
        %and3A_502 = arith.andi %shift_right_logical3A_499, %and3A_501 : vector<16xi32>
        %add3A_503 = arith.addi %mul3A_8, %and3A_502 : vector<16xi32>
        %shift_right_logical3A_504 = arith.constant 0 : i32
        %shift_right_logical3A_505 = vector.broadcast %shift_right_logical3A_504 : i32 to vector<16xi32>
        %shift_right_logical3A_506 = arith.shrui %bitcast3A_439, %shift_right_logical3A_505 : vector<16xi32>
        %and3A_507 = arith.constant 1023 : i32
        %and3A_508 = vector.broadcast %and3A_507 : i32 to vector<16xi32>
        %and3A_509 = arith.andi %shift_right_logical3A_506, %and3A_508 : vector<16xi32>
        %add3A_510 = arith.addi %mul3A_8, %and3A_509 : vector<16xi32>
        %shift_right_logical3A_511 = arith.constant 0 : i32
        %shift_right_logical3A_512 = vector.broadcast %shift_right_logical3A_511 : i32 to vector<16xi32>
        %shift_right_logical3A_513 = arith.shrui %bitcast3A_440, %shift_right_logical3A_512 : vector<16xi32>
        %and3A_514 = arith.constant 1023 : i32
        %and3A_515 = vector.broadcast %and3A_514 : i32 to vector<16xi32>
        %and3A_516 = arith.andi %shift_right_logical3A_513, %and3A_515 : vector<16xi32>
        %add3A_517 = arith.addi %mul3A_8, %and3A_516 : vector<16xi32>
        %shift_right_logical3A_518 = arith.constant 0 : i32
        %shift_right_logical3A_519 = vector.broadcast %shift_right_logical3A_518 : i32 to vector<16xi32>
        %shift_right_logical3A_520 = arith.shrui %bitcast3A_441, %shift_right_logical3A_519 : vector<16xi32>
        %and3A_521 = arith.constant 1023 : i32
        %and3A_522 = vector.broadcast %and3A_521 : i32 to vector<16xi32>
        %and3A_523 = arith.andi %shift_right_logical3A_520, %and3A_522 : vector<16xi32>
        %add3A_524 = arith.addi %mul3A_8, %and3A_523 : vector<16xi32>
        %shift_right_logical3A_525 = arith.constant 0 : i32
        %shift_right_logical3A_526 = vector.broadcast %shift_right_logical3A_525 : i32 to vector<16xi32>
        %shift_right_logical3A_527 = arith.shrui %bitcast3A_442, %shift_right_logical3A_526 : vector<16xi32>
        %and3A_528 = arith.constant 1023 : i32
        %and3A_529 = vector.broadcast %and3A_528 : i32 to vector<16xi32>
        %and3A_530 = arith.andi %shift_right_logical3A_527, %and3A_529 : vector<16xi32>
        %add3A_531 = arith.addi %mul3A_8, %and3A_530 : vector<16xi32>
        %shift_right_logical3A_532 = arith.constant 0 : i32
        %shift_right_logical3A_533 = vector.broadcast %shift_right_logical3A_532 : i32 to vector<16xi32>
        %shift_right_logical3A_534 = arith.shrui %bitcast3A_443, %shift_right_logical3A_533 : vector<16xi32>
        %and3A_535 = arith.constant 1023 : i32
        %and3A_536 = vector.broadcast %and3A_535 : i32 to vector<16xi32>
        %and3A_537 = arith.andi %shift_right_logical3A_534, %and3A_536 : vector<16xi32>
        %add3A_538 = arith.addi %mul3A_8, %and3A_537 : vector<16xi32>
        tpu.vector_store_idx %arg11[%add3A_489], %get3A_414 masked %eq3A_447 {add = true} : memref<32896xf32, #tpu.memory_space<vmem>>[vector<16xi32>], vector<16xf32>, vector<16xi1>
        tpu.vector_store_idx %arg11[%add3A_496], %get3A_417 masked %eq3A_452 {add = true} : memref<32896xf32, #tpu.memory_space<vmem>>[vector<16xi32>], vector<16xf32>, vector<16xi1>
        tpu.vector_store_idx %arg11[%add3A_503], %get3A_420 masked %eq3A_457 {add = true} : memref<32896xf32, #tpu.memory_space<vmem>>[vector<16xi32>], vector<16xf32>, vector<16xi1>
        tpu.vector_store_idx %arg11[%add3A_510], %get3A_423 masked %eq3A_462 {add = true} : memref<32896xf32, #tpu.memory_space<vmem>>[vector<16xi32>], vector<16xf32>, vector<16xi1>
        tpu.vector_store_idx %arg11[%add3A_517], %get3A_426 masked %eq3A_467 {add = true} : memref<32896xf32, #tpu.memory_space<vmem>>[vector<16xi32>], vector<16xf32>, vector<16xi1>
        tpu.vector_store_idx %arg11[%add3A_524], %get3A_429 masked %eq3A_472 {add = true} : memref<32896xf32, #tpu.memory_space<vmem>>[vector<16xi32>], vector<16xf32>, vector<16xi1>
        tpu.vector_store_idx %arg11[%add3A_531], %get3A_432 masked %eq3A_477 {add = true} : memref<32896xf32, #tpu.memory_space<vmem>>[vector<16xi32>], vector<16xf32>, vector<16xi1>
        tpu.vector_store_idx %arg11[%add3A_538], %get3A_435 masked %eq3A_482 {add = true} : memref<32896xf32, #tpu.memory_space<vmem>>[vector<16xi32>], vector<16xf32>, vector<16xi1>
      }
      %scan3A_307 = arith.constant 128 : i32
      %add3A_308 = arith.constant 1 : i32
      %add3A_309 = arith.addi %scan3A_277, %add3A_308 : i32
      %lt3A_310 = arith.constant 4 : i32
      %lt3A_311 = arith.cmpi slt, %add3A_309, %lt3A_310 : i32
      %convert_element_type3A = arith.extui %lt3A_311 : i1 to i32
      %cond3A = arith.constant 0 : i32
      %cond3A_312 = arith.cmpi ne, %convert_element_type3A, %cond3A : i32
      scf.if %cond3A_312 {
        %mul3A_332 = arith.constant 2 : i32
        %mul3A_333 = arith.muli %mul3A_332, %scan3A_277 : i32
        %add3A_334 = arith.constant 2 : i32
        %add3A_335 = arith.addi %mul3A_333, %add3A_334 : i32
        %mul3A_336 = arith.constant 32 : i32
        %mul3A_337 = arith.muli %add3A_335, %mul3A_336 : i32
        %add3A_338 = arith.addi %mul3A_10, %mul3A_337 : i32
        %dma_start3A_339 = arith.constant 0 : i32
        %dma_start3A_340 = tpu.memref_slice %arg3[%add3A, %add3A_338, %dma_start3A_339] : memref<16x512x512xf32, #tpu.memory_space<hbm>> -> memref<1x32x512xf32, #tpu.memory_space<hbm>>
        %dma_start3A_341 = tpu.memref_squeeze %dma_start3A_340 : memref<1x32x512xf32, #tpu.memory_space<hbm>> -> memref<32x512xf32, #tpu.memory_space<hbm>>
        %dma_start3A_342 = arith.constant 0 : i32
        %dma_start3A_343 = tpu.memref_slice %arg3[%add3A, %add3A_338, %dma_start3A_342] : memref<16x512x512xf32, #tpu.memory_space<hbm>> -> memref<1x32x512xf32, #tpu.memory_space<hbm>>
        %dma_start3A_344 = tpu.memref_squeeze %dma_start3A_343 : memref<1x32x512xf32, #tpu.memory_space<hbm>> -> memref<32x512xf32, #tpu.memory_space<hbm>>
        tpu.enqueue_dma source(%dma_start3A_344 : memref<32x512xf32, #tpu.memory_space<hbm>>) target(%arg5 : memref<32x512xf32, #tpu.memory_space<vmem>>) target_semaphore(%arg16 : memref<!tpu.dma_semaphore, #tpu.memory_space<semaphore_mem>>)
      } else {
      }
      %mul3A_313 = arith.constant 2 : i32
      %mul3A_314 = arith.muli %mul3A_313, %scan3A_277 : i32
      %add3A_315 = arith.constant 1 : i32
      %add3A_316 = arith.addi %mul3A_314, %add3A_315 : i32
      %mul3A_317 = arith.constant 32 : i32
      %mul3A_318 = arith.muli %add3A_316, %mul3A_317 : i32
      %add3A_319 = arith.addi %mul3A_10, %mul3A_318 : i32
      %dma_wait3A_320 = arith.constant 0 : i32
      %dma_wait3A_321 = tpu.memref_slice %arg3[%add3A, %add3A_319, %dma_wait3A_320] : memref<16x512x512xf32, #tpu.memory_space<hbm>> -> memref<1x32x512xf32, #tpu.memory_space<hbm>>
      %dma_wait3A_322 = tpu.memref_squeeze %dma_wait3A_321 : memref<1x32x512xf32, #tpu.memory_space<hbm>> -> memref<32x512xf32, #tpu.memory_space<hbm>>
      %dma_wait3A_323 = arith.constant 0 : i32
      %dma_wait3A_324 = tpu.memref_slice %arg3[%add3A, %add3A_319, %dma_wait3A_323] : memref<16x512x512xf32, #tpu.memory_space<hbm>> -> memref<1x32x512xf32, #tpu.memory_space<hbm>>
      %dma_wait3A_325 = tpu.memref_squeeze %dma_wait3A_324 : memref<1x32x512xf32, #tpu.memory_space<hbm>> -> memref<32x512xf32, #tpu.memory_space<hbm>>
      tpu.wait_dma2 semaphore(%arg17 : memref<!tpu.dma_semaphore, #tpu.memory_space<semaphore_mem>>) src(%dma_wait3A_325 : memref<32x512xf32, #tpu.memory_space<hbm>>) dst(%arg6 : memref<32x512xf32, #tpu.memory_space<vmem>>)
      %scan3A_326 = arith.constant 0 : i32
      %scan3A_327 = arith.constant 0 : i32
      %scan3A_328 = arith.constant 128 : i32
      %scan3A_329 = arith.addi %scan3A_327, %scan3A_328 : i32
      %scan3A_330 = arith.constant 1 : i32
      scf.for %scan3A_332 = %scan3A_327 to %scan3A_329 step %scan3A_330  : i32 {
        %mul3A_333 = arith.constant 8 : i32
        %mul3A_334 = arith.muli %scan3A_332, %mul3A_333 : i32
        %add3A_335 = arith.constant 0 : i32
        %add3A_336 = arith.addi %mul3A_334, %add3A_335 : i32
        %shift_right_logical3A_337 = arith.constant 5 : i32
        %shift_right_logical3A_338 = arith.shrui %add3A_336, %shift_right_logical3A_337 : i32
        %and3A_339 = arith.constant 31 : i32
        %and3A_340 = arith.andi %add3A_336, %and3A_339 : i32
        %mul3A_341 = arith.constant 16 : i32
        %mul3A_342 = arith.muli %and3A_340, %mul3A_341 : i32
        %mul3A_343 = arith.constant 8 : i32
        %mul3A_344 = arith.muli %scan3A_332, %mul3A_343 : i32
        %add3A_345 = arith.constant 1 : i32
        %add3A_346 = arith.addi %mul3A_344, %add3A_345 : i32
        %shift_right_logical3A_347 = arith.constant 5 : i32
        %shift_right_logical3A_348 = arith.shrui %add3A_346, %shift_right_logical3A_347 : i32
        %and3A_349 = arith.constant 31 : i32
        %and3A_350 = arith.andi %add3A_346, %and3A_349 : i32
        %mul3A_351 = arith.constant 16 : i32
        %mul3A_352 = arith.muli %and3A_350, %mul3A_351 : i32
        %mul3A_353 = arith.constant 8 : i32
        %mul3A_354 = arith.muli %scan3A_332, %mul3A_353 : i32
        %add3A_355 = arith.constant 2 : i32
        %add3A_356 = arith.addi %mul3A_354, %add3A_355 : i32
        %shift_right_logical3A_357 = arith.constant 5 : i32
        %shift_right_logical3A_358 = arith.shrui %add3A_356, %shift_right_logical3A_357 : i32
        %and3A_359 = arith.constant 31 : i32
        %and3A_360 = arith.andi %add3A_356, %and3A_359 : i32
        %mul3A_361 = arith.constant 16 : i32
        %mul3A_362 = arith.muli %and3A_360, %mul3A_361 : i32
        %mul3A_363 = arith.constant 8 : i32
        %mul3A_364 = arith.muli %scan3A_332, %mul3A_363 : i32
        %add3A_365 = arith.constant 3 : i32
        %add3A_366 = arith.addi %mul3A_364, %add3A_365 : i32
        %shift_right_logical3A_367 = arith.constant 5 : i32
        %shift_right_logical3A_368 = arith.shrui %add3A_366, %shift_right_logical3A_367 : i32
        %and3A_369 = arith.constant 31 : i32
        %and3A_370 = arith.andi %add3A_366, %and3A_369 : i32
        %mul3A_371 = arith.constant 16 : i32
        %mul3A_372 = arith.muli %and3A_370, %mul3A_371 : i32
        %mul3A_373 = arith.constant 8 : i32
        %mul3A_374 = arith.muli %scan3A_332, %mul3A_373 : i32
        %add3A_375 = arith.constant 4 : i32
        %add3A_376 = arith.addi %mul3A_374, %add3A_375 : i32
        %shift_right_logical3A_377 = arith.constant 5 : i32
        %shift_right_logical3A_378 = arith.shrui %add3A_376, %shift_right_logical3A_377 : i32
        %and3A_379 = arith.constant 31 : i32
        %and3A_380 = arith.andi %add3A_376, %and3A_379 : i32
        %mul3A_381 = arith.constant 16 : i32
        %mul3A_382 = arith.muli %and3A_380, %mul3A_381 : i32
        %mul3A_383 = arith.constant 8 : i32
        %mul3A_384 = arith.muli %scan3A_332, %mul3A_383 : i32
        %add3A_385 = arith.constant 5 : i32
        %add3A_386 = arith.addi %mul3A_384, %add3A_385 : i32
        %shift_right_logical3A_387 = arith.constant 5 : i32
        %shift_right_logical3A_388 = arith.shrui %add3A_386, %shift_right_logical3A_387 : i32
        %and3A_389 = arith.constant 31 : i32
        %and3A_390 = arith.andi %add3A_386, %and3A_389 : i32
        %mul3A_391 = arith.constant 16 : i32
        %mul3A_392 = arith.muli %and3A_390, %mul3A_391 : i32
        %mul3A_393 = arith.constant 8 : i32
        %mul3A_394 = arith.muli %scan3A_332, %mul3A_393 : i32
        %add3A_395 = arith.constant 6 : i32
        %add3A_396 = arith.addi %mul3A_394, %add3A_395 : i32
        %shift_right_logical3A_397 = arith.constant 5 : i32
        %shift_right_logical3A_398 = arith.shrui %add3A_396, %shift_right_logical3A_397 : i32
        %and3A_399 = arith.constant 31 : i32
        %and3A_400 = arith.andi %add3A_396, %and3A_399 : i32
        %mul3A_401 = arith.constant 16 : i32
        %mul3A_402 = arith.muli %and3A_400, %mul3A_401 : i32
        %mul3A_403 = arith.constant 8 : i32
        %mul3A_404 = arith.muli %scan3A_332, %mul3A_403 : i32
        %add3A_405 = arith.constant 7 : i32
        %add3A_406 = arith.addi %mul3A_404, %add3A_405 : i32
        %shift_right_logical3A_407 = arith.constant 5 : i32
        %shift_right_logical3A_408 = arith.shrui %add3A_406, %shift_right_logical3A_407 : i32
        %and3A_409 = arith.constant 31 : i32
        %and3A_410 = arith.andi %add3A_406, %and3A_409 : i32
        %mul3A_411 = arith.constant 16 : i32
        %mul3A_412 = arith.muli %and3A_410, %mul3A_411 : i32
        %get3A = arith.index_cast %shift_right_logical3A_338 : i32 to index
        %get3A_413 = arith.index_cast %mul3A_342 : i32 to index
        %get3A_414 = tpu.vector_load %arg6[%get3A, %get3A_413] {strides = array<i32>} : memref<32x512xf32, #tpu.memory_space<vmem>>, vector<16xf32>,
        %get3A_415 = arith.index_cast %shift_right_logical3A_348 : i32 to index
        %get3A_416 = arith.index_cast %mul3A_352 : i32 to index
        %get3A_417 = tpu.vector_load %arg6[%get3A_415, %get3A_416] {strides = array<i32>} : memref<32x512xf32, #tpu.memory_space<vmem>>, vector<16xf32>,
        %get3A_418 = arith.index_cast %shift_right_logical3A_358 : i32 to index
        %get3A_419 = arith.index_cast %mul3A_362 : i32 to index
        %get3A_420 = tpu.vector_load %arg6[%get3A_418, %get3A_419] {strides = array<i32>} : memref<32x512xf32, #tpu.memory_space<vmem>>, vector<16xf32>,
        %get3A_421 = arith.index_cast %shift_right_logical3A_368 : i32 to index
        %get3A_422 = arith.index_cast %mul3A_372 : i32 to index
        %get3A_423 = tpu.vector_load %arg6[%get3A_421, %get3A_422] {strides = array<i32>} : memref<32x512xf32, #tpu.memory_space<vmem>>, vector<16xf32>,
        %get3A_424 = arith.index_cast %shift_right_logical3A_378 : i32 to index
        %get3A_425 = arith.index_cast %mul3A_382 : i32 to index
        %get3A_426 = tpu.vector_load %arg6[%get3A_424, %get3A_425] {strides = array<i32>} : memref<32x512xf32, #tpu.memory_space<vmem>>, vector<16xf32>,
        %get3A_427 = arith.index_cast %shift_right_logical3A_388 : i32 to index
        %get3A_428 = arith.index_cast %mul3A_392 : i32 to index
        %get3A_429 = tpu.vector_load %arg6[%get3A_427, %get3A_428] {strides = array<i32>} : memref<32x512xf32, #tpu.memory_space<vmem>>, vector<16xf32>,
        %get3A_430 = arith.index_cast %shift_right_logical3A_398 : i32 to index
        %get3A_431 = arith.index_cast %mul3A_402 : i32 to index
        %get3A_432 = tpu.vector_load %arg6[%get3A_430, %get3A_431] {strides = array<i32>} : memref<32x512xf32, #tpu.memory_space<vmem>>, vector<16xf32>,
        %get3A_433 = arith.index_cast %shift_right_logical3A_408 : i32 to index
        %get3A_434 = arith.index_cast %mul3A_412 : i32 to index
        %get3A_435 = tpu.vector_load %arg6[%get3A_433, %get3A_434] {strides = array<i32>} : memref<32x512xf32, #tpu.memory_space<vmem>>, vector<16xf32>,
        %bitcast3A_436 = vector.bitcast %get3A_414 : vector<16xf32> to vector<16xi32>
        %bitcast3A_437 = vector.bitcast %get3A_417 : vector<16xf32> to vector<16xi32>
        %bitcast3A_438 = vector.bitcast %get3A_420 : vector<16xf32> to vector<16xi32>
        %bitcast3A_439 = vector.bitcast %get3A_423 : vector<16xf32> to vector<16xi32>
        %bitcast3A_440 = vector.bitcast %get3A_426 : vector<16xf32> to vector<16xi32>
        %bitcast3A_441 = vector.bitcast %get3A_429 : vector<16xf32> to vector<16xi32>
        %bitcast3A_442 = vector.bitcast %get3A_432 : vector<16xf32> to vector<16xi32>
        %bitcast3A_443 = vector.bitcast %get3A_435 : vector<16xf32> to vector<16xi32>
        %shift_right_logical3A_444 = arith.constant 10 : i32
        %shift_right_logical3A_445 = vector.broadcast %shift_right_logical3A_444 : i32 to vector<16xi32>
        %shift_right_logical3A_446 = arith.shrui %bitcast3A_436, %shift_right_logical3A_445 : vector<16xi32>
        %eq3A = vector.broadcast %or3A : i32 to vector<16xi32>
        %eq3A_447 = arith.cmpi eq, %shift_right_logical3A_446, %eq3A : vector<16xi32>
        %shift_right_logical3A_448 = arith.constant 10 : i32
        %shift_right_logical3A_449 = vector.broadcast %shift_right_logical3A_448 : i32 to vector<16xi32>
        %shift_right_logical3A_450 = arith.shrui %bitcast3A_437, %shift_right_logical3A_449 : vector<16xi32>
        %eq3A_451 = vector.broadcast %or3A : i32 to vector<16xi32>
        %eq3A_452 = arith.cmpi eq, %shift_right_logical3A_450, %eq3A_451 : vector<16xi32>
        %shift_right_logical3A_453 = arith.constant 10 : i32
        %shift_right_logical3A_454 = vector.broadcast %shift_right_logical3A_453 : i32 to vector<16xi32>
        %shift_right_logical3A_455 = arith.shrui %bitcast3A_438, %shift_right_logical3A_454 : vector<16xi32>
        %eq3A_456 = vector.broadcast %or3A : i32 to vector<16xi32>
        %eq3A_457 = arith.cmpi eq, %shift_right_logical3A_455, %eq3A_456 : vector<16xi32>
        %shift_right_logical3A_458 = arith.constant 10 : i32
        %shift_right_logical3A_459 = vector.broadcast %shift_right_logical3A_458 : i32 to vector<16xi32>
        %shift_right_logical3A_460 = arith.shrui %bitcast3A_439, %shift_right_logical3A_459 : vector<16xi32>
        %eq3A_461 = vector.broadcast %or3A : i32 to vector<16xi32>
        %eq3A_462 = arith.cmpi eq, %shift_right_logical3A_460, %eq3A_461 : vector<16xi32>
        %shift_right_logical3A_463 = arith.constant 10 : i32
        %shift_right_logical3A_464 = vector.broadcast %shift_right_logical3A_463 : i32 to vector<16xi32>
        %shift_right_logical3A_465 = arith.shrui %bitcast3A_440, %shift_right_logical3A_464 : vector<16xi32>
        %eq3A_466 = vector.broadcast %or3A : i32 to vector<16xi32>
        %eq3A_467 = arith.cmpi eq, %shift_right_logical3A_465, %eq3A_466 : vector<16xi32>
        %shift_right_logical3A_468 = arith.constant 10 : i32
        %shift_right_logical3A_469 = vector.broadcast %shift_right_logical3A_468 : i32 to vector<16xi32>
        %shift_right_logical3A_470 = arith.shrui %bitcast3A_441, %shift_right_logical3A_469 : vector<16xi32>
        %eq3A_471 = vector.broadcast %or3A : i32 to vector<16xi32>
        %eq3A_472 = arith.cmpi eq, %shift_right_logical3A_470, %eq3A_471 : vector<16xi32>
        %shift_right_logical3A_473 = arith.constant 10 : i32
        %shift_right_logical3A_474 = vector.broadcast %shift_right_logical3A_473 : i32 to vector<16xi32>
        %shift_right_logical3A_475 = arith.shrui %bitcast3A_442, %shift_right_logical3A_474 : vector<16xi32>
        %eq3A_476 = vector.broadcast %or3A : i32 to vector<16xi32>
        %eq3A_477 = arith.cmpi eq, %shift_right_logical3A_475, %eq3A_476 : vector<16xi32>
        %shift_right_logical3A_478 = arith.constant 10 : i32
        %shift_right_logical3A_479 = vector.broadcast %shift_right_logical3A_478 : i32 to vector<16xi32>
        %shift_right_logical3A_480 = arith.shrui %bitcast3A_443, %shift_right_logical3A_479 : vector<16xi32>
        %eq3A_481 = vector.broadcast %or3A : i32 to vector<16xi32>
        %eq3A_482 = arith.cmpi eq, %shift_right_logical3A_480, %eq3A_481 : vector<16xi32>
        %shift_right_logical3A_483 = arith.constant 0 : i32
        %shift_right_logical3A_484 = vector.broadcast %shift_right_logical3A_483 : i32 to vector<16xi32>
        %shift_right_logical3A_485 = arith.shrui %bitcast3A_436, %shift_right_logical3A_484 : vector<16xi32>
        %and3A_486 = arith.constant 1023 : i32
        %and3A_487 = vector.broadcast %and3A_486 : i32 to vector<16xi32>
        %and3A_488 = arith.andi %shift_right_logical3A_485, %and3A_487 : vector<16xi32>
        %add3A_489 = arith.addi %mul3A_8, %and3A_488 : vector<16xi32>
        %shift_right_logical3A_490 = arith.constant 0 : i32
        %shift_right_logical3A_491 = vector.broadcast %shift_right_logical3A_490 : i32 to vector<16xi32>
        %shift_right_logical3A_492 = arith.shrui %bitcast3A_437, %shift_right_logical3A_491 : vector<16xi32>
        %and3A_493 = arith.constant 1023 : i32
        %and3A_494 = vector.broadcast %and3A_493 : i32 to vector<16xi32>
        %and3A_495 = arith.andi %shift_right_logical3A_492, %and3A_494 : vector<16xi32>
        %add3A_496 = arith.addi %mul3A_8, %and3A_495 : vector<16xi32>
        %shift_right_logical3A_497 = arith.constant 0 : i32
        %shift_right_logical3A_498 = vector.broadcast %shift_right_logical3A_497 : i32 to vector<16xi32>
        %shift_right_logical3A_499 = arith.shrui %bitcast3A_438, %shift_right_logical3A_498 : vector<16xi32>
        %and3A_500 = arith.constant 1023 : i32
        %and3A_501 = vector.broadcast %and3A_500 : i32 to vector<16xi32>
        %and3A_502 = arith.andi %shift_right_logical3A_499, %and3A_501 : vector<16xi32>
        %add3A_503 = arith.addi %mul3A_8, %and3A_502 : vector<16xi32>
        %shift_right_logical3A_504 = arith.constant 0 : i32
        %shift_right_logical3A_505 = vector.broadcast %shift_right_logical3A_504 : i32 to vector<16xi32>
        %shift_right_logical3A_506 = arith.shrui %bitcast3A_439, %shift_right_logical3A_505 : vector<16xi32>
        %and3A_507 = arith.constant 1023 : i32
        %and3A_508 = vector.broadcast %and3A_507 : i32 to vector<16xi32>
        %and3A_509 = arith.andi %shift_right_logical3A_506, %and3A_508 : vector<16xi32>
        %add3A_510 = arith.addi %mul3A_8, %and3A_509 : vector<16xi32>
        %shift_right_logical3A_511 = arith.constant 0 : i32
        %shift_right_logical3A_512 = vector.broadcast %shift_right_logical3A_511 : i32 to vector<16xi32>
        %shift_right_logical3A_513 = arith.shrui %bitcast3A_440, %shift_right_logical3A_512 : vector<16xi32>
        %and3A_514 = arith.constant 1023 : i32
        %and3A_515 = vector.broadcast %and3A_514 : i32 to vector<16xi32>
        %and3A_516 = arith.andi %shift_right_logical3A_513, %and3A_515 : vector<16xi32>
        %add3A_517 = arith.addi %mul3A_8, %and3A_516 : vector<16xi32>
        %shift_right_logical3A_518 = arith.constant 0 : i32
        %shift_right_logical3A_519 = vector.broadcast %shift_right_logical3A_518 : i32 to vector<16xi32>
        %shift_right_logical3A_520 = arith.shrui %bitcast3A_441, %shift_right_logical3A_519 : vector<16xi32>
        %and3A_521 = arith.constant 1023 : i32
        %and3A_522 = vector.broadcast %and3A_521 : i32 to vector<16xi32>
        %and3A_523 = arith.andi %shift_right_logical3A_520, %and3A_522 : vector<16xi32>
        %add3A_524 = arith.addi %mul3A_8, %and3A_523 : vector<16xi32>
        %shift_right_logical3A_525 = arith.constant 0 : i32
        %shift_right_logical3A_526 = vector.broadcast %shift_right_logical3A_525 : i32 to vector<16xi32>
        %shift_right_logical3A_527 = arith.shrui %bitcast3A_442, %shift_right_logical3A_526 : vector<16xi32>
        %and3A_528 = arith.constant 1023 : i32
        %and3A_529 = vector.broadcast %and3A_528 : i32 to vector<16xi32>
        %and3A_530 = arith.andi %shift_right_logical3A_527, %and3A_529 : vector<16xi32>
        %add3A_531 = arith.addi %mul3A_8, %and3A_530 : vector<16xi32>
        %shift_right_logical3A_532 = arith.constant 0 : i32
        %shift_right_logical3A_533 = vector.broadcast %shift_right_logical3A_532 : i32 to vector<16xi32>
        %shift_right_logical3A_534 = arith.shrui %bitcast3A_443, %shift_right_logical3A_533 : vector<16xi32>
        %and3A_535 = arith.constant 1023 : i32
        %and3A_536 = vector.broadcast %and3A_535 : i32 to vector<16xi32>
        %and3A_537 = arith.andi %shift_right_logical3A_534, %and3A_536 : vector<16xi32>
        %add3A_538 = arith.addi %mul3A_8, %and3A_537 : vector<16xi32>
        tpu.vector_store_idx %arg11[%add3A_489], %get3A_414 masked %eq3A_447 {add = true} : memref<32896xf32, #tpu.memory_space<vmem>>[vector<16xi32>], vector<16xf32>, vector<16xi1>
        tpu.vector_store_idx %arg11[%add3A_496], %get3A_417 masked %eq3A_452 {add = true} : memref<32896xf32, #tpu.memory_space<vmem>>[vector<16xi32>], vector<16xf32>, vector<16xi1>
        tpu.vector_store_idx %arg11[%add3A_503], %get3A_420 masked %eq3A_457 {add = true} : memref<32896xf32, #tpu.memory_space<vmem>>[vector<16xi32>], vector<16xf32>, vector<16xi1>
        tpu.vector_store_idx %arg11[%add3A_510], %get3A_423 masked %eq3A_462 {add = true} : memref<32896xf32, #tpu.memory_space<vmem>>[vector<16xi32>], vector<16xf32>, vector<16xi1>
        tpu.vector_store_idx %arg11[%add3A_517], %get3A_426 masked %eq3A_467 {add = true} : memref<32896xf32, #tpu.memory_space<vmem>>[vector<16xi32>], vector<16xf32>, vector<16xi1>
        tpu.vector_store_idx %arg11[%add3A_524], %get3A_429 masked %eq3A_472 {add = true} : memref<32896xf32, #tpu.memory_space<vmem>>[vector<16xi32>], vector<16xf32>, vector<16xi1>
        tpu.vector_store_idx %arg11[%add3A_531], %get3A_432 masked %eq3A_477 {add = true} : memref<32896xf32, #tpu.memory_space<vmem>>[vector<16xi32>], vector<16xf32>, vector<16xi1>
        tpu.vector_store_idx %arg11[%add3A_538], %get3A_435 masked %eq3A_482 {add = true} : memref<32896xf32, #tpu.memory_space<vmem>>[vector<16xi32>], vector<16xf32>, vector<16xi1>
      }
      %scan3A_331 = arith.constant 128 : i32
    }
    %scan3A_177 = arith.constant 4 : i32
    %scan3A_178 = arith.constant 0 : i32
    %scan3A_179 = arith.constant 0 : i32
    %scan3A_180 = arith.constant 64 : i32
    %scan3A_181 = arith.addi %scan3A_179, %scan3A_180 : i32
    %scan3A_182 = arith.constant 1 : i32
    scf.for %scan3A_277 = %scan3A_179 to %scan3A_181 step %scan3A_182  : i32 {
      %mul3A_278 = arith.constant 16 : i32
      %mul3A_279 = arith.muli %scan3A_277, %mul3A_278 : i32
      %get3A = arith.index_cast %mul3A_279 : i32 to index
      %get3A_280 = tpu.vector_load %arg11[%get3A] {strides = array<i32>} : memref<32896xf32, #tpu.memory_space<vmem>>, vector<16xf32>,
      %mul3A_281 = arith.constant 16 : i32
      %mul3A_282 = arith.muli %scan3A_277, %mul3A_281 : i32
      %add3A_283 = arith.constant 1025 : i32
      %add3A_284 = arith.addi %add3A_283, %mul3A_282 : i32
      %get3A_285 = arith.index_cast %add3A_284 : i32 to index
      %get3A_286 = tpu.vector_load %arg11[%get3A_285] {strides = array<i32>} : memref<32896xf32, #tpu.memory_space<vmem>>, vector<16xf32>,
      %add3A_287 = arith.addf %get3A_280, %get3A_286 : vector<16xf32>
      %mul3A_288 = arith.constant 16 : i32
      %mul3A_289 = arith.muli %scan3A_277, %mul3A_288 : i32
      %add3A_290 = arith.constant 2050 : i32
      %add3A_291 = arith.addi %add3A_290, %mul3A_289 : i32
      %get3A_292 = arith.index_cast %add3A_291 : i32 to index
      %get3A_293 = tpu.vector_load %arg11[%get3A_292] {strides = array<i32>} : memref<32896xf32, #tpu.memory_space<vmem>>, vector<16xf32>,
      %add3A_294 = arith.addf %add3A_287, %get3A_293 : vector<16xf32>
      %mul3A_295 = arith.constant 16 : i32
      %mul3A_296 = arith.muli %scan3A_277, %mul3A_295 : i32
      %add3A_297 = arith.constant 3075 : i32
      %add3A_298 = arith.addi %add3A_297, %mul3A_296 : i32
      %get3A_299 = arith.index_cast %add3A_298 : i32 to index
      %get3A_300 = tpu.vector_load %arg11[%get3A_299] {strides = array<i32>} : memref<32896xf32, #tpu.memory_space<vmem>>, vector<16xf32>,
      %add3A_301 = arith.addf %add3A_294, %get3A_300 : vector<16xf32>
      %mul3A_302 = arith.constant 16 : i32
      %mul3A_303 = arith.muli %scan3A_277, %mul3A_302 : i32
      %add3A_304 = arith.constant 4100 : i32
      %add3A_305 = arith.addi %add3A_304, %mul3A_303 : i32
      %get3A_306 = arith.index_cast %add3A_305 : i32 to index
      %get3A_307 = tpu.vector_load %arg11[%get3A_306] {strides = array<i32>} : memref<32896xf32, #tpu.memory_space<vmem>>, vector<16xf32>,
      %add3A_308 = arith.addf %add3A_301, %get3A_307 : vector<16xf32>
      %mul3A_309 = arith.constant 16 : i32
      %mul3A_310 = arith.muli %scan3A_277, %mul3A_309 : i32
      %add3A_311 = arith.constant 5125 : i32
      %add3A_312 = arith.addi %add3A_311, %mul3A_310 : i32
      %get3A_313 = arith.index_cast %add3A_312 : i32 to index
      %get3A_314 = tpu.vector_load %arg11[%get3A_313] {strides = array<i32>} : memref<32896xf32, #tpu.memory_space<vmem>>, vector<16xf32>,
      %add3A_315 = arith.addf %add3A_308, %get3A_314 : vector<16xf32>
      %mul3A_316 = arith.constant 16 : i32
      %mul3A_317 = arith.muli %scan3A_277, %mul3A_316 : i32
      %add3A_318 = arith.constant 6150 : i32
      %add3A_319 = arith.addi %add3A_318, %mul3A_317 : i32
      %get3A_320 = arith.index_cast %add3A_319 : i32 to index
      %get3A_321 = tpu.vector_load %arg11[%get3A_320] {strides = array<i32>} : memref<32896xf32, #tpu.memory_space<vmem>>, vector<16xf32>,
      %add3A_322 = arith.addf %add3A_315, %get3A_321 : vector<16xf32>
      %mul3A_323 = arith.constant 16 : i32
      %mul3A_324 = arith.muli %scan3A_277, %mul3A_323 : i32
      %add3A_325 = arith.constant 7175 : i32
      %add3A_326 = arith.addi %add3A_325, %mul3A_324 : i32
      %get3A_327 = arith.index_cast %add3A_326 : i32 to index
      %get3A_328 = tpu.vector_load %arg11[%get3A_327] {strides = array<i32>} : memref<32896xf32, #tpu.memory_space<vmem>>, vector<16xf32>,
      %add3A_329 = arith.addf %add3A_322, %get3A_328 : vector<16xf32>
      %mul3A_330 = arith.constant 16 : i32
      %mul3A_331 = arith.muli %scan3A_277, %mul3A_330 : i32
      %add3A_332 = arith.constant 8200 : i32
      %add3A_333 = arith.addi %add3A_332, %mul3A_331 : i32
      %get3A_334 = arith.index_cast %add3A_333 : i32 to index
      %get3A_335 = tpu.vector_load %arg11[%get3A_334] {strides = array<i32>} : memref<32896xf32, #tpu.memory_space<vmem>>, vector<16xf32>,
      %add3A_336 = arith.addf %add3A_329, %get3A_335 : vector<16xf32>
      %mul3A_337 = arith.constant 16 : i32
      %mul3A_338 = arith.muli %scan3A_277, %mul3A_337 : i32
      %add3A_339 = arith.constant 9225 : i32
      %add3A_340 = arith.addi %add3A_339, %mul3A_338 : i32
      %get3A_341 = arith.index_cast %add3A_340 : i32 to index
      %get3A_342 = tpu.vector_load %arg11[%get3A_341] {strides = array<i32>} : memref<32896xf32, #tpu.memory_space<vmem>>, vector<16xf32>,
      %add3A_343 = arith.addf %add3A_336, %get3A_342 : vector<16xf32>
      %mul3A_344 = arith.constant 16 : i32
      %mul3A_345 = arith.muli %scan3A_277, %mul3A_344 : i32
      %add3A_346 = arith.constant 10250 : i32
      %add3A_347 = arith.addi %add3A_346, %mul3A_345 : i32
      %get3A_348 = arith.index_cast %add3A_347 : i32 to index
      %get3A_349 = tpu.vector_load %arg11[%get3A_348] {strides = array<i32>} : memref<32896xf32, #tpu.memory_space<vmem>>, vector<16xf32>,
      %add3A_350 = arith.addf %add3A_343, %get3A_349 : vector<16xf32>
      %mul3A_351 = arith.constant 16 : i32
      %mul3A_352 = arith.muli %scan3A_277, %mul3A_351 : i32
      %add3A_353 = arith.constant 11275 : i32
      %add3A_354 = arith.addi %add3A_353, %mul3A_352 : i32
      %get3A_355 = arith.index_cast %add3A_354 : i32 to index
      %get3A_356 = tpu.vector_load %arg11[%get3A_355] {strides = array<i32>} : memref<32896xf32, #tpu.memory_space<vmem>>, vector<16xf32>,
      %add3A_357 = arith.addf %add3A_350, %get3A_356 : vector<16xf32>
      %mul3A_358 = arith.constant 16 : i32
      %mul3A_359 = arith.muli %scan3A_277, %mul3A_358 : i32
      %add3A_360 = arith.constant 12300 : i32
      %add3A_361 = arith.addi %add3A_360, %mul3A_359 : i32
      %get3A_362 = arith.index_cast %add3A_361 : i32 to index
      %get3A_363 = tpu.vector_load %arg11[%get3A_362] {strides = array<i32>} : memref<32896xf32, #tpu.memory_space<vmem>>, vector<16xf32>,
      %add3A_364 = arith.addf %add3A_357, %get3A_363 : vector<16xf32>
      %mul3A_365 = arith.constant 16 : i32
      %mul3A_366 = arith.muli %scan3A_277, %mul3A_365 : i32
      %add3A_367 = arith.constant 13325 : i32
      %add3A_368 = arith.addi %add3A_367, %mul3A_366 : i32
      %get3A_369 = arith.index_cast %add3A_368 : i32 to index
      %get3A_370 = tpu.vector_load %arg11[%get3A_369] {strides = array<i32>} : memref<32896xf32, #tpu.memory_space<vmem>>, vector<16xf32>,
      %add3A_371 = arith.addf %add3A_364, %get3A_370 : vector<16xf32>
      %mul3A_372 = arith.constant 16 : i32
      %mul3A_373 = arith.muli %scan3A_277, %mul3A_372 : i32
      %add3A_374 = arith.constant 14350 : i32
      %add3A_375 = arith.addi %add3A_374, %mul3A_373 : i32
      %get3A_376 = arith.index_cast %add3A_375 : i32 to index
      %get3A_377 = tpu.vector_load %arg11[%get3A_376] {strides = array<i32>} : memref<32896xf32, #tpu.memory_space<vmem>>, vector<16xf32>,
      %add3A_378 = arith.addf %add3A_371, %get3A_377 : vector<16xf32>
      %mul3A_379 = arith.constant 16 : i32
      %mul3A_380 = arith.muli %scan3A_277, %mul3A_379 : i32
      %add3A_381 = arith.constant 15375 : i32
      %add3A_382 = arith.addi %add3A_381, %mul3A_380 : i32
      %get3A_383 = arith.index_cast %add3A_382 : i32 to index
      %get3A_384 = tpu.vector_load %arg11[%get3A_383] {strides = array<i32>} : memref<32896xf32, #tpu.memory_space<vmem>>, vector<16xf32>,
      %add3A_385 = arith.addf %add3A_378, %get3A_384 : vector<16xf32>
      %mul3A_386 = arith.constant 16 : i32
      %mul3A_387 = arith.muli %scan3A_277, %mul3A_386 : i32
      %swap3A = arith.index_cast %mul3A_387 : i32 to index
      %swap3A_388 = tpu.vector_load %arg12[%swap3A] {strides = array<i32>} : memref<2048xf32, #tpu.memory_space<vmem>>, vector<16xf32>,
      tpu.vector_store %arg12[%swap3A], %add3A_385 {strides = array<i32>} : memref<2048xf32, #tpu.memory_space<vmem>>, vector<16xf32>,
    }
    %scan3A_183 = arith.constant 64 : i32
    "tpu.region"() ({
      %run_scoped3A = tpu.sem_alloc : memref<!tpu.dma_semaphore, #tpu.memory_space<semaphore_mem>>
      %dma_start3A_277 = arith.constant 0 : i32
      %dma_start3A_278 = tpu.memref_slice %arg12[%dma_start3A_277] : memref<2048xf32, #tpu.memory_space<vmem>> -> memref<1024xf32, #tpu.memory_space<vmem>>
      %dma_start3A_279 = arith.constant 0 : i32
      %dma_start3A_280 = tpu.memref_slice %arg15[%arg1, %dma_start3A_279] : memref<16x2048xf32, #tpu.memory_space<vmem_shared>> -> memref<1x1024xf32, #tpu.memory_space<vmem_shared>>
      %dma_start3A_281 = tpu.memref_squeeze %dma_start3A_280 : memref<1x1024xf32, #tpu.memory_space<vmem_shared>> -> memref<1024xf32, #tpu.memory_space<vmem_shared>>
      %dma_start3A_282 = arith.constant 0 : i32
      %dma_start3A_283 = tpu.memref_slice %arg15[%arg1, %dma_start3A_282] : memref<16x2048xf32, #tpu.memory_space<vmem_shared>> -> memref<1x1024xf32, #tpu.memory_space<vmem_shared>>
      %dma_start3A_284 = tpu.memref_squeeze %dma_start3A_283 : memref<1x1024xf32, #tpu.memory_space<vmem_shared>> -> memref<1024xf32, #tpu.memory_space<vmem_shared>>
      %dma_start3A_285 = arith.constant 0 : i32
      %dma_start3A_286 = tpu.memref_slice %arg12[%dma_start3A_285] : memref<2048xf32, #tpu.memory_space<vmem>> -> memref<1024xf32, #tpu.memory_space<vmem>>
      tpu.enqueue_dma source(%dma_start3A_286 : memref<1024xf32, #tpu.memory_space<vmem>>) target(%dma_start3A_284 : memref<1024xf32, #tpu.memory_space<vmem_shared>>) target_semaphore(%run_scoped3A : memref<!tpu.dma_semaphore, #tpu.memory_space<semaphore_mem>>)
      %dma_wait3A_287 = arith.constant 0 : i32
      %dma_wait3A_288 = tpu.memref_slice %arg12[%dma_wait3A_287] : memref<2048xf32, #tpu.memory_space<vmem>> -> memref<1024xf32, #tpu.memory_space<vmem>>
      %dma_wait3A_289 = arith.constant 0 : i32
      %dma_wait3A_290 = tpu.memref_slice %arg15[%arg1, %dma_wait3A_289] : memref<16x2048xf32, #tpu.memory_space<vmem_shared>> -> memref<1x1024xf32, #tpu.memory_space<vmem_shared>>
      %dma_wait3A_291 = tpu.memref_squeeze %dma_wait3A_290 : memref<1x1024xf32, #tpu.memory_space<vmem_shared>> -> memref<1024xf32, #tpu.memory_space<vmem_shared>>
      %dma_wait3A_292 = arith.constant 0 : i32
      %dma_wait3A_293 = tpu.memref_slice %arg15[%arg1, %dma_wait3A_292] : memref<16x2048xf32, #tpu.memory_space<vmem_shared>> -> memref<1x1024xf32, #tpu.memory_space<vmem_shared>>
      %dma_wait3A_294 = tpu.memref_squeeze %dma_wait3A_293 : memref<1x1024xf32, #tpu.memory_space<vmem_shared>> -> memref<1024xf32, #tpu.memory_space<vmem_shared>>
      %dma_wait3A_295 = arith.constant 0 : i32
      %dma_wait3A_296 = tpu.memref_slice %arg12[%dma_wait3A_295] : memref<2048xf32, #tpu.memory_space<vmem>> -> memref<1024xf32, #tpu.memory_space<vmem>>
      tpu.wait_dma2 semaphore(%run_scoped3A : memref<!tpu.dma_semaphore, #tpu.memory_space<semaphore_mem>>) src(%dma_wait3A_296 : memref<1024xf32, #tpu.memory_space<vmem>>) dst(%dma_wait3A_294 : memref<1024xf32, #tpu.memory_space<vmem_shared>>)
      tpu.yield
    }) : () -> ()
    %barrier3A_184 = arith.constant 0 : index
    tpu.barrier barrier_id(%barrier3A_184)
    %xor3A_185 = arith.constant 1 : i32
    %xor3A_186 = arith.xori %arg1, %xor3A_185 : i32
    "tpu.region"() ({
      %run_scoped3A = tpu.sem_alloc : memref<!tpu.dma_semaphore, #tpu.memory_space<semaphore_mem>>
      %dma_start3A_277 = arith.constant 0 : i32
      %dma_start3A_278 = tpu.memref_slice %arg13[%dma_start3A_277] : memref<2048xf32, #tpu.memory_space<vmem>> -> memref<1024xf32, #tpu.memory_space<vmem>>
      %dma_start3A_279 = arith.constant 0 : i32
      %dma_start3A_280 = tpu.memref_slice %arg15[%xor3A_186, %dma_start3A_279] : memref<16x2048xf32, #tpu.memory_space<vmem_shared>> -> memref<1x1024xf32, #tpu.memory_space<vmem_shared>>
      %dma_start3A_281 = tpu.memref_squeeze %dma_start3A_280 : memref<1x1024xf32, #tpu.memory_space<vmem_shared>> -> memref<1024xf32, #tpu.memory_space<vmem_shared>>
      %dma_start3A_282 = arith.constant 0 : i32
      %dma_start3A_283 = tpu.memref_slice %arg13[%dma_start3A_282] : memref<2048xf32, #tpu.memory_space<vmem>> -> memref<1024xf32, #tpu.memory_space<vmem>>
      %dma_start3A_284 = arith.constant 0 : i32
      %dma_start3A_285 = tpu.memref_slice %arg15[%xor3A_186, %dma_start3A_284] : memref<16x2048xf32, #tpu.memory_space<vmem_shared>> -> memref<1x1024xf32, #tpu.memory_space<vmem_shared>>
      %dma_start3A_286 = tpu.memref_squeeze %dma_start3A_285 : memref<1x1024xf32, #tpu.memory_space<vmem_shared>> -> memref<1024xf32, #tpu.memory_space<vmem_shared>>
      tpu.enqueue_dma source(%dma_start3A_286 : memref<1024xf32, #tpu.memory_space<vmem_shared>>) target(%dma_start3A_283 : memref<1024xf32, #tpu.memory_space<vmem>>) target_semaphore(%run_scoped3A : memref<!tpu.dma_semaphore, #tpu.memory_space<semaphore_mem>>)
      %dma_wait3A_287 = arith.constant 0 : i32
      %dma_wait3A_288 = tpu.memref_slice %arg13[%dma_wait3A_287] : memref<2048xf32, #tpu.memory_space<vmem>> -> memref<1024xf32, #tpu.memory_space<vmem>>
      %dma_wait3A_289 = arith.constant 0 : i32
      %dma_wait3A_290 = tpu.memref_slice %arg15[%xor3A_186, %dma_wait3A_289] : memref<16x2048xf32, #tpu.memory_space<vmem_shared>> -> memref<1x1024xf32, #tpu.memory_space<vmem_shared>>
      %dma_wait3A_291 = tpu.memref_squeeze %dma_wait3A_290 : memref<1x1024xf32, #tpu.memory_space<vmem_shared>> -> memref<1024xf32, #tpu.memory_space<vmem_shared>>
      %dma_wait3A_292 = arith.constant 0 : i32
      %dma_wait3A_293 = tpu.memref_slice %arg13[%dma_wait3A_292] : memref<2048xf32, #tpu.memory_space<vmem>> -> memref<1024xf32, #tpu.memory_space<vmem>>
      %dma_wait3A_294 = arith.constant 0 : i32
      %dma_wait3A_295 = tpu.memref_slice %arg15[%xor3A_186, %dma_wait3A_294] : memref<16x2048xf32, #tpu.memory_space<vmem_shared>> -> memref<1x1024xf32, #tpu.memory_space<vmem_shared>>
      %dma_wait3A_296 = tpu.memref_squeeze %dma_wait3A_295 : memref<1x1024xf32, #tpu.memory_space<vmem_shared>> -> memref<1024xf32, #tpu.memory_space<vmem_shared>>
      tpu.wait_dma2 semaphore(%run_scoped3A : memref<!tpu.dma_semaphore, #tpu.memory_space<semaphore_mem>>) src(%dma_wait3A_296 : memref<1024xf32, #tpu.memory_space<vmem_shared>>) dst(%dma_wait3A_293 : memref<1024xf32, #tpu.memory_space<vmem>>)
      tpu.yield
    }) : () -> ()
    %barrier3A_187 = arith.constant 0 : index
    tpu.barrier barrier_id(%barrier3A_187)
    %scan3A_188 = arith.constant 0 : i32
    %scan3A_189 = arith.constant 0 : i32
    %scan3A_190 = arith.constant 64 : i32
    %scan3A_191 = arith.addi %scan3A_189, %scan3A_190 : i32
    %scan3A_192 = arith.constant 1 : i32
    scf.for %scan3A_277 = %scan3A_189 to %scan3A_191 step %scan3A_192  : i32 {
      %mul3A_278 = arith.constant 16 : i32
      %mul3A_279 = arith.muli %scan3A_277, %mul3A_278 : i32
      %get3A = arith.index_cast %mul3A_279 : i32 to index
      %get3A_280 = tpu.vector_load %arg12[%get3A] {strides = array<i32>} : memref<2048xf32, #tpu.memory_space<vmem>>, vector<16xf32>,
      %mul3A_281 = arith.constant 16 : i32
      %mul3A_282 = arith.muli %scan3A_277, %mul3A_281 : i32
      %get3A_283 = arith.index_cast %mul3A_282 : i32 to index
      %get3A_284 = tpu.vector_load %arg13[%get3A_283] {strides = array<i32>} : memref<2048xf32, #tpu.memory_space<vmem>>, vector<16xf32>,
      %add3A_285 = arith.addf %get3A_280, %get3A_284 : vector<16xf32>
      %mul3A_286 = arith.constant 16 : i32
      %mul3A_287 = arith.muli %scan3A_277, %mul3A_286 : i32
      %swap3A = arith.index_cast %mul3A_287 : i32 to index
      %swap3A_288 = tpu.vector_load %arg12[%swap3A] {strides = array<i32>} : memref<2048xf32, #tpu.memory_space<vmem>>, vector<16xf32>,
      tpu.vector_store %arg12[%swap3A], %add3A_285 {strides = array<i32>} : memref<2048xf32, #tpu.memory_space<vmem>>, vector<16xf32>,
    }
    %scan3A_193 = arith.constant 64 : i32
    %iota3A_194 = tpu.iota {dimensions = array<i32: 0>} : vector<16xi32>
    %scan3A_195 = arith.constant -1 : i32
    %scan3A_196 = arith.constant -1 : i32
    %scan3A_197 = arith.constant 0.000000e+00 : f32
    %scan3A_198 = arith.constant 0 : i32
    %scan3A_199 = arith.constant 64 : i32
    %scan3A_200 = arith.addi %scan3A_198, %scan3A_199 : i32
    %scan3A_201 = arith.constant 1 : i32
    %scan3A_202:3 = scf.for %scan3A_277 = %scan3A_198 to %scan3A_200 step %scan3A_201 iter_args(%scan3A_278 = %scan3A_195, %scan3A_279 = %scan3A_196, %scan3A_280 = %scan3A_197) -> (i32, i32, f32)  : i32 {
      %sub3A_281 = arith.constant 63 : i32
      %sub3A_282 = arith.subi %sub3A_281, %scan3A_277 : i32
      %mul3A_283 = arith.constant 16 : i32
      %mul3A_284 = arith.muli %sub3A_282, %mul3A_283 : i32
      %get3A = arith.index_cast %mul3A_284 : i32 to index
      %get3A_285 = tpu.vector_load %arg12[%get3A] {strides = array<i32>} : memref<2048xf32, #tpu.memory_space<vmem>>, vector<16xf32>,
      %broadcast_in_dim3A_286 = arith.constant true
      %broadcast_in_dim3A_287 = vector.broadcast %broadcast_in_dim3A_286 : i1 to vector<16xi1>
      %masked_cumsum3A = tpu.scan <sum>, %get3A_285 masked %broadcast_in_dim3A_287 : vector<16xf32>, vector<16xi1> -> vector<16xf32>
      %reduce_sum3A = arith.constant true
      %reduce_sum3A_288 = vector.broadcast %reduce_sum3A : i1 to vector<16xi1>
      %reduce_sum3A_289 = tpu.scan <sum>, %get3A_285 masked %reduce_sum3A_288 : vector<16xf32>, vector<16xi1> -> vector<16xf32>
      %reduce_sum3A_290 = vector.extract %reduce_sum3A_289[15] : f32 from vector<16xf32>
      %add3A_291 = arith.addf %add3A_154, %scan3A_280 : f32
      %sub3A_292 = vector.broadcast %reduce_sum3A_290 : f32 to vector<16xf32>
      %sub3A_293 = arith.subf %sub3A_292, %masked_cumsum3A : vector<16xf32>
      %add3A_294 = arith.addf %sub3A_293, %get3A_285 : vector<16xf32>
      %add3A_295 = vector.broadcast %add3A_291 : f32 to vector<16xf32>
      %add3A_296 = arith.addf %add3A_295, %add3A_294 : vector<16xf32>
      %mul3A_297 = arith.constant 16 : i32
      %mul3A_298 = arith.muli %sub3A_282, %mul3A_297 : i32
      %add3A_299 = vector.broadcast %mul3A_298 : i32 to vector<16xi32>
      %add3A_300 = arith.addi %add3A_299, %iota3A_194 : vector<16xi32>
      %gt3A = vector.broadcast %mul3A_71 : f32 to vector<16xf32>
      %gt3A_301 = arith.cmpf ogt, %add3A_296, %gt3A : vector<16xf32>
      %jit3A_302 = arith.constant -1 : i32
      %broadcast_in_dim3A_303 = vector.broadcast %jit3A_302 : i32 to vector<16xi32>
      %select_n3A_304 = arith.select %gt3A_301, %add3A_300, %broadcast_in_dim3A_303 : vector<16xi1>, vector<16xi32>
      %reduce_max3A = arith.constant true
      %reduce_max3A_305 = vector.broadcast %reduce_max3A : i1 to vector<16xi1>
      %reduce_max3A_306 = arith.constant -2147483648 : i32
      %reduce_max3A_307 = vector.broadcast %reduce_max3A_306 : i32 to vector<16xi32>
      %reduce_max3A_308 = arith.xori %select_n3A_304, %reduce_max3A_307 : vector<16xi32>
      %reduce_max3A_309 = tpu.scan <max>, %reduce_max3A_308 masked %reduce_max3A_305 : vector<16xi32>, vector<16xi1> -> vector<16xi32>
      %reduce_max3A_310 = arith.xori %reduce_max3A_309, %reduce_max3A_307 : vector<16xi32>
      %reduce_max3A_311 = vector.extract %reduce_max3A_310[15] : i32 from vector<16xi32>
      %gt3A_312 = arith.constant 0.000000e+00 : f32
      %gt3A_313 = vector.broadcast %gt3A_312 : f32 to vector<16xf32>
      %gt3A_314 = arith.cmpf ogt, %get3A_285, %gt3A_313 : vector<16xf32>
      %jit3A_315 = arith.constant -1 : i32
      %broadcast_in_dim3A_316 = vector.broadcast %jit3A_315 : i32 to vector<16xi32>
      %select_n3A_317 = arith.select %gt3A_314, %add3A_300, %broadcast_in_dim3A_316 : vector<16xi1>, vector<16xi32>
      %reduce_max3A_318 = arith.constant true
      %reduce_max3A_319 = vector.broadcast %reduce_max3A_318 : i1 to vector<16xi1>
      %reduce_max3A_320 = arith.constant -2147483648 : i32
      %reduce_max3A_321 = vector.broadcast %reduce_max3A_320 : i32 to vector<16xi32>
      %reduce_max3A_322 = arith.xori %select_n3A_317, %reduce_max3A_321 : vector<16xi32>
      %reduce_max3A_323 = tpu.scan <max>, %reduce_max3A_322 masked %reduce_max3A_319 : vector<16xi32>, vector<16xi1> -> vector<16xi32>
      %reduce_max3A_324 = arith.xori %reduce_max3A_323, %reduce_max3A_321 : vector<16xi32>
      %reduce_max3A_325 = vector.extract %reduce_max3A_324[15] : i32 from vector<16xi32>
      %max3A_326 = arith.maxsi %scan3A_278, %reduce_max3A_311 : i32
      %max3A_327 = arith.maxsi %scan3A_279, %reduce_max3A_325 : i32
      %add3A_328 = arith.addf %scan3A_280, %reduce_sum3A_290 : f32
      scf.yield %max3A_326, %max3A_327, %add3A_328 : i32, i32, f32
    }
    %scan3A_203 = arith.constant 64 : i32
    %ge3A_204 = arith.constant 0 : i32
    %ge3A_205 = arith.cmpi sge, %scan3A_202#0, %ge3A_204 : i32
    %select_n3A_206 = arith.select %ge3A_205, %scan3A_202#0, %scan3A_202#1 : i32
    %max3A_207 = arith.constant 0 : i32
    %max3A_208 = arith.maxsi %select_n3A_206, %max3A_207 : i32
    %scan3A_209 = arith.constant 0.000000e+00 : f32
    %scan3A_210 = arith.constant 0 : i32
    %scan3A_211 = arith.constant 64 : i32
    %scan3A_212 = arith.addi %scan3A_210, %scan3A_211 : i32
    %scan3A_213 = arith.constant 1 : i32
    %scan3A_214 = scf.for %scan3A_277 = %scan3A_210 to %scan3A_212 step %scan3A_213 iter_args(%scan3A_278 = %scan3A_209) -> (f32)  : i32 {
      %mul3A_279 = arith.constant 16 : i32
      %mul3A_280 = arith.muli %scan3A_277, %mul3A_279 : i32
      %get3A = arith.index_cast %mul3A_280 : i32 to index
      %get3A_281 = tpu.vector_load %arg12[%get3A] {strides = array<i32>} : memref<2048xf32, #tpu.memory_space<vmem>>, vector<16xf32>,
      %mul3A_282 = arith.constant 16 : i32
      %mul3A_283 = arith.muli %scan3A_277, %mul3A_282 : i32
      %add3A_284 = vector.broadcast %mul3A_283 : i32 to vector<16xi32>
      %add3A_285 = arith.addi %add3A_284, %iota3A_194 : vector<16xi32>
      %gt3A = vector.broadcast %max3A_208 : i32 to vector<16xi32>
      %gt3A_286 = arith.cmpi sgt, %add3A_285, %gt3A : vector<16xi32>
      %jit3A_287 = arith.constant 0.000000e+00 : f32
      %broadcast_in_dim3A_288 = vector.broadcast %jit3A_287 : f32 to vector<16xf32>
      %select_n3A_289 = arith.select %gt3A_286, %get3A_281, %broadcast_in_dim3A_288 : vector<16xi1>, vector<16xf32>
      %reduce_sum3A = arith.constant true
      %reduce_sum3A_290 = vector.broadcast %reduce_sum3A : i1 to vector<16xi1>
      %reduce_sum3A_291 = tpu.scan <sum>, %select_n3A_289 masked %reduce_sum3A_290 : vector<16xf32>, vector<16xi1> -> vector<16xf32>
      %reduce_sum3A_292 = vector.extract %reduce_sum3A_291[15] : f32 from vector<16xf32>
      %add3A_293 = arith.addf %scan3A_278, %reduce_sum3A_292 : f32
      scf.yield %add3A_293 : f32
    }
    %scan3A_215 = arith.constant 64 : i32
    %add3A_216 = arith.addf %add3A_154, %scan3A_214 : f32
    %shift_left3A_217 = arith.constant 10 : i32
    %shift_left3A_218 = arith.shli %or3A, %shift_left3A_217 : i32
    %or3A_219 = arith.ori %shift_left3A_218, %max3A_208 : i32
    %broadcast_in_dim3A_220 = vector.broadcast %or3A_219 : i32 to vector<16xi32>
    %bitcast3A = vector.bitcast %broadcast_in_dim3A_220 : vector<16xi32> to vector<16xf32>
    %sub3A = arith.subf %mul3A_71, %add3A_216 : f32
    %broadcast_in_dim3A_221 = vector.broadcast %sub3A : f32 to vector<16xf32>
    %ge3A_222 = arith.cmpf oge, %broadcast_in_dim3A_221, %bitcast3A : vector<16xf32>
    %le3A = arith.constant 0.000000e+00 : f32
    %le3A_223 = arith.cmpf ole, %add3A_216, %le3A : f32
    %broadcast_in_dim3A_224 = vector.broadcast %le3A_223 : i1 to vector<16xi1>
    %or3A_225 = arith.ori %ge3A_222, %broadcast_in_dim3A_224 : vector<16xi1>
    %jit3A = arith.constant 0 : i32
    %jit3A_226 = arith.constant 1 : i32
    %broadcast_in_dim3A_227 = vector.broadcast %jit3A : i32 to vector<16xi32>
    %broadcast_in_dim3A_228 = vector.broadcast %jit3A_226 : i32 to vector<16xi32>
    %select_n3A_229 = arith.select %or3A_225, %broadcast_in_dim3A_227, %broadcast_in_dim3A_228 : vector<16xi1>, vector<16xi32>
    %add3A_230 = arith.addi %broadcast_in_dim3A_220, %select_n3A_229 : vector<16xi32>
    %bitcast3A_231 = vector.bitcast %add3A_230 : vector<16xi32> to vector<16xf32>
    %lt3A = arith.constant 0 : i32
    %lt3A_232 = arith.cmpi slt, %scan3A_81#0, %lt3A : i32
    %broadcast_in_dim3A_233 = vector.broadcast %lt3A_232 : i1 to vector<16xi1>
    %broadcast_in_dim3A_234 = arith.constant 0.000000e+00 : f32
    %broadcast_in_dim3A_235 = vector.broadcast %broadcast_in_dim3A_234 : f32 to vector<16xf32>
    %select_n3A_236 = arith.select %broadcast_in_dim3A_233, %broadcast_in_dim3A_235, %bitcast3A_231 : vector<16xi1>, vector<16xf32>
    %broadcast_in_dim3A_237 = arith.constant 1.000000e+00 : f32
    %broadcast_in_dim3A_238 = vector.broadcast %broadcast_in_dim3A_237 : f32 to vector<16xf32>
    %broadcast_in_dim3A_239 = arith.constant 0.000000e+00 : f32
    %broadcast_in_dim3A_240 = vector.broadcast %broadcast_in_dim3A_239 : f32 to vector<16xf32>
    %add3A_241 = arith.constant 0 : i32
    %add3A_242 = arith.addi %mul3A_10, %add3A_241 : i32
    %dma_start3A_243 = arith.constant 0 : i32
    %dma_start3A_244 = arith.constant 0 : i32
    %dma_start3A_245 = tpu.memref_slice %arg5[%dma_start3A_243, %dma_start3A_244] : memref<32x512xf32, #tpu.memory_space<vmem>> -> memref<16x512xf32, #tpu.memory_space<vmem>>
    %dma_start3A_246 = arith.constant 0 : i32
    %dma_start3A_247 = tpu.memref_slice %arg3[%add3A, %add3A_242, %dma_start3A_246] : memref<16x512x512xf32, #tpu.memory_space<hbm>> -> memref<1x16x512xf32, #tpu.memory_space<hbm>>
    %dma_start3A_248 = tpu.memref_squeeze %dma_start3A_247 : memref<1x16x512xf32, #tpu.memory_space<hbm>> -> memref<16x512xf32, #tpu.memory_space<hbm>>
    %dma_start3A_249 = arith.constant 0 : i32
    %dma_start3A_250 = arith.constant 0 : i32
    %dma_start3A_251 = tpu.memref_slice %arg5[%dma_start3A_249, %dma_start3A_250] : memref<32x512xf32, #tpu.memory_space<vmem>> -> memref<16x512xf32, #tpu.memory_space<vmem>>
    %dma_start3A_252 = arith.constant 0 : i32
    %dma_start3A_253 = tpu.memref_slice %arg3[%add3A, %add3A_242, %dma_start3A_252] : memref<16x512x512xf32, #tpu.memory_space<hbm>> -> memref<1x16x512xf32, #tpu.memory_space<hbm>>
    %dma_start3A_254 = tpu.memref_squeeze %dma_start3A_253 : memref<1x16x512xf32, #tpu.memory_space<hbm>> -> memref<16x512xf32, #tpu.memory_space<hbm>>
    tpu.enqueue_dma source(%dma_start3A_254 : memref<16x512xf32, #tpu.memory_space<hbm>>) target(%dma_start3A_251 : memref<16x512xf32, #tpu.memory_space<vmem>>) target_semaphore(%arg16 : memref<!tpu.dma_semaphore, #tpu.memory_space<semaphore_mem>>)
    %scan3A_255 = arith.constant 0 : i32
    %scan3A_256 = arith.constant 0 : i32
    %scan3A_257 = arith.constant 8 : i32
    %scan3A_258 = arith.addi %scan3A_256, %scan3A_257 : i32
    %scan3A_259 = arith.constant 1 : i32
    scf.for %scan3A_277 = %scan3A_256 to %scan3A_258 step %scan3A_259  : i32 {
      %mul3A_278 = arith.constant 2 : i32
      %mul3A_279 = arith.muli %mul3A_278, %scan3A_277 : i32
      %add3A_280 = arith.constant 1 : i32
      %add3A_281 = arith.addi %mul3A_279, %add3A_280 : i32
      %mul3A_282 = arith.constant 16 : i32
      %mul3A_283 = arith.muli %add3A_281, %mul3A_282 : i32
      %add3A_284 = arith.addi %mul3A_10, %mul3A_283 : i32
      %dma_start3A_285 = arith.constant 0 : i32
      %dma_start3A_286 = arith.constant 0 : i32
      %dma_start3A_287 = tpu.memref_slice %arg6[%dma_start3A_285, %dma_start3A_286] : memref<32x512xf32, #tpu.memory_space<vmem>> -> memref<16x512xf32, #tpu.memory_space<vmem>>
      %dma_start3A_288 = arith.constant 0 : i32
      %dma_start3A_289 = tpu.memref_slice %arg3[%add3A, %add3A_284, %dma_start3A_288] : memref<16x512x512xf32, #tpu.memory_space<hbm>> -> memref<1x16x512xf32, #tpu.memory_space<hbm>>
      %dma_start3A_290 = tpu.memref_squeeze %dma_start3A_289 : memref<1x16x512xf32, #tpu.memory_space<hbm>> -> memref<16x512xf32, #tpu.memory_space<hbm>>
      %dma_start3A_291 = arith.constant 0 : i32
      %dma_start3A_292 = arith.constant 0 : i32
      %dma_start3A_293 = tpu.memref_slice %arg6[%dma_start3A_291, %dma_start3A_292] : memref<32x512xf32, #tpu.memory_space<vmem>> -> memref<16x512xf32, #tpu.memory_space<vmem>>
      %dma_start3A_294 = arith.constant 0 : i32
      %dma_start3A_295 = tpu.memref_slice %arg3[%add3A, %add3A_284, %dma_start3A_294] : memref<16x512x512xf32, #tpu.memory_space<hbm>> -> memref<1x16x512xf32, #tpu.memory_space<hbm>>
      %dma_start3A_296 = tpu.memref_squeeze %dma_start3A_295 : memref<1x16x512xf32, #tpu.memory_space<hbm>> -> memref<16x512xf32, #tpu.memory_space<hbm>>
      tpu.enqueue_dma source(%dma_start3A_296 : memref<16x512xf32, #tpu.memory_space<hbm>>) target(%dma_start3A_293 : memref<16x512xf32, #tpu.memory_space<vmem>>) target_semaphore(%arg17 : memref<!tpu.dma_semaphore, #tpu.memory_space<semaphore_mem>>)
      %mul3A_297 = arith.constant 2 : i32
      %mul3A_298 = arith.muli %mul3A_297, %scan3A_277 : i32
      %mul3A_299 = arith.constant 16 : i32
      %mul3A_300 = arith.muli %mul3A_298, %mul3A_299 : i32
      %add3A_301 = arith.addi %mul3A_10, %mul3A_300 : i32
      %dma_wait3A_302 = arith.constant 0 : i32
      %dma_wait3A_303 = arith.constant 0 : i32
      %dma_wait3A_304 = tpu.memref_slice %arg5[%dma_wait3A_302, %dma_wait3A_303] : memref<32x512xf32, #tpu.memory_space<vmem>> -> memref<16x512xf32, #tpu.memory_space<vmem>>
      %dma_wait3A_305 = arith.constant 0 : i32
      %dma_wait3A_306 = tpu.memref_slice %arg3[%add3A, %add3A_301, %dma_wait3A_305] : memref<16x512x512xf32, #tpu.memory_space<hbm>> -> memref<1x16x512xf32, #tpu.memory_space<hbm>>
      %dma_wait3A_307 = tpu.memref_squeeze %dma_wait3A_306 : memref<1x16x512xf32, #tpu.memory_space<hbm>> -> memref<16x512xf32, #tpu.memory_space<hbm>>
      %dma_wait3A_308 = arith.constant 0 : i32
      %dma_wait3A_309 = arith.constant 0 : i32
      %dma_wait3A_310 = tpu.memref_slice %arg5[%dma_wait3A_308, %dma_wait3A_309] : memref<32x512xf32, #tpu.memory_space<vmem>> -> memref<16x512xf32, #tpu.memory_space<vmem>>
      %dma_wait3A_311 = arith.constant 0 : i32
      %dma_wait3A_312 = tpu.memref_slice %arg3[%add3A, %add3A_301, %dma_wait3A_311] : memref<16x512x512xf32, #tpu.memory_space<hbm>> -> memref<1x16x512xf32, #tpu.memory_space<hbm>>
      %dma_wait3A_313 = tpu.memref_squeeze %dma_wait3A_312 : memref<1x16x512xf32, #tpu.memory_space<hbm>> -> memref<16x512xf32, #tpu.memory_space<hbm>>
      tpu.wait_dma2 semaphore(%arg16 : memref<!tpu.dma_semaphore, #tpu.memory_space<semaphore_mem>>) src(%dma_wait3A_313 : memref<16x512xf32, #tpu.memory_space<hbm>>) dst(%dma_wait3A_310 : memref<16x512xf32, #tpu.memory_space<vmem>>)
      %gt3A = arith.constant 0 : i32
      %gt3A_314 = arith.cmpi sgt, %scan3A_277, %gt3A : i32
      %convert_element_type3A = arith.extui %gt3A_314 : i1 to i32
      %cond3A = arith.constant 0 : i32
      %cond3A_315 = arith.cmpi ne, %convert_element_type3A, %cond3A : i32
      scf.if %cond3A_315 {
        %mul3A_383 = arith.constant 2 : i32
        %mul3A_384 = arith.muli %mul3A_383, %scan3A_277 : i32
        %sub3A_385 = arith.constant 2 : i32
        %sub3A_386 = arith.subi %mul3A_384, %sub3A_385 : i32
        %mul3A_387 = arith.constant 16 : i32
        %mul3A_388 = arith.muli %sub3A_386, %mul3A_387 : i32
        %add3A_389 = arith.addi %mul3A_10, %mul3A_388 : i32
        %dma_wait3A_390 = arith.constant 0 : i32
        %dma_wait3A_391 = tpu.memref_slice %arg4[%add3A, %add3A_389, %dma_wait3A_390] : memref<16x512x512xf32, #tpu.memory_space<hbm>> -> memref<1x16x512xf32, #tpu.memory_space<hbm>>
        %dma_wait3A_392 = tpu.memref_squeeze %dma_wait3A_391 : memref<1x16x512xf32, #tpu.memory_space<hbm>> -> memref<16x512xf32, #tpu.memory_space<hbm>>
        %dma_wait3A_393 = arith.constant 0 : i32
        %dma_wait3A_394 = tpu.memref_slice %arg4[%add3A, %add3A_389, %dma_wait3A_393] : memref<16x512x512xf32, #tpu.memory_space<hbm>> -> memref<1x16x512xf32, #tpu.memory_space<hbm>>
        %dma_wait3A_395 = tpu.memref_squeeze %dma_wait3A_394 : memref<1x16x512xf32, #tpu.memory_space<hbm>> -> memref<16x512xf32, #tpu.memory_space<hbm>>
        tpu.wait_dma2 semaphore(%arg20 : memref<!tpu.dma_semaphore, #tpu.memory_space<semaphore_mem>>) src(%arg9 : memref<16x512xf32, #tpu.memory_space<vmem>>) dst(%dma_wait3A_395 : memref<16x512xf32, #tpu.memory_space<hbm>>)
      } else {
      }
      %scan3A_316 = arith.constant 0 : i32
      %scan3A_317 = arith.constant 0 : i32
      %scan3A_318 = arith.constant 64 : i32
      %scan3A_319 = arith.addi %scan3A_317, %scan3A_318 : i32
      %scan3A_320 = arith.constant 1 : i32
      scf.for %scan3A_383 = %scan3A_317 to %scan3A_319 step %scan3A_320  : i32 {
        %mul3A_384 = arith.constant 8 : i32
        %mul3A_385 = arith.muli %scan3A_383, %mul3A_384 : i32
        %add3A_386 = arith.constant 0 : i32
        %add3A_387 = arith.addi %mul3A_385, %add3A_386 : i32
        %shift_right_logical3A_388 = arith.constant 5 : i32
        %shift_right_logical3A_389 = arith.shrui %add3A_387, %shift_right_logical3A_388 : i32
        %and3A_390 = arith.constant 31 : i32
        %and3A_391 = arith.andi %add3A_387, %and3A_390 : i32
        %mul3A_392 = arith.constant 16 : i32
        %mul3A_393 = arith.muli %and3A_391, %mul3A_392 : i32
        %mul3A_394 = arith.constant 8 : i32
        %mul3A_395 = arith.muli %scan3A_383, %mul3A_394 : i32
        %add3A_396 = arith.constant 1 : i32
        %add3A_397 = arith.addi %mul3A_395, %add3A_396 : i32
        %shift_right_logical3A_398 = arith.constant 5 : i32
        %shift_right_logical3A_399 = arith.shrui %add3A_397, %shift_right_logical3A_398 : i32
        %and3A_400 = arith.constant 31 : i32
        %and3A_401 = arith.andi %add3A_397, %and3A_400 : i32
        %mul3A_402 = arith.constant 16 : i32
        %mul3A_403 = arith.muli %and3A_401, %mul3A_402 : i32
        %mul3A_404 = arith.constant 8 : i32
        %mul3A_405 = arith.muli %scan3A_383, %mul3A_404 : i32
        %add3A_406 = arith.constant 2 : i32
        %add3A_407 = arith.addi %mul3A_405, %add3A_406 : i32
        %shift_right_logical3A_408 = arith.constant 5 : i32
        %shift_right_logical3A_409 = arith.shrui %add3A_407, %shift_right_logical3A_408 : i32
        %and3A_410 = arith.constant 31 : i32
        %and3A_411 = arith.andi %add3A_407, %and3A_410 : i32
        %mul3A_412 = arith.constant 16 : i32
        %mul3A_413 = arith.muli %and3A_411, %mul3A_412 : i32
        %mul3A_414 = arith.constant 8 : i32
        %mul3A_415 = arith.muli %scan3A_383, %mul3A_414 : i32
        %add3A_416 = arith.constant 3 : i32
        %add3A_417 = arith.addi %mul3A_415, %add3A_416 : i32
        %shift_right_logical3A_418 = arith.constant 5 : i32
        %shift_right_logical3A_419 = arith.shrui %add3A_417, %shift_right_logical3A_418 : i32
        %and3A_420 = arith.constant 31 : i32
        %and3A_421 = arith.andi %add3A_417, %and3A_420 : i32
        %mul3A_422 = arith.constant 16 : i32
        %mul3A_423 = arith.muli %and3A_421, %mul3A_422 : i32
        %mul3A_424 = arith.constant 8 : i32
        %mul3A_425 = arith.muli %scan3A_383, %mul3A_424 : i32
        %add3A_426 = arith.constant 4 : i32
        %add3A_427 = arith.addi %mul3A_425, %add3A_426 : i32
        %shift_right_logical3A_428 = arith.constant 5 : i32
        %shift_right_logical3A_429 = arith.shrui %add3A_427, %shift_right_logical3A_428 : i32
        %and3A_430 = arith.constant 31 : i32
        %and3A_431 = arith.andi %add3A_427, %and3A_430 : i32
        %mul3A_432 = arith.constant 16 : i32
        %mul3A_433 = arith.muli %and3A_431, %mul3A_432 : i32
        %mul3A_434 = arith.constant 8 : i32
        %mul3A_435 = arith.muli %scan3A_383, %mul3A_434 : i32
        %add3A_436 = arith.constant 5 : i32
        %add3A_437 = arith.addi %mul3A_435, %add3A_436 : i32
        %shift_right_logical3A_438 = arith.constant 5 : i32
        %shift_right_logical3A_439 = arith.shrui %add3A_437, %shift_right_logical3A_438 : i32
        %and3A_440 = arith.constant 31 : i32
        %and3A_441 = arith.andi %add3A_437, %and3A_440 : i32
        %mul3A_442 = arith.constant 16 : i32
        %mul3A_443 = arith.muli %and3A_441, %mul3A_442 : i32
        %mul3A_444 = arith.constant 8 : i32
        %mul3A_445 = arith.muli %scan3A_383, %mul3A_444 : i32
        %add3A_446 = arith.constant 6 : i32
        %add3A_447 = arith.addi %mul3A_445, %add3A_446 : i32
        %shift_right_logical3A_448 = arith.constant 5 : i32
        %shift_right_logical3A_449 = arith.shrui %add3A_447, %shift_right_logical3A_448 : i32
        %and3A_450 = arith.constant 31 : i32
        %and3A_451 = arith.andi %add3A_447, %and3A_450 : i32
        %mul3A_452 = arith.constant 16 : i32
        %mul3A_453 = arith.muli %and3A_451, %mul3A_452 : i32
        %mul3A_454 = arith.constant 8 : i32
        %mul3A_455 = arith.muli %scan3A_383, %mul3A_454 : i32
        %add3A_456 = arith.constant 7 : i32
        %add3A_457 = arith.addi %mul3A_455, %add3A_456 : i32
        %shift_right_logical3A_458 = arith.constant 5 : i32
        %shift_right_logical3A_459 = arith.shrui %add3A_457, %shift_right_logical3A_458 : i32
        %and3A_460 = arith.constant 31 : i32
        %and3A_461 = arith.andi %add3A_457, %and3A_460 : i32
        %mul3A_462 = arith.constant 16 : i32
        %mul3A_463 = arith.muli %and3A_461, %mul3A_462 : i32
        %get3A = arith.constant 0 : i32
        %get3A_464 = arith.constant 0 : i32
        %get3A_465 = tpu.memref_slice %arg5[%get3A, %get3A_464] : memref<32x512xf32, #tpu.memory_space<vmem>> -> memref<16x512xf32, #tpu.memory_space<vmem>>
        %get3A_466 = arith.index_cast %shift_right_logical3A_389 : i32 to index
        %get3A_467 = arith.index_cast %mul3A_393 : i32 to index
        %get3A_468 = tpu.vector_load %get3A_465[%get3A_466, %get3A_467] {strides = array<i32>} : memref<16x512xf32, #tpu.memory_space<vmem>>, vector<16xf32>,
        %get3A_469 = arith.constant 0 : i32
        %get3A_470 = arith.constant 0 : i32
        %get3A_471 = tpu.memref_slice %arg5[%get3A_469, %get3A_470] : memref<32x512xf32, #tpu.memory_space<vmem>> -> memref<16x512xf32, #tpu.memory_space<vmem>>
        %get3A_472 = arith.index_cast %shift_right_logical3A_399 : i32 to index
        %get3A_473 = arith.index_cast %mul3A_403 : i32 to index
        %get3A_474 = tpu.vector_load %get3A_471[%get3A_472, %get3A_473] {strides = array<i32>} : memref<16x512xf32, #tpu.memory_space<vmem>>, vector<16xf32>,
        %get3A_475 = arith.constant 0 : i32
        %get3A_476 = arith.constant 0 : i32
        %get3A_477 = tpu.memref_slice %arg5[%get3A_475, %get3A_476] : memref<32x512xf32, #tpu.memory_space<vmem>> -> memref<16x512xf32, #tpu.memory_space<vmem>>
        %get3A_478 = arith.index_cast %shift_right_logical3A_409 : i32 to index
        %get3A_479 = arith.index_cast %mul3A_413 : i32 to index
        %get3A_480 = tpu.vector_load %get3A_477[%get3A_478, %get3A_479] {strides = array<i32>} : memref<16x512xf32, #tpu.memory_space<vmem>>, vector<16xf32>,
        %get3A_481 = arith.constant 0 : i32
        %get3A_482 = arith.constant 0 : i32
        %get3A_483 = tpu.memref_slice %arg5[%get3A_481, %get3A_482] : memref<32x512xf32, #tpu.memory_space<vmem>> -> memref<16x512xf32, #tpu.memory_space<vmem>>
        %get3A_484 = arith.index_cast %shift_right_logical3A_419 : i32 to index
        %get3A_485 = arith.index_cast %mul3A_423 : i32 to index
        %get3A_486 = tpu.vector_load %get3A_483[%get3A_484, %get3A_485] {strides = array<i32>} : memref<16x512xf32, #tpu.memory_space<vmem>>, vector<16xf32>,
        %get3A_487 = arith.constant 0 : i32
        %get3A_488 = arith.constant 0 : i32
        %get3A_489 = tpu.memref_slice %arg5[%get3A_487, %get3A_488] : memref<32x512xf32, #tpu.memory_space<vmem>> -> memref<16x512xf32, #tpu.memory_space<vmem>>
        %get3A_490 = arith.index_cast %shift_right_logical3A_429 : i32 to index
        %get3A_491 = arith.index_cast %mul3A_433 : i32 to index
        %get3A_492 = tpu.vector_load %get3A_489[%get3A_490, %get3A_491] {strides = array<i32>} : memref<16x512xf32, #tpu.memory_space<vmem>>, vector<16xf32>,
        %get3A_493 = arith.constant 0 : i32
        %get3A_494 = arith.constant 0 : i32
        %get3A_495 = tpu.memref_slice %arg5[%get3A_493, %get3A_494] : memref<32x512xf32, #tpu.memory_space<vmem>> -> memref<16x512xf32, #tpu.memory_space<vmem>>
        %get3A_496 = arith.index_cast %shift_right_logical3A_439 : i32 to index
        %get3A_497 = arith.index_cast %mul3A_443 : i32 to index
        %get3A_498 = tpu.vector_load %get3A_495[%get3A_496, %get3A_497] {strides = array<i32>} : memref<16x512xf32, #tpu.memory_space<vmem>>, vector<16xf32>,
        %get3A_499 = arith.constant 0 : i32
        %get3A_500 = arith.constant 0 : i32
        %get3A_501 = tpu.memref_slice %arg5[%get3A_499, %get3A_500] : memref<32x512xf32, #tpu.memory_space<vmem>> -> memref<16x512xf32, #tpu.memory_space<vmem>>
        %get3A_502 = arith.index_cast %shift_right_logical3A_449 : i32 to index
        %get3A_503 = arith.index_cast %mul3A_453 : i32 to index
        %get3A_504 = tpu.vector_load %get3A_501[%get3A_502, %get3A_503] {strides = array<i32>} : memref<16x512xf32, #tpu.memory_space<vmem>>, vector<16xf32>,
        %get3A_505 = arith.constant 0 : i32
        %get3A_506 = arith.constant 0 : i32
        %get3A_507 = tpu.memref_slice %arg5[%get3A_505, %get3A_506] : memref<32x512xf32, #tpu.memory_space<vmem>> -> memref<16x512xf32, #tpu.memory_space<vmem>>
        %get3A_508 = arith.index_cast %shift_right_logical3A_459 : i32 to index
        %get3A_509 = arith.index_cast %mul3A_463 : i32 to index
        %get3A_510 = tpu.vector_load %get3A_507[%get3A_508, %get3A_509] {strides = array<i32>} : memref<16x512xf32, #tpu.memory_space<vmem>>, vector<16xf32>,
        %ge3A_511 = arith.cmpf oge, %get3A_468, %select_n3A_236 : vector<16xf32>
        %select_n3A_512 = arith.select %ge3A_511, %broadcast_in_dim3A_238, %broadcast_in_dim3A_240 : vector<16xi1>, vector<16xf32>
        %ge3A_513 = arith.cmpf oge, %get3A_474, %select_n3A_236 : vector<16xf32>
        %select_n3A_514 = arith.select %ge3A_513, %broadcast_in_dim3A_238, %broadcast_in_dim3A_240 : vector<16xi1>, vector<16xf32>
        %ge3A_515 = arith.cmpf oge, %get3A_480, %select_n3A_236 : vector<16xf32>
        %select_n3A_516 = arith.select %ge3A_515, %broadcast_in_dim3A_238, %broadcast_in_dim3A_240 : vector<16xi1>, vector<16xf32>
        %ge3A_517 = arith.cmpf oge, %get3A_486, %select_n3A_236 : vector<16xf32>
        %select_n3A_518 = arith.select %ge3A_517, %broadcast_in_dim3A_238, %broadcast_in_dim3A_240 : vector<16xi1>, vector<16xf32>
        %ge3A_519 = arith.cmpf oge, %get3A_492, %select_n3A_236 : vector<16xf32>
        %select_n3A_520 = arith.select %ge3A_519, %broadcast_in_dim3A_238, %broadcast_in_dim3A_240 : vector<16xi1>, vector<16xf32>
        %ge3A_521 = arith.cmpf oge, %get3A_498, %select_n3A_236 : vector<16xf32>
        %select_n3A_522 = arith.select %ge3A_521, %broadcast_in_dim3A_238, %broadcast_in_dim3A_240 : vector<16xi1>, vector<16xf32>
        %ge3A_523 = arith.cmpf oge, %get3A_504, %select_n3A_236 : vector<16xf32>
        %select_n3A_524 = arith.select %ge3A_523, %broadcast_in_dim3A_238, %broadcast_in_dim3A_240 : vector<16xi1>, vector<16xf32>
        %ge3A_525 = arith.cmpf oge, %get3A_510, %select_n3A_236 : vector<16xf32>
        %select_n3A_526 = arith.select %ge3A_525, %broadcast_in_dim3A_238, %broadcast_in_dim3A_240 : vector<16xi1>, vector<16xf32>
        %swap3A = arith.index_cast %shift_right_logical3A_389 : i32 to index
        %swap3A_527 = arith.index_cast %mul3A_393 : i32 to index
        %swap3A_528 = tpu.vector_load %arg9[%swap3A, %swap3A_527] {strides = array<i32>} : memref<16x512xf32, #tpu.memory_space<vmem>>, vector<16xf32>,
        tpu.vector_store %arg9[%swap3A, %swap3A_527], %select_n3A_512 {strides = array<i32>} : memref<16x512xf32, #tpu.memory_space<vmem>>, vector<16xf32>,
        %swap3A_529 = arith.index_cast %shift_right_logical3A_399 : i32 to index
        %swap3A_530 = arith.index_cast %mul3A_403 : i32 to index
        %swap3A_531 = tpu.vector_load %arg9[%swap3A_529, %swap3A_530] {strides = array<i32>} : memref<16x512xf32, #tpu.memory_space<vmem>>, vector<16xf32>,
        tpu.vector_store %arg9[%swap3A_529, %swap3A_530], %select_n3A_514 {strides = array<i32>} : memref<16x512xf32, #tpu.memory_space<vmem>>, vector<16xf32>,
        %swap3A_532 = arith.index_cast %shift_right_logical3A_409 : i32 to index
        %swap3A_533 = arith.index_cast %mul3A_413 : i32 to index
        %swap3A_534 = tpu.vector_load %arg9[%swap3A_532, %swap3A_533] {strides = array<i32>} : memref<16x512xf32, #tpu.memory_space<vmem>>, vector<16xf32>,
        tpu.vector_store %arg9[%swap3A_532, %swap3A_533], %select_n3A_516 {strides = array<i32>} : memref<16x512xf32, #tpu.memory_space<vmem>>, vector<16xf32>,
        %swap3A_535 = arith.index_cast %shift_right_logical3A_419 : i32 to index
        %swap3A_536 = arith.index_cast %mul3A_423 : i32 to index
        %swap3A_537 = tpu.vector_load %arg9[%swap3A_535, %swap3A_536] {strides = array<i32>} : memref<16x512xf32, #tpu.memory_space<vmem>>, vector<16xf32>,
        tpu.vector_store %arg9[%swap3A_535, %swap3A_536], %select_n3A_518 {strides = array<i32>} : memref<16x512xf32, #tpu.memory_space<vmem>>, vector<16xf32>,
        %swap3A_538 = arith.index_cast %shift_right_logical3A_429 : i32 to index
        %swap3A_539 = arith.index_cast %mul3A_433 : i32 to index
        %swap3A_540 = tpu.vector_load %arg9[%swap3A_538, %swap3A_539] {strides = array<i32>} : memref<16x512xf32, #tpu.memory_space<vmem>>, vector<16xf32>,
        tpu.vector_store %arg9[%swap3A_538, %swap3A_539], %select_n3A_520 {strides = array<i32>} : memref<16x512xf32, #tpu.memory_space<vmem>>, vector<16xf32>,
        %swap3A_541 = arith.index_cast %shift_right_logical3A_439 : i32 to index
        %swap3A_542 = arith.index_cast %mul3A_443 : i32 to index
        %swap3A_543 = tpu.vector_load %arg9[%swap3A_541, %swap3A_542] {strides = array<i32>} : memref<16x512xf32, #tpu.memory_space<vmem>>, vector<16xf32>,
        tpu.vector_store %arg9[%swap3A_541, %swap3A_542], %select_n3A_522 {strides = array<i32>} : memref<16x512xf32, #tpu.memory_space<vmem>>, vector<16xf32>,
        %swap3A_544 = arith.index_cast %shift_right_logical3A_449 : i32 to index
        %swap3A_545 = arith.index_cast %mul3A_453 : i32 to index
        %swap3A_546 = tpu.vector_load %arg9[%swap3A_544, %swap3A_545] {strides = array<i32>} : memref<16x512xf32, #tpu.memory_space<vmem>>, vector<16xf32>,
        tpu.vector_store %arg9[%swap3A_544, %swap3A_545], %select_n3A_524 {strides = array<i32>} : memref<16x512xf32, #tpu.memory_space<vmem>>, vector<16xf32>,
        %swap3A_547 = arith.index_cast %shift_right_logical3A_459 : i32 to index
        %swap3A_548 = arith.index_cast %mul3A_463 : i32 to index
        %swap3A_549 = tpu.vector_load %arg9[%swap3A_547, %swap3A_548] {strides = array<i32>} : memref<16x512xf32, #tpu.memory_space<vmem>>, vector<16xf32>,
        tpu.vector_store %arg9[%swap3A_547, %swap3A_548], %select_n3A_526 {strides = array<i32>} : memref<16x512xf32, #tpu.memory_space<vmem>>, vector<16xf32>,
      }
      %scan3A_321 = arith.constant 64 : i32
      %mul3A_322 = arith.constant 2 : i32
      %mul3A_323 = arith.muli %mul3A_322, %scan3A_277 : i32
      %mul3A_324 = arith.constant 16 : i32
      %mul3A_325 = arith.muli %mul3A_323, %mul3A_324 : i32
      %add3A_326 = arith.addi %mul3A_10, %mul3A_325 : i32
      %dma_start3A_327 = arith.constant 0 : i32
      %dma_start3A_328 = tpu.memref_slice %arg4[%add3A, %add3A_326, %dma_start3A_327] : memref<16x512x512xf32, #tpu.memory_space<hbm>> -> memref<1x16x512xf32, #tpu.memory_space<hbm>>
      %dma_start3A_329 = tpu.memref_squeeze %dma_start3A_328 : memref<1x16x512xf32, #tpu.memory_space<hbm>> -> memref<16x512xf32, #tpu.memory_space<hbm>>
      %dma_start3A_330 = arith.constant 0 : i32
      %dma_start3A_331 = tpu.memref_slice %arg4[%add3A, %add3A_326, %dma_start3A_330] : memref<16x512x512xf32, #tpu.memory_space<hbm>> -> memref<1x16x512xf32, #tpu.memory_space<hbm>>
      %dma_start3A_332 = tpu.memref_squeeze %dma_start3A_331 : memref<1x16x512xf32, #tpu.memory_space<hbm>> -> memref<16x512xf32, #tpu.memory_space<hbm>>
      tpu.enqueue_dma source(%arg9 : memref<16x512xf32, #tpu.memory_space<vmem>>) target(%dma_start3A_332 : memref<16x512xf32, #tpu.memory_space<hbm>>) target_semaphore(%arg20 : memref<!tpu.dma_semaphore, #tpu.memory_space<semaphore_mem>>)
      %add3A_333 = arith.constant 1 : i32
      %add3A_334 = arith.addi %scan3A_277, %add3A_333 : i32
      %lt3A_335 = arith.constant 8 : i32
      %lt3A_336 = arith.cmpi slt, %add3A_334, %lt3A_335 : i32
      %convert_element_type3A_337 = arith.extui %lt3A_336 : i1 to i32
      %cond3A_338 = arith.constant 0 : i32
      %cond3A_339 = arith.cmpi ne, %convert_element_type3A_337, %cond3A_338 : i32
      scf.if %cond3A_339 {
        %mul3A_383 = arith.constant 2 : i32
        %mul3A_384 = arith.muli %mul3A_383, %scan3A_277 : i32
        %add3A_385 = arith.constant 2 : i32
        %add3A_386 = arith.addi %mul3A_384, %add3A_385 : i32
        %mul3A_387 = arith.constant 16 : i32
        %mul3A_388 = arith.muli %add3A_386, %mul3A_387 : i32
        %add3A_389 = arith.addi %mul3A_10, %mul3A_388 : i32
        %dma_start3A_390 = arith.constant 0 : i32
        %dma_start3A_391 = arith.constant 0 : i32
        %dma_start3A_392 = tpu.memref_slice %arg5[%dma_start3A_390, %dma_start3A_391] : memref<32x512xf32, #tpu.memory_space<vmem>> -> memref<16x512xf32, #tpu.memory_space<vmem>>
        %dma_start3A_393 = arith.constant 0 : i32
        %dma_start3A_394 = tpu.memref_slice %arg3[%add3A, %add3A_389, %dma_start3A_393] : memref<16x512x512xf32, #tpu.memory_space<hbm>> -> memref<1x16x512xf32, #tpu.memory_space<hbm>>
        %dma_start3A_395 = tpu.memref_squeeze %dma_start3A_394 : memref<1x16x512xf32, #tpu.memory_space<hbm>> -> memref<16x512xf32, #tpu.memory_space<hbm>>
        %dma_start3A_396 = arith.constant 0 : i32
        %dma_start3A_397 = arith.constant 0 : i32
        %dma_start3A_398 = tpu.memref_slice %arg5[%dma_start3A_396, %dma_start3A_397] : memref<32x512xf32, #tpu.memory_space<vmem>> -> memref<16x512xf32, #tpu.memory_space<vmem>>
        %dma_start3A_399 = arith.constant 0 : i32
        %dma_start3A_400 = tpu.memref_slice %arg3[%add3A, %add3A_389, %dma_start3A_399] : memref<16x512x512xf32, #tpu.memory_space<hbm>> -> memref<1x16x512xf32, #tpu.memory_space<hbm>>
        %dma_start3A_401 = tpu.memref_squeeze %dma_start3A_400 : memref<1x16x512xf32, #tpu.memory_space<hbm>> -> memref<16x512xf32, #tpu.memory_space<hbm>>
        tpu.enqueue_dma source(%dma_start3A_401 : memref<16x512xf32, #tpu.memory_space<hbm>>) target(%dma_start3A_398 : memref<16x512xf32, #tpu.memory_space<vmem>>) target_semaphore(%arg16 : memref<!tpu.dma_semaphore, #tpu.memory_space<semaphore_mem>>)
      } else {
      }
      %mul3A_340 = arith.constant 2 : i32
      %mul3A_341 = arith.muli %mul3A_340, %scan3A_277 : i32
      %add3A_342 = arith.constant 1 : i32
      %add3A_343 = arith.addi %mul3A_341, %add3A_342 : i32
      %mul3A_344 = arith.constant 16 : i32
      %mul3A_345 = arith.muli %add3A_343, %mul3A_344 : i32
      %add3A_346 = arith.addi %mul3A_10, %mul3A_345 : i32
      %dma_wait3A_347 = arith.constant 0 : i32
      %dma_wait3A_348 = arith.constant 0 : i32
      %dma_wait3A_349 = tpu.memref_slice %arg6[%dma_wait3A_347, %dma_wait3A_348] : memref<32x512xf32, #tpu.memory_space<vmem>> -> memref<16x512xf32, #tpu.memory_space<vmem>>
      %dma_wait3A_350 = arith.constant 0 : i32
      %dma_wait3A_351 = tpu.memref_slice %arg3[%add3A, %add3A_346, %dma_wait3A_350] : memref<16x512x512xf32, #tpu.memory_space<hbm>> -> memref<1x16x512xf32, #tpu.memory_space<hbm>>
      %dma_wait3A_352 = tpu.memref_squeeze %dma_wait3A_351 : memref<1x16x512xf32, #tpu.memory_space<hbm>> -> memref<16x512xf32, #tpu.memory_space<hbm>>
      %dma_wait3A_353 = arith.constant 0 : i32
      %dma_wait3A_354 = arith.constant 0 : i32
      %dma_wait3A_355 = tpu.memref_slice %arg6[%dma_wait3A_353, %dma_wait3A_354] : memref<32x512xf32, #tpu.memory_space<vmem>> -> memref<16x512xf32, #tpu.memory_space<vmem>>
      %dma_wait3A_356 = arith.constant 0 : i32
      %dma_wait3A_357 = tpu.memref_slice %arg3[%add3A, %add3A_346, %dma_wait3A_356] : memref<16x512x512xf32, #tpu.memory_space<hbm>> -> memref<1x16x512xf32, #tpu.memory_space<hbm>>
      %dma_wait3A_358 = tpu.memref_squeeze %dma_wait3A_357 : memref<1x16x512xf32, #tpu.memory_space<hbm>> -> memref<16x512xf32, #tpu.memory_space<hbm>>
      tpu.wait_dma2 semaphore(%arg17 : memref<!tpu.dma_semaphore, #tpu.memory_space<semaphore_mem>>) src(%dma_wait3A_358 : memref<16x512xf32, #tpu.memory_space<hbm>>) dst(%dma_wait3A_355 : memref<16x512xf32, #tpu.memory_space<vmem>>)
      %gt3A_359 = arith.constant 0 : i32
      %gt3A_360 = arith.cmpi sgt, %scan3A_277, %gt3A_359 : i32
      %convert_element_type3A_361 = arith.extui %gt3A_360 : i1 to i32
      %cond3A_362 = arith.constant 0 : i32
      %cond3A_363 = arith.cmpi ne, %convert_element_type3A_361, %cond3A_362 : i32
      scf.if %cond3A_363 {
        %mul3A_383 = arith.constant 2 : i32
        %mul3A_384 = arith.muli %mul3A_383, %scan3A_277 : i32
        %sub3A_385 = arith.constant 1 : i32
        %sub3A_386 = arith.subi %mul3A_384, %sub3A_385 : i32
        %mul3A_387 = arith.constant 16 : i32
        %mul3A_388 = arith.muli %sub3A_386, %mul3A_387 : i32
        %add3A_389 = arith.addi %mul3A_10, %mul3A_388 : i32
        %dma_wait3A_390 = arith.constant 0 : i32
        %dma_wait3A_391 = tpu.memref_slice %arg4[%add3A, %add3A_389, %dma_wait3A_390] : memref<16x512x512xf32, #tpu.memory_space<hbm>> -> memref<1x16x512xf32, #tpu.memory_space<hbm>>
        %dma_wait3A_392 = tpu.memref_squeeze %dma_wait3A_391 : memref<1x16x512xf32, #tpu.memory_space<hbm>> -> memref<16x512xf32, #tpu.memory_space<hbm>>
        %dma_wait3A_393 = arith.constant 0 : i32
        %dma_wait3A_394 = tpu.memref_slice %arg4[%add3A, %add3A_389, %dma_wait3A_393] : memref<16x512x512xf32, #tpu.memory_space<hbm>> -> memref<1x16x512xf32, #tpu.memory_space<hbm>>
        %dma_wait3A_395 = tpu.memref_squeeze %dma_wait3A_394 : memref<1x16x512xf32, #tpu.memory_space<hbm>> -> memref<16x512xf32, #tpu.memory_space<hbm>>
        tpu.wait_dma2 semaphore(%arg21 : memref<!tpu.dma_semaphore, #tpu.memory_space<semaphore_mem>>) src(%arg10 : memref<16x512xf32, #tpu.memory_space<vmem>>) dst(%dma_wait3A_395 : memref<16x512xf32, #tpu.memory_space<hbm>>)
      } else {
      }
      %scan3A_364 = arith.constant 0 : i32
      %scan3A_365 = arith.constant 0 : i32
      %scan3A_366 = arith.constant 64 : i32
      %scan3A_367 = arith.addi %scan3A_365, %scan3A_366 : i32
      %scan3A_368 = arith.constant 1 : i32
      scf.for %scan3A_383 = %scan3A_365 to %scan3A_367 step %scan3A_368  : i32 {
        %mul3A_384 = arith.constant 8 : i32
        %mul3A_385 = arith.muli %scan3A_383, %mul3A_384 : i32
        %add3A_386 = arith.constant 0 : i32
        %add3A_387 = arith.addi %mul3A_385, %add3A_386 : i32
        %shift_right_logical3A_388 = arith.constant 5 : i32
        %shift_right_logical3A_389 = arith.shrui %add3A_387, %shift_right_logical3A_388 : i32
        %and3A_390 = arith.constant 31 : i32
        %and3A_391 = arith.andi %add3A_387, %and3A_390 : i32
        %mul3A_392 = arith.constant 16 : i32
        %mul3A_393 = arith.muli %and3A_391, %mul3A_392 : i32
        %mul3A_394 = arith.constant 8 : i32
        %mul3A_395 = arith.muli %scan3A_383, %mul3A_394 : i32
        %add3A_396 = arith.constant 1 : i32
        %add3A_397 = arith.addi %mul3A_395, %add3A_396 : i32
        %shift_right_logical3A_398 = arith.constant 5 : i32
        %shift_right_logical3A_399 = arith.shrui %add3A_397, %shift_right_logical3A_398 : i32
        %and3A_400 = arith.constant 31 : i32
        %and3A_401 = arith.andi %add3A_397, %and3A_400 : i32
        %mul3A_402 = arith.constant 16 : i32
        %mul3A_403 = arith.muli %and3A_401, %mul3A_402 : i32
        %mul3A_404 = arith.constant 8 : i32
        %mul3A_405 = arith.muli %scan3A_383, %mul3A_404 : i32
        %add3A_406 = arith.constant 2 : i32
        %add3A_407 = arith.addi %mul3A_405, %add3A_406 : i32
        %shift_right_logical3A_408 = arith.constant 5 : i32
        %shift_right_logical3A_409 = arith.shrui %add3A_407, %shift_right_logical3A_408 : i32
        %and3A_410 = arith.constant 31 : i32
        %and3A_411 = arith.andi %add3A_407, %and3A_410 : i32
        %mul3A_412 = arith.constant 16 : i32
        %mul3A_413 = arith.muli %and3A_411, %mul3A_412 : i32
        %mul3A_414 = arith.constant 8 : i32
        %mul3A_415 = arith.muli %scan3A_383, %mul3A_414 : i32
        %add3A_416 = arith.constant 3 : i32
        %add3A_417 = arith.addi %mul3A_415, %add3A_416 : i32
        %shift_right_logical3A_418 = arith.constant 5 : i32
        %shift_right_logical3A_419 = arith.shrui %add3A_417, %shift_right_logical3A_418 : i32
        %and3A_420 = arith.constant 31 : i32
        %and3A_421 = arith.andi %add3A_417, %and3A_420 : i32
        %mul3A_422 = arith.constant 16 : i32
        %mul3A_423 = arith.muli %and3A_421, %mul3A_422 : i32
        %mul3A_424 = arith.constant 8 : i32
        %mul3A_425 = arith.muli %scan3A_383, %mul3A_424 : i32
        %add3A_426 = arith.constant 4 : i32
        %add3A_427 = arith.addi %mul3A_425, %add3A_426 : i32
        %shift_right_logical3A_428 = arith.constant 5 : i32
        %shift_right_logical3A_429 = arith.shrui %add3A_427, %shift_right_logical3A_428 : i32
        %and3A_430 = arith.constant 31 : i32
        %and3A_431 = arith.andi %add3A_427, %and3A_430 : i32
        %mul3A_432 = arith.constant 16 : i32
        %mul3A_433 = arith.muli %and3A_431, %mul3A_432 : i32
        %mul3A_434 = arith.constant 8 : i32
        %mul3A_435 = arith.muli %scan3A_383, %mul3A_434 : i32
        %add3A_436 = arith.constant 5 : i32
        %add3A_437 = arith.addi %mul3A_435, %add3A_436 : i32
        %shift_right_logical3A_438 = arith.constant 5 : i32
        %shift_right_logical3A_439 = arith.shrui %add3A_437, %shift_right_logical3A_438 : i32
        %and3A_440 = arith.constant 31 : i32
        %and3A_441 = arith.andi %add3A_437, %and3A_440 : i32
        %mul3A_442 = arith.constant 16 : i32
        %mul3A_443 = arith.muli %and3A_441, %mul3A_442 : i32
        %mul3A_444 = arith.constant 8 : i32
        %mul3A_445 = arith.muli %scan3A_383, %mul3A_444 : i32
        %add3A_446 = arith.constant 6 : i32
        %add3A_447 = arith.addi %mul3A_445, %add3A_446 : i32
        %shift_right_logical3A_448 = arith.constant 5 : i32
        %shift_right_logical3A_449 = arith.shrui %add3A_447, %shift_right_logical3A_448 : i32
        %and3A_450 = arith.constant 31 : i32
        %and3A_451 = arith.andi %add3A_447, %and3A_450 : i32
        %mul3A_452 = arith.constant 16 : i32
        %mul3A_453 = arith.muli %and3A_451, %mul3A_452 : i32
        %mul3A_454 = arith.constant 8 : i32
        %mul3A_455 = arith.muli %scan3A_383, %mul3A_454 : i32
        %add3A_456 = arith.constant 7 : i32
        %add3A_457 = arith.addi %mul3A_455, %add3A_456 : i32
        %shift_right_logical3A_458 = arith.constant 5 : i32
        %shift_right_logical3A_459 = arith.shrui %add3A_457, %shift_right_logical3A_458 : i32
        %and3A_460 = arith.constant 31 : i32
        %and3A_461 = arith.andi %add3A_457, %and3A_460 : i32
        %mul3A_462 = arith.constant 16 : i32
        %mul3A_463 = arith.muli %and3A_461, %mul3A_462 : i32
        %get3A = arith.constant 0 : i32
        %get3A_464 = arith.constant 0 : i32
        %get3A_465 = tpu.memref_slice %arg6[%get3A, %get3A_464] : memref<32x512xf32, #tpu.memory_space<vmem>> -> memref<16x512xf32, #tpu.memory_space<vmem>>
        %get3A_466 = arith.index_cast %shift_right_logical3A_389 : i32 to index
        %get3A_467 = arith.index_cast %mul3A_393 : i32 to index
        %get3A_468 = tpu.vector_load %get3A_465[%get3A_466, %get3A_467] {strides = array<i32>} : memref<16x512xf32, #tpu.memory_space<vmem>>, vector<16xf32>,
        %get3A_469 = arith.constant 0 : i32
        %get3A_470 = arith.constant 0 : i32
        %get3A_471 = tpu.memref_slice %arg6[%get3A_469, %get3A_470] : memref<32x512xf32, #tpu.memory_space<vmem>> -> memref<16x512xf32, #tpu.memory_space<vmem>>
        %get3A_472 = arith.index_cast %shift_right_logical3A_399 : i32 to index
        %get3A_473 = arith.index_cast %mul3A_403 : i32 to index
        %get3A_474 = tpu.vector_load %get3A_471[%get3A_472, %get3A_473] {strides = array<i32>} : memref<16x512xf32, #tpu.memory_space<vmem>>, vector<16xf32>,
        %get3A_475 = arith.constant 0 : i32
        %get3A_476 = arith.constant 0 : i32
        %get3A_477 = tpu.memref_slice %arg6[%get3A_475, %get3A_476] : memref<32x512xf32, #tpu.memory_space<vmem>> -> memref<16x512xf32, #tpu.memory_space<vmem>>
        %get3A_478 = arith.index_cast %shift_right_logical3A_409 : i32 to index
        %get3A_479 = arith.index_cast %mul3A_413 : i32 to index
        %get3A_480 = tpu.vector_load %get3A_477[%get3A_478, %get3A_479] {strides = array<i32>} : memref<16x512xf32, #tpu.memory_space<vmem>>, vector<16xf32>,
        %get3A_481 = arith.constant 0 : i32
        %get3A_482 = arith.constant 0 : i32
        %get3A_483 = tpu.memref_slice %arg6[%get3A_481, %get3A_482] : memref<32x512xf32, #tpu.memory_space<vmem>> -> memref<16x512xf32, #tpu.memory_space<vmem>>
        %get3A_484 = arith.index_cast %shift_right_logical3A_419 : i32 to index
        %get3A_485 = arith.index_cast %mul3A_423 : i32 to index
        %get3A_486 = tpu.vector_load %get3A_483[%get3A_484, %get3A_485] {strides = array<i32>} : memref<16x512xf32, #tpu.memory_space<vmem>>, vector<16xf32>,
        %get3A_487 = arith.constant 0 : i32
        %get3A_488 = arith.constant 0 : i32
        %get3A_489 = tpu.memref_slice %arg6[%get3A_487, %get3A_488] : memref<32x512xf32, #tpu.memory_space<vmem>> -> memref<16x512xf32, #tpu.memory_space<vmem>>
        %get3A_490 = arith.index_cast %shift_right_logical3A_429 : i32 to index
        %get3A_491 = arith.index_cast %mul3A_433 : i32 to index
        %get3A_492 = tpu.vector_load %get3A_489[%get3A_490, %get3A_491] {strides = array<i32>} : memref<16x512xf32, #tpu.memory_space<vmem>>, vector<16xf32>,
        %get3A_493 = arith.constant 0 : i32
        %get3A_494 = arith.constant 0 : i32
        %get3A_495 = tpu.memref_slice %arg6[%get3A_493, %get3A_494] : memref<32x512xf32, #tpu.memory_space<vmem>> -> memref<16x512xf32, #tpu.memory_space<vmem>>
        %get3A_496 = arith.index_cast %shift_right_logical3A_439 : i32 to index
        %get3A_497 = arith.index_cast %mul3A_443 : i32 to index
        %get3A_498 = tpu.vector_load %get3A_495[%get3A_496, %get3A_497] {strides = array<i32>} : memref<16x512xf32, #tpu.memory_space<vmem>>, vector<16xf32>,
        %get3A_499 = arith.constant 0 : i32
        %get3A_500 = arith.constant 0 : i32
        %get3A_501 = tpu.memref_slice %arg6[%get3A_499, %get3A_500] : memref<32x512xf32, #tpu.memory_space<vmem>> -> memref<16x512xf32, #tpu.memory_space<vmem>>
        %get3A_502 = arith.index_cast %shift_right_logical3A_449 : i32 to index
        %get3A_503 = arith.index_cast %mul3A_453 : i32 to index
        %get3A_504 = tpu.vector_load %get3A_501[%get3A_502, %get3A_503] {strides = array<i32>} : memref<16x512xf32, #tpu.memory_space<vmem>>, vector<16xf32>,
        %get3A_505 = arith.constant 0 : i32
        %get3A_506 = arith.constant 0 : i32
        %get3A_507 = tpu.memref_slice %arg6[%get3A_505, %get3A_506] : memref<32x512xf32, #tpu.memory_space<vmem>> -> memref<16x512xf32, #tpu.memory_space<vmem>>
        %get3A_508 = arith.index_cast %shift_right_logical3A_459 : i32 to index
        %get3A_509 = arith.index_cast %mul3A_463 : i32 to index
        %get3A_510 = tpu.vector_load %get3A_507[%get3A_508, %get3A_509] {strides = array<i32>} : memref<16x512xf32, #tpu.memory_space<vmem>>, vector<16xf32>,
        %ge3A_511 = arith.cmpf oge, %get3A_468, %select_n3A_236 : vector<16xf32>
        %select_n3A_512 = arith.select %ge3A_511, %broadcast_in_dim3A_238, %broadcast_in_dim3A_240 : vector<16xi1>, vector<16xf32>
        %ge3A_513 = arith.cmpf oge, %get3A_474, %select_n3A_236 : vector<16xf32>
        %select_n3A_514 = arith.select %ge3A_513, %broadcast_in_dim3A_238, %broadcast_in_dim3A_240 : vector<16xi1>, vector<16xf32>
        %ge3A_515 = arith.cmpf oge, %get3A_480, %select_n3A_236 : vector<16xf32>
        %select_n3A_516 = arith.select %ge3A_515, %broadcast_in_dim3A_238, %broadcast_in_dim3A_240 : vector<16xi1>, vector<16xf32>
        %ge3A_517 = arith.cmpf oge, %get3A_486, %select_n3A_236 : vector<16xf32>
        %select_n3A_518 = arith.select %ge3A_517, %broadcast_in_dim3A_238, %broadcast_in_dim3A_240 : vector<16xi1>, vector<16xf32>
        %ge3A_519 = arith.cmpf oge, %get3A_492, %select_n3A_236 : vector<16xf32>
        %select_n3A_520 = arith.select %ge3A_519, %broadcast_in_dim3A_238, %broadcast_in_dim3A_240 : vector<16xi1>, vector<16xf32>
        %ge3A_521 = arith.cmpf oge, %get3A_498, %select_n3A_236 : vector<16xf32>
        %select_n3A_522 = arith.select %ge3A_521, %broadcast_in_dim3A_238, %broadcast_in_dim3A_240 : vector<16xi1>, vector<16xf32>
        %ge3A_523 = arith.cmpf oge, %get3A_504, %select_n3A_236 : vector<16xf32>
        %select_n3A_524 = arith.select %ge3A_523, %broadcast_in_dim3A_238, %broadcast_in_dim3A_240 : vector<16xi1>, vector<16xf32>
        %ge3A_525 = arith.cmpf oge, %get3A_510, %select_n3A_236 : vector<16xf32>
        %select_n3A_526 = arith.select %ge3A_525, %broadcast_in_dim3A_238, %broadcast_in_dim3A_240 : vector<16xi1>, vector<16xf32>
        %swap3A = arith.index_cast %shift_right_logical3A_389 : i32 to index
        %swap3A_527 = arith.index_cast %mul3A_393 : i32 to index
        %swap3A_528 = tpu.vector_load %arg10[%swap3A, %swap3A_527] {strides = array<i32>} : memref<16x512xf32, #tpu.memory_space<vmem>>, vector<16xf32>,
        tpu.vector_store %arg10[%swap3A, %swap3A_527], %select_n3A_512 {strides = array<i32>} : memref<16x512xf32, #tpu.memory_space<vmem>>, vector<16xf32>,
        %swap3A_529 = arith.index_cast %shift_right_logical3A_399 : i32 to index
        %swap3A_530 = arith.index_cast %mul3A_403 : i32 to index
        %swap3A_531 = tpu.vector_load %arg10[%swap3A_529, %swap3A_530] {strides = array<i32>} : memref<16x512xf32, #tpu.memory_space<vmem>>, vector<16xf32>,
        tpu.vector_store %arg10[%swap3A_529, %swap3A_530], %select_n3A_514 {strides = array<i32>} : memref<16x512xf32, #tpu.memory_space<vmem>>, vector<16xf32>,
        %swap3A_532 = arith.index_cast %shift_right_logical3A_409 : i32 to index
        %swap3A_533 = arith.index_cast %mul3A_413 : i32 to index
        %swap3A_534 = tpu.vector_load %arg10[%swap3A_532, %swap3A_533] {strides = array<i32>} : memref<16x512xf32, #tpu.memory_space<vmem>>, vector<16xf32>,
        tpu.vector_store %arg10[%swap3A_532, %swap3A_533], %select_n3A_516 {strides = array<i32>} : memref<16x512xf32, #tpu.memory_space<vmem>>, vector<16xf32>,
        %swap3A_535 = arith.index_cast %shift_right_logical3A_419 : i32 to index
        %swap3A_536 = arith.index_cast %mul3A_423 : i32 to index
        %swap3A_537 = tpu.vector_load %arg10[%swap3A_535, %swap3A_536] {strides = array<i32>} : memref<16x512xf32, #tpu.memory_space<vmem>>, vector<16xf32>,
        tpu.vector_store %arg10[%swap3A_535, %swap3A_536], %select_n3A_518 {strides = array<i32>} : memref<16x512xf32, #tpu.memory_space<vmem>>, vector<16xf32>,
        %swap3A_538 = arith.index_cast %shift_right_logical3A_429 : i32 to index
        %swap3A_539 = arith.index_cast %mul3A_433 : i32 to index
        %swap3A_540 = tpu.vector_load %arg10[%swap3A_538, %swap3A_539] {strides = array<i32>} : memref<16x512xf32, #tpu.memory_space<vmem>>, vector<16xf32>,
        tpu.vector_store %arg10[%swap3A_538, %swap3A_539], %select_n3A_520 {strides = array<i32>} : memref<16x512xf32, #tpu.memory_space<vmem>>, vector<16xf32>,
        %swap3A_541 = arith.index_cast %shift_right_logical3A_439 : i32 to index
        %swap3A_542 = arith.index_cast %mul3A_443 : i32 to index
        %swap3A_543 = tpu.vector_load %arg10[%swap3A_541, %swap3A_542] {strides = array<i32>} : memref<16x512xf32, #tpu.memory_space<vmem>>, vector<16xf32>,
        tpu.vector_store %arg10[%swap3A_541, %swap3A_542], %select_n3A_522 {strides = array<i32>} : memref<16x512xf32, #tpu.memory_space<vmem>>, vector<16xf32>,
        %swap3A_544 = arith.index_cast %shift_right_logical3A_449 : i32 to index
        %swap3A_545 = arith.index_cast %mul3A_453 : i32 to index
        %swap3A_546 = tpu.vector_load %arg10[%swap3A_544, %swap3A_545] {strides = array<i32>} : memref<16x512xf32, #tpu.memory_space<vmem>>, vector<16xf32>,
        tpu.vector_store %arg10[%swap3A_544, %swap3A_545], %select_n3A_524 {strides = array<i32>} : memref<16x512xf32, #tpu.memory_space<vmem>>, vector<16xf32>,
        %swap3A_547 = arith.index_cast %shift_right_logical3A_459 : i32 to index
        %swap3A_548 = arith.index_cast %mul3A_463 : i32 to index
        %swap3A_549 = tpu.vector_load %arg10[%swap3A_547, %swap3A_548] {strides = array<i32>} : memref<16x512xf32, #tpu.memory_space<vmem>>, vector<16xf32>,
        tpu.vector_store %arg10[%swap3A_547, %swap3A_548], %select_n3A_526 {strides = array<i32>} : memref<16x512xf32, #tpu.memory_space<vmem>>, vector<16xf32>,
      }
      %scan3A_369 = arith.constant 64 : i32
      %mul3A_370 = arith.constant 2 : i32
      %mul3A_371 = arith.muli %mul3A_370, %scan3A_277 : i32
      %add3A_372 = arith.constant 1 : i32
      %add3A_373 = arith.addi %mul3A_371, %add3A_372 : i32
      %mul3A_374 = arith.constant 16 : i32
      %mul3A_375 = arith.muli %add3A_373, %mul3A_374 : i32
      %add3A_376 = arith.addi %mul3A_10, %mul3A_375 : i32
      %dma_start3A_377 = arith.constant 0 : i32
      %dma_start3A_378 = tpu.memref_slice %arg4[%add3A, %add3A_376, %dma_start3A_377] : memref<16x512x512xf32, #tpu.memory_space<hbm>> -> memref<1x16x512xf32, #tpu.memory_space<hbm>>
      %dma_start3A_379 = tpu.memref_squeeze %dma_start3A_378 : memref<1x16x512xf32, #tpu.memory_space<hbm>> -> memref<16x512xf32, #tpu.memory_space<hbm>>
      %dma_start3A_380 = arith.constant 0 : i32
      %dma_start3A_381 = tpu.memref_slice %arg4[%add3A, %add3A_376, %dma_start3A_380] : memref<16x512x512xf32, #tpu.memory_space<hbm>> -> memref<1x16x512xf32, #tpu.memory_space<hbm>>
      %dma_start3A_382 = tpu.memref_squeeze %dma_start3A_381 : memref<1x16x512xf32, #tpu.memory_space<hbm>> -> memref<16x512xf32, #tpu.memory_space<hbm>>
      tpu.enqueue_dma source(%arg10 : memref<16x512xf32, #tpu.memory_space<vmem>>) target(%dma_start3A_382 : memref<16x512xf32, #tpu.memory_space<hbm>>) target_semaphore(%arg21 : memref<!tpu.dma_semaphore, #tpu.memory_space<semaphore_mem>>)
    }
    %scan3A_260 = arith.constant 8 : i32
    %add3A_261 = arith.constant 224 : i32
    %add3A_262 = arith.addi %mul3A_10, %add3A_261 : i32
    %dma_wait3A_263 = arith.constant 0 : i32
    %dma_wait3A_264 = tpu.memref_slice %arg4[%add3A, %add3A_262, %dma_wait3A_263] : memref<16x512x512xf32, #tpu.memory_space<hbm>> -> memref<1x16x512xf32, #tpu.memory_space<hbm>>
    %dma_wait3A_265 = tpu.memref_squeeze %dma_wait3A_264 : memref<1x16x512xf32, #tpu.memory_space<hbm>> -> memref<16x512xf32, #tpu.memory_space<hbm>>
    %dma_wait3A_266 = arith.constant 0 : i32
    %dma_wait3A_267 = tpu.memref_slice %arg4[%add3A, %add3A_262, %dma_wait3A_266] : memref<16x512x512xf32, #tpu.memory_space<hbm>> -> memref<1x16x512xf32, #tpu.memory_space<hbm>>
    %dma_wait3A_268 = tpu.memref_squeeze %dma_wait3A_267 : memref<1x16x512xf32, #tpu.memory_space<hbm>> -> memref<16x512xf32, #tpu.memory_space<hbm>>
    tpu.wait_dma2 semaphore(%arg20 : memref<!tpu.dma_semaphore, #tpu.memory_space<semaphore_mem>>) src(%arg9 : memref<16x512xf32, #tpu.memory_space<vmem>>) dst(%dma_wait3A_268 : memref<16x512xf32, #tpu.memory_space<hbm>>)
    %add3A_269 = arith.constant 240 : i32
    %add3A_270 = arith.addi %mul3A_10, %add3A_269 : i32
    %dma_wait3A_271 = arith.constant 0 : i32
    %dma_wait3A_272 = tpu.memref_slice %arg4[%add3A, %add3A_270, %dma_wait3A_271] : memref<16x512x512xf32, #tpu.memory_space<hbm>> -> memref<1x16x512xf32, #tpu.memory_space<hbm>>
    %dma_wait3A_273 = tpu.memref_squeeze %dma_wait3A_272 : memref<1x16x512xf32, #tpu.memory_space<hbm>> -> memref<16x512xf32, #tpu.memory_space<hbm>>
    %dma_wait3A_274 = arith.constant 0 : i32
    %dma_wait3A_275 = tpu.memref_slice %arg4[%add3A, %add3A_270, %dma_wait3A_274] : memref<16x512x512xf32, #tpu.memory_space<hbm>> -> memref<1x16x512xf32, #tpu.memory_space<hbm>>
    %dma_wait3A_276 = tpu.memref_squeeze %dma_wait3A_275 : memref<1x16x512xf32, #tpu.memory_space<hbm>> -> memref<16x512xf32, #tpu.memory_space<hbm>>
    tpu.wait_dma2 semaphore(%arg21 : memref<!tpu.dma_semaphore, #tpu.memory_space<semaphore_mem>>) src(%arg10 : memref<16x512xf32, #tpu.memory_space<vmem>>) dst(%dma_wait3A_276 : memref<16x512xf32, #tpu.memory_space<hbm>>)
    return
  }
}

</mosaic_0001>

<sc_bundles>
// kernel: kernel.3.cloned.1.call-start
scs
__scs_entry_jumppad:
0x0: {  	(pc) =	sbr.rel $0x88, $3  }
0x1: {  	(tag) =	ssettag $0x0;
	lr =	simm.s32 $0x1  }
0x2: {  	[smem:$0x3FA0] =	sst lr;
	_ =	strace $0xD0000000  }
0x3: {  	_ = 	snop  }
0x4: {  	_ = 	snop  }
0x5: {  	_ = 	snop  }
0x6: {  	_ = 	snop  }
0x7: {  	_ = 	snop  }
__scs_overlays_trampoline_lowered:
0x8: {  	[smem:$0x3FAF] =	sst s0  }
0x9: {  	[smem:$0x3FB0] =	sst s1  }
0xa: {  	[smem:$0x3FB1] =	sst s2  }
0xb: {  	[smem:$0x3FB2] =	sst s3  }
0xc: {  	[smem:$0x3FB3] =	sst s4  }
0xd: {  	[smem:$0x3FB4] =	sst s5  }
0xe: {  	[smem:$0x3FB5] =	sst s6  }
0xf: {  	[smem:$0x3FB6] =	sst s7  }
0x10: {  	[smem:$0x3FB7] =	sst s8  }
0x11: {  	[smem:$0x3FB8] =	sst s9;
	s0 =	simm.s32 @!p0 $0x0  }
0x12: {  	s1 =	sld [smem:$0x3F9E];
	s0 =	simm.s32 @p0 $0x1  }
0x13: {  	[smem:$0x3FB9] =	sst s0;
	s0 =	simm.s32 @!p1 $0x0  }
0x14: {  	s2 =	sld [smem:$0x3F9D];
	s0 =	simm.s32 @p1 $0x1  }
0x15: {  	[smem:$0x3FBA] =	sst s0;
	s0 =	simm.s32 @!p2 $0x0  }
0x16: {  	s3 =	sld [smem:$0x3FDB];
	s0 =	simm.s32 @p2 $0x1  }
0x17: {  	s4 =	simm.s32 $0x1BF5;
	[smem:$0x3FBC] =	sst s0  }
0x18: {  	s0 =	sld [smem:$0x3F9F];
	_ =	swait.ge [sflag:s4], $0x0  }
0x19: {  	s7 =	sld [smem:$0x3FA0]  }
0x1a: {  	s8 =	sadd.s32 $0xFFFFE003, lr  }
0x1b: {  	s9 =	sadd.s32 $0xFFFFFEF7, lr;
	s5 =	simm.s32 $0xFFFFFFFF;
	p2 =	slt.u32 s8, $0xFFFFF086  }
0x1c: {  	p1 =	slt.u32 s9, $0xF7A;
	s5 =	simm.s32 @!p2 $0x0  }
0x1d: {  	s5 =	simm.s32 @p1 $0x1;
	p0 =	seq.s32 s7, s2  }
0x1e: {  	s7 =	smul.u32 @!p0 $0xF7A, s2;
	p2 =	seq.s32 @!p0 s5, $0x0  }
0x1f: {  	s9 =	smul.u32 $0xF7A, s1;
	s8 =	simm.s32 @!p0 $0x1BF5;
	p2 =	por !p2, p0  }
0x20: {  	[sflag:s8] =	ssyncset.s32 @!p0 $0xFFFFF086;
	s6 =	sadd.s32 @!p0 s3, s7;
	s7 =	simm.s32 @!p0 $0x108  }
0x21: {  	s3 =	sadd.s32 s3, s9;
	s6 =	sadd.s32 @!p0 $0x88, s6;
	s7 =	simm.s32 @p2 $0x1082  }
0x22: {  	[simem:s7], [sflag:s8] =	dma.local @!p0 [hbm:s6], $0xF7A  }
0x23: {  	s9 =	sor.u32 $0xD0000000, s2;
	s6 =	simm.s32 $0x108;
	_ =	swait.ge @!p0 [sflag:s8], $0x0  }
0x24: {  	s3 =	sadd.s32 $0x88, s3;
	s6 =	simm.s32 @!p1 $0x1082;
	[sflag:s4] =	ssyncset.s32 $0xFFFFF086  }
0x25: {  	[simem:s6], [sflag:s4] =	dma.local [hbm:s3], $0xF7A  }
0x26: {  	[smem:$0x3FA0] =	sst s1;
	(tag) =	ssettag s2;
	_ =	strace s9  }
0x27: {  	s1 =	sld [smem:$0x3FB0]  }
0x28: {  	s2 =	sld [smem:$0x3FB1]  }
0x29: {  	s4 =	sld [smem:$0x3FB3]  }
0x2a: {  	p0 =	seq.s32 s5, $0x0;
	s5 =	sld [smem:$0x3FB4]  }
0x2b: {  	s6 =	sld [smem:$0x3FB5]  }
0x2c: {  	s7 =	sld [smem:$0x3FB6]  }
0x2d: {  	s3 =	simm.s32 $0x108;
	s8 =	sld [smem:$0x3FB7]  }
0x2e: {  	s3 =	simm.s32 @!p0 $0x1082;
	s9 =	sld [smem:$0x3FB8]  }
0x2f: {  	lr =	sadd.s32 s0, s3;
	s0 =	sld [smem:$0x3FAF]  }
0x30: {  	s3 =	sld [smem:$0x3FB2]  }
0x31: {  	[smem:$0x3FBB] =	sst s10  }
0x32: {  	s10 =	sld [smem:$0x3FB9];
	_ =	sdelay $0x3  }
0x33: {  	p0 =	seq.s32 s10, $0x1;
	s10 =	sld [smem:$0x3FBB];
	_ =	sdelay $0x3  }
0x34: {  	[smem:$0x3FBB] =	sst s10  }
0x35: {  	s10 =	sld [smem:$0x3FBA];
	_ =	sdelay $0x3  }
0x36: {  	p1 =	seq.s32 s10, $0x1;
	s10 =	sld [smem:$0x3FBB];
	_ =	sdelay $0x3  }
0x37: {  	[smem:$0x3FBB] =	sst s10  }
0x38: {  	s10 =	sld [smem:$0x3FBC]  }
0x39: {  	_ = 	snop;
	(pc) =	sbr.ind lr, $3  }
0x3a: {  	_ = 	snop  }
0x3b: {  	_ = 	snop  }
0x3c: {  	p2 =	seq.s32 s10, $0x1;
	s10 =	sld [smem:$0x3FBB]  }
0x3d: {  	_ =	shalt  }
0x3e: {  	_ =	shalt  }
0x3f: {  	_ =	shalt  }
0x40: {  	_ =	shalt  }
0x41: {  	_ =	shalt  }
0x42: {  	_ =	shalt  }
0x43: {  	_ =	shalt  }
0x44: {  	_ =	shalt  }
0x45: {  	_ =	shalt  }
0x46: {  	_ =	shalt  }
0x47: {  	_ =	shalt  }
0x48: {  	_ =	shalt  }
0x49: {  	_ =	shalt  }
0x4a: {  	_ =	shalt  }
0x4b: {  	_ =	shalt  }
0x4c: {  	_ =	shalt  }
0x4d: {  	_ =	shalt  }
0x4e: {  	_ =	shalt  }
0x4f: {  	_ =	shalt  }
0x50: {  	_ =	shalt  }
0x51: {  	_ =	shalt  }
0x52: {  	_ =	shalt  }
0x53: {  	_ =	shalt  }
0x54: {  	_ =	shalt  }
0x55: {  	_ =	shalt  }
0x56: {  	_ =	shalt  }
0x57: {  	_ =	shalt  }
0x58: {  	_ =	shalt  }
0x59: {  	_ =	shalt  }
0x5a: {  	_ =	shalt  }
0x5b: {  	_ =	shalt  }
0x5c: {  	_ =	shalt  }
0x5d: {  	_ =	shalt  }
0x5e: {  	_ =	shalt  }
0x5f: {  	_ =	shalt  }
0x60: {  	_ =	shalt  }
0x61: {  	_ =	shalt  }
0x62: {  	_ =	shalt  }
0x63: {  	_ =	shalt  }
0x64: {  	_ =	shalt  }
0x65: {  	_ =	shalt  }
0x66: {  	_ =	shalt  }
0x67: {  	_ =	shalt  }
0x68: {  	_ =	shalt  }
0x69: {  	_ =	shalt  }
0x6a: {  	_ =	shalt  }
0x6b: {  	_ =	shalt  }
0x6c: {  	_ =	shalt  }
0x6d: {  	_ =	shalt  }
0x6e: {  	_ =	shalt  }
0x6f: {  	_ =	shalt  }
0x70: {  	_ =	shalt  }
0x71: {  	_ =	shalt  }
0x72: {  	_ =	shalt  }
0x73: {  	_ =	shalt  }
0x74: {  	_ =	shalt  }
0x75: {  	_ =	shalt  }
0x76: {  	_ =	shalt  }
0x77: {  	_ =	shalt  }
0x78: {  	_ =	shalt  }
0x79: {  	_ =	shalt  }
0x7a: {  	_ =	shalt  }
0x7b: {  	_ =	shalt  }
0x7c: {  	_ =	shalt  }
0x7d: {  	_ =	shalt  }
0x7e: {  	_ =	shalt  }
0x7f: {  	_ =	shalt  }
0x80: {  	_ =	shalt  }
0x81: {  	_ =	shalt  }
0x82: {  	_ =	shalt  }
0x83: {  	_ =	shalt  }
0x84: {  	_ =	shalt  }
0x85: {  	_ =	shalt  }
0x86: {  	_ =	shalt  }
0x87: {  	_ =	shalt  }
.Lfunc_end0:
.L_simem_size_0:
called_computation_lowered:
.L_overlay_start_0:
0x88: {  	s2 =	sld [smem:$0x3FD9]  }
0x89: {  	s3 =	sld [smem:$0x3FFE];
	_ =	sdelay $0x1  }
0x8a: {  	s1 =	srdreg.scid  }
0x8b: {  	s0 =	sand.u32 $0x1, s1  }
0x8c: {  	s17 =	sshll.u32 s0, $0xA;
	s2 =	sadd.s32 s3, s2  }
0x8d: {  	s2 =	sadd.s32 s2, s17  }
0x8e: {  	[smem:$0x3FC7] =	sst s2  }
0x8f: {  	_ = 	snop  }
0x90: {  	s2 =	sld [smem:$0x3FC9]  }
0x91: {  	s18 =	sld [smem:$0x3FD0];
	(tm) =	ssettm $0x1  }
0x92: {  	s4 =	sld [smem:$0x3FFB];
	_ =	sdelay $0x3  }
0x93: {  	_ =	strace s4  }
0x94: {  	s4 =	sld [smem:$0x3FFC];
	_ =	sdelay $0x3  }
0x95: {  	_ =	strace s4  }
0x96: {  	s4 =	sld [smem:$0x3FFD];
	_ =	sdelay $0x3  }
0x97: {  	_ =	strace s4  }
0x98: {  	_ =	strace $0x8FFFFFFF  }
0x99: {  	s19 =	sld [smem:$0x3FDB];
	_ =	sdelay $0x1  }
0x9a: {  	s5 =	simm.s32 $_scs_section_size  }
0x9b: {  	s6 =	simm.s32 $_size__tile_overlayer_lowered;
	s7 =	simm.s32 $_tile_overlayer_lowered  }
0x9c: {  	s22 =	simm.s32 $0x1BFF;
	s21 =	sshll.u32 s7, $0x1;
	s4 =	sadd.s32 s5, s19  }
0x9d: {  	s8 =	simm.s32 $0x0;
	s20 =	sshll.u32 s6, $0x1;
	s6 =	sadd.s32 s21, s4  }
0x9e: {  	[timem:s8], [sflag:s22] =	dma.local [hbm:s6], s20  }
0x9f: {  	_ =	swait.ge [sflag:s22], s20  }
0xa0: {  	s5 =	ssub.s32 $0x0, s20;
	[sflag:s22] =	ssyncset.done $0x0  }
0xa1: {  	[sflag:s22] =	ssyncadd.s32 s5;
	_ =	sdelay $0x1  }
0xa2: {  	s23 =	simm.s32 $0x1B8B  }
0xa3: {  	_ =	swait.ge [sflag:s23], $0x1  }
0xa4: {  	[sflag:s23] =	ssyncset.done $0x0  }
0xa5: {  	s25 =	simm.s32 $0x1B8E;
	s24 =	sld [smem:$0x3FFE];
	[sflag:s23] =	ssyncadd.s32 $0xFFFFFFFF  }
0xa6: {  	s26 =	simm.s32 $execute0_lowered;
	[smem:$0x3FD2] =	sst s25  }
0xa7: {  	s6 =	sshll.u32 s26, $0x1;
	_ =	strace $0x80000046;
	[dreg:$0x1] =	wrdreg $0xFFFFFFFF  }
0xa8: {  	s28 =	simm.s32 $_size_execute0_lowered;
	s4 =	sadd.s32 s4, s6;
	[dreg:$0x0] =	wrdreg $0x0  }
0xa9: {  	s6 =	sshll.u32 s28, $0x1;
	[dreg:$0x2] =	wrdreg s4  }
0xaa: {  	[dreg:$0x3] =	wrdreg s6  }
0xab: {  	[dreg:$0x4] =	wrdreg $0xC0  }
0xac: {  	_ =	task [dreg:s8], $0x5FFFF  }
0xad: {  	[dreg:$0x1] =	wrdreg $0xFFFFFFFF  }
0xae: {  	[dreg:$0x0] =	wrdreg $0x60  }
0xaf: {  	[dreg:$0x2] =	wrdreg s2  }
0xb0: {  	[dreg:$0x3] =	wrdreg s18  }
0xb1: {  	[dreg:$0x4] =	wrdreg s24  }
0xb2: {  	[dreg:$0x5] =	wrdreg $0x1D0800  }
0xb3: {  	[dreg:$0x6] =	wrdreg $0x9  }
0xb4: {  	_ =	task.clear_ibuf [dreg:s8], $0x7FFFF;
	_ =	strace $0x90000046  }
0xb5: {  	s29 =	simm.s32 $0x9;
	_ =	strace $0x80000048  }
0xb6: {  	_ =	swait.ge [sflag:s29], $0x1  }
0xb7: {  	[sflag:s29] =	ssyncadd.s32 $0xFFFFFFFF  }
0xb8: {  	_ =	strace $0x90000048  }
0xb9: {  	_ =	sfence  }
0xba: {  	s30 =	sld [smem:$0x0];
	_ =	sdelay $0x2  }
0xbb: {  	s31 =	sshll.u32 s1, $0xD;
	s1 =	sshrl.u32 s1, $0x2  }
0xbc: {  	s3 =	sand.u32 $0x4000, s31;
	s1 =	sadd.s32 s1, s30  }
0xbd: {  	s0 =	sor.u32 s3, s0;
	s1 =	sshll.u32 s1, $0x11  }
0xbe: {  	s0 =	sor.u32 s1, s0  }
0xbf: {  	s0 =	sadd.s32 $0x8F2B, s0  }
0xc0: {  	[sflag:s0] =	ssyncadd.remote.s32 $0x1  }
0xc1: {  	_ =	sfence.sel $0xFFFF  }
0xc2: {  	[dreg:$0x0] =	wrdreg $0xFFFFFFFF;
	(pc) =	sbr.abs _section_cstart, $3  }
0xc3: {  	[dreg:$0x1] =	wrdreg $0xFFFFFFFF  }
0xc4: {  	_ =	task.clear_ibuf [dreg:s8], $0x2FFFF;
	_ =	strace $0x9FFFFFFF  }
0xc5: {  	(tm) =	ssettm $0x7FFFFFFF  }
tec
execute0_lowered:
.L_overlay_start_1:
0x0: {  	(tag) =	ssettag $0x1  }
0x1: {  	s20 =	rddreg [dreg:$0x0]  }
0x2: {  	s2 =	rddreg [dreg:$0x1]  }
0x3: {  	s0 =	rddreg [dreg:$0x2]  }
0x4: {  	s1 =	srdreg.scid;
	s3 =	rddreg [dreg:$0x3]  }
0x5: {  	s11 =	stileid.u32;
	s29 =	simm.s32 $0x8000;
	s30 =	simm.s32 $0xC000  }
0x6: {  	s31 =	simm.s32 $0x3;
	s16 =	simm.s32 $0x2;
	s1 =	sand.u32 $0x1, s1  }
0x7: {  	s5 =	sshrl.u32 s11, $0x1;
	s6 =	sshll.u32 s11, $0x8;
	s22 =	sshll.u32 s11, $0xB  }
0x8: {  	s23 =	sshll.u32 s11, $0x7;
	s4 =	sshll.u32 s1, $0x3;
	s1 =	ssub.s32 $0x2, s1  }
0x9: {  	s8 =	sor.u32 s5, s4;
	s4 =	sand.u32 $0x100, s6;
	s5 =	simm.s32 $0x0  }
0xa: {  	s9 =	sshrl.u32 s1, $0x1;
	s6 =	sshll.u32 s8, $0x13;
	s7 =	sshll.u32 s4, $0xA  }
0xb: {  	[smem:$0x7FF] =	sst s5;
	s19 =	ssub.s32 s1, s9;
	s9 =	sshll.u32 s8, $0x12  }
0xc: {  	s24 =	sshll.u32 s4, $0x9;
	s1 =	sand.u32 $0x4000, s22;
	s8 =	sand.u32 $0x380, s23  }
0xd: {  	s23 =	sor.u32 $0x20, s4;
	s15 =	sor.u32 $0x40, s4;
	s7 =	sor.u32 s7, s6  }
0xe: {  	_ =	strace $0x80000047;
	s25 =	sor.u32 s1, s8;
	[dreg:$0x5] =	wrdreg s6  }
0xf: {  	s1 =	sadd.s32 s1, s3;
	[dreg:$0x7] =	wrdreg s23;
	s10 =	sshrl.u32 s7, $0x3  }
0x10: {  	s7 =	sadd.s32 $0x800, s0;
	s11 =	sxor.u32 $0x80, s25;
	s1 =	sadd.s32 s8, s1  }
0x11: {  	s0 =	smax.u32 s19, $0x1;
	s25 =	sor.u32 $0x10, s4;
	[dreg:$0x8] =	wrdreg s1  }
0x12: {  	s8 =	simm.s32 $0x1;
	s21 =	sadd.s32 s20, s10;
	[dreg:$0xb] =	wrdreg s0  }
0x13: {  	s10 =	sor.u32 s9, s24;
	s26 =	sadd.s32 s11, s3;
	[dreg:$0xc] =	wrdreg s25  }
0x14: {  	v0 =	vlaneseq.u32;
	s24 =	simm.s32 $0x6;
	[dreg:$0x6] =	wrdreg s21;
	s12 =	sshrl.u32 s10, $0x3  }
0x15: {  	v1 =	vimm.f32 $0.0e+00;
	vm0 =	vmxor vm0, vm0;
	v4 =	vmul.u32 $0x401, v0;
	s1 =	simm.s32 $0x4000;
	[dreg:$0x9] =	wrdreg s26;
	s28 =	sadd.s32 s2, s12  }
0x16: {  	v5 =	vimm.s32 $0x0;
	v2 =	vmul.u32 $0x801, v0;
	v3 =	vor.u32 $0x80000000, v0;
	s3 =	simm.s32 $0x0;
	s21 =	simm.s32 $0x14000;
	[dreg:$0xa] =	wrdreg s28  }
.LBB2_1:
0x17: {  	[dreg:$0xd] =	wrdreg s3;
	s0 =	simm.s32 $0x0;
	s3 =	simm.s32 $0x200  }
.LBB2_2:
0x18: {  	p0 =	sne.s32 s3, $0x20000;
	[tilespmem:s0+$0x14070] =	vst v1  }
0x19: {  	[tilespmem:s0+$0x14000] =	vst v1  }
0x1a: {  	[tilespmem:s0+$0x14010] =	vst v1  }
.Ltmp0:
0x1b: {  	[tilespmem:s0+$0x14020] =	vst v1;
	(pc) =	sbr.rel @p0 .LBB2_2-.Ltmp0, $4  }
0x1c: {  	[tilespmem:s0+$0x14030] =	vst v1  }
0x1d: {  	[tilespmem:s0+$0x14040] =	vst v1  }
0x1e: {  	[tilespmem:s0+$0x14050] =	vst v1  }
0x1f: {  	[tilespmem:s0+$0x14060] =	vst v1;
	s0 =	sshra.s32 s3, $0x2;
	s3 =	sadd.s32 $0x200, s3  }
0x20: {  	[tilespmem:s0+$0x14070] =	vst v1  }
0x21: {  	[tilespmem:s0+$0x14000] =	vst v1  }
0x22: {  	[tilespmem:s0+$0x14010] =	vst v1  }
0x23: {  	[tilespmem:s0+$0x14020] =	vst v1  }
0x24: {  	[tilespmem:s0+$0x14030] =	vst v1  }
0x25: {  	[tilespmem:s0+$0x14040] =	vst v1  }
0x26: {  	[tilespmem:s0+$0x14050] =	vst v1  }
0x27: {  	[tilespmem:s0+$0x14060] =	vst v1;
	s3 =	simm.s32 $0x0;
	s28 =	rddreg [dreg:$0x6];
	s26 =	simm.s32 $0x0  }
0x28: {  	[tilespmem:s29], [sflag:$0x3] =	stream.linear.gather [hbm4b:s28+s3], $0x4000, $0x38;
	[tilespmem:$0x1D880] =	vst v63  }
.LBB2_4:
0x29: {  	s12 =	sshll.u32 s26, $0x5  }
0x2a: {  	s28 =	sor.u32 s25, s12  }
0x2b: {  	s0 =	sshll.u32 s28, $0xA  }
0x2c: {  	s0 =	sadd.s32 s6, s0  }
0x2d: {  	s0 =	sshrl.u32 s0, $0x3  }
0x2e: {  	s0 =	sadd.s32 s20, s0  }
0x2f: {  	[tilespmem:s30], [sflag:$0x4] =	stream.linear.gather [hbm4b:s0+s5], $0x4000, $0x38;
	[tilespmem:$0x1D880] =	vst v63  }
0x30: {  	_ =	swait.ge [sflag:s31], $0x4000  }
0x31: {  	p0 =	seq.s32 s26, $0x0;
	[sflag:s31] =	ssyncset.done $0x0  }
0x32: {  	s11 =	simm.s32 $0x0;
	s0 =	simm.s32 @!p0 $0x5;
	[sflag:s31] =	ssyncadd.s32 $0xFFFFC000  }
0x33: {  	s13 =	simm.s32 $0x0;
	s11 =	sand.u32 $0xC00, s11;
	_ =	swait.ge @!p0 [sflag:s0], $0x2000  }
0x34: {  	s13 =	sand.u32 $0x3FFFFC00, s13;
	s14 =	sshrl.u32 s11, $0x2;
	[sflag:s0] =	ssyncset.done @!p0 $0x0  }
0x35: {  	s17 =	sor.u32 s14, s13;
	[sflag:s0] =	ssyncadd.s32 @!p0 $0xFFFFE000  }
0x36: {  	v6 =	vld [tilespmem:s17+$0x80B0]  }
0x37: {  	v7 =	vld [tilespmem:s17+$0x80D0]  }
0x38: {  	v8 =	vld [tilespmem:s17+$0x80E0]  }
0x39: {  	v11 =	vld [tilespmem:s17+$0x80C0]  }
0x3a: {  	v12 =	vld [tilespmem:s17+$0x8070]  }
0x3b: {  	v13 =	vld [tilespmem:s17+$0x8040]  }
0x3c: {  	v10 =	vld [tilespmem:s17+$0x8050]  }
0x3d: {  	v15 =	vld [tilespmem:s17+$0x8020]  }
0x3e: {  	v16 =	vld [tilespmem:s17+$0x8010]  }
0x3f: {  	v14 =	vld [tilespmem:s17+$0x8000]  }
0x40: {  	v17 =	vld [tilespmem:s17+$0x8080]  }
0x41: {  	v19 =	vld [tilespmem:s17+$0x80A0]  }
0x42: {  	v9 =	vmul.f32 v8, v8;
	v8 =	vld [tilespmem:s17+$0x80F0];
	v18 =	vmul.f32 v10, v10  }
0x43: {  	v21 =	vld [tilespmem:s17+$0x8090];
	v7 =	vmul.f32 v7, v7;
	v10 =	vmul.f32 v6, v6  }
0x44: {  	v20 =	vmul.f32 v13, v13;
	v22 =	vmul.f32 v12, v12  }
0x45: {  	s18 =	sand.u32 $0x1000, s3;
	s19 =	simm.s32 $0x0;
	v12 =	vmul.f32 v14, v14;
	v11 =	vmul.f32 v11, v11  }
0x46: {  	s22 =	sand.u32 $0x380, s19;
	s11 =	sor.u32 s11, s18;
	v14 =	vld [tilespmem:s17+$0x8060];
	v17 =	vmul.f32 v17, v17;
	v13 =	vmul.f32 v15, v15;
	v6 =	vadd.f32 v7, v18  }
0x47: {  	s11 =	sor.u32 s22, s11;
	v15 =	vld [tilespmem:s17+$0x8030];
	v7 =	vadd.f32 v11, v20;
	v18 =	vmul.f32 v16, v16;
	v8 =	vmul.f32 v8, v8  }
0x48: {  	v12 =	vadd.f32 v17, v12;
	v16 =	vmul.f32 v19, v19;
	v19 =	vmul.f32 v21, v21;
	[tilespmem:s11+$0x10050] =	vst v6  }
0x49: {  	s13 =	simm.s32 $0x1;
	s14 =	simm.s32 $0x0;
	v11 =	vshrl.u32 v6, $0x14;
	v17 =	vshrl.u32 v7, $0x14;
	[tilespmem:s11+$0x10040] =	vst v7;
	v8 =	vadd.f32 v8, v22  }
.LBB2_5:
0x4a: {  	p1 =	sne.s32 s13, $0x3F  }
0x4b: {  	v14 =	vmul.f32 v14, v14;
	v20 =	vshrl.u32 v12, $0x14;
	v17 =	vadd.s32 v2, v17;
	s14 =	sadd.s32 $0x80, s14;
	s0 =	smov.u32 s13;
	s13 =	sadd.s32 $0x1, s13  }
0x4c: {  	v18 =	vadd.f32 v19, v18;
	v15 =	vmul.f32 v15, v15;
	v19 =	vshrl.u32 v8, $0x14;
	[tilespmem:s11+$0x10070] =	vst v8  }
0x4d: {  	v13 =	vadd.f32 v16, v13;
	v9 =	vadd.f32 v9, v14;
	v14 =	vadd.s32 v2, v20;
	[tilespmem:s11+$0x10000] =	vst v12  }
0x4e: {  	v10 =	vadd.f32 v10, v15;
	v15 =	vshrl.u32 v18, $0x14;
	[tilespmem:s11+$0x10010] =	vst v18  }
0x4f: {  	v16 =	vshrl.u32 v13, $0x14;
	v19 =	vadd.s32 v2, v19;
	v15 =	vadd.s32 v2, v15;
	[tilespmem:s11+$0x10020] =	vst v13  }
0x50: {  	v16 =	vadd.s32 v2, v16;
	v20 =	vshrl.u32 v10, $0x14;
	[tilespmem:s11+$0x10030] =	vst v10  }
0x51: {  	v21 =	vshrl.u32 v9, $0x14;
	v20 =	vadd.s32 v2, v20;
	[tilespmem:s11+$0x10060] =	vst v9  }
0x52: {  	[tilespmem:v14+s21+$0x0] =	vst.idx.add.f32.msk $0xffff, v12  }
0x53: {  	v11 =	vadd.s32 v2, v11  }
0x54: {  	s11 =	sshll.u32 s0, $0xA;
	v12 =	vadd.s32 v2, v21;
	[tilespmem:v15+s21+$0x0] =	vst.idx.add.f32.msk $0xffff, v18  }
0x55: {  	s17 =	sshll.u32 s0, $0x8;
	s18 =	sand.u32 $0x1000, s14;
	s11 =	sand.u32 $0xC00, s11;
	[tilespmem:v16+s21+$0x0] =	vst.idx.add.f32.msk $0xffff, v13  }
0x56: {  	s17 =	sand.u32 $0x3FFFFC00, s17;
	s19 =	sshrl.u32 s11, $0x2;
	s11 =	sor.u32 s11, s18;
	[tilespmem:v20+s21+$0x0] =	vst.idx.add.f32.msk $0xffff, v10  }
0x57: {  	s17 =	sor.u32 s19, s17;
	[tilespmem:v17+s21+$0x0] =	vst.idx.add.f32.msk $0xffff, v7  }
0x58: {  	[tilespmem:v11+s21+$0x0] =	vst.idx.add.f32.msk $0xffff, v6  }
0x59: {  	[tilespmem:v12+s21+$0x0] =	vst.idx.add.f32.msk $0xffff, v9  }
0x5a: {  	[tilespmem:v19+s21+$0x0] =	vst.idx.add.f32.msk $0xffff, v8  }
0x5b: {  	v6 =	vld [tilespmem:s17+$0x80B0]  }
0x5c: {  	v7 =	vld [tilespmem:s17+$0x80D0]  }
0x5d: {  	v8 =	vld [tilespmem:s17+$0x80E0]  }
0x5e: {  	v11 =	vld [tilespmem:s17+$0x80C0]  }
0x5f: {  	v12 =	vld [tilespmem:s17+$0x8070]  }
0x60: {  	v13 =	vld [tilespmem:s17+$0x8040]  }
0x61: {  	v10 =	vld [tilespmem:s17+$0x8050]  }
0x62: {  	v16 =	vld [tilespmem:s17+$0x8020]  }
0x63: {  	v17 =	vld [tilespmem:s17+$0x8010]  }
0x64: {  	v15 =	vld [tilespmem:s17+$0x8000]  }
0x65: {  	v9 =	vmul.f32 v8, v8;
	v18 =	vld [tilespmem:s17+$0x8080]  }
0x66: {  	v7 =	vmul.f32 v7, v7;
	v8 =	vld [tilespmem:s17+$0x80F0];
	v19 =	vmul.f32 v10, v10  }
0x67: {  	v21 =	vmul.f32 v13, v13;
	v10 =	vmul.f32 v6, v6;
	v20 =	vld [tilespmem:s17+$0x80A0]  }
0x68: {  	s0 =	sshll.u32 s0, $0x5;
	v23 =	vmul.f32 v12, v12;
	v22 =	vld [tilespmem:s17+$0x8090]  }
.Ltmp1:
0x69: {  	s0 =	sand.u32 $0x380, s0;
	v11 =	vmul.f32 v11, v11;
	v6 =	vadd.f32 v7, v19;
	v14 =	vld [tilespmem:s17+$0x8060];
	v12 =	vmul.f32 v15, v15;
	(pc) =	sbr.rel @p1 .LBB2_5-.Ltmp1, $4  }
0x6a: {  	s11 =	sor.u32 s0, s11;
	v13 =	vmul.f32 v16, v16;
	v15 =	vld [tilespmem:s17+$0x8030];
	v18 =	vmul.f32 v18, v18  }
0x6b: {  	v7 =	vadd.f32 v11, v21;
	v11 =	vshrl.u32 v6, $0x14;
	v8 =	vmul.f32 v8, v8;
	[tilespmem:s11+$0x10050] =	vst v6  }
0x6c: {  	v12 =	vadd.f32 v18, v12;
	v18 =	vmul.f32 v17, v17;
	v16 =	vmul.f32 v20, v20  }
0x6d: {  	v17 =	vshrl.u32 v7, $0x14;
	v19 =	vmul.f32 v22, v22;
	v8 =	vadd.f32 v8, v23;
	[tilespmem:s11+$0x10040] =	vst v7  }
0x6e: {  	_ = 	snop  }
0x6f: {  	v18 =	vadd.f32 v19, v18;
	v15 =	vmul.f32 v15, v15  }
0x70: {  	v14 =	vmul.f32 v14, v14;
	v56 =	vshrl.u32 v12, $0x14;
	v13 =	vadd.f32 v16, v13;
	[tilespmem:s11+$0x10000] =	vst v12  }
0x71: {  	[tilespmem:s11+$0x10070] =	vst v8;
	v57 =	vadd.s32 v2, v56;
	v10 =	vadd.f32 v10, v15;
	v58 =	vshrl.u32 v18, $0x14  }
0x72: {  	v59 =	vshrl.u32 v13, $0x14;
	v9 =	vadd.f32 v9, v14;
	[tilespmem:s11+$0x10020] =	vst v13;
	v15 =	vadd.s32 v2, v58  }
0x73: {  	[tilespmem:s11+$0x10010] =	vst v18;
	v60 =	vadd.s32 v2, v59;
	v61 =	vshrl.u32 v10, $0x14  }
0x74: {  	[tilespmem:s11+$0x10060] =	vst v9;
	v19 =	vadd.s32 v2, v61  }
0x75: {  	v17 =	vadd.s32 v2, v17;
	[tilespmem:s11+$0x10030] =	vst v10  }
0x76: {  	v11 =	vadd.s32 v2, v11;
	v20 =	vshrl.u32 v9, $0x14;
	[tilespmem:v57+s21+$0x0] =	vst.idx.add.f32.msk $0xffff, v12  }
0x77: {  	v62 =	vshrl.u32 v8, $0x14;
	v63 =	vadd.s32 v2, v20;
	[tilespmem:v15+s21+$0x0] =	vst.idx.add.f32.msk $0xffff, v18  }
0x78: {  	v12 =	vadd.s32 v2, v62;
	[tilespmem:v60+s21+$0x0] =	vst.idx.add.f32.msk $0xffff, v13  }
0x79: {  	p1 =	sne.s32 s26, $0x7;
	[tilespmem:v19+s21+$0x0] =	vst.idx.add.f32.msk $0xffff, v10  }
.Ltmp2:
0x7a: {  	s0 =	sshll.u32 s26, $0xE;
	[tilespmem:v17+s21+$0x0] =	vst.idx.add.f32.msk $0xffff, v7;
	(pc) =	sbr.rel @p1 .LBB2_8-.Ltmp2, $4  }
0x7b: {  	s0 =	sadd.s32 s10, s0;
	[tilespmem:v11+s21+$0x0] =	vst.idx.add.f32.msk $0xffff, v6  }
0x7c: {  	s0 =	sshrl.u32 s0, $0x3;
	[tilespmem:v63+s21+$0x0] =	vst.idx.add.f32.msk $0xffff, v9  }
0x7d: {  	s22 =	simm.s32 $0x10000;
	s0 =	sadd.s32 s2, s0;
	[tilespmem:v12+s21+$0x0] =	vst.idx.add.f32.msk $0xffff, v8  }
0x7e: {  	[hbm4b:s0+s5] =	stream.linear.scatter [tilespmem:s22], [sflag:$0x5], $0x2000, $0x38;
	[tilespmem:$0x1D880] =	vst v63  }
.Ltmp3:
0x7f: {  	(pc) =	sbr.rel .LBB2_9-.Ltmp3, $4  }
0x80: {  	s0 =	simm.s32 $0x4  }
0x81: {  	_ =	swait.ge [sflag:s0], $0x4000  }
0x82: {  	[sflag:s0] =	ssyncset.done $0x0  }
0x83: {  	[sflag:s0] =	ssyncadd.s32 $0xFFFFC000  }
.LBB2_8:
0x84: {  	s0 =	sadd.s32 s12, s23  }
0x85: {  	s0 =	sshll.u32 s0, $0xA  }
0x86: {  	s0 =	sadd.s32 s6, s0  }
0x87: {  	s0 =	sshrl.u32 s0, $0x3  }
.Ltmp4:
0x88: {  	s22 =	simm.s32 $0x4;
	s0 =	sadd.s32 s20, s0;
	(pc) =	sbr.rel @p0 .LBB2_10-.Ltmp4, $4  }
0x89: {  	[tilespmem:s29], [sflag:$0x3] =	stream.linear.gather [hbm4b:s0+s5], $0x4000, $0x38;
	[tilespmem:$0x1D880] =	vst v63  }
0x8a: {  	_ =	swait.ge [sflag:s22], $0x4000  }
0x8b: {  	[sflag:s22] =	ssyncset.done $0x0  }
0x8c: {  	[sflag:s22] =	ssyncadd.s32 $0xFFFFC000  }
.LBB2_9:
0x8d: {  	_ =	swait.ge [sflag:s24], $0x2000  }
0x8e: {  	[sflag:s24] =	ssyncset.done $0x0  }
0x8f: {  	[sflag:s24] =	ssyncadd.s32 $0xFFFFE000  }
.LBB2_10:
0x90: {  	s0 =	simm.s32 $0x0  }
0x91: {  	s11 =	simm.s32 $0x0;
	s0 =	sand.u32 $0xC00, s0  }
0x92: {  	s11 =	sand.u32 $0x3FFFFC00, s11;
	s12 =	sshrl.u32 s0, $0x2  }
0x93: {  	s11 =	sor.u32 s12, s11  }
0x94: {  	v6 =	vld [tilespmem:s11+$0xC0B0]  }
0x95: {  	v7 =	vld [tilespmem:s11+$0xC0D0]  }
0x96: {  	v8 =	vld [tilespmem:s11+$0xC0E0]  }
0x97: {  	v11 =	vld [tilespmem:s11+$0xC0C0]  }
0x98: {  	v12 =	vld [tilespmem:s11+$0xC070]  }
0x99: {  	v13 =	vld [tilespmem:s11+$0xC040]  }
0x9a: {  	v10 =	vld [tilespmem:s11+$0xC050]  }
0x9b: {  	v15 =	vld [tilespmem:s11+$0xC020]  }
0x9c: {  	v16 =	vld [tilespmem:s11+$0xC010]  }
0x9d: {  	v14 =	vld [tilespmem:s11+$0xC000]  }
0x9e: {  	v17 =	vld [tilespmem:s11+$0xC080]  }
0x9f: {  	v19 =	vld [tilespmem:s11+$0xC0A0]  }
0xa0: {  	v9 =	vmul.f32 v8, v8;
	v8 =	vld [tilespmem:s11+$0xC0F0];
	v18 =	vmul.f32 v10, v10  }
0xa1: {  	v21 =	vld [tilespmem:s11+$0xC090];
	v7 =	vmul.f32 v7, v7;
	v10 =	vmul.f32 v6, v6  }
0xa2: {  	s12 =	simm.s32 $0x0;
	v20 =	vmul.f32 v13, v13;
	v22 =	vmul.f32 v12, v12  }
0xa3: {  	s14 =	simm.s32 $0x0;
	s13 =	sand.u32 $0x1000, s12;
	v12 =	vmul.f32 v14, v14;
	v11 =	vmul.f32 v11, v11  }
0xa4: {  	s22 =	sand.u32 $0x380, s14;
	s0 =	sor.u32 s0, s13;
	v14 =	vld [tilespmem:s11+$0xC060];
	v17 =	vmul.f32 v17, v17;
	v13 =	vmul.f32 v15, v15;
	v6 =	vadd.f32 v7, v18  }
0xa5: {  	v15 =	vld [tilespmem:s11+$0xC030];
	s11 =	sor.u32 s22, s0;
	v7 =	vadd.f32 v11, v20;
	v18 =	vmul.f32 v16, v16;
	v8 =	vmul.f32 v8, v8  }
0xa6: {  	v12 =	vadd.f32 v17, v12;
	v16 =	vmul.f32 v19, v19;
	v19 =	vmul.f32 v21, v21;
	[tilespmem:s11+$0x12050] =	vst v6  }
0xa7: {  	s26 =	sadd.s32 $0x1, s26;
	s13 =	simm.s32 $0x1;
	v11 =	vshrl.u32 v6, $0x14;
	v17 =	vshrl.u32 v7, $0x14;
	[tilespmem:s11+$0x12040] =	vst v7;
	v8 =	vadd.f32 v8, v22  }
.LBB2_11:
0xa8: {  	p0 =	sne.s32 s13, $0x3F  }
0xa9: {  	v14 =	vmul.f32 v14, v14;
	v20 =	vshrl.u32 v12, $0x14;
	v17 =	vadd.s32 v2, v17;
	s12 =	sadd.s32 $0x80, s12;
	s0 =	smov.u32 s13;
	s13 =	sadd.s32 $0x1, s13  }
0xaa: {  	v18 =	vadd.f32 v19, v18;
	v15 =	vmul.f32 v15, v15;
	v19 =	vshrl.u32 v8, $0x14;
	[tilespmem:s11+$0x12070] =	vst v8  }
0xab: {  	v13 =	vadd.f32 v16, v13;
	v9 =	vadd.f32 v9, v14;
	v14 =	vadd.s32 v2, v20;
	[tilespmem:s11+$0x12000] =	vst v12  }
0xac: {  	v10 =	vadd.f32 v10, v15;
	v15 =	vshrl.u32 v18, $0x14;
	[tilespmem:s11+$0x12010] =	vst v18  }
0xad: {  	v16 =	vshrl.u32 v13, $0x14;
	v19 =	vadd.s32 v2, v19;
	v15 =	vadd.s32 v2, v15;
	[tilespmem:s11+$0x12020] =	vst v13  }
0xae: {  	v16 =	vadd.s32 v2, v16;
	v20 =	vshrl.u32 v10, $0x14;
	[tilespmem:s11+$0x12030] =	vst v10  }
0xaf: {  	v21 =	vshrl.u32 v9, $0x14;
	v20 =	vadd.s32 v2, v20;
	[tilespmem:s11+$0x12060] =	vst v9  }
0xb0: {  	[tilespmem:v14+s21+$0x0] =	vst.idx.add.f32.msk $0xffff, v12  }
0xb1: {  	v11 =	vadd.s32 v2, v11  }
0xb2: {  	s11 =	sshll.u32 s0, $0xA;
	v12 =	vadd.s32 v2, v21;
	[tilespmem:v15+s21+$0x0] =	vst.idx.add.f32.msk $0xffff, v18  }
0xb3: {  	s14 =	sshll.u32 s0, $0x8;
	s17 =	sand.u32 $0x1000, s12;
	s11 =	sand.u32 $0xC00, s11;
	[tilespmem:v16+s21+$0x0] =	vst.idx.add.f32.msk $0xffff, v13  }
0xb4: {  	s14 =	sand.u32 $0x3FFFFC00, s14;
	s18 =	sshrl.u32 s11, $0x2;
	s11 =	sor.u32 s11, s17;
	[tilespmem:v20+s21+$0x0] =	vst.idx.add.f32.msk $0xffff, v10  }
0xb5: {  	s14 =	sor.u32 s18, s14;
	[tilespmem:v17+s21+$0x0] =	vst.idx.add.f32.msk $0xffff, v7  }
0xb6: {  	[tilespmem:v11+s21+$0x0] =	vst.idx.add.f32.msk $0xffff, v6  }
0xb7: {  	[tilespmem:v12+s21+$0x0] =	vst.idx.add.f32.msk $0xffff, v9  }
0xb8: {  	[tilespmem:v19+s21+$0x0] =	vst.idx.add.f32.msk $0xffff, v8  }
0xb9: {  	v6 =	vld [tilespmem:s14+$0xC0B0]  }
0xba: {  	v7 =	vld [tilespmem:s14+$0xC0D0]  }
0xbb: {  	v8 =	vld [tilespmem:s14+$0xC0E0]  }
0xbc: {  	v11 =	vld [tilespmem:s14+$0xC0C0]  }
0xbd: {  	v12 =	vld [tilespmem:s14+$0xC070]  }
0xbe: {  	v13 =	vld [tilespmem:s14+$0xC040]  }
0xbf: {  	v10 =	vld [tilespmem:s14+$0xC050]  }
0xc0: {  	v16 =	vld [tilespmem:s14+$0xC020]  }
0xc1: {  	v17 =	vld [tilespmem:s14+$0xC010]  }
0xc2: {  	v15 =	vld [tilespmem:s14+$0xC000]  }
0xc3: {  	v9 =	vmul.f32 v8, v8;
	v18 =	vld [tilespmem:s14+$0xC080]  }
0xc4: {  	v7 =	vmul.f32 v7, v7;
	v8 =	vld [tilespmem:s14+$0xC0F0];
	v19 =	vmul.f32 v10, v10  }
0xc5: {  	v21 =	vmul.f32 v13, v13;
	v10 =	vmul.f32 v6, v6;
	v20 =	vld [tilespmem:s14+$0xC0A0]  }
0xc6: {  	s0 =	sshll.u32 s0, $0x5;
	v23 =	vmul.f32 v12, v12;
	v22 =	vld [tilespmem:s14+$0xC090]  }
.Ltmp5:
0xc7: {  	s0 =	sand.u32 $0x380, s0;
	v11 =	vmul.f32 v11, v11;
	v6 =	vadd.f32 v7, v19;
	v14 =	vld [tilespmem:s14+$0xC060];
	v12 =	vmul.f32 v15, v15;
	(pc) =	sbr.rel @p0 .LBB2_11-.Ltmp5, $4  }
0xc8: {  	s11 =	sor.u32 s0, s11;
	v13 =	vmul.f32 v16, v16;
	v15 =	vld [tilespmem:s14+$0xC030];
	v18 =	vmul.f32 v18, v18  }
0xc9: {  	v7 =	vadd.f32 v11, v21;
	v11 =	vshrl.u32 v6, $0x14;
	v8 =	vmul.f32 v8, v8;
	[tilespmem:s11+$0x12050] =	vst v6  }
0xca: {  	v12 =	vadd.f32 v18, v12;
	v18 =	vmul.f32 v17, v17;
	v16 =	vmul.f32 v20, v20  }
0xcb: {  	v17 =	vshrl.u32 v7, $0x14;
	v19 =	vmul.f32 v22, v22;
	v8 =	vadd.f32 v8, v23;
	[tilespmem:s11+$0x12040] =	vst v7  }
0xcc: {  	_ = 	snop  }
0xcd: {  	v18 =	vadd.f32 v19, v18;
	v15 =	vmul.f32 v15, v15  }
0xce: {  	v14 =	vmul.f32 v14, v14;
	v56 =	vshrl.u32 v12, $0x14;
	v13 =	vadd.f32 v16, v13;
	[tilespmem:s11+$0x12000] =	vst v12  }
0xcf: {  	[tilespmem:s11+$0x12070] =	vst v8;
	v57 =	vadd.s32 v2, v56;
	v10 =	vadd.f32 v10, v15;
	v58 =	vshrl.u32 v18, $0x14  }
0xd0: {  	v59 =	vshrl.u32 v13, $0x14;
	v9 =	vadd.f32 v9, v14;
	[tilespmem:s11+$0x12020] =	vst v13;
	v15 =	vadd.s32 v2, v58  }
0xd1: {  	[tilespmem:s11+$0x12010] =	vst v18;
	v60 =	vadd.s32 v2, v59;
	v61 =	vshrl.u32 v10, $0x14  }
0xd2: {  	[tilespmem:s11+$0x12060] =	vst v9;
	v19 =	vadd.s32 v2, v61  }
0xd3: {  	v17 =	vadd.s32 v2, v17;
	[tilespmem:s11+$0x12030] =	vst v10  }
0xd4: {  	v11 =	vadd.s32 v2, v11;
	v20 =	vshrl.u32 v9, $0x14;
	[tilespmem:v57+s21+$0x0] =	vst.idx.add.f32.msk $0xffff, v12  }
0xd5: {  	v62 =	vshrl.u32 v8, $0x14;
	v63 =	vadd.s32 v2, v20;
	[tilespmem:v15+s21+$0x0] =	vst.idx.add.f32.msk $0xffff, v18  }
0xd6: {  	v12 =	vadd.s32 v2, v62;
	[tilespmem:v60+s21+$0x0] =	vst.idx.add.f32.msk $0xffff, v13  }
0xd7: {  	p0 =	sne.s32 s26, $0x8;
	[tilespmem:v19+s21+$0x0] =	vst.idx.add.f32.msk $0xffff, v10  }
.Ltmp6:
0xd8: {  	s0 =	sshll.u32 s28, $0x9;
	[tilespmem:v17+s21+$0x0] =	vst.idx.add.f32.msk $0xffff, v7;
	(pc) =	sbr.rel @p0 .LBB2_4-.Ltmp6, $4  }
0xd9: {  	s0 =	sadd.s32 s9, s0;
	[tilespmem:v11+s21+$0x0] =	vst.idx.add.f32.msk $0xffff, v6  }
0xda: {  	s0 =	sshrl.u32 s0, $0x3;
	[tilespmem:v63+s21+$0x0] =	vst.idx.add.f32.msk $0xffff, v9  }
0xdb: {  	s28 =	simm.s32 $0x12000;
	s0 =	sadd.s32 s2, s0;
	[tilespmem:v12+s21+$0x0] =	vst.idx.add.f32.msk $0xffff, v8  }
0xdc: {  	[hbm4b:s0+s5] =	stream.linear.scatter [tilespmem:s28], [sflag:$0x6], $0x2000, $0x38;
	[tilespmem:$0x1D880] =	vst v63  }
0xdd: {  	s0 =	simm.s32 $0x5  }
0xde: {  	_ =	swait.ge [sflag:s0], $0x2000  }
0xdf: {  	[sflag:s0] =	ssyncset.done $0x0  }
0xe0: {  	[sflag:s0] =	ssyncadd.s32 $0xFFFFE000  }
0xe1: {  	_ =	swait.ge [sflag:s24], $0x2000  }
0xe2: {  	[sflag:s24] =	ssyncset.done $0x0  }
0xe3: {  	s12 =	simm.s32 $0x0;
	[sflag:s24] =	ssyncadd.s32 $0xFFFFE000  }
0xe4: {  	v6 =	vld [tilespmem:s12+$0x14000]  }
0xe5: {  	v7 =	vld [tilespmem:s12+$0x14801];
	_ =	sdelay $0x1  }
0xe6: {  	v8 =	vld [tilespmem:s12+$0x15002];
	_ =	sdelay $0x1  }
0xe7: {  	v9 =	vld [tilespmem:s12+$0x15803]  }
0xe8: {  	v6 =	vadd.f32 v7, v6  }
0xe9: {  	v7 =	vld [tilespmem:s12+$0x16004]  }
0xea: {  	v6 =	vadd.f32 v8, v6  }
0xeb: {  	v8 =	vld [tilespmem:s12+$0x16805]  }
0xec: {  	v6 =	vadd.f32 v9, v6  }
0xed: {  	v9 =	vld [tilespmem:s12+$0x17006]  }
0xee: {  	v6 =	vadd.f32 v7, v6  }
0xef: {  	v7 =	vld [tilespmem:s12+$0x17807]  }
0xf0: {  	s3 =	simm.s32 $0x10;
	v10 =	vld [tilespmem:s12+$0x18008];
	v6 =	vadd.f32 v8, v6  }
0xf1: {  	v11 =	vld [tilespmem:s3+$0x14000]  }
0xf2: {  	v8 =	vld [tilespmem:s12+$0x18809];
	v6 =	vadd.f32 v9, v6  }
0xf3: {  	v9 =	vld [tilespmem:s3+$0x14801]  }
0xf4: {  	v12 =	vld [tilespmem:s3+$0x15002];
	v6 =	vadd.f32 v7, v6  }
0xf5: {  	v7 =	vld [tilespmem:s12+$0x1900A]  }
0xf6: {  	v13 =	vld [tilespmem:s3+$0x15803];
	v6 =	vadd.f32 v10, v6  }
0xf7: {  	v10 =	vld [tilespmem:s12+$0x1980B]  }
0xf8: {  	v9 =	vadd.f32 v9, v11;
	v11 =	vld [tilespmem:s3+$0x16004];
	v6 =	vadd.f32 v8, v6  }
0xf9: {  	v8 =	vld [tilespmem:s12+$0x1A00C]  }
0xfa: {  	v9 =	vadd.f32 v12, v9;
	v12 =	vld [tilespmem:s3+$0x16805];
	v6 =	vadd.f32 v7, v6  }
0xfb: {  	v7 =	vld [tilespmem:s12+$0x1A80D]  }
0xfc: {  	v14 =	vld [tilespmem:s3+$0x17006];
	v9 =	vadd.f32 v13, v9;
	v6 =	vadd.f32 v10, v6  }
0xfd: {  	v13 =	vld [tilespmem:s12+$0x1B00E]  }
0xfe: {  	v10 =	vadd.f32 v11, v9;
	v9 =	vld [tilespmem:s3+$0x17807];
	v11 =	vadd.f32 v8, v6  }
0xff: {  	v8 =	vld [tilespmem:s12+$0x1B80F]  }
0x100: {  	v6 =	vld [tilespmem:s3+$0x18809];
	v12 =	vadd.f32 v12, v10;
	v15 =	vadd.f32 v7, v11  }
0x101: {  	s0 =	simm.s32 $0x20;
	v10 =	vld [tilespmem:s3+$0x18008]  }
0x102: {  	s11 =	simm.s32 $0xC0;
	v7 =	vld [tilespmem:s0+$0x14000];
	v11 =	vadd.f32 v14, v12;
	v12 =	vadd.f32 v13, v15  }
.LBB2_14:
0x103: {  	p0 =	sne.s32 s11, $0x1FC0;
	v13 =	vld [tilespmem:s0+$0x14801]  }
0x104: {  	v9 =	vadd.f32 v9, v11;
	v11 =	vld [tilespmem:s3+$0x1900A];
	v8 =	vadd.f32 v8, v12  }
0x105: {  	v12 =	vld [tilespmem:s0+$0x15002]  }
0x106: {  	v9 =	vadd.f32 v10, v9;
	v10 =	vld [tilespmem:s3+$0x1980B];
	[tilespmem:s12+$0x1C080] =	vst v8;
	s12 =	smov.u32 s3;
	s3 =	smov.u32 s0  }
0x107: {  	v8 =	vld [tilespmem:s3+$0x15803]  }
0x108: {  	v7 =	vadd.f32 v13, v7;
	v6 =	vadd.f32 v6, v9;
	v9 =	vld [tilespmem:s12+$0x1A00C]  }
0x109: {  	v13 =	vld [tilespmem:s3+$0x16004]  }
0x10a: {  	v7 =	vadd.f32 v12, v7;
	v6 =	vadd.f32 v11, v6;
	v11 =	vld [tilespmem:s12+$0x1A80D]  }
0x10b: {  	v12 =	vld [tilespmem:s3+$0x16805]  }
0x10c: {  	v7 =	vadd.f32 v8, v7;
	v6 =	vadd.f32 v10, v6;
	v14 =	vld [tilespmem:s12+$0x1B00E]  }
0x10d: {  	v15 =	vld [tilespmem:s3+$0x17006]  }
.Ltmp7:
0x10e: {  	v7 =	vadd.f32 v13, v7;
	v10 =	vadd.f32 v9, v6;
	v8 =	vld [tilespmem:s12+$0x1B80F];
	(pc) =	sbr.rel @p0 .LBB2_14-.Ltmp7, $4  }
0x10f: {  	v9 =	vld [tilespmem:s3+$0x17807]  }
0x110: {  	v12 =	vadd.f32 v12, v7;
	v6 =	vld [tilespmem:s3+$0x18809];
	v13 =	vadd.f32 v11, v10  }
0x111: {  	s0 =	sshra.s32 s11, $0x2;
	v10 =	vld [tilespmem:s3+$0x18008]  }
0x112: {  	s11 =	sadd.s32 $0x40, s11;
	v7 =	vld [tilespmem:s0+$0x14000];
	v11 =	vadd.f32 v15, v12;
	v12 =	vadd.f32 v14, v13  }
0x113: {  	v13 =	vld [tilespmem:s0+$0x14801]  }
0x114: {  	v14 =	vld [tilespmem:s3+$0x1900A];
	v8 =	vadd.f32 v8, v12  }
0x115: {  	v52 =	vld [tilespmem:s0+$0x15002]  }
0x116: {  	v15 =	vld [tilespmem:s3+$0x1980B];
	v9 =	vadd.f32 v9, v11;
	[tilespmem:s12+$0x1C080] =	vst v8  }
0x117: {  	v8 =	vld [tilespmem:s0+$0x15803]  }
0x118: {  	v9 =	vadd.f32 v10, v9;
	v7 =	vadd.f32 v13, v7  }
0x119: {  	v53 =	vld [tilespmem:s0+$0x16004]  }
0x11a: {  	v54 =	vld [tilespmem:s3+$0x1A00C];
	v6 =	vadd.f32 v6, v9;
	v7 =	vadd.f32 v52, v7  }
0x11b: {  	v55 =	vld [tilespmem:s0+$0x16805]  }
0x11c: {  	v56 =	vld [tilespmem:s3+$0x1A80D];
	v6 =	vadd.f32 v14, v6;
	v7 =	vadd.f32 v8, v7  }
0x11d: {  	v8 =	vld [tilespmem:s0+$0x17006]  }
0x11e: {  	v57 =	vld [tilespmem:s3+$0x1B00E];
	v6 =	vadd.f32 v15, v6;
	v7 =	vadd.f32 v53, v7  }
0x11f: {  	v58 =	vld [tilespmem:s0+$0x17807]  }
0x120: {  	v59 =	vld [tilespmem:s3+$0x1B80F];
	v6 =	vadd.f32 v54, v6;
	v7 =	vadd.f32 v55, v7  }
0x121: {  	v60 =	vld [tilespmem:s0+$0x18008]  }
0x122: {  	v6 =	vadd.f32 v56, v6;
	v7 =	vadd.f32 v8, v7  }
0x123: {  	v8 =	vld [tilespmem:s0+$0x18809]  }
0x124: {  	v6 =	vadd.f32 v57, v6;
	v7 =	vadd.f32 v58, v7  }
0x125: {  	v61 =	vld [tilespmem:s0+$0x1900A]  }
0x126: {  	v6 =	vadd.f32 v59, v6;
	v7 =	vadd.f32 v60, v7  }
0x127: {  	v62 =	vld [tilespmem:s0+$0x1980B]  }
0x128: {  	[tilespmem:s3+$0x1C080] =	vst v6;
	v6 =	vadd.f32 v8, v7  }
0x129: {  	v7 =	vld [tilespmem:s0+$0x1A00C]  }
0x12a: {  	v6 =	vadd.f32 v61, v6  }
0x12b: {  	v8 =	vld [tilespmem:s0+$0x1A80D]  }
0x12c: {  	v6 =	vadd.f32 v62, v6  }
0x12d: {  	v63 =	vld [tilespmem:s0+$0x1B00E]  }
0x12e: {  	v6 =	vadd.f32 v7, v6  }
0x12f: {  	v7 =	vld [tilespmem:s0+$0x1B80F]  }
0x130: {  	v6 =	vadd.f32 v8, v6;
	_ =	sdelay $0x1  }
0x131: {  	v6 =	vadd.f32 v63, v6;
	_ =	sdelay $0x1  }
0x132: {  	v6 =	vadd.f32 v7, v6  }
0x133: {  	s26 =	rddreg [dreg:$0x8];
	s28 =	simm.s32 $0x80  }
0x134: {  	s11 =	simm.s32 $0x400;
	s29 =	simm.s32 $0x1C080;
	s30 =	simm.s32 $0x7;
	[tilespmem:s0+$0x1C080] =	vst v6  }
0x135: {  	[spmem:s26] =	stream.strided.scatter [tilespmem:s29], [sflag:$0x7], $0x800, s11, s28, $0x38;
	[tilespmem:$0x1D880] =	vst v63  }
0x136: {  	_ =	swait.ge [sflag:s30], $0x800  }
0x137: {  	[sflag:s30] =	ssyncset.done $0x0  }
0x138: {  	[sflag:s30] =	ssyncadd.s32 $0xFFFFF800  }
0x139: {  	[bflag:$0x0] =	sbarrier.arrive $0xFFFF  }
0x13a: {  	s13 =	simm.s32 $0x1C880;
	s31 =	rddreg [dreg:$0x9]  }
0x13b: {  	[tilespmem:s13], [sflag:$0x7] =	stream.strided.gather [spmem:s31], $0x800, s11, s28, $0x38;
	[tilespmem:$0x1D880] =	vst v63  }
0x13c: {  	_ =	swait.ge [sflag:s30], $0x800  }
0x13d: {  	[sflag:s30] =	ssyncset.done $0x0  }
0x13e: {  	[sflag:s30] =	ssyncadd.s32 $0xFFFFF800  }
0x13f: {  	s0 =	simm.s32 $0x0;
	[bflag:$0x0] =	sbarrier.arrive $0xFFFF  }
0x140: {  	s3 =	simm.s32 $0x0;
	s11 =	simm.s32 $0x40;
	v6 =	vld [tilespmem:s0+$0x1C880]  }
.LBB2_16:
0x141: {  	p0 =	sne.s32 s11, $0x1FC0;
	v7 =	vld [tilespmem:s3+$0x1C080];
	_ =	sdelay $0x2  }
.Ltmp8:
0x142: {  	(pc) =	sbr.rel @p0 .LBB2_16-.Ltmp8, $4  }
0x143: {  	_ = 	snop  }
0x144: {  	v7 =	vadd.f32 v6, v7  }
0x145: {  	s12 =	sshra.s32 s11, $0x2  }
0x146: {  	s11 =	sadd.s32 $0x40, s11;
	v6 =	vld [tilespmem:s12+$0x1C880];
	[tilespmem:s3+$0x1C080] =	vst v7;
	s3 =	smov.u32 s12  }
0x147: {  	v7 =	vld [tilespmem:s3+$0x1C080];
	_ =	sdelay $0x4  }
0x148: {  	v6 =	vadd.f32 v6, v7;
	_ =	sdelay $0x1  }
0x149: {  	[tilespmem:s3+$0x1C080] =	vst v6  }
0x14a: {  	v6 =	vld [tilespmem:s0+$0x1C080]  }
0x14b: {  	s29 =	simm.s32 $0x10  }
0x14c: {  	s30 =	simm.s32 $0x20;
	v7 =	vld [tilespmem:s29+$0x1C080]  }
0x14d: {  	v8 =	vld [tilespmem:s30+$0x1C080];
	_ =	sdelay $0x1  }
0x14e: {  	(xrf2) =	vadd.scan.msk.f32 $0xffff, v6;
	_ =	sdelay $0x1  }
0x14f: {  	(xrf2) =	vadd.scan.msk.f32 $0xffff, v7  }
0x150: {  	(xrf2) =	vadd.scan.msk.f32 $0xffff, v8;
	_ =	sdelay $0x6  }
0x151: {  	v7, _, _ =	vpop (xrf2)  }
0x152: {  	(v2sf) =	vpush v7, $0xF  }
0x153: {  	s31 =	simm.s32 $0x30;
	v7, _, _ =	vpop (xrf2)  }
0x154: {  	v6 =	vld [tilespmem:s31+$0x1C080];
	(v2sf) =	vpush v7, $0xF;
	v7, _, _ =	vpop (xrf2)  }
0x155: {  	(v2sf) =	vpush v7, $0xF;
	_ =	sdelay $0x3  }
0x156: {  	s11 =	simm.s32 $0x40;
	(xrf2) =	vadd.scan.msk.f32 $0xffff, v6  }
0x157: {  	v6 =	vld [tilespmem:s11+$0x1C080];
	_ =	sdelay $0x3  }
0x158: {  	s3 =	simm.s32 $0x140;
	s0 =	simm.f32 $0.0e+00  }
.LBB2_18:
0x159: {  	s11 =	sshra.s32 s3, $0x2;
	p0 =	sne.s32 s3, $0x1FC0;
	s3 =	sadd.s32 $0x40, s3;
	(xrf2) =	vadd.scan.msk.f32 $0xffff, v6  }
.Ltmp9:
0x15a: {  	v6 =	vld [tilespmem:s11+$0x1C080];
	(pc) =	sbr.rel @p0 .LBB2_18-.Ltmp9, $4  }
0x15b: {  	s11 =	spop (v2sf)  }
0x15c: {  	s0 =	sadd.f32 s11, s0  }
0x15d: {  	v7, _, _ =	vpop (xrf2)  }
0x15e: {  	(v2sf) =	vpush v7, $0xF  }
0x15f: {  	(xrf2) =	vadd.scan.msk.f32 $0xffff, v6;
	_ =	sdelay $0x4  }
0x160: {  	s3 =	simm.s32 $0x1C870  }
0x161: {  	v7 =	vld [tilespmem:s3+$0x0];
	_ =	sdelay $0x1  }
0x162: {  	v6, _, _ =	vpop (xrf2)  }
0x163: {  	(v2sf) =	vpush v6, $0xF  }
0x164: {  	s26 =	simm.s32 $0x1C860;
	v6, _, _ =	vpop (xrf2)  }
0x165: {  	s11 =	simm.s32 $0x7F0;
	v8 =	vld [tilespmem:s26+$0x0];
	(xrf2) =	vadd.scan.msk.f32 $0xffff, v7;
	(v2sf) =	vpush v6, $0xF  }
0x166: {  	v9 =	vor.u32 s11, v3;
	vm1 =	vgt.f32 v7, $0.0e+00  }
0x167: {  	v6 =	vnsel vm1, $0x7FFFFFFF, v9  }
0x168: {  	(xrf0) =	vmax.scan.msk.u32 $0xffff, v6  }
0x169: {  	s6 =	simm.s32 $0x7E0  }
0x16a: {  	s12 =	simm.s32 $0x1C850;
	v12 =	vor.u32 s6, v3;
	(xrf2) =	vadd.scan.msk.f32 $0xffff, v8;
	vm1 =	vgt.f32 v8, $0.0e+00  }
0x16b: {  	v13 =	vld [tilespmem:s12+$0x0];
	v6 =	vnsel vm1, $0x7FFFFFFF, v12  }
0x16c: {  	s31 =	spop (v2sf)  }
0x16d: {  	s0 =	sadd.f32 s31, s0;
	(xrf0) =	vmax.scan.msk.u32 $0xffff, v6  }
0x16e: {  	s13 =	spop (v2sf);
	v6, _, _ =	vpop (xrf0)  }
0x16f: {  	s0 =	sadd.f32 s13, s0;
	s14 =	spop (v2sf);
	(v2sf) =	vpush v6, $0xF;
	v6, _, _ =	vpop (xrf2)  }
0x170: {  	s18 =	simm.s32 $0x7D0;
	(xrf2) =	vadd.scan.msk.f32 $0xffff, v13;
	(v2sf) =	vpush v6, $0xF  }
0x171: {  	v14 =	vor.u32 s18, v3;
	vm1 =	vgt.f32 v13, $0.0e+00;
	s0 =	sadd.f32 s14, s0  }
0x172: {  	s19 =	simm.s32 $0x1C840;
	v10 =	vnsel vm1, $0x7FFFFFFF, v14;
	s17 =	spop (v2sf)  }
0x173: {  	v15 =	vld [tilespmem:s19+$0x0];
	(xrf0) =	vmax.scan.msk.u32 $0xffff, v10;
	v11, _, _ =	vpop (xrf0);
	s0 =	sadd.f32 s17, s0  }
0x174: {  	v10 =	vbroadcast v6, $0xF;
	(v2sf) =	vpush v11, $0xF;
	v11, _, _ =	vpop (xrf2);
	s20 =	spop (v2sf)  }
0x175: {  	(v2sf) =	vpush v11, $0xF;
	s0 =	sadd.f32 s20, s0  }
0x176: {  	s22 =	simm.f32 $0.0e+00;
	v6 =	vsub.f32 v10, v6  }
0x177: {  	s23 =	simm.s32 $0x7C0;
	s25 =	simm.s32 $0x1C830;
	s0 =	sadd.f32 $1.000000010e-10, s0  }
0x178: {  	v16 =	vor.u32 s23, v3;
	s26 =	sadd.f32 $0.0e+00, s22;
	v17 =	vld [tilespmem:s25+$0x0];
	vm1 =	vgt.f32 v15, $0.0e+00;
	v6 =	vadd.f32 v6, v7  }
0x179: {  	v7 =	vnsel vm1, $0x7FFFFFFF, v16;
	v10, _, _ =	vpop (xrf0);
	s0 =	smul.f32 $8.999999760e-01, s0  }
0x17a: {  	v18, _, _ =	vpop (xrf2);
	(xrf0) =	vmax.scan.msk.u32 $0xffff, v7;
	(v2sf) =	vpush v10, $0xF;
	v7 =	vadd.f32 s26, v6  }
0x17b: {  	(xrf2) =	vadd.scan.msk.f32 $0xffff, v15;
	(v2sf) =	vpush v18, $0xF;
	v6 =	vmov s0  }
0x17c: {  	s31 =	simm.s32 $0x7B0;
	vm1 =	vgt.f32 v7, v6  }
0x17d: {  	v7 =	vor.u32 s31, v3;
	v9 =	vnsel vm1, $0x7FFFFFFF, v9;
	vm1 =	vgt.f32 v17, $0.0e+00  }
0x17e: {  	[dreg:$0xe] =	wrdreg s0;
	s0 =	spop (v2sf);
	v10 =	vnsel vm1, $0x7FFFFFFF, v7;
	(xrf0) =	vmax.scan.msk.u32 $0xffff, v9;
	v9 =	vbroadcast v11, $0xF  }
0x17f: {  	s6 =	spop (v2sf)  }
0x180: {  	s3 =	sadd.f32 s6, s22;
	v9 =	vsub.f32 v9, v11  }
0x181: {  	(xrf0) =	vmax.scan.msk.u32 $0xffff, v10;
	v10, _, _ =	vpop (xrf0)  }
0x182: {  	s12 =	simm.s32 $0x1C820;
	s13 =	sadd.f32 $0.0e+00, s3;
	(v2sf) =	vpush v10, $0xF;
	v8 =	vadd.f32 v9, v8  }
0x183: {  	v10 =	vld [tilespmem:s12+$0x0];
	s12 =	spop (v2sf);
	v9 =	vbroadcast v18, $0xF  }
0x184: {  	v8 =	vadd.f32 s13, v8;
	s13 =	spop (v2sf)  }
0x185: {  	(xrf2) =	vadd.scan.msk.f32 $0xffff, v17;
	v19, _, _ =	vpop (xrf2);
	v9 =	vsub.f32 v9, v18;
	s3 =	sadd.f32 s13, s3  }
0x186: {  	s14 =	simm.s32 $0x1C810;
	(v2sf) =	vpush v19, $0xF;
	v11, _, _ =	vpop (xrf0)  }
0x187: {  	s17 =	simm.s32 $0x7A0;
	(v2sf) =	vpush v11, $0xF;
	v11 =	vld [tilespmem:s14+$0x0];
	vm1 =	vgt.f32 v8, v6;
	v9 =	vadd.f32 v9, v13;
	s18 =	sadd.f32 $0.0e+00, s3  }
0x188: {  	v8 =	vor.u32 s17, v3;
	(xrf2) =	vadd.scan.msk.f32 $0xffff, v10;
	v12 =	vnsel vm1, $0x7FFFFFFF, v12  }
0x189: {  	s13 =	spop (v2sf);
	vm1 =	vgt.f32 v10, $0.0e+00;
	(xrf0) =	vmax.scan.msk.u32 $0xffff, v12;
	v12 =	vbroadcast v19, $0xF;
	v9 =	vadd.f32 s18, v9  }
0x18a: {  	v20, _, _ =	vpop (xrf0);
	s19 =	spop (v2sf);
	v13 =	vnsel vm1, $0x7FFFFFFF, v8  }
0x18b: {  	s14 =	simm.s32 $0x790;
	(v2sf) =	vpush v20, $0xF;
	s3 =	sadd.f32 s19, s3;
	(xrf0) =	vmax.scan.msk.u32 $0xffff, v13;
	v12 =	vsub.f32 v12, v19;
	vm1 =	vgt.f32 v9, v6  }
0x18c: {  	v9 =	vor.u32 s14, v3;
	v13 =	vnsel vm1, $0x7FFFFFFF, v14;
	vm1 =	vgt.f32 v11, $0.0e+00  }
0x18d: {  	s22 =	sadd.f32 $0.0e+00, s3;
	v15 =	vadd.f32 v12, v15;
	v14 =	vnsel vm1, $0x7FFFFFFF, v9;
	(xrf0) =	vmax.scan.msk.u32 $0xffff, v13  }
0x18e: {  	(xrf0) =	vmax.scan.msk.u32 $0xffff, v14  }
0x18f: {  	v18 =	vadd.f32 s22, v15;
	v13, _, _ =	vpop (xrf2)  }
0x190: {  	(xrf2) =	vadd.scan.msk.f32 $0xffff, v11;
	v14, _, _ =	vpop (xrf0);
	(v2sf) =	vpush v13, $0xF  }
0x191: {  	s14 =	spop (v2sf);
	v15, _, _ =	vpop (xrf0);
	(v2sf) =	vpush v14, $0xF  }
0x192: {  	s20 =	simm.s32 $0x1C800;
	(v2sf) =	vpush v15, $0xF;
	v15, _, _ =	vpop (xrf2)  }
0x193: {  	v12 =	vld [tilespmem:s20+$0x0];
	vm1 =	vgt.f32 v18, v6;
	(v2sf) =	vpush v15, $0xF;
	v18, _, _ =	vpop (xrf0)  }
0x194: {  	v19 =	vbroadcast v13, $0xF;
	v63, _, _ =	vpop (xrf0);
	(v2sf) =	vpush v18, $0xF  }
0x195: {  	s23 =	spop (v2sf);
	(v2sf) =	vpush v63, $0xF  }
0x196: {  	v14 =	vsub.f32 v19, v13;
	s19 =	sadd.f32 s23, s3  }
0x197: {  	s30 =	simm.s32 $0x770;
	s25 =	simm.s32 $0x780;
	s11 =	simm.s32 $0x1C7F0;
	v16 =	vnsel vm1, $0x7FFFFFFF, v16  }
0x198: {  	s26 =	simm.s32 $0xFFFFFFFF;
	s29 =	sxor.u32 $0x80000000, s0;
	vm1 =	vgt.f32 v12, $0.0e+00;
	(xrf2) =	vadd.scan.msk.f32 $0xffff, v12;
	v13 =	vor.u32 s25, v3;
	v17 =	vadd.f32 v14, v17;
	s31 =	sadd.f32 $0.0e+00, s19  }
0x199: {  	p0 =	slt.s32 s29, $0xFFFFFFFF;
	s17 =	simm.s32 $0x760;
	(xrf0) =	vmax.scan.msk.u32 $0xffff, v16;
	v19 =	vnsel vm1, $0x7FFFFFFF, v13;
	s18 =	spop (v2sf)  }
0x19a: {  	s3 =	simm.s32 $0xFFFFFFFF;
	v14 =	vld [tilespmem:s11+$0x0];
	(xrf0) =	vmax.scan.msk.u32 $0xffff, v19;
	v16, _, _ =	vpop (xrf2);
	s28 =	spop (v2sf);
	s18 =	sxor.u32 $0x80000000, s18;
	v17 =	vadd.f32 s31, v17  }
.LBB2_20:
0x19b: {  	s0 =	smov.u32 s3  }
0x19c: {  	s22 =	smov.u32 s26;
	p2 =	sgt.s32 s26, s18;
	s3 =	smov.u32 s29  }
0x19d: {  	s25 =	sadd.s32 $0xFFFFFFF0, s17;
	s31 =	smov.u32 s13;
	s13 =	smov.u32 s14  }
0x19e: {  	v18 =	vbroadcast v15, $0xF;
	s26 =	smov.u32 s18;
	(v2sf) =	vpush v16, $0xF;
	s3 =	smov.u32 @p0 s0;
	s0 =	smov.u32 s17  }
0x19f: {  	p1 =	sne.s32 s17, $0x0;
	vm1 =	vgt.f32 v17, v6;
	s26 =	smov.u32 @p2 s22;
	s14 =	spop (v2sf)  }
.Ltmp10:
0x1a0: {  	v17 =	vsub.f32 v18, v15;
	v18 =	vnsel vm1, $0x7FFFFFFF, v7;
	v7 =	vmovc v8;
	v8 =	vmovc v9;
	v9 =	vmov v13;
	s19 =	sadd.f32 s14, s19;
	s14 =	smov.u32 s28;
	(pc) =	sbr.rel @p1 .LBB2_20-.Ltmp10, $4  }
0x1a1: {  	v13 =	vor.u32 s30, v3;
	v15 =	vmov v16;
	s30 =	smov.u32 s0;
	vm1 =	vgt.f32 v14, $0.0e+00;
	(xrf2) =	vadd.scan.msk.f32 $0xffff, v14;
	v19, _, _ =	vpop (xrf0)  }
0x1a2: {  	s11 =	sadd.s32 $0xFFFFFFF0, s11;
	s29 =	sxor.u32 $0x80000000, s12;
	v21 =	vnsel vm1, $0x7FFFFFFF, v13;
	v17 =	vadd.f32 v17, v10;
	v20, _, _ =	vpop (xrf0);
	s0 =	sadd.f32 $0.0e+00, s19;
	(xrf0) =	vmax.scan.msk.u32 $0xffff, v18;
	(v2sf) =	vpush v19, $0xF  }
0x1a3: {  	s12 =	smov.u32 s31;
	p0 =	sgt.s32 s3, s29;
	v10 =	vmovc v11;
	v11 =	vmov v12;
	v12 =	vmov v14;
	(xrf0) =	vmax.scan.msk.u32 $0xffff, v21;
	(v2sf) =	vpush v20, $0xF;
	s17 =	spop (v2sf);
	v14 =	vld [tilespmem:s11+$0x0]  }
0x1a4: {  	v16, _, _ =	vpop (xrf2);
	v17 =	vadd.f32 s0, v17;
	s28 =	spop (v2sf);
	s18 =	sxor.u32 $0x80000000, s17;
	s17 =	smov.u32 s25  }
0x1a5: {  	_ =	sdelay $0x3  }
0x1a6: {  	(v2sf) =	vpush v16, $0xF;
	v18, _, _ =	vpop (xrf0)  }
0x1a7: {  	v19, _, _ =	vpop (xrf0);
	(v2sf) =	vpush v18, $0xF  }
0x1a8: {  	(v2sf) =	vpush v19, $0xF;
	v57, _, _ =	vpop (xrf2)  }
0x1a9: {  	(v2sf) =	vpush v57, $0xF;
	_ =	sdelay $0x4  }
0x1aa: {  	(xrf2) =	vadd.scan.msk.f32 $0xffff, v14  }
0x1ab: {  	s0 =	spop (v2sf)  }
0x1ac: {  	s17 =	spop (v2sf)  }
0x1ad: {  	s31 =	spop (v2sf)  }
0x1ae: {  	s11 =	sadd.f32 s0, s19;
	s22 =	spop (v2sf)  }
0x1af: {  	v58 =	vbroadcast v15, $0xF;
	s19 =	spop (v2sf)  }
0x1b0: {  	s25 =	sadd.f32 s22, s11;
	s0 =	spop (v2sf)  }
0x1b1: {  	v20 =	vbroadcast v16, $0xF;
	v15 =	vsub.f32 v58, v15;
	s6 =	sadd.f32 $0.0e+00, s11;
	s23 =	spop (v2sf)  }
0x1b2: {  	v59 =	vor.u32 s30, v3;
	v60 =	vbroadcast v57, $0xF;
	s30 =	sadd.f32 $0.0e+00, s25;
	s22 =	spop (v2sf)  }
0x1b3: {  	vm1 =	vgt.f32 v17, v6;
	v16 =	vsub.f32 v20, v16;
	v10 =	vadd.f32 v15, v10;
	s25 =	sadd.f32 s23, s25;
	s20 =	spop (v2sf)  }
0x1b4: {  	v7 =	vnsel vm1, $0x7FFFFFFF, v7;
	vm1 =	vgt.f32 v14, $0.0e+00;
	v15 =	vsub.f32 v60, v57;
	v61, _, _ =	vpop (xrf2);
	s23 =	spop (v2sf)  }
0x1b5: {  	v11 =	vadd.f32 v16, v11;
	v10 =	vadd.f32 s6, v10;
	v62 =	vbroadcast v61, $0xF;
	s6 =	sadd.f32 s23, s25  }
0x1b6: {  	(xrf0) =	vmax.scan.msk.u32 $0xffff, v7;
	v63 =	vnsel vm1, $0x7FFFFFFF, v59;
	v7 =	vadd.f32 v15, v12;
	s25 =	sadd.f32 $0.0e+00, s25  }
0x1b7: {  	(xrf0) =	vmax.scan.msk.u32 $0xffff, v63;
	vm1 =	vgt.f32 v10, v6;
	v11 =	vadd.f32 s30, v11;
	v10 =	vsub.f32 v62, v61  }
0x1b8: {  	v8 =	vnsel vm1, $0x7FFFFFFF, v8;
	v7 =	vadd.f32 s25, v7  }
0x1b9: {  	(xrf0) =	vmax.scan.msk.u32 $0xffff, v8;
	vm1 =	vgt.f32 v11, v6;
	v8 =	vadd.f32 v10, v14;
	s6 =	sadd.f32 $0.0e+00, s6  }
0x1ba: {  	v9 =	vnsel vm1, $0x7FFFFFFF, v9  }
0x1bb: {  	(xrf0) =	vmax.scan.msk.u32 $0xffff, v9;
	v8 =	vadd.f32 s6, v8;
	vm1 =	vgt.f32 v7, v6  }
0x1bc: {  	v9 =	vnsel vm1, $0x7FFFFFFF, v13;
	v7, _, _ =	vpop (xrf0)  }
0x1bd: {  	(xrf0) =	vmax.scan.msk.u32 $0xffff, v9;
	vm1 =	vgt.f32 v8, v6;
	v10, _, _ =	vpop (xrf0);
	(v2sf) =	vpush v7, $0xF  }
0x1be: {  	v7 =	vnsel vm1, $0x7FFFFFFF, v59;
	(v2sf) =	vpush v10, $0xF  }
0x1bf: {  	v8, _, _ =	vpop (xrf0);
	(xrf0) =	vmax.scan.msk.u32 $0xffff, v7;
	(v2sf) =	vpush v61, $0xF  }
0x1c0: {  	(v2sf) =	vpush v8, $0xF  }
0x1c1: {  	v7, _, _ =	vpop (xrf0)  }
0x1c2: {  	(v2sf) =	vpush v7, $0xF  }
0x1c3: {  	v7, _, _ =	vpop (xrf0)  }
0x1c4: {  	(v2sf) =	vpush v7, $0xF  }
0x1c5: {  	s29 =	smov.u32 @p0 s3;
	v7, _, _ =	vpop (xrf0)  }
0x1c6: {  	p0 =	sgt.s32 s26, s18;
	s3 =	sxor.u32 $0x80000000, s12;
	s12 =	sxor.u32 $0x80000000, s13;
	(v2sf) =	vpush v7, $0xF  }
0x1c7: {  	s18 =	smov.u32 @p0 s26;
	p0 =	sgt.s32 s29, s3;
	s6 =	sxor.u32 $0x80000000, s17  }
0x1c8: {  	s3 =	smov.u32 @p0 s29;
	s13 =	sxor.u32 $0x80000000, s19;
	p0 =	sgt.s32 s18, s6  }
0x1c9: {  	s0 =	sxor.u32 $0x80000000, s0;
	s6 =	smov.u32 @p0 s18;
	p0 =	sgt.s32 s3, s12  }
0x1ca: {  	p1 =	sgt.s32 s6, s13;
	s12 =	smov.u32 @p0 s3;
	s3 =	sxor.u32 $0x80000000, s14  }
0x1cb: {  	s13 =	smov.u32 @p1 s6;
	s6 =	sxor.u32 $0x80000000, s22;
	p0 =	sgt.s32 s12, s3  }
0x1cc: {  	p1 =	sgt.s32 s13, s6;
	s3 =	smov.u32 @p0 s12;
	s26 =	spop (v2sf)  }
0x1cd: {  	s6 =	smov.u32 @p1 s13;
	s13 =	sxor.u32 $0x80000000, s28;
	s29 =	spop (v2sf)  }
0x1ce: {  	p0 =	sgt.s32 s3, s13;
	s12 =	sxor.u32 $0x80000000, s26;
	s30 =	spop (v2sf)  }
0x1cf: {  	s13 =	smov.u32 @p0 s3;
	p1 =	sgt.s32 s6, s12;
	s17 =	spop (v2sf)  }
0x1d0: {  	s3 =	sxor.u32 $0x80000000, s31;
	s12 =	smov.u32 @p1 s6;
	s6 =	sxor.u32 $0x80000000, s17  }
0x1d1: {  	p0 =	sgt.s32 s13, s3;
	s31 =	spop (v2sf);
	p1 =	sgt.s32 s12, s6  }
0x1d2: {  	s3 =	smov.u32 @p0 s13;
	s6 =	smov.u32 @p1 s12;
	s12 =	sxor.u32 $0x80000000, s31  }
0x1d3: {  	p0 =	sgt.s32 s3, s0;
	s17 =	spop (v2sf);
	p1 =	sgt.s32 s6, s12  }
0x1d4: {  	s0 =	smov.u32 @p0 s3;
	s3 =	sxor.u32 $0x80000000, s17;
	s12 =	smov.u32 @p1 s6  }
0x1d5: {  	s6 =	sxor.u32 $0x80000000, s20;
	s18 =	spop (v2sf);
	p0 =	sgt.s32 s12, s3  }
0x1d6: {  	p1 =	sgt.s32 s0, s6;
	s11 =	sxor.u32 $0x80000000, s18;
	s3 =	smov.u32 @p0 s12  }
0x1d7: {  	s6 =	smov.u32 @p1 s0;
	s0 =	sxor.u32 $0x80000000, s29;
	p0 =	sgt.s32 s3, s11  }
0x1d8: {  	p1 =	sgt.s32 s6, s0;
	s11 =	smov.u32 @p0 s3  }
0x1d9: {  	s19 =	simm.s32 $0x1C080;
	s0 =	smov.u32 @p1 s6;
	p0 =	slt.s32 s11, $0x0  }
0x1da: {  	v8 =	vld [tilespmem:s19+$0x0];
	s11 =	smov.u32 @p0 s0  }
0x1db: {  	s20 =	simm.s32 $0x1C090;
	p1 =	sgt.s32 s11, $0x0  }
0x1dc: {  	s23 =	simm.s32 $0x0;
	s22 =	simm.s32 $0x1C0A0;
	v9 =	vld [tilespmem:s20+$0x0];
	s11 =	simm.s32 @!p1 $0x0  }
0x1dd: {  	v11 =	vor.u32 s23, v0;
	v10 =	vld [tilespmem:s22+$0x0];
	v7 =	vmov s11  }
0x1de: {  	s25 =	simm.s32 $0x10;
	vm1 =	vgt.u32 v11, v7  }
0x1df: {  	s26 =	simm.s32 $0x20;
	v11 =	vor.u32 s25, v0;
	v8 =	vnsel vm1, $0x0, v8  }
0x1e0: {  	vm1 =	vgt.u32 v11, v7;
	v11 =	vor.u32 s26, v0;
	(xrf2) =	vadd.scan.msk.f32 $0xffff, v8  }
0x1e1: {  	v8 =	vnsel vm1, $0x0, v9;
	vm1 =	vgt.u32 v11, v7  }
0x1e2: {  	(xrf2) =	vadd.scan.msk.f32 $0xffff, v8;
	v8 =	vnsel vm1, $0x0, v10  }
0x1e3: {  	(xrf2) =	vadd.scan.msk.f32 $0xffff, v8;
	_ =	sdelay $0x6  }
0x1e4: {  	v10, _, _ =	vpop (xrf2)  }
0x1e5: {  	s28 =	simm.s32 $0x1C0B0;
	(v2sf) =	vpush v10, $0xF  }
0x1e6: {  	v8 =	vld [tilespmem:s28+$0x0];
	v10, _, _ =	vpop (xrf2)  }
0x1e7: {  	(v2sf) =	vpush v10, $0xF;
	v10, _, _ =	vpop (xrf2)  }
0x1e8: {  	s30 =	simm.s32 $0x30;
	(v2sf) =	vpush v10, $0xF  }
0x1e9: {  	v11 =	vor.u32 s30, v0  }
0x1ea: {  	vm1 =	vgt.u32 v11, v7  }
0x1eb: {  	s29 =	simm.s32 $0x1C0C0;
	v8 =	vnsel vm1, $0x0, v8  }
0x1ec: {  	v9 =	vld [tilespmem:s29+$0x0];
	(xrf2) =	vadd.scan.msk.f32 $0xffff, v8;
	_ =	sdelay $0x1  }
0x1ed: {  	s31 =	simm.s32 $0x40  }
0x1ee: {  	v11 =	vor.u32 s31, v0  }
0x1ef: {  	s3 =	simm.s32 $0x50;
	vm1 =	vgt.u32 v11, v7  }
0x1f0: {  	s0 =	simm.f32 $0.0e+00;
	[dreg:$0xf] =	wrdreg s11;
	s11 =	simm.s32 $0x1C0D0;
	v8 =	vnsel vm1, $0x0, v9  }
.LBB2_22:
0x1f1: {  	v9 =	vld [tilespmem:s11+$0x0];
	p1 =	sne.s32 s3, $0x7F0;
	(xrf2) =	vadd.scan.msk.f32 $0xffff, v8;
	s6 =	smov.u32 s3;
	s3 =	sadd.s32 $0x10, s3  }
.Ltmp11:
0x1f2: {  	(pc) =	sbr.rel @p1 .LBB2_22-.Ltmp11, $4  }
0x1f3: {  	s12 =	spop (v2sf)  }
0x1f4: {  	v8 =	vor.u32 s6, v0;
	s0 =	sadd.f32 s12, s0  }
0x1f5: {  	vm1 =	vgt.u32 v8, v7;
	v10, _, _ =	vpop (xrf2)  }
0x1f6: {  	s11 =	sadd.s32 $0x10, s11;
	v8 =	vnsel vm1, $0x0, v9;
	(v2sf) =	vpush v10, $0xF  }
0x1f7: {  	(xrf2) =	vadd.scan.msk.f32 $0xffff, v8;
	_ =	sdelay $0x7  }
0x1f8: {  	v8, _, _ =	vpop (xrf2)  }
0x1f9: {  	(v2sf) =	vpush v8, $0xF  }
0x1fa: {  	v8, _, _ =	vpop (xrf2)  }
0x1fb: {  	(v2sf) =	vpush v8, $0xF;
	_ =	sdelay $0x6  }
0x1fc: {  	s3 =	spop (v2sf)  }
0x1fd: {  	s0 =	sadd.f32 s3, s0  }
0x1fe: {  	s26 =	spop (v2sf)  }
0x1ff: {  	s0 =	sadd.f32 s26, s0  }
0x200: {  	s29 =	spop (v2sf)  }
0x201: {  	s0 =	sadd.f32 s29, s0  }
0x202: {  	s30 =	spop (v2sf)  }
0x203: {  	s0 =	sadd.f32 s30, s0  }
0x204: {  	s31 =	spop (v2sf)  }
0x205: {  	s3 =	simm.s32 $0x200;
	s28 =	sadd.f32 s31, s0;
	s0 =	simm.s32 $0x0  }
.LBB2_24:
0x206: {  	p1 =	sne.s32 s3, $0x10000;
	[tilespmem:s0+$0x14070] =	vst v1  }
0x207: {  	[tilespmem:s0+$0x14000] =	vst v1  }
0x208: {  	[tilespmem:s0+$0x14010] =	vst v1  }
.Ltmp12:
0x209: {  	[tilespmem:s0+$0x14020] =	vst v1;
	(pc) =	sbr.rel @p1 .LBB2_24-.Ltmp12, $4  }
0x20a: {  	[tilespmem:s0+$0x14030] =	vst v1  }
0x20b: {  	[tilespmem:s0+$0x14040] =	vst v1  }
0x20c: {  	[tilespmem:s0+$0x14050] =	vst v1  }
0x20d: {  	[tilespmem:s0+$0x14060] =	vst v1;
	s0 =	sshra.s32 s3, $0x2;
	s3 =	sadd.s32 $0x200, s3  }
0x20e: {  	[tilespmem:s0+$0x14070] =	vst v1  }
0x20f: {  	[tilespmem:s0+$0x14000] =	vst v1  }
0x210: {  	[tilespmem:s0+$0x14010] =	vst v1  }
0x211: {  	[tilespmem:s0+$0x14020] =	vst v1  }
0x212: {  	[tilespmem:s0+$0x14030] =	vst v1  }
0x213: {  	[tilespmem:s0+$0x14040] =	vst v1  }
0x214: {  	[tilespmem:s0+$0x14050] =	vst v1  }
0x215: {  	[tilespmem:s0+$0x14060] =	vst v1;
	s12 =	simm.s32 $0x0;
	s31 =	rddreg [dreg:$0xa];
	s13 =	simm.s32 $0x0  }
0x216: {  	[tilespmem:s12], [sflag:$0x1] =	stream.linear.gather [hbm4b:s31+s12], $0x4000, $0x38;
	[tilespmem:$0x1D880] =	vst v63  }
.LBB2_27:
0x217: {  	s14 =	sshll.u32 s13, $0x6  }
0x218: {  	s0 =	sadd.s32 s14, s4  }
0x219: {  	s0 =	sshll.u32 s0, $0x9  }
0x21a: {  	s0 =	sadd.s32 s9, s0  }
0x21b: {  	s0 =	sadd.s32 $0x4000, s0  }
0x21c: {  	s0 =	sshrl.u32 s0, $0x3  }
0x21d: {  	s0 =	sadd.s32 s2, s0  }
0x21e: {  	[tilespmem:s1], [sflag:$0x2] =	stream.linear.gather [hbm4b:s0+s12], $0x4000, $0x38;
	[tilespmem:$0x1D880] =	vst v63  }
0x21f: {  	s31 =	sand.u32 $0x3000, s12;
	s3 =	sand.u32 $0xC00, s12;
	_ =	swait.ge [sflag:s8], $0x4000  }
0x220: {  	s6 =	sand.u32 $0x380, s12;
	s0 =	sor.u32 s3, s31;
	[sflag:s8] =	ssyncset.done $0x0  }
0x221: {  	s0 =	sor.u32 s6, s0;
	[sflag:s8] =	ssyncadd.s32 $0xFFFFC000  }
0x222: {  	v16 =	vld [tilespmem:s0+$0x10]  }
0x223: {  	v15 =	vld [tilespmem:s0+$0x0]  }
0x224: {  	v9 =	vld [tilespmem:s0+$0x40]  }
0x225: {  	v18 =	vld [tilespmem:s0+$0x20]  }
0x226: {  	v8 =	vld [tilespmem:s0+$0x30];
	_ =	sdelay $0x1  }
0x227: {  	v10 =	vshrl.u32 v16, $0x14;
	v11 =	vshrl.u32 v16, $0xA;
	v12 =	vshrl.u32 v15, $0x14  }
0x228: {  	v13 =	vshrl.u32 v15, $0xA;
	v20 =	vshrl.u32 v9, $0x14;
	v11 =	vand.u32 $0x3FF, v11  }
0x229: {  	vm4 =	veq.s32 v12, v7;
	v12 =	vand.u32 $0x3FF, v13;
	vm5 =	veq.s32 v10, v7  }
0x22a: {  	v10 =	vld [tilespmem:s0+$0x50];
	v13 =	vshrl.u32 v8, $0x14;
	v17 =	vadd.s32 v4, v11;
	v11 =	vshrl.u32 v18, $0xA  }
0x22b: {  	v19 =	vadd.s32 v4, v12;
	v12 =	vshrl.u32 v18, $0x14;
	v14 =	vand.u32 $0x3FF, v11;
	v11 =	vld [tilespmem:s0+$0x60]  }
0x22c: {  	vm1 =	veq.s32 v13, v7;
	v13 =	vshrl.u32 v8, $0xA;
	vm6 =	veq.s32 v12, v7;
	v12 =	vld [tilespmem:s0+$0x70]  }
0x22d: {  	v21 =	vshrl.u32 v9, $0xA;
	vm2 =	veq.s32 v20, v7;
	v13 =	vand.u32 $0x3FF, v13  }
0x22e: {  	v59 =	vand.u32 $0x3FF, v21;
	v13 =	vadd.s32 v4, v13;
	v60 =	vadd.s32 v4, v14  }
0x22f: {  	v14 =	vadd.s32 v4, v59;
	v22 =	vshrl.u32 v10, $0x14;
	v61 =	vshrl.u32 v10, $0xA  }
0x230: {  	vm3 =	veq.s32 v22, v7;
	v20 =	vand.u32 $0x3FF, v61;
	[tilespmem:v19+s21+$0x0] =	vst.idx.add.f32.msk vm4, v15;
	v62 =	vshrl.u32 v11, $0x14  }
0x231: {  	v19 =	vshrl.u32 v11, $0xA;
	v15 =	vadd.s32 v4, v20;
	[tilespmem:v17+s21+$0x0] =	vst.idx.add.f32.msk vm5, v16;
	v16 =	vshrl.u32 v12, $0xA  }
0x232: {  	v63 =	vshrl.u32 v12, $0x14;
	vm4 =	veq.s32 v62, v7;
	v19 =	vand.u32 $0x3FF, v19  }
0x233: {  	s18 =	simm.s32 $0x0;
	s3 =	simm.s32 $0x0;
	s0 =	simm.s32 $0x80;
	v17 =	vand.u32 $0x3FF, v16;
	vm5 =	veq.s32 v63, v7;
	[tilespmem:v60+s21+$0x0] =	vst.idx.add.f32.msk vm6, v18;
	v16 =	vadd.s32 v4, v19  }
.LBB2_28:
0x234: {  	p1 =	sne.s32 s0, $0x3F80;
	v17 =	vadd.s32 v4, v17;
	[tilespmem:v13+s21+$0x0] =	vst.idx.add.f32.msk vm1, v8;
	s3 =	sadd.s32 $0x20, s3;
	s18 =	sadd.s32 $0x400, s18  }
0x235: {  	s6 =	smov.u32 s0;
	s0 =	sadd.s32 $0x80, s0;
	[tilespmem:v14+s21+$0x0] =	vst.idx.add.f32.msk vm2, v9  }
0x236: {  	[tilespmem:v15+s21+$0x0] =	vst.idx.add.f32.msk vm3, v10  }
0x237: {  	s6 =	sand.u32 $0x3000, s6;
	s11 =	sand.u32 $0xC00, s18  }
0x238: {  	s17 =	sand.u32 $0x380, s3;
	s6 =	sor.u32 s11, s6;
	[tilespmem:v16+s21+$0x0] =	vst.idx.add.f32.msk vm4, v11  }
0x239: {  	s6 =	sor.u32 s17, s6;
	[tilespmem:v17+s21+$0x0] =	vst.idx.add.f32.msk vm5, v12  }
0x23a: {  	v15 =	vld [tilespmem:s6+$0x10]  }
0x23b: {  	v16 =	vld [tilespmem:s6+$0x0]  }
0x23c: {  	v18 =	vld [tilespmem:s6+$0x20];
	_ =	sdelay $0x1  }
0x23d: {  	v8 =	vld [tilespmem:s6+$0x30]  }
0x23e: {  	v11 =	vshrl.u32 v15, $0x14;
	v10 =	vshrl.u32 v15, $0xA  }
0x23f: {  	v9 =	vld [tilespmem:s6+$0x40];
	v12 =	vshrl.u32 v16, $0x14;
	v13 =	vshrl.u32 v16, $0xA;
	v10 =	vand.u32 $0x3FF, v10  }
0x240: {  	vm3 =	veq.s32 v12, v7;
	v12 =	vand.u32 $0x3FF, v13;
	v17 =	vadd.s32 v4, v10  }
0x241: {  	vm4 =	veq.s32 v11, v7;
	v11 =	vshrl.u32 v18, $0xA;
	v10 =	vld [tilespmem:s6+$0x50];
	v19 =	vadd.s32 v4, v12  }
0x242: {  	v12 =	vshrl.u32 v18, $0x14;
	v14 =	vand.u32 $0x3FF, v11;
	v13 =	vshrl.u32 v8, $0x14  }
0x243: {  	vm6 =	veq.s32 v12, v7;
	v11 =	vld [tilespmem:s6+$0x60];
	vm1 =	veq.s32 v13, v7;
	v13 =	vshrl.u32 v8, $0xA  }
0x244: {  	v12 =	vld [tilespmem:s6+$0x70];
	v20 =	vshrl.u32 v9, $0x14;
	v13 =	vand.u32 $0x3FF, v13;
	v21 =	vshrl.u32 v9, $0xA  }
0x245: {  	vm2 =	veq.s32 v20, v7;
	v13 =	vadd.s32 v4, v13;
	v20 =	vand.u32 $0x3FF, v21  }
0x246: {  	v22 =	vadd.s32 v4, v14;
	v21 =	vshrl.u32 v10, $0x14;
	v14 =	vadd.s32 v4, v20;
	[tilespmem:v19+s21+$0x0] =	vst.idx.add.f32.msk vm3, v16  }
.Ltmp13:
0x247: {  	v16 =	vshrl.u32 v10, $0xA;
	vm3 =	veq.s32 v21, v7;
	[tilespmem:v17+s21+$0x0] =	vst.idx.add.f32.msk vm4, v15;
	(pc) =	sbr.rel @p1 .LBB2_28-.Ltmp13, $4  }
0x248: {  	v16 =	vand.u32 $0x3FF, v16;
	v15 =	vshrl.u32 v11, $0x14;
	v17 =	vshrl.u32 v11, $0xA  }
0x249: {  	vm4 =	veq.s32 v15, v7;
	v15 =	vadd.s32 v4, v16;
	v16 =	vshrl.u32 v12, $0xA  }
0x24a: {  	v19 =	vshrl.u32 v12, $0x14;
	v20 =	vand.u32 $0x3FF, v17;
	v17 =	vand.u32 $0x3FF, v16  }
0x24b: {  	vm5 =	veq.s32 v19, v7;
	v16 =	vadd.s32 v4, v20;
	[tilespmem:v22+s21+$0x0] =	vst.idx.add.f32.msk vm6, v18  }
0x24c: {  	_ =	sdelay $0x3  }
0x24d: {  	v17 =	vadd.s32 v4, v17;
	p1 =	seq.s32 s13, $0x3  }
0x24e: {  	[tilespmem:v13+s21+$0x0] =	vst.idx.add.f32.msk vm1, v8;
	s0 =	sadd.s32 @!p1 s14, s15  }
0x24f: {  	[tilespmem:v14+s21+$0x0] =	vst.idx.add.f32.msk vm2, v9;
	s0 =	sshll.u32 @!p1 s0, $0x9  }
0x250: {  	[tilespmem:v15+s21+$0x0] =	vst.idx.add.f32.msk vm3, v10;
	s0 =	sadd.s32 @!p1 s9, s0  }
0x251: {  	[tilespmem:v16+s21+$0x0] =	vst.idx.add.f32.msk vm4, v11;
	s0 =	sshrl.u32 @!p1 s0, $0x3  }
0x252: {  	s3 =	simm.s32 @!p1 $0x0;
	s14 =	simm.s32 $0x0;
	[tilespmem:v17+s21+$0x0] =	vst.idx.add.f32.msk vm5, v12;
	s0 =	sadd.s32 @!p1 s2, s0  }
0x253: {  	[tilespmem:s3], [sflag:$0x1] =	stream.linear.gather @!p1 [hbm4b:s0+s3], $0x4000, $0x38;
	[tilespmem:$0x1D880] =	vst v63  }
0x254: {  	s30 =	sand.u32 $0x3000, s14;
	s31 =	sand.u32 $0xC00, s14;
	_ =	swait.ge [sflag:s16], $0x4000  }
0x255: {  	s6 =	sand.u32 $0x380, s14;
	s0 =	sor.u32 s31, s30;
	[sflag:s16] =	ssyncset.done $0x0  }
0x256: {  	s0 =	sor.u32 s6, s0;
	[sflag:s16] =	ssyncadd.s32 $0xFFFFC000  }
0x257: {  	v16 =	vld [tilespmem:s0+$0x4010]  }
0x258: {  	v15 =	vld [tilespmem:s0+$0x4000]  }
0x259: {  	v9 =	vld [tilespmem:s0+$0x4040]  }
0x25a: {  	v18 =	vld [tilespmem:s0+$0x4020]  }
0x25b: {  	v8 =	vld [tilespmem:s0+$0x4030];
	_ =	sdelay $0x1  }
0x25c: {  	v10 =	vshrl.u32 v16, $0x14;
	v11 =	vshrl.u32 v16, $0xA;
	v12 =	vshrl.u32 v15, $0x14  }
0x25d: {  	v13 =	vshrl.u32 v15, $0xA;
	v20 =	vshrl.u32 v9, $0x14;
	v11 =	vand.u32 $0x3FF, v11  }
0x25e: {  	vm4 =	veq.s32 v12, v7;
	v12 =	vand.u32 $0x3FF, v13;
	vm5 =	veq.s32 v10, v7  }
0x25f: {  	v10 =	vld [tilespmem:s0+$0x4050];
	v13 =	vshrl.u32 v8, $0x14;
	v17 =	vadd.s32 v4, v11;
	v11 =	vshrl.u32 v18, $0xA  }
0x260: {  	v19 =	vadd.s32 v4, v12;
	v12 =	vshrl.u32 v18, $0x14;
	v14 =	vand.u32 $0x3FF, v11;
	v11 =	vld [tilespmem:s0+$0x4060]  }
0x261: {  	vm1 =	veq.s32 v13, v7;
	v13 =	vshrl.u32 v8, $0xA;
	vm6 =	veq.s32 v12, v7;
	v12 =	vld [tilespmem:s0+$0x4070]  }
0x262: {  	v21 =	vshrl.u32 v9, $0xA;
	vm2 =	veq.s32 v20, v7;
	v13 =	vand.u32 $0x3FF, v13  }
0x263: {  	v59 =	vand.u32 $0x3FF, v21;
	v13 =	vadd.s32 v4, v13;
	v60 =	vadd.s32 v4, v14  }
0x264: {  	v14 =	vadd.s32 v4, v59;
	v22 =	vshrl.u32 v10, $0x14;
	v61 =	vshrl.u32 v10, $0xA  }
0x265: {  	vm3 =	veq.s32 v22, v7;
	v20 =	vand.u32 $0x3FF, v61;
	[tilespmem:v19+s21+$0x0] =	vst.idx.add.f32.msk vm4, v15;
	v62 =	vshrl.u32 v11, $0x14  }
0x266: {  	v19 =	vshrl.u32 v11, $0xA;
	v15 =	vadd.s32 v4, v20;
	[tilespmem:v17+s21+$0x0] =	vst.idx.add.f32.msk vm5, v16;
	v16 =	vshrl.u32 v12, $0xA  }
0x267: {  	v63 =	vshrl.u32 v12, $0x14;
	vm4 =	veq.s32 v62, v7;
	v19 =	vand.u32 $0x3FF, v19  }
0x268: {  	s13 =	sadd.s32 $0x1, s13;
	s3 =	simm.s32 $0x0;
	s0 =	simm.s32 $0x80;
	v17 =	vand.u32 $0x3FF, v16;
	vm5 =	veq.s32 v63, v7;
	[tilespmem:v60+s21+$0x0] =	vst.idx.add.f32.msk vm6, v18;
	v16 =	vadd.s32 v4, v19  }
.LBB2_30:
0x269: {  	p1 =	seq.s32 s0, $0x3F80;
	v17 =	vadd.s32 v4, v17;
	[tilespmem:v13+s21+$0x0] =	vst.idx.add.f32.msk vm1, v8;
	s14 =	sadd.s32 $0x20, s14;
	s3 =	sadd.s32 $0x400, s3  }
0x26a: {  	s6 =	smov.u32 s0;
	s0 =	sadd.s32 $0x80, s0;
	[tilespmem:v14+s21+$0x0] =	vst.idx.add.f32.msk vm2, v9  }
0x26b: {  	[tilespmem:v15+s21+$0x0] =	vst.idx.add.f32.msk vm3, v10  }
0x26c: {  	s6 =	sand.u32 $0x3000, s6;
	s11 =	sand.u32 $0xC00, s3  }
0x26d: {  	s17 =	sand.u32 $0x380, s14;
	s6 =	sor.u32 s11, s6;
	[tilespmem:v16+s21+$0x0] =	vst.idx.add.f32.msk vm4, v11  }
0x26e: {  	s6 =	sor.u32 s17, s6;
	[tilespmem:v17+s21+$0x0] =	vst.idx.add.f32.msk vm5, v12  }
0x26f: {  	v15 =	vld [tilespmem:s6+$0x4010]  }
0x270: {  	v16 =	vld [tilespmem:s6+$0x4000]  }
0x271: {  	v18 =	vld [tilespmem:s6+$0x4020];
	_ =	sdelay $0x1  }
0x272: {  	v8 =	vld [tilespmem:s6+$0x4030]  }
0x273: {  	v11 =	vshrl.u32 v15, $0x14;
	v10 =	vshrl.u32 v15, $0xA  }
0x274: {  	v9 =	vld [tilespmem:s6+$0x4040];
	v12 =	vshrl.u32 v16, $0x14;
	v13 =	vshrl.u32 v16, $0xA;
	v10 =	vand.u32 $0x3FF, v10  }
0x275: {  	vm3 =	veq.s32 v12, v7;
	v12 =	vand.u32 $0x3FF, v13;
	v17 =	vadd.s32 v4, v10  }
0x276: {  	vm4 =	veq.s32 v11, v7;
	v11 =	vshrl.u32 v18, $0xA;
	v10 =	vld [tilespmem:s6+$0x4050];
	v19 =	vadd.s32 v4, v12  }
0x277: {  	v12 =	vshrl.u32 v18, $0x14;
	v14 =	vand.u32 $0x3FF, v11;
	v13 =	vshrl.u32 v8, $0x14  }
0x278: {  	vm6 =	veq.s32 v12, v7;
	v11 =	vld [tilespmem:s6+$0x4060];
	vm1 =	veq.s32 v13, v7;
	v13 =	vshrl.u32 v8, $0xA  }
0x279: {  	v12 =	vld [tilespmem:s6+$0x4070];
	v20 =	vshrl.u32 v9, $0x14;
	v13 =	vand.u32 $0x3FF, v13;
	v21 =	vshrl.u32 v9, $0xA  }
0x27a: {  	vm2 =	veq.s32 v20, v7;
	v13 =	vadd.s32 v4, v13;
	v20 =	vand.u32 $0x3FF, v21  }
0x27b: {  	v22 =	vadd.s32 v4, v14;
	v21 =	vshrl.u32 v10, $0x14;
	v14 =	vadd.s32 v4, v20;
	[tilespmem:v19+s21+$0x0] =	vst.idx.add.f32.msk vm3, v16  }
.Ltmp14:
0x27c: {  	v16 =	vshrl.u32 v10, $0xA;
	vm3 =	veq.s32 v21, v7;
	[tilespmem:v17+s21+$0x0] =	vst.idx.add.f32.msk vm4, v15;
	(pc) =	sbr.rel @!p1 .LBB2_30-.Ltmp14, $4  }
0x27d: {  	v16 =	vand.u32 $0x3FF, v16;
	v15 =	vshrl.u32 v11, $0x14;
	v17 =	vshrl.u32 v11, $0xA  }
0x27e: {  	vm4 =	veq.s32 v15, v7;
	v15 =	vadd.s32 v4, v16;
	v16 =	vshrl.u32 v12, $0xA  }
0x27f: {  	v19 =	vshrl.u32 v12, $0x14;
	v20 =	vand.u32 $0x3FF, v17;
	v17 =	vand.u32 $0x3FF, v16  }
0x280: {  	vm5 =	veq.s32 v19, v7;
	v16 =	vadd.s32 v4, v20;
	[tilespmem:v22+s21+$0x0] =	vst.idx.add.f32.msk vm6, v18  }
0x281: {  	_ =	sdelay $0x3  }
0x282: {  	v17 =	vadd.s32 v4, v17  }
0x283: {  	[tilespmem:v13+s21+$0x0] =	vst.idx.add.f32.msk vm1, v8  }
0x284: {  	[tilespmem:v14+s21+$0x0] =	vst.idx.add.f32.msk vm2, v9  }
0x285: {  	[tilespmem:v15+s21+$0x0] =	vst.idx.add.f32.msk vm3, v10  }
0x286: {  	[tilespmem:v16+s21+$0x0] =	vst.idx.add.f32.msk vm4, v11  }
0x287: {  	[tilespmem:v17+s21+$0x0] =	vst.idx.add.f32.msk vm5, v12  }
0x288: {  	p1 =	seq.s32 s13, $0x4  }
.Ltmp15:
0x289: {  	_ = 	snop;
	(pc) =	sbr.rel @!p1 .LBB2_27-.Ltmp15, $1  }
0x28a: {  	_ =	sdelay $0x3  }
0x28b: {  	s12 =	simm.s32 $0x0  }
0x28c: {  	v7 =	vld [tilespmem:s12+$0x14000]  }
0x28d: {  	v8 =	vld [tilespmem:s12+$0x14401];
	_ =	sdelay $0x1  }
0x28e: {  	v9 =	vld [tilespmem:s12+$0x14802];
	_ =	sdelay $0x1  }
0x28f: {  	v10 =	vld [tilespmem:s12+$0x14C03]  }
0x290: {  	v7 =	vadd.f32 v8, v7  }
0x291: {  	v8 =	vld [tilespmem:s12+$0x15004]  }
0x292: {  	v7 =	vadd.f32 v9, v7  }
0x293: {  	v9 =	vld [tilespmem:s12+$0x15405]  }
0x294: {  	v7 =	vadd.f32 v10, v7  }
0x295: {  	v10 =	vld [tilespmem:s12+$0x15806]  }
0x296: {  	v7 =	vadd.f32 v8, v7  }
0x297: {  	v8 =	vld [tilespmem:s12+$0x15C07]  }
0x298: {  	s3 =	simm.s32 $0x10;
	v11 =	vld [tilespmem:s12+$0x16008];
	v7 =	vadd.f32 v9, v7  }
0x299: {  	v12 =	vld [tilespmem:s3+$0x14000]  }
0x29a: {  	v9 =	vld [tilespmem:s12+$0x16409];
	v7 =	vadd.f32 v10, v7  }
0x29b: {  	v10 =	vld [tilespmem:s3+$0x14401]  }
0x29c: {  	v13 =	vld [tilespmem:s3+$0x14802];
	v7 =	vadd.f32 v8, v7  }
0x29d: {  	v8 =	vld [tilespmem:s12+$0x1680A]  }
0x29e: {  	v14 =	vld [tilespmem:s3+$0x14C03];
	v7 =	vadd.f32 v11, v7  }
0x29f: {  	v11 =	vld [tilespmem:s12+$0x16C0B]  }
0x2a0: {  	v10 =	vadd.f32 v10, v12;
	v12 =	vld [tilespmem:s3+$0x15004];
	v7 =	vadd.f32 v9, v7  }
0x2a1: {  	v9 =	vld [tilespmem:s12+$0x1700C]  }
0x2a2: {  	v10 =	vadd.f32 v13, v10;
	v13 =	vld [tilespmem:s3+$0x15405];
	v7 =	vadd.f32 v8, v7  }
0x2a3: {  	v8 =	vld [tilespmem:s12+$0x1740D]  }
0x2a4: {  	v15 =	vld [tilespmem:s3+$0x15806];
	v10 =	vadd.f32 v14, v10;
	v7 =	vadd.f32 v11, v7  }
0x2a5: {  	v14 =	vld [tilespmem:s12+$0x1780E]  }
0x2a6: {  	v11 =	vadd.f32 v12, v10;
	v10 =	vld [tilespmem:s3+$0x15C07];
	v12 =	vadd.f32 v9, v7  }
0x2a7: {  	v9 =	vld [tilespmem:s12+$0x17C0F]  }
0x2a8: {  	v7 =	vld [tilespmem:s3+$0x16409];
	v13 =	vadd.f32 v13, v11;
	v16 =	vadd.f32 v8, v12  }
0x2a9: {  	s0 =	simm.s32 $0x20;
	v11 =	vld [tilespmem:s3+$0x16008]  }
0x2aa: {  	s11 =	simm.s32 $0xC0;
	v8 =	vld [tilespmem:s0+$0x14000];
	v12 =	vadd.f32 v15, v13;
	v13 =	vadd.f32 v14, v16  }
.LBB2_33:
0x2ab: {  	p1 =	sne.s32 s11, $0xFC0;
	v14 =	vld [tilespmem:s0+$0x14401]  }
0x2ac: {  	v10 =	vadd.f32 v10, v12;
	v12 =	vld [tilespmem:s3+$0x1680A];
	v9 =	vadd.f32 v9, v13  }
0x2ad: {  	v13 =	vld [tilespmem:s0+$0x14802]  }
0x2ae: {  	v10 =	vadd.f32 v11, v10;
	v11 =	vld [tilespmem:s3+$0x16C0B];
	[tilespmem:s12+$0x1C080] =	vst v9;
	s12 =	smov.u32 s3;
	s3 =	smov.u32 s0  }
0x2af: {  	v9 =	vld [tilespmem:s3+$0x14C03]  }
0x2b0: {  	v8 =	vadd.f32 v14, v8;
	v7 =	vadd.f32 v7, v10;
	v10 =	vld [tilespmem:s12+$0x1700C]  }
0x2b1: {  	v14 =	vld [tilespmem:s3+$0x15004]  }
0x2b2: {  	v8 =	vadd.f32 v13, v8;
	v7 =	vadd.f32 v12, v7;
	v12 =	vld [tilespmem:s12+$0x1740D]  }
0x2b3: {  	v13 =	vld [tilespmem:s3+$0x15405]  }
0x2b4: {  	v8 =	vadd.f32 v9, v8;
	v7 =	vadd.f32 v11, v7;
	v15 =	vld [tilespmem:s12+$0x1780E]  }
0x2b5: {  	v16 =	vld [tilespmem:s3+$0x15806]  }
.Ltmp16:
0x2b6: {  	v8 =	vadd.f32 v14, v8;
	v11 =	vadd.f32 v10, v7;
	v9 =	vld [tilespmem:s12+$0x17C0F];
	(pc) =	sbr.rel @p1 .LBB2_33-.Ltmp16, $4  }
0x2b7: {  	v10 =	vld [tilespmem:s3+$0x15C07]  }
0x2b8: {  	v13 =	vadd.f32 v13, v8;
	v7 =	vld [tilespmem:s3+$0x16409];
	v14 =	vadd.f32 v12, v11  }
0x2b9: {  	s0 =	sshra.s32 s11, $0x2;
	v11 =	vld [tilespmem:s3+$0x16008]  }
0x2ba: {  	s11 =	sadd.s32 $0x40, s11;
	v8 =	vld [tilespmem:s0+$0x14000];
	v12 =	vadd.f32 v16, v13;
	v13 =	vadd.f32 v15, v14  }
0x2bb: {  	v14 =	vld [tilespmem:s0+$0x14401]  }
0x2bc: {  	v15 =	vld [tilespmem:s3+$0x1680A];
	v9 =	vadd.f32 v9, v13  }
0x2bd: {  	v49 =	vld [tilespmem:s0+$0x14802]  }
0x2be: {  	v16 =	vld [tilespmem:s3+$0x16C0B];
	v10 =	vadd.f32 v10, v12;
	[tilespmem:s12+$0x1C080] =	vst v9  }
0x2bf: {  	v9 =	vld [tilespmem:s0+$0x14C03]  }
0x2c0: {  	v10 =	vadd.f32 v11, v10;
	v8 =	vadd.f32 v14, v8  }
0x2c1: {  	v50 =	vld [tilespmem:s0+$0x15004]  }
0x2c2: {  	v51 =	vld [tilespmem:s3+$0x1700C];
	v7 =	vadd.f32 v7, v10;
	v8 =	vadd.f32 v49, v8  }
0x2c3: {  	v52 =	vld [tilespmem:s0+$0x15405]  }
0x2c4: {  	v53 =	vld [tilespmem:s3+$0x1740D];
	v7 =	vadd.f32 v15, v7;
	v8 =	vadd.f32 v9, v8  }
0x2c5: {  	v54 =	vld [tilespmem:s0+$0x15806]  }
0x2c6: {  	v55 =	vld [tilespmem:s3+$0x1780E];
	v7 =	vadd.f32 v16, v7;
	v8 =	vadd.f32 v50, v8  }
0x2c7: {  	v56 =	vld [tilespmem:s0+$0x15C07]  }
0x2c8: {  	v57 =	vld [tilespmem:s3+$0x17C0F];
	v7 =	vadd.f32 v51, v7;
	v8 =	vadd.f32 v52, v8  }
0x2c9: {  	v58 =	vld [tilespmem:s0+$0x16008]  }
0x2ca: {  	v7 =	vadd.f32 v53, v7;
	v8 =	vadd.f32 v54, v8  }
0x2cb: {  	v59 =	vld [tilespmem:s0+$0x16409]  }
0x2cc: {  	v7 =	vadd.f32 v55, v7;
	v8 =	vadd.f32 v56, v8  }
0x2cd: {  	v60 =	vld [tilespmem:s0+$0x1680A]  }
0x2ce: {  	v7 =	vadd.f32 v57, v7;
	v8 =	vadd.f32 v58, v8  }
0x2cf: {  	v61 =	vld [tilespmem:s0+$0x16C0B]  }
0x2d0: {  	[tilespmem:s3+$0x1C080] =	vst v7;
	v7 =	vadd.f32 v59, v8  }
0x2d1: {  	v8 =	vld [tilespmem:s0+$0x1700C]  }
0x2d2: {  	v7 =	vadd.f32 v60, v7  }
0x2d3: {  	v62 =	vld [tilespmem:s0+$0x1740D]  }
0x2d4: {  	v7 =	vadd.f32 v61, v7  }
0x2d5: {  	v63 =	vld [tilespmem:s0+$0x1780E]  }
0x2d6: {  	v7 =	vadd.f32 v8, v7  }
0x2d7: {  	v8 =	vld [tilespmem:s0+$0x17C0F]  }
0x2d8: {  	v7 =	vadd.f32 v62, v7;
	_ =	sdelay $0x1  }
0x2d9: {  	v7 =	vadd.f32 v63, v7;
	_ =	sdelay $0x1  }
0x2da: {  	v7 =	vadd.f32 v8, v7  }
0x2db: {  	s25 =	rddreg [dreg:$0x8];
	s26 =	simm.s32 $0x80  }
0x2dc: {  	s6 =	simm.s32 $0x400;
	s11 =	simm.s32 $0x1C080;
	s29 =	simm.s32 $0x7;
	[tilespmem:s0+$0x1C080] =	vst v7  }
0x2dd: {  	[spmem:s25] =	stream.strided.scatter [tilespmem:s11], [sflag:$0x7], $0x400, s6, s26, $0x38;
	[tilespmem:$0x1D880] =	vst v63  }
0x2de: {  	_ =	swait.ge [sflag:s29], $0x400  }
0x2df: {  	[sflag:s29] =	ssyncset.done $0x0  }
0x2e0: {  	[sflag:s29] =	ssyncadd.s32 $0xFFFFFC00  }
0x2e1: {  	[bflag:$0x0] =	sbarrier.arrive $0xFFFF  }
0x2e2: {  	s31 =	simm.s32 $0x1C880;
	s30 =	rddreg [dreg:$0x9]  }
0x2e3: {  	[tilespmem:s31], [sflag:$0x7] =	stream.strided.gather [spmem:s30], $0x400, s6, s26, $0x38;
	[tilespmem:$0x1D880] =	vst v63  }
0x2e4: {  	_ =	swait.ge [sflag:s29], $0x400  }
0x2e5: {  	[sflag:s29] =	ssyncset.done $0x0  }
0x2e6: {  	[sflag:s29] =	ssyncadd.s32 $0xFFFFFC00  }
0x2e7: {  	s0 =	simm.s32 $0x0;
	[bflag:$0x0] =	sbarrier.arrive $0xFFFF  }
0x2e8: {  	s3 =	simm.s32 $0x40;
	v7 =	vld [tilespmem:s0+$0x1C880]  }
.LBB2_35:
0x2e9: {  	p1 =	seq.s32 s3, $0xFC0;
	v8 =	vld [tilespmem:s0+$0x1C080];
	_ =	sdelay $0x2  }
.Ltmp17:
0x2ea: {  	(pc) =	sbr.rel @!p1 .LBB2_35-.Ltmp17, $4  }
0x2eb: {  	_ = 	snop  }
0x2ec: {  	v8 =	vadd.f32 v7, v8  }
0x2ed: {  	s6 =	sshra.s32 s3, $0x2  }
0x2ee: {  	s3 =	sadd.s32 $0x40, s3;
	v7 =	vld [tilespmem:s6+$0x1C880];
	[tilespmem:s0+$0x1C080] =	vst v8;
	s0 =	smov.u32 s6  }
0x2ef: {  	v8 =	vld [tilespmem:s0+$0x1C080];
	_ =	sdelay $0x4  }
0x2f0: {  	v7 =	vadd.f32 v7, v8;
	_ =	sdelay $0x1  }
0x2f1: {  	s11 =	simm.s32 $0x1C470;
	[tilespmem:s0+$0x1C080] =	vst v7  }
0x2f2: {  	v7 =	vld [tilespmem:s11+$0x0];
	_ =	sdelay $0x2  }
0x2f3: {  	s6 =	simm.s32 $0x1C460  }
0x2f4: {  	v8 =	vld [tilespmem:s6+$0x0]  }
0x2f5: {  	s3 =	simm.s32 $0x3F0;
	(xrf2) =	vadd.scan.msk.f32 $0xffff, v7  }
0x2f6: {  	v9 =	vor.u32 s3, v3;
	vm1 =	vgt.f32 v7, $0.0e+00  }
0x2f7: {  	v10 =	vnsel vm1, $0x7FFFFFFF, v9  }
0x2f8: {  	(xrf0) =	vmax.scan.msk.u32 $0xffff, v10  }
0x2f9: {  	s12 =	simm.s32 $0x3E0;
	(xrf2) =	vadd.scan.msk.f32 $0xffff, v8  }
0x2fa: {  	s13 =	simm.s32 $0x1C450;
	v12 =	vor.u32 s12, v3;
	vm1 =	vgt.f32 v8, $0.0e+00  }
0x2fb: {  	v13 =	vld [tilespmem:s13+$0x0];
	v10 =	vnsel vm1, $0x7FFFFFFF, v12  }
0x2fc: {  	(xrf0) =	vmax.scan.msk.u32 $0xffff, v10;
	_ =	sdelay $0x1  }
0x2fd: {  	v10, _, _ =	vpop (xrf0)  }
0x2fe: {  	(v2sf) =	vpush v10, $0xF;
	v10, _, _ =	vpop (xrf2)  }
0x2ff: {  	s14 =	simm.s32 $0x3D0;
	(xrf2) =	vadd.scan.msk.f32 $0xffff, v13;
	(v2sf) =	vpush v10, $0xF  }
0x300: {  	v14 =	vor.u32 s14, v3;
	vm1 =	vgt.f32 v13, $0.0e+00  }
0x301: {  	s17 =	simm.s32 $0x1C440;
	v11 =	vnsel vm1, $0x7FFFFFFF, v14;
	v16, _, _ =	vpop (xrf0)  }
0x302: {  	v15 =	vld [tilespmem:s17+$0x0];
	(xrf0) =	vmax.scan.msk.u32 $0xffff, v11;
	v11 =	vbroadcast v10, $0xF;
	(v2sf) =	vpush v16, $0xF;
	v16, _, _ =	vpop (xrf2)  }
0x303: {  	(v2sf) =	vpush v16, $0xF  }
0x304: {  	s28 =	sadd.f32 $0.0e+00, s28;
	v10 =	vsub.f32 v11, v10  }
0x305: {  	s26 =	simm.f32 $0.0e+00;
	s19 =	simm.s32 $0x1C430  }
0x306: {  	s18 =	simm.s32 $0x3C0;
	s20 =	sadd.f32 s26, s28;
	v18 =	vld [tilespmem:s19+$0x0];
	v7 =	vadd.f32 v10, v7  }
0x307: {  	v17 =	vor.u32 s18, v3;
	vm1 =	vgt.f32 v15, $0.0e+00  }
0x308: {  	(xrf2) =	vadd.scan.msk.f32 $0xffff, v15;
	v10 =	vnsel vm1, $0x7FFFFFFF, v17;
	v11, _, _ =	vpop (xrf0);
	v7 =	vadd.f32 s20, v7  }
0x309: {  	(xrf0) =	vmax.scan.msk.u32 $0xffff, v10;
	(v2sf) =	vpush v11, $0xF;
	v11, _, _ =	vpop (xrf2)  }
0x30a: {  	s22 =	simm.s32 $0x3B0;
	vm1 =	vgt.f32 v7, v6;
	(v2sf) =	vpush v11, $0xF  }
0x30b: {  	v7 =	vor.u32 s22, v3;
	v9 =	vnsel vm1, $0x7FFFFFFF, v9;
	vm1 =	vgt.f32 v18, $0.0e+00  }
0x30c: {  	v10 =	vnsel vm1, $0x7FFFFFFF, v7  }
0x30d: {  	(xrf0) =	vmax.scan.msk.u32 $0xffff, v9;
	v9 =	vbroadcast v16, $0xF;
	s3 =	spop (v2sf)  }
0x30e: {  	s23 =	spop (v2sf)  }
0x30f: {  	(xrf0) =	vmax.scan.msk.u32 $0xffff, v10;
	v9 =	vsub.f32 v9, v16;
	v10, _, _ =	vpop (xrf0);
	s0 =	sadd.f32 s23, s26  }
0x310: {  	s25 =	simm.s32 $0x1C420;
	(v2sf) =	vpush v10, $0xF  }
0x311: {  	v8 =	vadd.f32 v9, v8;
	v9 =	vbroadcast v11, $0xF;
	v10 =	vld [tilespmem:s25+$0x0];
	s13 =	spop (v2sf);
	s26 =	sadd.f32 s0, s28  }
0x312: {  	s11 =	spop (v2sf)  }
0x313: {  	(xrf2) =	vadd.scan.msk.f32 $0xffff, v18;
	v16, _, _ =	vpop (xrf2);
	v9 =	vsub.f32 v9, v11;
	s0 =	sadd.f32 s11, s0;
	v8 =	vadd.f32 s26, v8  }
0x314: {  	s12 =	simm.s32 $0x1C410;
	(v2sf) =	vpush v16, $0xF  }
0x315: {  	s14 =	simm.s32 $0x3A0;
	v11 =	vld [tilespmem:s12+$0x0];
	v9 =	vadd.f32 v9, v13;
	s17 =	sadd.f32 s0, s28;
	vm1 =	vgt.f32 v8, v6  }
0x316: {  	(xrf2) =	vadd.scan.msk.f32 $0xffff, v10;
	v8 =	vor.u32 s14, v3;
	v12 =	vnsel vm1, $0x7FFFFFFF, v12  }
0x317: {  	v19, _, _ =	vpop (xrf0);
	v9 =	vadd.f32 s17, v9;
	vm1 =	vgt.f32 v10, $0.0e+00;
	(xrf0) =	vmax.scan.msk.u32 $0xffff, v12;
	v12 =	vbroadcast v16, $0xF  }
0x318: {  	v20, _, _ =	vpop (xrf0);
	(v2sf) =	vpush v19, $0xF;
	s29 =	spop (v2sf);
	v13 =	vnsel vm1, $0x7FFFFFFF, v8  }
0x319: {  	s19 =	simm.s32 $0x390;
	(v2sf) =	vpush v20, $0xF;
	vm1 =	vgt.f32 v9, v6;
	(xrf0) =	vmax.scan.msk.u32 $0xffff, v13;
	s18 =	spop (v2sf);
	v12 =	vsub.f32 v12, v16  }
0x31a: {  	v9 =	vor.u32 s19, v3;
	v13 =	vnsel vm1, $0x7FFFFFFF, v14;
	vm1 =	vgt.f32 v11, $0.0e+00;
	s0 =	sadd.f32 s18, s0  }
0x31b: {  	v14 =	vnsel vm1, $0x7FFFFFFF, v9;
	(xrf0) =	vmax.scan.msk.u32 $0xffff, v13;
	v15 =	vadd.f32 v12, v15  }
0x31c: {  	(xrf0) =	vmax.scan.msk.u32 $0xffff, v14;
	s22 =	sadd.f32 s0, s28  }
0x31d: {  	v13, _, _ =	vpop (xrf2)  }
0x31e: {  	(xrf2) =	vadd.scan.msk.f32 $0xffff, v11;
	(v2sf) =	vpush v13, $0xF;
	v14, _, _ =	vpop (xrf0);
	v16 =	vadd.f32 s22, v15  }
0x31f: {  	s14 =	spop (v2sf);
	(v2sf) =	vpush v14, $0xF;
	v15, _, _ =	vpop (xrf0)  }
0x320: {  	s20 =	simm.s32 $0x1C400;
	vm1 =	vgt.f32 v16, v6;
	(v2sf) =	vpush v15, $0xF;
	v15, _, _ =	vpop (xrf2)  }
0x321: {  	v12 =	vld [tilespmem:s20+$0x0];
	v16 =	vnsel vm1, $0x7FFFFFFF, v17;
	v17, _, _ =	vpop (xrf0);
	(v2sf) =	vpush v15, $0xF  }
0x322: {  	v19 =	vbroadcast v13, $0xF;
	v63, _, _ =	vpop (xrf0);
	(v2sf) =	vpush v17, $0xF  }
0x323: {  	s23 =	spop (v2sf);
	(v2sf) =	vpush v63, $0xF  }
0x324: {  	v14 =	vsub.f32 v19, v13;
	s0 =	sadd.f32 s23, s0  }
0x325: {  	s31 =	simm.s32 $0xFFFFFFFF;
	s30 =	simm.s32 $0xFFFFFFFF;
	s25 =	simm.s32 $0x380  }
0x326: {  	s11 =	simm.s32 $0x1C3F0;
	s17 =	simm.s32 $0x360;
	v13 =	vor.u32 s25, v3;
	vm1 =	vgt.f32 v12, $0.0e+00;
	(xrf2) =	vadd.scan.msk.f32 $0xffff, v12;
	v18 =	vadd.f32 v14, v18;
	s26 =	sadd.f32 s0, s28  }
0x327: {  	s19 =	simm.s32 $0x370;
	s18 =	sxor.u32 $0x80000000, s3;
	s12 =	spop (v2sf);
	v19 =	vnsel vm1, $0x7FFFFFFF, v13;
	(xrf0) =	vmax.scan.msk.u32 $0xffff, v16  }
0x328: {  	p1 =	slt.s32 s18, $0xFFFFFFFF;
	s3 =	spop (v2sf);
	v14 =	vld [tilespmem:s11+$0x0];
	s12 =	sxor.u32 $0x80000000, s12;
	(xrf0) =	vmax.scan.msk.u32 $0xffff, v19;
	v16, _, _ =	vpop (xrf2);
	v17 =	vadd.f32 s26, v18  }
.LBB2_37:
0x329: {  	s6 =	smov.u32 s30  }
0x32a: {  	s22 =	smov.u32 s31;
	p3 =	sgt.s32 s31, s12;
	s30 =	smov.u32 s18  }
0x32b: {  	s25 =	sadd.s32 $0xFFFFFFF0, s17;
	s26 =	smov.u32 s29;
	s29 =	smov.u32 s14  }
0x32c: {  	v18 =	vbroadcast v15, $0xF;
	s31 =	smov.u32 s12;
	(v2sf) =	vpush v16, $0xF;
	s30 =	smov.u32 @p1 s6;
	s6 =	smov.u32 s17  }
0x32d: {  	p2 =	sne.s32 s17, $0x0;
	vm1 =	vgt.f32 v17, v6;
	s31 =	smov.u32 @p3 s22;
	s14 =	spop (v2sf)  }
.Ltmp18:
0x32e: {  	v17 =	vsub.f32 v18, v15;
	v18 =	vnsel vm1, $0x7FFFFFFF, v7;
	v7 =	vmovc v8;
	v8 =	vmovc v9;
	v9 =	vmov v13;
	s0 =	sadd.f32 s14, s0;
	s14 =	smov.u32 s3;
	(pc) =	sbr.rel @p2 .LBB2_37-.Ltmp18, $4  }
0x32f: {  	v13 =	vor.u32 s19, v3;
	v15 =	vmov v16;
	s19 =	smov.u32 s6;
	vm1 =	vgt.f32 v14, $0.0e+00;
	(xrf2) =	vadd.scan.msk.f32 $0xffff, v14;
	v19, _, _ =	vpop (xrf0)  }
0x330: {  	s11 =	sadd.s32 $0xFFFFFFF0, s11;
	s18 =	sxor.u32 $0x80000000, s13;
	v21 =	vnsel vm1, $0x7FFFFFFF, v13;
	v17 =	vadd.f32 v17, v10;
	v20, _, _ =	vpop (xrf0);
	s3 =	sadd.f32 s0, s28;
	(xrf0) =	vmax.scan.msk.u32 $0xffff, v18;
	(v2sf) =	vpush v19, $0xF  }
0x331: {  	s13 =	smov.u32 s26;
	s17 =	smov.u32 s25;
	v10 =	vmovc v11;
	v11 =	vmov v12;
	v12 =	vmov v14;
	(xrf0) =	vmax.scan.msk.u32 $0xffff, v21;
	(v2sf) =	vpush v20, $0xF;
	s6 =	spop (v2sf);
	v14 =	vld [tilespmem:s11+$0x0]  }
0x332: {  	p1 =	sgt.s32 s30, s18;
	v16, _, _ =	vpop (xrf2);
	v17 =	vadd.f32 s3, v17;
	s3 =	spop (v2sf);
	s12 =	sxor.u32 $0x80000000, s6  }
0x333: {  	_ =	sdelay $0x3  }
0x334: {  	(v2sf) =	vpush v16, $0xF;
	v18, _, _ =	vpop (xrf0)  }
0x335: {  	v19, _, _ =	vpop (xrf0);
	(v2sf) =	vpush v18, $0xF  }
0x336: {  	(v2sf) =	vpush v19, $0xF;
	v57, _, _ =	vpop (xrf2)  }
0x337: {  	(v2sf) =	vpush v57, $0xF;
	_ =	sdelay $0x4  }
0x338: {  	(xrf2) =	vadd.scan.msk.f32 $0xffff, v14  }
0x339: {  	s6 =	spop (v2sf)  }
0x33a: {  	s22 =	spop (v2sf)  }
0x33b: {  	s11 =	spop (v2sf)  }
0x33c: {  	s25 =	spop (v2sf)  }
0x33d: {  	v58 =	vbroadcast v15, $0xF;
	s6 =	sadd.f32 s6, s0;
	s17 =	spop (v2sf)  }
0x33e: {  	s0 =	spop (v2sf)  }
0x33f: {  	v20 =	vbroadcast v16, $0xF;
	v15 =	vsub.f32 v58, v15;
	s26 =	sadd.f32 s25, s6;
	s20 =	spop (v2sf)  }
0x340: {  	v59 =	vor.u32 s19, v3;
	v60 =	vbroadcast v57, $0xF;
	s6 =	sadd.f32 s6, s28;
	s25 =	spop (v2sf)  }
0x341: {  	vm1 =	vgt.f32 v17, v6;
	v16 =	vsub.f32 v20, v16;
	v10 =	vadd.f32 v15, v10;
	s20 =	sadd.f32 s20, s26;
	s19 =	spop (v2sf)  }
0x342: {  	v7 =	vnsel vm1, $0x7FFFFFFF, v7;
	vm1 =	vgt.f32 v14, $0.0e+00;
	v15 =	vsub.f32 v60, v57;
	s23 =	sadd.f32 s26, s28;
	v61, _, _ =	vpop (xrf2);
	s26 =	spop (v2sf)  }
0x343: {  	v11 =	vadd.f32 v16, v11;
	v10 =	vadd.f32 s6, v10;
	v62 =	vbroadcast v61, $0xF;
	s6 =	sadd.f32 s26, s20  }
0x344: {  	(xrf0) =	vmax.scan.msk.u32 $0xffff, v7;
	v63 =	vnsel vm1, $0x7FFFFFFF, v59;
	v7 =	vadd.f32 v15, v12;
	s20 =	sadd.f32 s20, s28  }
0x345: {  	(xrf0) =	vmax.scan.msk.u32 $0xffff, v63;
	v11 =	vadd.f32 s23, v11;
	vm1 =	vgt.f32 v10, v6;
	v10 =	vsub.f32 v62, v61  }
0x346: {  	v8 =	vnsel vm1, $0x7FFFFFFF, v8;
	v7 =	vadd.f32 s20, v7  }
0x347: {  	(xrf0) =	vmax.scan.msk.u32 $0xffff, v8;
	vm1 =	vgt.f32 v11, v6;
	v8 =	vadd.f32 v10, v14;
	s6 =	sadd.f32 s6, s28  }
0x348: {  	v9 =	vnsel vm1, $0x7FFFFFFF, v9  }
0x349: {  	(xrf0) =	vmax.scan.msk.u32 $0xffff, v9;
	v8 =	vadd.f32 s6, v8;
	vm1 =	vgt.f32 v7, v6  }
0x34a: {  	v9 =	vnsel vm1, $0x7FFFFFFF, v13;
	v7, _, _ =	vpop (xrf0)  }
0x34b: {  	(xrf0) =	vmax.scan.msk.u32 $0xffff, v9;
	vm1 =	vgt.f32 v8, v6;
	v10, _, _ =	vpop (xrf0);
	(v2sf) =	vpush v7, $0xF  }
0x34c: {  	v7 =	vnsel vm1, $0x7FFFFFFF, v59;
	(v2sf) =	vpush v10, $0xF  }
0x34d: {  	v8, _, _ =	vpop (xrf0);
	(xrf0) =	vmax.scan.msk.u32 $0xffff, v7;
	(v2sf) =	vpush v61, $0xF  }
0x34e: {  	(v2sf) =	vpush v8, $0xF  }
0x34f: {  	v7, _, _ =	vpop (xrf0)  }
0x350: {  	(v2sf) =	vpush v7, $0xF  }
0x351: {  	v7, _, _ =	vpop (xrf0)  }
0x352: {  	(v2sf) =	vpush v7, $0xF  }
0x353: {  	s18 =	smov.u32 @p1 s30;
	v7, _, _ =	vpop (xrf0)  }
0x354: {  	p1 =	sgt.s32 s31, s12;
	s3 =	sxor.u32 $0x80000000, s3;
	s6 =	sxor.u32 $0x80000000, s13;
	(v2sf) =	vpush v7, $0xF  }
0x355: {  	s12 =	smov.u32 @p1 s31;
	s13 =	sxor.u32 $0x80000000, s22;
	p1 =	sgt.s32 s18, s6  }
0x356: {  	s6 =	smov.u32 @p1 s18;
	p1 =	sgt.s32 s12, s13;
	s18 =	sxor.u32 $0x80000000, s29  }
0x357: {  	s13 =	smov.u32 @p1 s12;
	s12 =	sxor.u32 $0x80000000, s17;
	p1 =	sgt.s32 s6, s18  }
0x358: {  	s0 =	sxor.u32 $0x80000000, s0;
	p2 =	sgt.s32 s13, s12;
	s18 =	smov.u32 @p1 s6  }
0x359: {  	s6 =	sxor.u32 $0x80000000, s14;
	s12 =	smov.u32 @p2 s13;
	s13 =	sxor.u32 $0x80000000, s25  }
0x35a: {  	p1 =	sgt.s32 s18, s6;
	p2 =	sgt.s32 s12, s13;
	s25 =	spop (v2sf)  }
0x35b: {  	s6 =	smov.u32 @p1 s18;
	s13 =	smov.u32 @p2 s12;
	s26 =	spop (v2sf)  }
0x35c: {  	p1 =	sgt.s32 s6, s3;
	s12 =	sxor.u32 $0x80000000, s25;
	s29 =	spop (v2sf)  }
0x35d: {  	s3 =	smov.u32 @p1 s6;
	p2 =	sgt.s32 s13, s12;
	s30 =	spop (v2sf)  }
0x35e: {  	s6 =	sxor.u32 $0x80000000, s11;
	s12 =	smov.u32 @p2 s13;
	s11 =	sxor.u32 $0x80000000, s30  }
0x35f: {  	p1 =	sgt.s32 s3, s6;
	s31 =	spop (v2sf);
	p2 =	sgt.s32 s12, s11  }
0x360: {  	s6 =	smov.u32 @p1 s3;
	s3 =	sxor.u32 $0x80000000, s31;
	s11 =	smov.u32 @p2 s12  }
0x361: {  	p1 =	sgt.s32 s6, s0;
	s13 =	spop (v2sf);
	p2 =	sgt.s32 s11, s3  }
0x362: {  	s0 =	smov.u32 @p1 s6;
	s6 =	sxor.u32 $0x80000000, s13;
	s3 =	smov.u32 @p2 s11  }
0x363: {  	s11 =	sxor.u32 $0x80000000, s19;
	s17 =	spop (v2sf);
	p1 =	sgt.s32 s3, s6  }
0x364: {  	p2 =	sgt.s32 s0, s11;
	s6 =	smov.u32 @p1 s3;
	s3 =	sxor.u32 $0x80000000, s17  }
0x365: {  	s11 =	smov.u32 @p2 s0;
	s0 =	sxor.u32 $0x80000000, s26;
	p1 =	sgt.s32 s6, s3  }
0x366: {  	p2 =	sgt.s32 s11, s0;
	s3 =	smov.u32 @p1 s6  }
0x367: {  	s18 =	simm.s32 $0x1C080;
	s0 =	smov.u32 @p2 s11;
	p1 =	slt.s32 s3, $0x0  }
0x368: {  	v8 =	vld [tilespmem:s18+$0x0];
	s3 =	smov.u32 @p1 s0  }
0x369: {  	s19 =	simm.s32 $0x1C090;
	p1 =	sgt.s32 s3, $0x0  }
0x36a: {  	s20 =	simm.s32 $0x1C0A0;
	s22 =	simm.s32 $0x0;
	v9 =	vld [tilespmem:s19+$0x0];
	s3 =	simm.s32 @!p1 $0x0  }
0x36b: {  	v11 =	vor.u32 s22, v0;
	v10 =	vld [tilespmem:s20+$0x0];
	v7 =	vmov s3  }
0x36c: {  	s23 =	simm.s32 $0x10;
	vm1 =	vgt.u32 v11, v7  }
0x36d: {  	s25 =	simm.s32 $0x20;
	v11 =	vor.u32 s23, v0;
	v8 =	vnsel vm1, $0x0, v8  }
0x36e: {  	vm1 =	vgt.u32 v11, v7;
	v11 =	vor.u32 s25, v0;
	(xrf2) =	vadd.scan.msk.f32 $0xffff, v8  }
0x36f: {  	v8 =	vnsel vm1, $0x0, v9;
	vm1 =	vgt.u32 v11, v7  }
0x370: {  	(xrf2) =	vadd.scan.msk.f32 $0xffff, v8;
	v8 =	vnsel vm1, $0x0, v10  }
0x371: {  	(xrf2) =	vadd.scan.msk.f32 $0xffff, v8;
	_ =	sdelay $0x6  }
0x372: {  	v10, _, _ =	vpop (xrf2)  }
0x373: {  	s26 =	simm.s32 $0x1C0B0;
	(v2sf) =	vpush v10, $0xF  }
0x374: {  	v8 =	vld [tilespmem:s26+$0x0];
	v10, _, _ =	vpop (xrf2)  }
0x375: {  	(v2sf) =	vpush v10, $0xF;
	v10, _, _ =	vpop (xrf2)  }
0x376: {  	s30 =	simm.s32 $0x30;
	(v2sf) =	vpush v10, $0xF  }
0x377: {  	v11 =	vor.u32 s30, v0  }
0x378: {  	vm1 =	vgt.u32 v11, v7  }
0x379: {  	s29 =	simm.s32 $0x1C0C0;
	v8 =	vnsel vm1, $0x0, v8  }
0x37a: {  	v9 =	vld [tilespmem:s29+$0x0];
	(xrf2) =	vadd.scan.msk.f32 $0xffff, v8;
	_ =	sdelay $0x1  }
0x37b: {  	s31 =	simm.s32 $0x40  }
0x37c: {  	v11 =	vor.u32 s31, v0  }
0x37d: {  	vm1 =	vgt.u32 v11, v7  }
0x37e: {  	s12 =	simm.s32 $0x1C0D0;
	s11 =	simm.s32 $0x50;
	s0 =	simm.f32 $0.0e+00;
	v8 =	vnsel vm1, $0x0, v9  }
.LBB2_39:
0x37f: {  	v9 =	vld [tilespmem:s12+$0x0];
	p1 =	sne.s32 s11, $0x3F0;
	(xrf2) =	vadd.scan.msk.f32 $0xffff, v8;
	s6 =	smov.u32 s11;
	s11 =	sadd.s32 $0x10, s11  }
.Ltmp19:
0x380: {  	(pc) =	sbr.rel @p1 .LBB2_39-.Ltmp19, $4  }
0x381: {  	s13 =	spop (v2sf)  }
0x382: {  	v8 =	vor.u32 s6, v0;
	s0 =	sadd.f32 s13, s0  }
0x383: {  	vm1 =	vgt.u32 v8, v7;
	v10, _, _ =	vpop (xrf2)  }
0x384: {  	s12 =	sadd.s32 $0x10, s12;
	v8 =	vnsel vm1, $0x0, v9;
	(v2sf) =	vpush v10, $0xF  }
0x385: {  	(xrf2) =	vadd.scan.msk.f32 $0xffff, v8;
	_ =	sdelay $0x7  }
0x386: {  	v7, _, _ =	vpop (xrf2)  }
0x387: {  	(v2sf) =	vpush v7, $0xF  }
0x388: {  	v7, _, _ =	vpop (xrf2)  }
0x389: {  	(v2sf) =	vpush v7, $0xF;
	_ =	sdelay $0x6  }
0x38a: {  	s6 =	spop (v2sf)  }
0x38b: {  	s0 =	sadd.f32 s6, s0  }
0x38c: {  	s25 =	spop (v2sf)  }
0x38d: {  	s0 =	sadd.f32 s25, s0  }
0x38e: {  	s26 =	spop (v2sf)  }
0x38f: {  	s0 =	sadd.f32 s26, s0  }
0x390: {  	s30 =	spop (v2sf)  }
0x391: {  	s0 =	sadd.f32 s30, s0  }
0x392: {  	s31 =	spop (v2sf)  }
0x393: {  	s11 =	simm.s32 $0x200;
	s29 =	sadd.f32 s31, s0;
	s0 =	simm.s32 $0x0  }
.LBB2_41:
0x394: {  	p1 =	sne.s32 s11, $0x10000;
	[tilespmem:s0+$0x14070] =	vst v1  }
0x395: {  	[tilespmem:s0+$0x14000] =	vst v1  }
0x396: {  	[tilespmem:s0+$0x14010] =	vst v1  }
.Ltmp20:
0x397: {  	[tilespmem:s0+$0x14020] =	vst v1;
	(pc) =	sbr.rel @p1 .LBB2_41-.Ltmp20, $4  }
0x398: {  	[tilespmem:s0+$0x14030] =	vst v1  }
0x399: {  	[tilespmem:s0+$0x14040] =	vst v1  }
0x39a: {  	[tilespmem:s0+$0x14050] =	vst v1  }
0x39b: {  	[tilespmem:s0+$0x14060] =	vst v1;
	s0 =	sshra.s32 s11, $0x2;
	s11 =	sadd.s32 $0x200, s11  }
0x39c: {  	[tilespmem:s0+$0x14070] =	vst v1  }
0x39d: {  	[tilespmem:s0+$0x14000] =	vst v1  }
0x39e: {  	[tilespmem:s0+$0x14010] =	vst v1  }
0x39f: {  	[tilespmem:s0+$0x14020] =	vst v1  }
0x3a0: {  	[tilespmem:s0+$0x14030] =	vst v1  }
0x3a1: {  	[tilespmem:s0+$0x14040] =	vst v1  }
0x3a2: {  	[tilespmem:s0+$0x14050] =	vst v1;
	s31 =	rddreg [dreg:$0xf]  }
0x3a3: {  	[tilespmem:s0+$0x14060] =	vst v1;
	s12 =	simm.s32 $0x0;
	s6 =	rddreg [dreg:$0xa];
	s0 =	sshll.u32 s31, $0xA  }
0x3a4: {  	[tilespmem:s12], [sflag:$0x1] =	stream.linear.gather [hbm4b:s6+s12], $0x4000, $0x38;
	[tilespmem:$0x1D880] =	vst v63  }
0x3a5: {  	s0 =	sor.u32 s0, s3  }
0x3a6: {  	s13 =	simm.s32 $0x0;
	[dreg:$0x10] =	wrdreg s0;
	v7 =	vmov s0  }
.LBB2_44:
0x3a7: {  	s14 =	sshll.u32 s13, $0x6  }
0x3a8: {  	s0 =	sadd.s32 s14, s4  }
0x3a9: {  	s0 =	sshll.u32 s0, $0x9  }
0x3aa: {  	s0 =	sadd.s32 s9, s0  }
0x3ab: {  	s0 =	sadd.s32 $0x4000, s0  }
0x3ac: {  	s0 =	sshrl.u32 s0, $0x3  }
0x3ad: {  	s0 =	sadd.s32 s2, s0  }
0x3ae: {  	[tilespmem:s1], [sflag:$0x2] =	stream.linear.gather [hbm4b:s0+s12], $0x4000, $0x38;
	[tilespmem:$0x1D880] =	vst v63  }
0x3af: {  	s30 =	sand.u32 $0x3000, s12;
	s3 =	sand.u32 $0xC00, s12;
	_ =	swait.ge [sflag:s8], $0x4000  }
0x3b0: {  	s6 =	sand.u32 $0x380, s12;
	s0 =	sor.u32 s3, s30;
	[sflag:s8] =	ssyncset.done $0x0  }
0x3b1: {  	s3 =	sor.u32 s6, s0;
	[sflag:s8] =	ssyncadd.s32 $0xFFFFC000  }
0x3b2: {  	v8 =	vld [tilespmem:s3+$0x20]  }
0x3b3: {  	v21 =	vld [tilespmem:s3+$0x0]  }
0x3b4: {  	v12 =	vld [tilespmem:s3+$0x10]  }
0x3b5: {  	v11 =	vld [tilespmem:s3+$0x50]  }
0x3b6: {  	v9 =	vld [tilespmem:s3+$0x30]  }
0x3b7: {  	v14 =	vshrl.u32 v8, $0xA  }
0x3b8: {  	v10 =	vld [tilespmem:s3+$0x40];
	v17 =	vand.u32 $0x3FF, v8;
	v13 =	vshrl.u32 v21, $0xA;
	v15 =	vand.u32 $0x3FF, v21  }
0x3b9: {  	v16 =	vshrl.u32 v12, $0xA;
	v18 =	vand.u32 $0x3FF, v12;
	vm6 =	veq.s32 v13, v7  }
0x3ba: {  	v19 =	vshrl.u32 v11, $0xA;
	v23 =	vand.u32 $0x3FF, v11;
	v13 =	vld [tilespmem:s3+$0x60];
	v22 =	vadd.s32 v4, v15  }
0x3bb: {  	vm1 =	veq.s32 v16, v7;
	vm2 =	veq.s32 v14, v7;
	v14 =	vshrl.u32 v9, $0xA  }
0x3bc: {  	v15 =	vand.u32 $0x3FF, v9;
	v16 =	vadd.s32 v4, v18;
	vm4 =	veq.s32 v14, v7;
	v14 =	vld [tilespmem:s3+$0x70]  }
0x3bd: {  	v18 =	vshrl.u32 v10, $0xA;
	v17 =	vadd.s32 v4, v17;
	vm5 =	veq.s32 v19, v7  }
0x3be: {  	s31 =	simm.s32 $0x80;
	s17 =	simm.s32 $0x100;
	v19 =	vadd.s32 v4, v23;
	vm3 =	veq.s32 v18, v7;
	v18 =	vand.u32 $0x3FF, v10  }
0x3bf: {  	s18 =	simm.s32 $0x400;
	s0 =	sand.u32 $0x3000, s31;
	v15 =	vadd.s32 v4, v15;
	s3 =	simm.s32 $0x20;
	v18 =	vadd.s32 v4, v18;
	v20 =	vshrl.u32 v13, $0xA;
	[tilespmem:v22+s21+$0x0] =	vst.idx.add.f32.msk vm6, v21  }
.LBB2_45:
0x3c0: {  	s11 =	smov.u32 s17  }
0x3c1: {  	s6 =	sand.u32 $0x3000, s17;
	s19 =	sand.u32 $0xC00, s18;
	vm6 =	veq.s32 v20, v7;
	v20 =	vshrl.u32 v14, $0xA;
	v21 =	vand.u32 $0x3FF, v13;
	s11 =	sadd.s32 $0x80, s17  }
0x3c2: {  	p1 =	sne.s32 s17, $0x3F80;
	s17 =	sand.u32 $0x380, s3;
	s0 =	sor.u32 s19, s0;
	vm7 =	veq.s32 v20, v7;
	v20 =	vadd.s32 v4, v21;
	v21 =	vand.u32 $0x3FF, v14;
	[tilespmem:v16+s21+$0x0] =	vst.idx.add.f32.msk vm1, v12  }
0x3c3: {  	s17 =	sor.u32 s17, s0;
	v12 =	vadd.s32 v4, v21;
	s0 =	smov.u32 s6;
	[tilespmem:v17+s21+$0x0] =	vst.idx.add.f32.msk vm2, v8  }
0x3c4: {  	[tilespmem:v15+s21+$0x0] =	vst.idx.add.f32.msk vm4, v9  }
0x3c5: {  	[tilespmem:v18+s21+$0x0] =	vst.idx.add.f32.msk vm3, v10  }
0x3c6: {  	[tilespmem:v19+s21+$0x0] =	vst.idx.add.f32.msk vm5, v11  }
0x3c7: {  	[tilespmem:v20+s21+$0x0] =	vst.idx.add.f32.msk vm6, v13  }
0x3c8: {  	[tilespmem:v12+s21+$0x0] =	vst.idx.add.f32.msk vm7, v14  }
0x3c9: {  	v8 =	vld [tilespmem:s17+$0x20]  }
0x3ca: {  	v21 =	vld [tilespmem:s17+$0x0]  }
0x3cb: {  	v12 =	vld [tilespmem:s17+$0x10]  }
0x3cc: {  	v9 =	vld [tilespmem:s17+$0x30];
	_ =	sdelay $0x1  }
0x3cd: {  	v10 =	vld [tilespmem:s17+$0x40];
	v15 =	vshrl.u32 v8, $0xA;
	v17 =	vand.u32 $0x3FF, v8  }
0x3ce: {  	v11 =	vld [tilespmem:s17+$0x50];
	v14 =	vshrl.u32 v21, $0xA;
	v16 =	vand.u32 $0x3FF, v21  }
0x3cf: {  	v13 =	vld [tilespmem:s17+$0x60];
	vm6 =	veq.s32 v14, v7;
	v14 =	vshrl.u32 v12, $0xA;
	v18 =	vand.u32 $0x3FF, v12  }
0x3d0: {  	v22 =	vadd.s32 v4, v16;
	vm1 =	veq.s32 v14, v7;
	v19 =	vand.u32 $0x3FF, v9  }
.Ltmp21:
0x3d1: {  	vm2 =	veq.s32 v15, v7;
	v16 =	vadd.s32 v4, v18;
	v14 =	vld [tilespmem:s17+$0x70];
	v15 =	vadd.s32 v4, v19;
	(pc) =	sbr.rel @p1 .LBB2_45-.Ltmp21, $4  }
0x3d2: {  	v17 =	vadd.s32 v4, v17;
	v18 =	vshrl.u32 v9, $0xA;
	v19 =	vshrl.u32 v10, $0xA  }
0x3d3: {  	vm4 =	veq.s32 v18, v7;
	v18 =	vand.u32 $0x3FF, v10;
	vm3 =	veq.s32 v19, v7  }
0x3d4: {  	v19 =	vshrl.u32 v11, $0xA;
	v18 =	vadd.s32 v4, v18;
	v23 =	vand.u32 $0x3FF, v11  }
0x3d5: {  	s18 =	sadd.s32 $0x400, s18;
	s3 =	sadd.s32 $0x20, s3;
	s17 =	smov.u32 s11;
	vm5 =	veq.s32 v19, v7;
	v20 =	vshrl.u32 v13, $0xA;
	v19 =	vadd.s32 v4, v23;
	[tilespmem:v22+s21+$0x0] =	vst.idx.add.f32.msk vm6, v21  }
0x3d6: {  	_ =	sdelay $0x3  }
0x3d7: {  	vm6 =	veq.s32 v20, v7;
	v20 =	vshrl.u32 v14, $0xA;
	v21 =	vand.u32 $0x3FF, v13  }
0x3d8: {  	[tilespmem:v16+s21+$0x0] =	vst.idx.add.f32.msk vm1, v12;
	vm7 =	veq.s32 v20, v7;
	v20 =	vadd.s32 v4, v21;
	v21 =	vand.u32 $0x3FF, v14  }
0x3d9: {  	[tilespmem:v17+s21+$0x0] =	vst.idx.add.f32.msk vm2, v8;
	v12 =	vadd.s32 v4, v21  }
0x3da: {  	[tilespmem:v15+s21+$0x0] =	vst.idx.add.f32.msk vm4, v9  }
0x3db: {  	[tilespmem:v18+s21+$0x0] =	vst.idx.add.f32.msk vm3, v10  }
0x3dc: {  	s6 =	sand.u32 $0xC00, s18;
	[tilespmem:v19+s21+$0x0] =	vst.idx.add.f32.msk vm5, v11  }
0x3dd: {  	s3 =	sand.u32 $0x380, s3;
	s0 =	sor.u32 s6, s0;
	[tilespmem:v20+s21+$0x0] =	vst.idx.add.f32.msk vm6, v13  }
0x3de: {  	s0 =	sor.u32 s3, s0;
	[tilespmem:v12+s21+$0x0] =	vst.idx.add.f32.msk vm7, v14  }
0x3df: {  	v8 =	vld [tilespmem:s0+$0x20]  }
0x3e0: {  	v9 =	vld [tilespmem:s0+$0x0]  }
0x3e1: {  	v10 =	vld [tilespmem:s0+$0x10]  }
0x3e2: {  	v12 =	vld [tilespmem:s0+$0x40]  }
0x3e3: {  	v17 =	vld [tilespmem:s0+$0x50];
	_ =	sdelay $0x2  }
0x3e4: {  	v11 =	vld [tilespmem:s0+$0x30];
	v13 =	vshrl.u32 v8, $0xA  }
0x3e5: {  	v14 =	vand.u32 $0x3FF, v8;
	v15 =	vshrl.u32 v9, $0xA;
	v16 =	vand.u32 $0x3FF, v9  }
0x3e6: {  	v18 =	vand.u32 $0x3FF, v10;
	v21 =	vshrl.u32 v12, $0xA;
	v22 =	vand.u32 $0x3FF, v17  }
0x3e7: {  	v19 =	vld [tilespmem:s0+$0x60];
	vm1 =	veq.s32 v15, v7;
	v15 =	vshrl.u32 v10, $0xA;
	vm3 =	veq.s32 v13, v7  }
0x3e8: {  	v20 =	vld [tilespmem:s0+$0x70];
	v13 =	vadd.s32 v4, v18;
	vm2 =	veq.s32 v15, v7;
	v15 =	vadd.s32 v4, v16  }
0x3e9: {  	v18 =	vshrl.u32 v11, $0xA;
	v14 =	vadd.s32 v4, v14;
	vm5 =	veq.s32 v21, v7  }
0x3ea: {  	v21 =	vshrl.u32 v17, $0xA;
	v16 =	vand.u32 $0x3FF, v11;
	vm4 =	veq.s32 v18, v7  }
0x3eb: {  	v22 =	vadd.s32 v4, v22;
	v18 =	vand.u32 $0x3FF, v12;
	v16 =	vadd.s32 v4, v16  }
0x3ec: {  	vm6 =	veq.s32 v21, v7;
	v21 =	vshrl.u32 v19, $0xA;
	v18 =	vadd.s32 v4, v18  }
0x3ed: {  	[tilespmem:v15+s21+$0x0] =	vst.idx.add.f32.msk vm1, v9;
	vm1 =	veq.s32 v21, v7;
	v9 =	vshrl.u32 v20, $0xA;
	v15 =	vand.u32 $0x3FF, v19  }
0x3ee: {  	vm7 =	veq.s32 v9, v7;
	v9 =	vadd.s32 v4, v15;
	v15 =	vand.u32 $0x3FF, v20;
	[tilespmem:v13+s21+$0x0] =	vst.idx.add.f32.msk vm2, v10  }
0x3ef: {  	p1 =	seq.s32 s13, $0x3;
	v10 =	vadd.s32 v4, v15;
	[tilespmem:v14+s21+$0x0] =	vst.idx.add.f32.msk vm3, v8  }
0x3f0: {  	s0 =	sadd.s32 @!p1 s14, s15;
	[tilespmem:v16+s21+$0x0] =	vst.idx.add.f32.msk vm4, v11  }
0x3f1: {  	s0 =	sshll.u32 @!p1 s0, $0x9;
	[tilespmem:v18+s21+$0x0] =	vst.idx.add.f32.msk vm5, v12  }
0x3f2: {  	s0 =	sadd.s32 @!p1 s9, s0;
	[tilespmem:v22+s21+$0x0] =	vst.idx.add.f32.msk vm6, v17  }
0x3f3: {  	s0 =	sshrl.u32 @!p1 s0, $0x3;
	[tilespmem:v9+s21+$0x0] =	vst.idx.add.f32.msk vm1, v19  }
0x3f4: {  	s25 =	simm.s32 $0x0;
	s3 =	simm.s32 @!p1 $0x0;
	s0 =	sadd.s32 @!p1 s2, s0;
	[tilespmem:v10+s21+$0x0] =	vst.idx.add.f32.msk vm7, v20  }
0x3f5: {  	[tilespmem:s3], [sflag:$0x1] =	stream.linear.gather @!p1 [hbm4b:s0+s3], $0x4000, $0x38;
	[tilespmem:$0x1D880] =	vst v63  }
0x3f6: {  	s26 =	sand.u32 $0x3000, s25;
	s30 =	sand.u32 $0xC00, s25;
	_ =	swait.ge [sflag:s16], $0x4000  }
0x3f7: {  	s0 =	sand.u32 $0x380, s25;
	s3 =	sor.u32 s30, s26;
	[sflag:s16] =	ssyncset.done $0x0  }
0x3f8: {  	s3 =	sor.u32 s0, s3;
	[sflag:s16] =	ssyncadd.s32 $0xFFFFC000  }
0x3f9: {  	v8 =	vld [tilespmem:s3+$0x4020]  }
0x3fa: {  	v21 =	vld [tilespmem:s3+$0x4000]  }
0x3fb: {  	v12 =	vld [tilespmem:s3+$0x4010]  }
0x3fc: {  	v11 =	vld [tilespmem:s3+$0x4050]  }
0x3fd: {  	v9 =	vld [tilespmem:s3+$0x4030]  }
0x3fe: {  	v14 =	vshrl.u32 v8, $0xA  }
0x3ff: {  	v10 =	vld [tilespmem:s3+$0x4040];
	v17 =	vand.u32 $0x3FF, v8;
	v13 =	vshrl.u32 v21, $0xA;
	v15 =	vand.u32 $0x3FF, v21  }
0x400: {  	v16 =	vshrl.u32 v12, $0xA;
	v18 =	vand.u32 $0x3FF, v12;
	vm6 =	veq.s32 v13, v7  }
0x401: {  	v19 =	vshrl.u32 v11, $0xA;
	v23 =	vand.u32 $0x3FF, v11;
	v13 =	vld [tilespmem:s3+$0x4060];
	v22 =	vadd.s32 v4, v15  }
0x402: {  	vm1 =	veq.s32 v16, v7;
	vm2 =	veq.s32 v14, v7;
	v14 =	vshrl.u32 v9, $0xA  }
0x403: {  	v15 =	vand.u32 $0x3FF, v9;
	v16 =	vadd.s32 v4, v18;
	vm4 =	veq.s32 v14, v7;
	v14 =	vld [tilespmem:s3+$0x4070]  }
0x404: {  	v18 =	vshrl.u32 v10, $0xA;
	v17 =	vadd.s32 v4, v17;
	vm5 =	veq.s32 v19, v7  }
0x405: {  	s31 =	simm.s32 $0x80;
	s13 =	sadd.s32 $0x1, s13;
	s17 =	simm.s32 $0x100;
	v19 =	vadd.s32 v4, v23;
	vm3 =	veq.s32 v18, v7;
	v18 =	vand.u32 $0x3FF, v10  }
0x406: {  	s14 =	simm.s32 $0x400;
	s0 =	sand.u32 $0x3000, s31;
	v15 =	vadd.s32 v4, v15;
	s3 =	simm.s32 $0x20;
	v18 =	vadd.s32 v4, v18;
	v20 =	vshrl.u32 v13, $0xA;
	[tilespmem:v22+s21+$0x0] =	vst.idx.add.f32.msk vm6, v21  }
.LBB2_47:
0x407: {  	s11 =	smov.u32 s17  }
0x408: {  	s6 =	sand.u32 $0x3000, s17;
	s18 =	sand.u32 $0xC00, s14;
	vm6 =	veq.s32 v20, v7;
	v20 =	vshrl.u32 v14, $0xA;
	v21 =	vand.u32 $0x3FF, v13;
	s11 =	sadd.s32 $0x80, s17  }
0x409: {  	p1 =	seq.s32 s17, $0x3F80;
	s17 =	sand.u32 $0x380, s3;
	s0 =	sor.u32 s18, s0;
	vm7 =	veq.s32 v20, v7;
	v20 =	vadd.s32 v4, v21;
	v21 =	vand.u32 $0x3FF, v14;
	[tilespmem:v16+s21+$0x0] =	vst.idx.add.f32.msk vm1, v12  }
0x40a: {  	s17 =	sor.u32 s17, s0;
	v12 =	vadd.s32 v4, v21;
	s0 =	smov.u32 s6;
	[tilespmem:v17+s21+$0x0] =	vst.idx.add.f32.msk vm2, v8  }
0x40b: {  	[tilespmem:v15+s21+$0x0] =	vst.idx.add.f32.msk vm4, v9  }
0x40c: {  	[tilespmem:v18+s21+$0x0] =	vst.idx.add.f32.msk vm3, v10  }
0x40d: {  	[tilespmem:v19+s21+$0x0] =	vst.idx.add.f32.msk vm5, v11  }
0x40e: {  	[tilespmem:v20+s21+$0x0] =	vst.idx.add.f32.msk vm6, v13  }
0x40f: {  	[tilespmem:v12+s21+$0x0] =	vst.idx.add.f32.msk vm7, v14  }
0x410: {  	v8 =	vld [tilespmem:s17+$0x4020]  }
0x411: {  	v21 =	vld [tilespmem:s17+$0x4000]  }
0x412: {  	v12 =	vld [tilespmem:s17+$0x4010]  }
0x413: {  	v9 =	vld [tilespmem:s17+$0x4030];
	_ =	sdelay $0x1  }
0x414: {  	v10 =	vld [tilespmem:s17+$0x4040];
	v15 =	vshrl.u32 v8, $0xA;
	v17 =	vand.u32 $0x3FF, v8  }
0x415: {  	v11 =	vld [tilespmem:s17+$0x4050];
	v14 =	vshrl.u32 v21, $0xA;
	v16 =	vand.u32 $0x3FF, v21  }
0x416: {  	v13 =	vld [tilespmem:s17+$0x4060];
	vm6 =	veq.s32 v14, v7;
	v14 =	vshrl.u32 v12, $0xA;
	v18 =	vand.u32 $0x3FF, v12  }
0x417: {  	v22 =	vadd.s32 v4, v16;
	vm1 =	veq.s32 v14, v7;
	v19 =	vand.u32 $0x3FF, v9  }
.Ltmp22:
0x418: {  	vm2 =	veq.s32 v15, v7;
	v16 =	vadd.s32 v4, v18;
	v14 =	vld [tilespmem:s17+$0x4070];
	v15 =	vadd.s32 v4, v19;
	(pc) =	sbr.rel @!p1 .LBB2_47-.Ltmp22, $4  }
0x419: {  	v17 =	vadd.s32 v4, v17;
	v18 =	vshrl.u32 v9, $0xA;
	v19 =	vshrl.u32 v10, $0xA  }
0x41a: {  	vm4 =	veq.s32 v18, v7;
	v18 =	vand.u32 $0x3FF, v10;
	vm3 =	veq.s32 v19, v7  }
0x41b: {  	v19 =	vshrl.u32 v11, $0xA;
	v18 =	vadd.s32 v4, v18;
	v23 =	vand.u32 $0x3FF, v11  }
0x41c: {  	s14 =	sadd.s32 $0x400, s14;
	s3 =	sadd.s32 $0x20, s3;
	s17 =	smov.u32 s11;
	vm5 =	veq.s32 v19, v7;
	v20 =	vshrl.u32 v13, $0xA;
	v19 =	vadd.s32 v4, v23;
	[tilespmem:v22+s21+$0x0] =	vst.idx.add.f32.msk vm6, v21  }
0x41d: {  	_ =	sdelay $0x3  }
0x41e: {  	vm6 =	veq.s32 v20, v7;
	v41 =	vshrl.u32 v14, $0xA;
	v21 =	vand.u32 $0x3FF, v13  }
0x41f: {  	v43 =	vand.u32 $0x3FF, v14;
	[tilespmem:v16+s21+$0x0] =	vst.idx.add.f32.msk vm1, v12;
	vm7 =	veq.s32 v41, v7;
	v42 =	vadd.s32 v4, v21  }
0x420: {  	v44 =	vadd.s32 v4, v43;
	[tilespmem:v17+s21+$0x0] =	vst.idx.add.f32.msk vm2, v8  }
0x421: {  	[tilespmem:v15+s21+$0x0] =	vst.idx.add.f32.msk vm4, v9  }
0x422: {  	[tilespmem:v18+s21+$0x0] =	vst.idx.add.f32.msk vm3, v10  }
0x423: {  	s6 =	sand.u32 $0xC00, s14;
	[tilespmem:v19+s21+$0x0] =	vst.idx.add.f32.msk vm5, v11  }
0x424: {  	s3 =	sand.u32 $0x380, s3;
	s0 =	sor.u32 s6, s0;
	[tilespmem:v42+s21+$0x0] =	vst.idx.add.f32.msk vm6, v13  }
0x425: {  	s0 =	sor.u32 s3, s0;
	[tilespmem:v44+s21+$0x0] =	vst.idx.add.f32.msk vm7, v14  }
0x426: {  	v8 =	vld [tilespmem:s0+$0x4020]  }
0x427: {  	v9 =	vld [tilespmem:s0+$0x4000]  }
0x428: {  	v10 =	vld [tilespmem:s0+$0x4010]  }
0x429: {  	v11 =	vld [tilespmem:s0+$0x4030]  }
0x42a: {  	v12 =	vld [tilespmem:s0+$0x4040];
	_ =	sdelay $0x1  }
0x42b: {  	v17 =	vld [tilespmem:s0+$0x4050];
	v45 =	vshrl.u32 v8, $0xA  }
0x42c: {  	v46 =	vand.u32 $0x3FF, v8;
	v47 =	vshrl.u32 v9, $0xA;
	v48 =	vand.u32 $0x3FF, v9  }
0x42d: {  	v19 =	vld [tilespmem:s0+$0x4060];
	v49 =	vshrl.u32 v10, $0xA;
	v50 =	vand.u32 $0x3FF, v10;
	v52 =	vand.u32 $0x3FF, v11  }
0x42e: {  	v20 =	vld [tilespmem:s0+$0x4070];
	v54 =	vshrl.u32 v11, $0xA;
	v55 =	vshrl.u32 v12, $0xA;
	vm1 =	veq.s32 v47, v7  }
0x42f: {  	v56 =	vand.u32 $0x3FF, v12;
	vm2 =	veq.s32 v49, v7;
	v51 =	vadd.s32 v4, v48  }
0x430: {  	v57 =	vshrl.u32 v17, $0xA;
	vm3 =	veq.s32 v45, v7;
	v53 =	vadd.s32 v4, v50  }
0x431: {  	v22 =	vand.u32 $0x3FF, v17;
	v14 =	vadd.s32 v4, v46;
	vm12 =	veq.s32 v54, v7  }
0x432: {  	v58 =	vshrl.u32 v19, $0xA;
	v16 =	vadd.s32 v4, v52;
	vm13 =	veq.s32 v55, v7  }
0x433: {  	v59 =	vshrl.u32 v20, $0xA;
	v18 =	vadd.s32 v4, v56;
	vm14 =	veq.s32 v57, v7  }
0x434: {  	v60 =	vand.u32 $0x3FF, v19;
	v22 =	vadd.s32 v4, v22;
	[tilespmem:v51+s21+$0x0] =	vst.idx.add.f32.msk vm1, v9;
	vm1 =	veq.s32 v58, v7  }
0x435: {  	v62 =	vand.u32 $0x3FF, v20;
	vm15 =	veq.s32 v59, v7;
	v61 =	vadd.s32 v4, v60;
	[tilespmem:v53+s21+$0x0] =	vst.idx.add.f32.msk vm2, v10  }
0x436: {  	v63 =	vadd.s32 v4, v62;
	[tilespmem:v14+s21+$0x0] =	vst.idx.add.f32.msk vm3, v8  }
0x437: {  	[tilespmem:v16+s21+$0x0] =	vst.idx.add.f32.msk vm12, v11  }
0x438: {  	[tilespmem:v18+s21+$0x0] =	vst.idx.add.f32.msk vm13, v12  }
0x439: {  	[tilespmem:v22+s21+$0x0] =	vst.idx.add.f32.msk vm14, v17  }
0x43a: {  	[tilespmem:v61+s21+$0x0] =	vst.idx.add.f32.msk vm1, v19  }
0x43b: {  	[tilespmem:v63+s21+$0x0] =	vst.idx.add.f32.msk vm15, v20  }
0x43c: {  	p1 =	seq.s32 s13, $0x4  }
.Ltmp23:
0x43d: {  	_ = 	snop;
	(pc) =	sbr.rel @!p1 .LBB2_44-.Ltmp23, $1  }
0x43e: {  	_ =	sdelay $0x3  }
0x43f: {  	s12 =	simm.s32 $0x0  }
0x440: {  	v7 =	vld [tilespmem:s12+$0x14000]  }
0x441: {  	v8 =	vld [tilespmem:s12+$0x14401];
	_ =	sdelay $0x1  }
0x442: {  	v9 =	vld [tilespmem:s12+$0x14802];
	_ =	sdelay $0x1  }
0x443: {  	v10 =	vld [tilespmem:s12+$0x14C03]  }
0x444: {  	v7 =	vadd.f32 v8, v7  }
0x445: {  	v8 =	vld [tilespmem:s12+$0x15004]  }
0x446: {  	v7 =	vadd.f32 v9, v7  }
0x447: {  	v9 =	vld [tilespmem:s12+$0x15405]  }
0x448: {  	v7 =	vadd.f32 v10, v7  }
0x449: {  	v10 =	vld [tilespmem:s12+$0x15806]  }
0x44a: {  	v7 =	vadd.f32 v8, v7  }
0x44b: {  	v8 =	vld [tilespmem:s12+$0x15C07]  }
0x44c: {  	s3 =	simm.s32 $0x10;
	v11 =	vld [tilespmem:s12+$0x16008];
	v7 =	vadd.f32 v9, v7  }
0x44d: {  	v12 =	vld [tilespmem:s3+$0x14000]  }
0x44e: {  	v9 =	vld [tilespmem:s12+$0x16409];
	v7 =	vadd.f32 v10, v7  }
0x44f: {  	v10 =	vld [tilespmem:s3+$0x14401]  }
0x450: {  	v13 =	vld [tilespmem:s3+$0x14802];
	v7 =	vadd.f32 v8, v7  }
0x451: {  	v8 =	vld [tilespmem:s12+$0x1680A]  }
0x452: {  	v14 =	vld [tilespmem:s3+$0x14C03];
	v7 =	vadd.f32 v11, v7  }
0x453: {  	v11 =	vld [tilespmem:s12+$0x16C0B]  }
0x454: {  	v10 =	vadd.f32 v10, v12;
	v12 =	vld [tilespmem:s3+$0x15004];
	v7 =	vadd.f32 v9, v7  }
0x455: {  	v9 =	vld [tilespmem:s12+$0x1700C]  }
0x456: {  	v10 =	vadd.f32 v13, v10;
	v13 =	vld [tilespmem:s3+$0x15405];
	v7 =	vadd.f32 v8, v7  }
0x457: {  	v8 =	vld [tilespmem:s12+$0x1740D]  }
0x458: {  	v15 =	vld [tilespmem:s3+$0x15806];
	v10 =	vadd.f32 v14, v10;
	v7 =	vadd.f32 v11, v7  }
0x459: {  	v14 =	vld [tilespmem:s12+$0x1780E]  }
0x45a: {  	v11 =	vadd.f32 v12, v10;
	v10 =	vld [tilespmem:s3+$0x15C07];
	v12 =	vadd.f32 v9, v7  }
0x45b: {  	v9 =	vld [tilespmem:s12+$0x17C0F]  }
0x45c: {  	v7 =	vld [tilespmem:s3+$0x16409];
	v13 =	vadd.f32 v13, v11;
	v16 =	vadd.f32 v8, v12  }
0x45d: {  	s0 =	simm.s32 $0x20;
	v11 =	vld [tilespmem:s3+$0x16008]  }
0x45e: {  	s11 =	simm.s32 $0xC0;
	v8 =	vld [tilespmem:s0+$0x14000];
	v12 =	vadd.f32 v15, v13;
	v13 =	vadd.f32 v14, v16  }
.LBB2_50:
0x45f: {  	p1 =	sne.s32 s11, $0xFC0;
	v14 =	vld [tilespmem:s0+$0x14401]  }
0x460: {  	v10 =	vadd.f32 v10, v12;
	v12 =	vld [tilespmem:s3+$0x1680A];
	v9 =	vadd.f32 v9, v13  }
0x461: {  	v13 =	vld [tilespmem:s0+$0x14802]  }
0x462: {  	v10 =	vadd.f32 v11, v10;
	v11 =	vld [tilespmem:s3+$0x16C0B];
	[tilespmem:s12+$0x1C080] =	vst v9;
	s12 =	smov.u32 s3;
	s3 =	smov.u32 s0  }
0x463: {  	v9 =	vld [tilespmem:s3+$0x14C03]  }
0x464: {  	v8 =	vadd.f32 v14, v8;
	v7 =	vadd.f32 v7, v10;
	v10 =	vld [tilespmem:s12+$0x1700C]  }
0x465: {  	v14 =	vld [tilespmem:s3+$0x15004]  }
0x466: {  	v8 =	vadd.f32 v13, v8;
	v7 =	vadd.f32 v12, v7;
	v12 =	vld [tilespmem:s12+$0x1740D]  }
0x467: {  	v13 =	vld [tilespmem:s3+$0x15405]  }
0x468: {  	v8 =	vadd.f32 v9, v8;
	v7 =	vadd.f32 v11, v7;
	v15 =	vld [tilespmem:s12+$0x1780E]  }
0x469: {  	v16 =	vld [tilespmem:s3+$0x15806]  }
.Ltmp24:
0x46a: {  	v8 =	vadd.f32 v14, v8;
	v11 =	vadd.f32 v10, v7;
	v9 =	vld [tilespmem:s12+$0x17C0F];
	(pc) =	sbr.rel @p1 .LBB2_50-.Ltmp24, $4  }
0x46b: {  	v10 =	vld [tilespmem:s3+$0x15C07]  }
0x46c: {  	v13 =	vadd.f32 v13, v8;
	v7 =	vld [tilespmem:s3+$0x16409];
	v14 =	vadd.f32 v12, v11  }
0x46d: {  	s0 =	sshra.s32 s11, $0x2;
	v11 =	vld [tilespmem:s3+$0x16008]  }
0x46e: {  	s11 =	sadd.s32 $0x40, s11;
	v8 =	vld [tilespmem:s0+$0x14000];
	v12 =	vadd.f32 v16, v13;
	v13 =	vadd.f32 v15, v14  }
0x46f: {  	v14 =	vld [tilespmem:s0+$0x14401]  }
0x470: {  	v15 =	vld [tilespmem:s3+$0x1680A];
	v9 =	vadd.f32 v9, v13  }
0x471: {  	v49 =	vld [tilespmem:s0+$0x14802]  }
0x472: {  	v16 =	vld [tilespmem:s3+$0x16C0B];
	v10 =	vadd.f32 v10, v12;
	[tilespmem:s12+$0x1C080] =	vst v9  }
0x473: {  	v9 =	vld [tilespmem:s0+$0x14C03]  }
0x474: {  	v10 =	vadd.f32 v11, v10;
	v8 =	vadd.f32 v14, v8  }
0x475: {  	v50 =	vld [tilespmem:s0+$0x15004]  }
0x476: {  	v51 =	vld [tilespmem:s3+$0x1700C];
	v7 =	vadd.f32 v7, v10;
	v8 =	vadd.f32 v49, v8  }
0x477: {  	v52 =	vld [tilespmem:s0+$0x15405]  }
0x478: {  	v53 =	vld [tilespmem:s3+$0x1740D];
	v7 =	vadd.f32 v15, v7;
	v8 =	vadd.f32 v9, v8  }
0x479: {  	v54 =	vld [tilespmem:s0+$0x15806]  }
0x47a: {  	v55 =	vld [tilespmem:s3+$0x1780E];
	v7 =	vadd.f32 v16, v7;
	v8 =	vadd.f32 v50, v8  }
0x47b: {  	v56 =	vld [tilespmem:s0+$0x15C07]  }
0x47c: {  	v57 =	vld [tilespmem:s3+$0x17C0F];
	v7 =	vadd.f32 v51, v7;
	v8 =	vadd.f32 v52, v8  }
0x47d: {  	v58 =	vld [tilespmem:s0+$0x16008]  }
0x47e: {  	v7 =	vadd.f32 v53, v7;
	v8 =	vadd.f32 v54, v8  }
0x47f: {  	v59 =	vld [tilespmem:s0+$0x16409]  }
0x480: {  	v7 =	vadd.f32 v55, v7;
	v8 =	vadd.f32 v56, v8  }
0x481: {  	v60 =	vld [tilespmem:s0+$0x1680A]  }
0x482: {  	v7 =	vadd.f32 v57, v7;
	v8 =	vadd.f32 v58, v8  }
0x483: {  	v61 =	vld [tilespmem:s0+$0x16C0B]  }
0x484: {  	[tilespmem:s3+$0x1C080] =	vst v7;
	v7 =	vadd.f32 v59, v8  }
0x485: {  	v8 =	vld [tilespmem:s0+$0x1700C]  }
0x486: {  	v7 =	vadd.f32 v60, v7  }
0x487: {  	v62 =	vld [tilespmem:s0+$0x1740D]  }
0x488: {  	v7 =	vadd.f32 v61, v7  }
0x489: {  	v63 =	vld [tilespmem:s0+$0x1780E]  }
0x48a: {  	v7 =	vadd.f32 v8, v7  }
0x48b: {  	v8 =	vld [tilespmem:s0+$0x17C0F]  }
0x48c: {  	v7 =	vadd.f32 v62, v7;
	_ =	sdelay $0x1  }
0x48d: {  	v7 =	vadd.f32 v63, v7;
	_ =	sdelay $0x1  }
0x48e: {  	v7 =	vadd.f32 v8, v7  }
0x48f: {  	s23 =	rddreg [dreg:$0x8];
	s25 =	simm.s32 $0x80  }
0x490: {  	s6 =	simm.s32 $0x400;
	s11 =	simm.s32 $0x1C080;
	s26 =	simm.s32 $0x7;
	[tilespmem:s0+$0x1C080] =	vst v7  }
0x491: {  	[spmem:s23] =	stream.strided.scatter [tilespmem:s11], [sflag:$0x7], $0x400, s6, s25, $0x38;
	[tilespmem:$0x1D880] =	vst v63  }
0x492: {  	_ =	swait.ge [sflag:s26], $0x400  }
0x493: {  	[sflag:s26] =	ssyncset.done $0x0  }
0x494: {  	[sflag:s26] =	ssyncadd.s32 $0xFFFFFC00  }
0x495: {  	[bflag:$0x0] =	sbarrier.arrive $0xFFFF  }
0x496: {  	s31 =	simm.s32 $0x1C880;
	s30 =	rddreg [dreg:$0x9]  }
0x497: {  	[tilespmem:s31], [sflag:$0x7] =	stream.strided.gather [spmem:s30], $0x400, s6, s25, $0x38;
	[tilespmem:$0x1D880] =	vst v63  }
0x498: {  	_ =	swait.ge [sflag:s26], $0x400  }
0x499: {  	[sflag:s26] =	ssyncset.done $0x0  }
0x49a: {  	[sflag:s26] =	ssyncadd.s32 $0xFFFFFC00  }
0x49b: {  	s0 =	simm.s32 $0x0;
	[bflag:$0x0] =	sbarrier.arrive $0xFFFF  }
0x49c: {  	s3 =	simm.s32 $0x40;
	v7 =	vld [tilespmem:s0+$0x1C880]  }
.LBB2_52:
0x49d: {  	p1 =	seq.s32 s3, $0xFC0;
	v8 =	vld [tilespmem:s0+$0x1C080];
	_ =	sdelay $0x2  }
.Ltmp25:
0x49e: {  	(pc) =	sbr.rel @!p1 .LBB2_52-.Ltmp25, $4  }
0x49f: {  	_ = 	snop  }
0x4a0: {  	v8 =	vadd.f32 v7, v8  }
0x4a1: {  	s6 =	sshra.s32 s3, $0x2  }
0x4a2: {  	s3 =	sadd.s32 $0x40, s3;
	v7 =	vld [tilespmem:s6+$0x1C880];
	[tilespmem:s0+$0x1C080] =	vst v8;
	s0 =	smov.u32 s6  }
0x4a3: {  	v8 =	vld [tilespmem:s0+$0x1C080];
	_ =	sdelay $0x4  }
0x4a4: {  	v7 =	vadd.f32 v7, v8;
	_ =	sdelay $0x1  }
0x4a5: {  	s11 =	simm.s32 $0x1C470;
	[tilespmem:s0+$0x1C080] =	vst v7  }
0x4a6: {  	v7 =	vld [tilespmem:s11+$0x0];
	_ =	sdelay $0x2  }
0x4a7: {  	s6 =	simm.s32 $0x1C460  }
0x4a8: {  	v8 =	vld [tilespmem:s6+$0x0]  }
0x4a9: {  	s3 =	simm.s32 $0x3F0;
	(xrf2) =	vadd.scan.msk.f32 $0xffff, v7  }
0x4aa: {  	v9 =	vor.u32 s3, v3;
	vm1 =	vgt.f32 v7, $0.0e+00  }
0x4ab: {  	v10 =	vnsel vm1, $0x7FFFFFFF, v9  }
0x4ac: {  	(xrf0) =	vmax.scan.msk.u32 $0xffff, v10  }
0x4ad: {  	s6 =	simm.s32 $0x3E0;
	(xrf2) =	vadd.scan.msk.f32 $0xffff, v8  }
0x4ae: {  	s11 =	simm.s32 $0x1C450;
	v12 =	vor.u32 s6, v3;
	vm1 =	vgt.f32 v8, $0.0e+00  }
0x4af: {  	v13 =	vld [tilespmem:s11+$0x0];
	v10 =	vnsel vm1, $0x7FFFFFFF, v12  }
0x4b0: {  	(xrf0) =	vmax.scan.msk.u32 $0xffff, v10;
	_ =	sdelay $0x1  }
0x4b1: {  	v10, _, _ =	vpop (xrf0)  }
0x4b2: {  	(v2sf) =	vpush v10, $0xF;
	v10, _, _ =	vpop (xrf2)  }
0x4b3: {  	s13 =	simm.s32 $0x3D0;
	(xrf2) =	vadd.scan.msk.f32 $0xffff, v13;
	(v2sf) =	vpush v10, $0xF  }
0x4b4: {  	v14 =	vor.u32 s13, v3;
	vm1 =	vgt.f32 v13, $0.0e+00  }
0x4b5: {  	s14 =	simm.s32 $0x1C440;
	v11 =	vnsel vm1, $0x7FFFFFFF, v14;
	v16, _, _ =	vpop (xrf0)  }
0x4b6: {  	v15 =	vld [tilespmem:s14+$0x0];
	(xrf0) =	vmax.scan.msk.u32 $0xffff, v11;
	v11 =	vbroadcast v10, $0xF;
	(v2sf) =	vpush v16, $0xF;
	v16, _, _ =	vpop (xrf2)  }
0x4b7: {  	(v2sf) =	vpush v16, $0xF  }
0x4b8: {  	s28 =	sadd.f32 s29, s28;
	v10 =	vsub.f32 v11, v10  }
0x4b9: {  	s26 =	simm.f32 $0.0e+00;
	s18 =	simm.s32 $0x1C430  }
0x4ba: {  	s17 =	simm.s32 $0x3C0;
	s19 =	sadd.f32 s26, s28;
	v18 =	vld [tilespmem:s18+$0x0];
	v7 =	vadd.f32 v10, v7  }
0x4bb: {  	v17 =	vor.u32 s17, v3;
	vm1 =	vgt.f32 v15, $0.0e+00  }
0x4bc: {  	(xrf2) =	vadd.scan.msk.f32 $0xffff, v15;
	v10 =	vnsel vm1, $0x7FFFFFFF, v17;
	v11, _, _ =	vpop (xrf0);
	v7 =	vadd.f32 s19, v7  }
0x4bd: {  	(xrf0) =	vmax.scan.msk.u32 $0xffff, v10;
	(v2sf) =	vpush v11, $0xF;
	v11, _, _ =	vpop (xrf2)  }
0x4be: {  	s20 =	simm.s32 $0x3B0;
	vm1 =	vgt.f32 v7, v6;
	(v2sf) =	vpush v11, $0xF  }
0x4bf: {  	v7 =	vor.u32 s20, v3;
	v9 =	vnsel vm1, $0x7FFFFFFF, v9;
	vm1 =	vgt.f32 v18, $0.0e+00  }
0x4c0: {  	v10 =	vnsel vm1, $0x7FFFFFFF, v7  }
0x4c1: {  	(xrf0) =	vmax.scan.msk.u32 $0xffff, v9;
	v9 =	vbroadcast v16, $0xF;
	s3 =	spop (v2sf)  }
0x4c2: {  	s22 =	spop (v2sf)  }
0x4c3: {  	(xrf0) =	vmax.scan.msk.u32 $0xffff, v10;
	v9 =	vsub.f32 v9, v16;
	v10, _, _ =	vpop (xrf0);
	s0 =	sadd.f32 s22, s26  }
0x4c4: {  	s23 =	simm.s32 $0x1C420;
	(v2sf) =	vpush v10, $0xF  }
0x4c5: {  	v8 =	vadd.f32 v9, v8;
	v9 =	vbroadcast v11, $0xF;
	v10 =	vld [tilespmem:s23+$0x0];
	s13 =	spop (v2sf);
	s25 =	sadd.f32 s0, s28  }
0x4c6: {  	s26 =	spop (v2sf)  }
0x4c7: {  	(xrf2) =	vadd.scan.msk.f32 $0xffff, v18;
	v16, _, _ =	vpop (xrf2);
	v9 =	vsub.f32 v9, v11;
	s0 =	sadd.f32 s26, s0;
	v8 =	vadd.f32 s25, v8  }
0x4c8: {  	s11 =	simm.s32 $0x1C410;
	(v2sf) =	vpush v16, $0xF  }
0x4c9: {  	s14 =	simm.s32 $0x3A0;
	v11 =	vld [tilespmem:s11+$0x0];
	v9 =	vadd.f32 v9, v13;
	s17 =	sadd.f32 s0, s28;
	vm1 =	vgt.f32 v8, v6  }
0x4ca: {  	(xrf2) =	vadd.scan.msk.f32 $0xffff, v10;
	v8 =	vor.u32 s14, v3;
	v12 =	vnsel vm1, $0x7FFFFFFF, v12  }
0x4cb: {  	v19, _, _ =	vpop (xrf0);
	v9 =	vadd.f32 s17, v9;
	vm1 =	vgt.f32 v10, $0.0e+00;
	(xrf0) =	vmax.scan.msk.u32 $0xffff, v12;
	v12 =	vbroadcast v16, $0xF  }
0x4cc: {  	v20, _, _ =	vpop (xrf0);
	(v2sf) =	vpush v19, $0xF;
	s29 =	spop (v2sf);
	v13 =	vnsel vm1, $0x7FFFFFFF, v8  }
0x4cd: {  	s19 =	simm.s32 $0x390;
	(v2sf) =	vpush v20, $0xF;
	vm1 =	vgt.f32 v9, v6;
	(xrf0) =	vmax.scan.msk.u32 $0xffff, v13;
	s18 =	spop (v2sf);
	v12 =	vsub.f32 v12, v16  }
0x4ce: {  	v9 =	vor.u32 s19, v3;
	v13 =	vnsel vm1, $0x7FFFFFFF, v14;
	vm1 =	vgt.f32 v11, $0.0e+00;
	s0 =	sadd.f32 s18, s0  }
0x4cf: {  	v14 =	vnsel vm1, $0x7FFFFFFF, v9;
	(xrf0) =	vmax.scan.msk.u32 $0xffff, v13;
	v15 =	vadd.f32 v12, v15  }
0x4d0: {  	(xrf0) =	vmax.scan.msk.u32 $0xffff, v14;
	s22 =	sadd.f32 s0, s28  }
0x4d1: {  	v13, _, _ =	vpop (xrf2)  }
0x4d2: {  	(xrf2) =	vadd.scan.msk.f32 $0xffff, v11;
	(v2sf) =	vpush v13, $0xF;
	v14, _, _ =	vpop (xrf0);
	v16 =	vadd.f32 s22, v15  }
0x4d3: {  	s14 =	spop (v2sf);
	(v2sf) =	vpush v14, $0xF;
	v15, _, _ =	vpop (xrf0)  }
0x4d4: {  	s20 =	simm.s32 $0x1C400;
	vm1 =	vgt.f32 v16, v6;
	(v2sf) =	vpush v15, $0xF;
	v15, _, _ =	vpop (xrf2)  }
0x4d5: {  	v12 =	vld [tilespmem:s20+$0x0];
	v16 =	vnsel vm1, $0x7FFFFFFF, v17;
	v17, _, _ =	vpop (xrf0);
	(v2sf) =	vpush v15, $0xF  }
0x4d6: {  	v19 =	vbroadcast v13, $0xF;
	v63, _, _ =	vpop (xrf0);
	(v2sf) =	vpush v17, $0xF  }
0x4d7: {  	s23 =	spop (v2sf);
	(v2sf) =	vpush v63, $0xF  }
0x4d8: {  	v14 =	vsub.f32 v19, v13;
	s0 =	sadd.f32 s23, s0  }
0x4d9: {  	s12 =	simm.s32 $0xFFFFFFFF;
	s30 =	simm.s32 $0xFFFFFFFF;
	s25 =	simm.s32 $0x380  }
0x4da: {  	s11 =	simm.s32 $0x1C3F0;
	s17 =	simm.s32 $0x360;
	v13 =	vor.u32 s25, v3;
	vm1 =	vgt.f32 v12, $0.0e+00;
	(xrf2) =	vadd.scan.msk.f32 $0xffff, v12;
	v18 =	vadd.f32 v14, v18;
	s26 =	sadd.f32 s0, s28  }
0x4db: {  	s19 =	simm.s32 $0x370;
	s18 =	sxor.u32 $0x80000000, s3;
	s20 =	spop (v2sf);
	v19 =	vnsel vm1, $0x7FFFFFFF, v13;
	(xrf0) =	vmax.scan.msk.u32 $0xffff, v16  }
0x4dc: {  	p1 =	slt.s32 s18, $0xFFFFFFFF;
	s3 =	spop (v2sf);
	v14 =	vld [tilespmem:s11+$0x0];
	s31 =	sxor.u32 $0x80000000, s20;
	(xrf0) =	vmax.scan.msk.u32 $0xffff, v19;
	v16, _, _ =	vpop (xrf2);
	v17 =	vadd.f32 s26, v18  }
.LBB2_54:
0x4dd: {  	s6 =	smov.u32 s30  }
0x4de: {  	s20 =	smov.u32 s12;
	p3 =	sgt.s32 s12, s31;
	s30 =	smov.u32 s18  }
0x4df: {  	s22 =	sadd.s32 $0xFFFFFFF0, s17;
	s23 =	smov.u32 s29;
	s29 =	smov.u32 s14  }
0x4e0: {  	v18 =	vbroadcast v15, $0xF;
	s12 =	smov.u32 s31;
	(v2sf) =	vpush v16, $0xF;
	s30 =	smov.u32 @p1 s6;
	s6 =	smov.u32 s17  }
0x4e1: {  	p2 =	sne.s32 s17, $0x0;
	vm1 =	vgt.f32 v17, v6;
	s12 =	smov.u32 @p3 s20;
	s14 =	spop (v2sf)  }
.Ltmp26:
0x4e2: {  	v17 =	vsub.f32 v18, v15;
	v18 =	vnsel vm1, $0x7FFFFFFF, v7;
	v7 =	vmovc v8;
	v8 =	vmovc v9;
	v9 =	vmov v13;
	s0 =	sadd.f32 s14, s0;
	s14 =	smov.u32 s3;
	(pc) =	sbr.rel @p2 .LBB2_54-.Ltmp26, $4  }
0x4e3: {  	v13 =	vor.u32 s19, v3;
	v15 =	vmov v16;
	s19 =	smov.u32 s6;
	vm1 =	vgt.f32 v14, $0.0e+00;
	(xrf2) =	vadd.scan.msk.f32 $0xffff, v14;
	v19, _, _ =	vpop (xrf0)  }
0x4e4: {  	s11 =	sadd.s32 $0xFFFFFFF0, s11;
	s18 =	sxor.u32 $0x80000000, s13;
	v21 =	vnsel vm1, $0x7FFFFFFF, v13;
	v17 =	vadd.f32 v17, v10;
	v20, _, _ =	vpop (xrf0);
	s3 =	sadd.f32 s0, s28;
	(xrf0) =	vmax.scan.msk.u32 $0xffff, v18;
	(v2sf) =	vpush v19, $0xF  }
0x4e5: {  	s13 =	smov.u32 s23;
	s17 =	smov.u32 s22;
	v10 =	vmovc v11;
	v11 =	vmov v12;
	v12 =	vmov v14;
	(xrf0) =	vmax.scan.msk.u32 $0xffff, v21;
	(v2sf) =	vpush v20, $0xF;
	s6 =	spop (v2sf);
	v14 =	vld [tilespmem:s11+$0x0]  }
0x4e6: {  	p1 =	sgt.s32 s30, s18;
	v16, _, _ =	vpop (xrf2);
	v17 =	vadd.f32 s3, v17;
	s3 =	spop (v2sf);
	s31 =	sxor.u32 $0x80000000, s6  }
0x4e7: {  	_ =	sdelay $0x3  }
0x4e8: {  	(v2sf) =	vpush v16, $0xF;
	v18, _, _ =	vpop (xrf0)  }
0x4e9: {  	v19, _, _ =	vpop (xrf0);
	(v2sf) =	vpush v18, $0xF  }
0x4ea: {  	(v2sf) =	vpush v19, $0xF;
	v45, _, _ =	vpop (xrf2)  }
0x4eb: {  	(v2sf) =	vpush v45, $0xF;
	_ =	sdelay $0x4  }
0x4ec: {  	(xrf2) =	vadd.scan.msk.f32 $0xffff, v14  }
0x4ed: {  	s6 =	spop (v2sf)  }
0x4ee: {  	s22 =	spop (v2sf)  }
0x4ef: {  	s11 =	spop (v2sf)  }
0x4f0: {  	s6 =	sadd.f32 s6, s0;
	s20 =	spop (v2sf)  }
0x4f1: {  	v46 =	vbroadcast v15, $0xF;
	s17 =	spop (v2sf)  }
0x4f2: {  	s20 =	sadd.f32 s20, s6;
	s0 =	spop (v2sf)  }
0x4f3: {  	v20 =	vbroadcast v16, $0xF;
	v15 =	vsub.f32 v46, v15;
	s6 =	sadd.f32 s6, s28;
	s23 =	spop (v2sf)  }
0x4f4: {  	v47 =	vor.u32 s19, v3;
	v48 =	vbroadcast v45, $0xF;
	s26 =	sadd.f32 s20, s28;
	s25 =	spop (v2sf)  }
0x4f5: {  	vm1 =	vgt.f32 v17, v6;
	v16 =	vsub.f32 v20, v16;
	v10 =	vadd.f32 v15, v10;
	s20 =	sadd.f32 s23, s20;
	s19 =	spop (v2sf)  }
0x4f6: {  	v7 =	vnsel vm1, $0x7FFFFFFF, v7;
	vm1 =	vgt.f32 v14, $0.0e+00;
	v15 =	vsub.f32 v48, v45;
	v49, _, _ =	vpop (xrf2);
	s23 =	spop (v2sf)  }
0x4f7: {  	v11 =	vadd.f32 v16, v11;
	v10 =	vadd.f32 s6, v10;
	v50 =	vbroadcast v49, $0xF;
	s6 =	sadd.f32 s23, s20  }
0x4f8: {  	(xrf0) =	vmax.scan.msk.u32 $0xffff, v7;
	v51 =	vnsel vm1, $0x7FFFFFFF, v47;
	v7 =	vadd.f32 v15, v12;
	s20 =	sadd.f32 s20, s28  }
0x4f9: {  	(xrf0) =	vmax.scan.msk.u32 $0xffff, v51;
	v11 =	vadd.f32 s26, v11;
	vm1 =	vgt.f32 v10, v6;
	v52 =	vsub.f32 v50, v49  }
0x4fa: {  	v8 =	vnsel vm1, $0x7FFFFFFF, v8;
	v7 =	vadd.f32 s20, v7  }
0x4fb: {  	(xrf0) =	vmax.scan.msk.u32 $0xffff, v8;
	vm1 =	vgt.f32 v11, v6;
	v8 =	vadd.f32 v52, v14;
	s6 =	sadd.f32 s6, s28  }
0x4fc: {  	v9 =	vnsel vm1, $0x7FFFFFFF, v9  }
0x4fd: {  	(xrf0) =	vmax.scan.msk.u32 $0xffff, v9;
	v8 =	vadd.f32 s6, v8;
	vm1 =	vgt.f32 v7, v6  }
0x4fe: {  	v53 =	vnsel vm1, $0x7FFFFFFF, v13;
	v7, _, _ =	vpop (xrf0)  }
0x4ff: {  	(xrf0) =	vmax.scan.msk.u32 $0xffff, v53;
	vm1 =	vgt.f32 v8, v6;
	v54, _, _ =	vpop (xrf0);
	(v2sf) =	vpush v7, $0xF  }
0x500: {  	v6 =	vnsel vm1, $0x7FFFFFFF, v47;
	(v2sf) =	vpush v54, $0xF  }
0x501: {  	v7, _, _ =	vpop (xrf0);
	(xrf0) =	vmax.scan.msk.u32 $0xffff, v6;
	(v2sf) =	vpush v49, $0xF  }
0x502: {  	(v2sf) =	vpush v7, $0xF  }
0x503: {  	v6, _, _ =	vpop (xrf0)  }
0x504: {  	(v2sf) =	vpush v6, $0xF  }
0x505: {  	v6, _, _ =	vpop (xrf0)  }
0x506: {  	(v2sf) =	vpush v6, $0xF  }
0x507: {  	s18 =	smov.u32 @p1 s30;
	v6, _, _ =	vpop (xrf0)  }
0x508: {  	p1 =	sgt.s32 s12, s31;
	s3 =	sxor.u32 $0x80000000, s3;
	s6 =	sxor.u32 $0x80000000, s13;
	(v2sf) =	vpush v6, $0xF  }
0x509: {  	s31 =	smov.u32 @p1 s12;
	s12 =	sxor.u32 $0x80000000, s22;
	p1 =	sgt.s32 s18, s6  }
0x50a: {  	s13 =	sxor.u32 $0x80000000, s29;
	s6 =	smov.u32 @p1 s18;
	p1 =	sgt.s32 s31, s12  }
0x50b: {  	s17 =	sxor.u32 $0x80000000, s17;
	s12 =	smov.u32 @p1 s31;
	p1 =	sgt.s32 s6, s13  }
0x50c: {  	p2 =	sgt.s32 s12, s17;
	s13 =	smov.u32 @p1 s6;
	s6 =	sxor.u32 $0x80000000, s14  }
0x50d: {  	s17 =	smov.u32 @p2 s12;
	s12 =	sxor.u32 $0x80000000, s25;
	p1 =	sgt.s32 s13, s6  }
0x50e: {  	p2 =	sgt.s32 s17, s12;
	s6 =	smov.u32 @p1 s13;
	s25 =	spop (v2sf)  }
0x50f: {  	s12 =	smov.u32 @p2 s17;
	p1 =	sgt.s32 s6, s3;
	s26 =	spop (v2sf)  }
0x510: {  	s3 =	smov.u32 @p1 s6;
	s13 =	sxor.u32 $0x80000000, s25;
	s29 =	spop (v2sf)  }
0x511: {  	s6 =	sxor.u32 $0x80000000, s11;
	p2 =	sgt.s32 s12, s13;
	s30 =	spop (v2sf)  }
0x512: {  	p1 =	sgt.s32 s3, s6;
	s13 =	smov.u32 @p2 s12;
	s11 =	sxor.u32 $0x80000000, s30  }
0x513: {  	s6 =	smov.u32 @p1 s3;
	s31 =	spop (v2sf);
	p2 =	sgt.s32 s13, s11  }
0x514: {  	s12 =	sxor.u32 $0x80000000, s0;
	s0 =	sxor.u32 $0x80000000, s31;
	s11 =	smov.u32 @p2 s13  }
0x515: {  	p1 =	sgt.s32 s6, s12;
	s13 =	spop (v2sf);
	p2 =	sgt.s32 s11, s0  }
0x516: {  	s12 =	smov.u32 @p1 s6;
	s3 =	sxor.u32 $0x80000000, s13;
	s0 =	smov.u32 @p2 s11  }
0x517: {  	s6 =	sxor.u32 $0x80000000, s19;
	s17 =	spop (v2sf);
	p1 =	sgt.s32 s0, s3  }
0x518: {  	p2 =	sgt.s32 s12, s6;
	s3 =	smov.u32 @p1 s0;
	s0 =	sxor.u32 $0x80000000, s17  }
0x519: {  	s11 =	sxor.u32 $0x80000000, s26;
	s6 =	smov.u32 @p2 s12;
	p1 =	sgt.s32 s3, s0  }
0x51a: {  	p2 =	sgt.s32 s6, s11;
	s0 =	smov.u32 @p1 s3  }
0x51b: {  	s18 =	simm.s32 $0x1C080;
	s11 =	smov.u32 @p2 s6;
	p1 =	slt.s32 s0, $0x0  }
0x51c: {  	v7 =	vld [tilespmem:s18+$0x0];
	s0 =	smov.u32 @p1 s11  }
0x51d: {  	s19 =	simm.s32 $0x1C090;
	p1 =	sgt.s32 s0, $0x0  }
0x51e: {  	s22 =	simm.s32 $0x0;
	s20 =	simm.s32 $0x1C0A0;
	v8 =	vld [tilespmem:s19+$0x0];
	s0 =	simm.s32 @!p1 $0x0  }
0x51f: {  	v56 =	vor.u32 s22, v0;
	v55 =	vld [tilespmem:s20+$0x0];
	v6 =	vmov s0  }
0x520: {  	s23 =	simm.s32 $0x10;
	vm1 =	vgt.u32 v56, v6  }
0x521: {  	v57 =	vor.u32 s23, v0;
	s25 =	simm.s32 $0x20;
	v7 =	vnsel vm1, $0x0, v7  }
0x522: {  	v58 =	vor.u32 s25, v0;
	vm1 =	vgt.u32 v57, v6;
	(xrf2) =	vadd.scan.msk.f32 $0xffff, v7  }
0x523: {  	v7 =	vnsel vm1, $0x0, v8;
	vm1 =	vgt.u32 v58, v6  }
0x524: {  	(xrf2) =	vadd.scan.msk.f32 $0xffff, v7;
	v7 =	vnsel vm1, $0x0, v55  }
0x525: {  	(xrf2) =	vadd.scan.msk.f32 $0xffff, v7;
	_ =	sdelay $0x6  }
0x526: {  	v59, _, _ =	vpop (xrf2)  }
0x527: {  	s26 =	simm.s32 $0x1C0B0;
	(v2sf) =	vpush v59, $0xF  }
0x528: {  	v7 =	vld [tilespmem:s26+$0x0];
	v61, _, _ =	vpop (xrf2)  }
0x529: {  	(v2sf) =	vpush v61, $0xF;
	v63, _, _ =	vpop (xrf2)  }
0x52a: {  	s30 =	simm.s32 $0x30;
	(v2sf) =	vpush v63, $0xF  }
0x52b: {  	v60 =	vor.u32 s30, v0  }
0x52c: {  	vm1 =	vgt.u32 v60, v6  }
0x52d: {  	s29 =	simm.s32 $0x1C0C0;
	v7 =	vnsel vm1, $0x0, v7  }
0x52e: {  	v8 =	vld [tilespmem:s29+$0x0];
	(xrf2) =	vadd.scan.msk.f32 $0xffff, v7;
	_ =	sdelay $0x1  }
0x52f: {  	s31 =	simm.s32 $0x40  }
0x530: {  	v62 =	vor.u32 s31, v0  }
0x531: {  	vm1 =	vgt.u32 v62, v6  }
0x532: {  	s12 =	simm.s32 $0x1C0D0;
	s3 =	simm.f32 $0.0e+00;
	s11 =	simm.s32 $0x50;
	v7 =	vnsel vm1, $0x0, v8  }
.LBB2_56:
0x533: {  	v8 =	vld [tilespmem:s12+$0x0];
	p1 =	sne.s32 s11, $0x3F0;
	(xrf2) =	vadd.scan.msk.f32 $0xffff, v7;
	s6 =	smov.u32 s11;
	s11 =	sadd.s32 $0x10, s11  }
.Ltmp27:
0x534: {  	(pc) =	sbr.rel @p1 .LBB2_56-.Ltmp27, $4  }
0x535: {  	s13 =	spop (v2sf)  }
0x536: {  	v7 =	vor.u32 s6, v0;
	s3 =	sadd.f32 s13, s3  }
0x537: {  	vm1 =	vgt.u32 v7, v6;
	v9, _, _ =	vpop (xrf2)  }
0x538: {  	s12 =	sadd.s32 $0x10, s12;
	v7 =	vnsel vm1, $0x0, v8;
	(v2sf) =	vpush v9, $0xF  }
0x539: {  	(xrf2) =	vadd.scan.msk.f32 $0xffff, v7;
	_ =	sdelay $0x7  }
0x53a: {  	v6, _, _ =	vpop (xrf2)  }
0x53b: {  	(v2sf) =	vpush v6, $0xF  }
0x53c: {  	v6, _, _ =	vpop (xrf2)  }
0x53d: {  	(v2sf) =	vpush v6, $0xF;
	_ =	sdelay $0x6  }
0x53e: {  	s6 =	spop (v2sf)  }
0x53f: {  	s3 =	sadd.f32 s6, s3  }
0x540: {  	s20 =	spop (v2sf)  }
0x541: {  	s3 =	sadd.f32 s20, s3  }
0x542: {  	s22 =	spop (v2sf)  }
0x543: {  	s3 =	sadd.f32 s22, s3  }
0x544: {  	s23 =	spop (v2sf)  }
0x545: {  	s3 =	sadd.f32 s23, s3  }
0x546: {  	s25 =	spop (v2sf)  }
0x547: {  	s3 =	sadd.f32 s25, s3  }
0x548: {  	s26 =	rddreg [dreg:$0x10]  }
0x549: {  	s3 =	sadd.f32 s3, s28  }
0x54a: {  	s11 =	rddreg [dreg:$0xe]  }
0x54b: {  	s6 =	sshll.u32 s26, $0xA;
	s11 =	ssub.f32 s11, s3  }
0x54c: {  	s0 =	sor.u32 s6, s0;
	p1 =	sle.f32 s3, $0.0e+00  }
0x54d: {  	vm1 =	vmmov vm0;
	v6 =	vmov s0;
	v7 =	vmov s11  }
0x54e: {  	vm1 =	vmneg @p1 vm1;
	vm2 =	vge.f32 v7, v6  }
0x54f: {  	s20 =	rddreg [dreg:$0x0];
	vm1 =	vmor vm1, vm2  }
0x550: {  	s12 =	simm.s32 $0x0;
	s23 =	rddreg [dreg:$0x7];
	vm1 =	vmneg vm1  }
0x551: {  	s29 =	simm.s32 $0x8000;
	s30 =	simm.s32 $0xC000;
	s25 =	rddreg [dreg:$0xc];
	v6 =	vsel vm1, $0x1, v5  }
0x552: {  	s31 =	simm.s32 $0x3;
	s28 =	rddreg [dreg:$0xa];
	s3 =	simm.s32 $0x0;
	v6 =	vadd.s32 s0, v6  }
0x553: {  	[tilespmem:s3], [sflag:$0x1] =	stream.linear.gather [hbm4b:s28+s3], $0x2000, $0x38;
	v6 =	vpsel p0, $0x0, v6;
	[tilespmem:$0x1D880] =	vst v63  }
.LBB2_58:
0x554: {  	s13 =	sshll.u32 s12, $0x5  }
0x555: {  	s0 =	sadd.s32 s13, s4  }
0x556: {  	s0 =	sshll.u32 s0, $0x9  }
0x557: {  	s0 =	sadd.s32 s9, s0  }
0x558: {  	s0 =	sadd.s32 $0x2000, s0  }
0x559: {  	s26 =	sshrl.u32 s0, $0x3  }
0x55a: {  	s0 =	sadd.s32 s2, s26  }
0x55b: {  	[tilespmem:s1], [sflag:$0x2] =	stream.linear.gather [hbm4b:s0+s5], $0x2000, $0x38;
	[tilespmem:$0x1D880] =	vst v63  }
0x55c: {  	_ =	swait.ge [sflag:s8], $0x2000  }
0x55d: {  	p0 =	seq.s32 s12, $0x0;
	[sflag:s8] =	ssyncset.done $0x0  }
0x55e: {  	s0 =	simm.s32 @!p0 $0x5;
	[sflag:s8] =	ssyncadd.s32 $0xFFFFE000  }
0x55f: {  	s6 =	sand.u32 $0x1000, s3;
	s11 =	sand.u32 $0xC00, s3;
	_ =	swait.ge @!p0 [sflag:s0], $0x2000  }
0x560: {  	s17 =	sand.u32 $0x380, s3;
	s6 =	sor.u32 s11, s6;
	[sflag:s0] =	ssyncset.done @!p0 $0x0  }
0x561: {  	[sflag:s0] =	ssyncadd.s32 @!p0 $0xFFFFE000;
	s0 =	sor.u32 s17, s6  }
0x562: {  	v7 =	vld [tilespmem:s0+$0x70]  }
0x563: {  	v8 =	vld [tilespmem:s0+$0x0]  }
0x564: {  	v9 =	vld [tilespmem:s0+$0x10]  }
0x565: {  	v11 =	vld [tilespmem:s0+$0x20]  }
0x566: {  	s18 =	simm.s32 $0x80;
	s19 =	simm.s32 $0x400;
	v12 =	vld [tilespmem:s0+$0x30]  }
0x567: {  	s14 =	simm.s32 $0x20;
	s11 =	sand.u32 $0xC00, s19;
	s6 =	sand.u32 $0x1000, s18;
	v13 =	vld [tilespmem:s0+$0x40];
	vm1 =	vge.f32 v7, v6  }
0x568: {  	s22 =	sand.u32 $0x380, s14;
	v14 =	vld [tilespmem:s0+$0x50];
	s6 =	sor.u32 s11, s6;
	v7 =	vsel vm1, $0x3F800000, v1;
	vm1 =	vge.f32 v8, v6  }
0x569: {  	v15 =	vld [tilespmem:s0+$0x60];
	s14 =	sor.u32 s22, s6;
	[tilespmem:s0+$0x10070] =	vst v7;
	v7 =	vsel vm1, $0x3F800000, v1;
	vm1 =	vge.f32 v9, v6  }
0x56a: {  	v16 =	vld [tilespmem:s14+$0x70];
	[tilespmem:s0+$0x10000] =	vst v7;
	v7 =	vsel vm1, $0x3F800000, v1;
	vm1 =	vge.f32 v11, v6  }
0x56b: {  	v10 =	vld [tilespmem:s14+$0x0];
	[tilespmem:s0+$0x10010] =	vst v7;
	v7 =	vsel vm1, $0x3F800000, v1;
	vm1 =	vge.f32 v12, v6  }
0x56c: {  	v9 =	vld [tilespmem:s14+$0x10];
	[tilespmem:s0+$0x10020] =	vst v7;
	v8 =	vsel vm1, $0x3F800000, v1;
	vm1 =	vge.f32 v13, v6  }
0x56d: {  	s28 =	simm.s32 $0x100;
	v7 =	vld [tilespmem:s14+$0x20];
	[tilespmem:s0+$0x10030] =	vst v8;
	v11 =	vsel vm1, $0x3F800000, v1;
	vm1 =	vge.f32 v14, v6  }
0x56e: {  	s19 =	sand.u32 $0x1000, s28;
	s17 =	simm.s32 $0x800;
	vm2 =	vge.f32 v15, v6;
	v8 =	vld [tilespmem:s14+$0x30];
	[tilespmem:s0+$0x10040] =	vst v11;
	v13 =	vsel vm1, $0x3F800000, v1  }
0x56f: {  	s18 =	simm.s32 $0x180;
	s11 =	simm.s32 $0x40;
	s22 =	sand.u32 $0xC00, s17;
	v12 =	vsel vm2, $0x3F800000, v1;
	v11 =	vld [tilespmem:s14+$0x40];
	vm1 =	vge.f32 v16, v6;
	[tilespmem:s0+$0x10050] =	vst v13  }
.LBB2_59:
0x570: {  	p1 =	sne.s32 s18, $0x1F80;
	s6 =	sor.u32 s22, s19;
	s19 =	sand.u32 $0x380, s11;
	v13 =	vld [tilespmem:s14+$0x50];
	vm2 =	vge.f32 v10, v6;
	v10 =	vsel vm1, $0x3F800000, v1;
	[tilespmem:s0+$0x10060] =	vst v12  }
0x571: {  	s0 =	smov.u32 s14;
	v12 =	vld [tilespmem:s14+$0x60];
	v14 =	vsel vm2, $0x3F800000, v1;
	vm1 =	vge.f32 v9, v6;
	[tilespmem:s14+$0x10070] =	vst v10;
	s14 =	sor.u32 s19, s6  }
0x572: {  	v15 =	vld [tilespmem:s14+$0x70];
	v9 =	vsel vm1, $0x3F800000, v1;
	vm1 =	vge.f32 v7, v6;
	[tilespmem:s0+$0x10000] =	vst v14  }
.Ltmp28:
0x573: {  	v10 =	vld [tilespmem:s14+$0x0];
	v7 =	vsel vm1, $0x3F800000, v1;
	vm1 =	vge.f32 v8, v6;
	[tilespmem:s0+$0x10010] =	vst v9;
	(pc) =	sbr.rel @p1 .LBB2_59-.Ltmp28, $4  }
0x574: {  	v9 =	vld [tilespmem:s14+$0x10];
	v8 =	vsel vm1, $0x3F800000, v1;
	vm1 =	vge.f32 v11, v6;
	[tilespmem:s0+$0x10020] =	vst v7  }
0x575: {  	v7 =	vld [tilespmem:s14+$0x20];
	v11 =	vsel vm1, $0x3F800000, v1;
	vm1 =	vge.f32 v13, v6;
	[tilespmem:s0+$0x10030] =	vst v8  }
0x576: {  	s11 =	sadd.s32 $0x20, s11;
	s17 =	sadd.s32 $0x400, s17;
	v8 =	vld [tilespmem:s14+$0x30];
	v13 =	vsel vm1, $0x3F800000, v1;
	vm2 =	vge.f32 v12, v6;
	[tilespmem:s0+$0x10040] =	vst v11  }
0x577: {  	s19 =	sand.u32 $0x1000, s18;
	s22 =	sand.u32 $0xC00, s17;
	s18 =	sadd.s32 $0x80, s18;
	v11 =	vld [tilespmem:s14+$0x40];
	vm1 =	vge.f32 v15, v6;
	v12 =	vsel vm2, $0x3F800000, v1;
	[tilespmem:s0+$0x10050] =	vst v13  }
0x578: {  	v13 =	vld [tilespmem:s14+$0x50];
	[tilespmem:s0+$0x10060] =	vst v12;
	s18 =	sor.u32 s22, s19;
	s6 =	sand.u32 $0x380, s11;
	v56 =	vsel vm1, $0x3F800000, v1;
	vm1 =	vge.f32 v10, v6  }
0x579: {  	v14 =	vld [tilespmem:s14+$0x60];
	s0 =	sor.u32 s6, s18;
	[tilespmem:s14+$0x10070] =	vst v56;
	v10 =	vsel vm1, $0x3F800000, v1;
	vm1 =	vge.f32 v9, v6  }
0x57a: {  	v12 =	vld [tilespmem:s0+$0x70];
	[tilespmem:s14+$0x10000] =	vst v10;
	v9 =	vsel vm1, $0x3F800000, v1;
	vm1 =	vge.f32 v7, v6  }
0x57b: {  	v10 =	vld [tilespmem:s0+$0x0];
	[tilespmem:s14+$0x10010] =	vst v9;
	v7 =	vsel vm1, $0x3F800000, v1;
	vm1 =	vge.f32 v8, v6  }
0x57c: {  	v9 =	vld [tilespmem:s0+$0x10];
	[tilespmem:s14+$0x10020] =	vst v7;
	v7 =	vsel vm1, $0x3F800000, v1;
	vm1 =	vge.f32 v11, v6  }
0x57d: {  	v8 =	vld [tilespmem:s0+$0x20];
	[tilespmem:s14+$0x10030] =	vst v7;
	v7 =	vsel vm1, $0x3F800000, v1;
	vm1 =	vge.f32 v13, v6  }
0x57e: {  	v57 =	vld [tilespmem:s0+$0x30];
	[tilespmem:s14+$0x10040] =	vst v7;
	v7 =	vsel vm1, $0x3F800000, v1;
	vm1 =	vge.f32 v14, v6  }
0x57f: {  	v58 =	vld [tilespmem:s0+$0x40];
	[tilespmem:s14+$0x10050] =	vst v7;
	vm2 =	vge.f32 v12, v6;
	v7 =	vsel vm1, $0x3F800000, v1  }
0x580: {  	v59 =	vld [tilespmem:s0+$0x50];
	vm1 =	vge.f32 v10, v6;
	v60 =	vsel vm2, $0x3F800000, v1;
	[tilespmem:s14+$0x10060] =	vst v7  }
0x581: {  	v7 =	vld [tilespmem:s0+$0x60];
	v61 =	vsel vm1, $0x3F800000, v1;
	vm1 =	vge.f32 v9, v6;
	[tilespmem:s0+$0x10070] =	vst v60  }
0x582: {  	v9 =	vsel vm1, $0x3F800000, v1;
	vm1 =	vge.f32 v8, v6;
	[tilespmem:s0+$0x10000] =	vst v61  }
0x583: {  	v8 =	vsel vm1, $0x3F800000, v1;
	vm1 =	vge.f32 v57, v6;
	[tilespmem:s0+$0x10010] =	vst v9  }
0x584: {  	p1 =	sne.s32 s12, $0x7;
	v62 =	vsel vm1, $0x3F800000, v1;
	vm1 =	vge.f32 v58, v6;
	[tilespmem:s0+$0x10020] =	vst v8  }
.Ltmp29:
0x585: {  	s19 =	sshll.u32 s12, $0xE;
	v8 =	vsel vm1, $0x3F800000, v1;
	vm1 =	vge.f32 v59, v6;
	[tilespmem:s0+$0x10030] =	vst v62;
	(pc) =	sbr.rel @p1 .LBB2_62-.Ltmp29, $4  }
0x586: {  	s6 =	sadd.s32 s10, s19;
	v63 =	vsel vm1, $0x3F800000, v1;
	vm1 =	vge.f32 v7, v6;
	[tilespmem:s0+$0x10040] =	vst v8  }
0x587: {  	s6 =	sshrl.u32 s6, $0x3;
	v7 =	vsel vm1, $0x3F800000, v1;
	[tilespmem:s0+$0x10050] =	vst v63  }
0x588: {  	s28 =	simm.s32 $0x10000;
	s22 =	sadd.s32 s7, s6;
	[tilespmem:s0+$0x10060] =	vst v7  }
0x589: {  	[hbm4b:s22+s5] =	stream.linear.scatter [tilespmem:s28], [sflag:$0x5], $0x2000, $0x38;
	[tilespmem:$0x1D880] =	vst v63  }
.Ltmp30:
0x58a: {  	(pc) =	sbr.rel .LBB2_63-.Ltmp30, $4  }
0x58b: {  	_ = 	snop  }
0x58c: {  	_ =	swait.ge [sflag:s16], $0x2000  }
0x58d: {  	[sflag:s16] =	ssyncset.done $0x0  }
0x58e: {  	[sflag:s16] =	ssyncadd.s32 $0xFFFFE000  }
.LBB2_62:
0x58f: {  	s0 =	sadd.s32 s13, s23  }
0x590: {  	s0 =	sshll.u32 s0, $0x9  }
0x591: {  	s0 =	sadd.s32 s9, s0  }
0x592: {  	s0 =	sshrl.u32 s0, $0x3  }
.Ltmp31:
0x593: {  	s0 =	sadd.s32 s2, s0;
	(pc) =	sbr.rel @p0 .LBB2_64-.Ltmp31, $4  }
0x594: {  	[tilespmem:s5], [sflag:$0x1] =	stream.linear.gather [hbm4b:s0+s5], $0x2000, $0x38;
	[tilespmem:$0x1D880] =	vst v63  }
0x595: {  	_ =	swait.ge [sflag:s16], $0x2000  }
0x596: {  	[sflag:s16] =	ssyncset.done $0x0  }
0x597: {  	[sflag:s16] =	ssyncadd.s32 $0xFFFFE000  }
.LBB2_63:
0x598: {  	_ =	swait.ge [sflag:s24], $0x2000  }
0x599: {  	[sflag:s24] =	ssyncset.done $0x0  }
0x59a: {  	[sflag:s24] =	ssyncadd.s32 $0xFFFFE000  }
.LBB2_64:
0x59b: {  	s0 =	simm.s32 $0x0  }
0x59c: {  	s6 =	sand.u32 $0x1000, s0;
	s11 =	sand.u32 $0xC00, s0  }
0x59d: {  	s0 =	sand.u32 $0x380, s0;
	s6 =	sor.u32 s11, s6  }
0x59e: {  	s0 =	sor.u32 s0, s6  }
0x59f: {  	v7 =	vld [tilespmem:s0+$0x4070]  }
0x5a0: {  	v8 =	vld [tilespmem:s0+$0x4000]  }
0x5a1: {  	v9 =	vld [tilespmem:s0+$0x4010]  }
0x5a2: {  	v11 =	vld [tilespmem:s0+$0x4020]  }
0x5a3: {  	s18 =	simm.s32 $0x80;
	s19 =	simm.s32 $0x400;
	v12 =	vld [tilespmem:s0+$0x4030]  }
0x5a4: {  	s13 =	simm.s32 $0x20;
	s11 =	sand.u32 $0xC00, s19;
	s6 =	sand.u32 $0x1000, s18;
	v13 =	vld [tilespmem:s0+$0x4040];
	vm1 =	vge.f32 v7, v6  }
0x5a5: {  	s22 =	sand.u32 $0x380, s13;
	v14 =	vld [tilespmem:s0+$0x4050];
	s6 =	sor.u32 s11, s6;
	v7 =	vsel vm1, $0x3F800000, v1;
	vm1 =	vge.f32 v8, v6  }
0x5a6: {  	v15 =	vld [tilespmem:s0+$0x4060];
	s13 =	sor.u32 s22, s6;
	[tilespmem:s0+$0x12070] =	vst v7;
	v7 =	vsel vm1, $0x3F800000, v1;
	vm1 =	vge.f32 v9, v6  }
0x5a7: {  	v16 =	vld [tilespmem:s13+$0x4070];
	[tilespmem:s0+$0x12000] =	vst v7;
	v7 =	vsel vm1, $0x3F800000, v1;
	vm1 =	vge.f32 v11, v6  }
0x5a8: {  	v10 =	vld [tilespmem:s13+$0x4000];
	[tilespmem:s0+$0x12010] =	vst v7;
	v7 =	vsel vm1, $0x3F800000, v1;
	vm1 =	vge.f32 v12, v6  }
0x5a9: {  	v9 =	vld [tilespmem:s13+$0x4010];
	[tilespmem:s0+$0x12020] =	vst v7;
	v8 =	vsel vm1, $0x3F800000, v1;
	vm1 =	vge.f32 v13, v6  }
0x5aa: {  	s12 =	sadd.s32 $0x1, s12;
	v7 =	vld [tilespmem:s13+$0x4020];
	[tilespmem:s0+$0x12030] =	vst v8;
	v11 =	vsel vm1, $0x3F800000, v1;
	vm1 =	vge.f32 v14, v6  }
0x5ab: {  	s28 =	simm.s32 $0x100;
	s14 =	simm.s32 $0x800;
	s17 =	simm.s32 $0x180;
	vm2 =	vge.f32 v15, v6;
	v8 =	vld [tilespmem:s13+$0x4030];
	[tilespmem:s0+$0x12040] =	vst v11;
	v13 =	vsel vm1, $0x3F800000, v1  }
0x5ac: {  	s19 =	sand.u32 $0xC00, s14;
	s18 =	sand.u32 $0x1000, s28;
	s11 =	simm.s32 $0x40;
	v12 =	vsel vm2, $0x3F800000, v1;
	v11 =	vld [tilespmem:s13+$0x4040];
	vm1 =	vge.f32 v16, v6;
	[tilespmem:s0+$0x12050] =	vst v13  }
.LBB2_65:
0x5ad: {  	p0 =	sne.s32 s17, $0x1F80;
	s6 =	sor.u32 s19, s18;
	s18 =	sand.u32 $0x380, s11;
	v13 =	vld [tilespmem:s13+$0x4050];
	vm2 =	vge.f32 v10, v6;
	v10 =	vsel vm1, $0x3F800000, v1;
	[tilespmem:s0+$0x12060] =	vst v12  }
0x5ae: {  	s0 =	smov.u32 s13;
	v12 =	vld [tilespmem:s13+$0x4060];
	v14 =	vsel vm2, $0x3F800000, v1;
	vm1 =	vge.f32 v9, v6;
	[tilespmem:s13+$0x12070] =	vst v10;
	s13 =	sor.u32 s18, s6  }
0x5af: {  	v15 =	vld [tilespmem:s13+$0x4070];
	v9 =	vsel vm1, $0x3F800000, v1;
	vm1 =	vge.f32 v7, v6;
	[tilespmem:s0+$0x12000] =	vst v14  }
.Ltmp32:
0x5b0: {  	v10 =	vld [tilespmem:s13+$0x4000];
	v7 =	vsel vm1, $0x3F800000, v1;
	vm1 =	vge.f32 v8, v6;
	[tilespmem:s0+$0x12010] =	vst v9;
	(pc) =	sbr.rel @p0 .LBB2_65-.Ltmp32, $4  }
0x5b1: {  	v9 =	vld [tilespmem:s13+$0x4010];
	v8 =	vsel vm1, $0x3F800000, v1;
	vm1 =	vge.f32 v11, v6;
	[tilespmem:s0+$0x12020] =	vst v7  }
0x5b2: {  	v7 =	vld [tilespmem:s13+$0x4020];
	v11 =	vsel vm1, $0x3F800000, v1;
	vm1 =	vge.f32 v13, v6;
	[tilespmem:s0+$0x12030] =	vst v8  }
0x5b3: {  	s11 =	sadd.s32 $0x20, s11;
	s14 =	sadd.s32 $0x400, s14;
	v8 =	vld [tilespmem:s13+$0x4030];
	v13 =	vsel vm1, $0x3F800000, v1;
	vm2 =	vge.f32 v12, v6;
	[tilespmem:s0+$0x12040] =	vst v11  }
0x5b4: {  	s18 =	sand.u32 $0x1000, s17;
	s19 =	sand.u32 $0xC00, s14;
	s17 =	sadd.s32 $0x80, s17;
	v11 =	vld [tilespmem:s13+$0x4040];
	vm1 =	vge.f32 v15, v6;
	v12 =	vsel vm2, $0x3F800000, v1;
	[tilespmem:s0+$0x12050] =	vst v13  }
0x5b5: {  	v13 =	vld [tilespmem:s13+$0x4050];
	[tilespmem:s0+$0x12060] =	vst v12;
	s22 =	sor.u32 s19, s18;
	s6 =	sand.u32 $0x380, s11;
	v56 =	vsel vm1, $0x3F800000, v1;
	vm1 =	vge.f32 v10, v6  }
0x5b6: {  	v14 =	vld [tilespmem:s13+$0x4060];
	s0 =	sor.u32 s6, s22;
	[tilespmem:s13+$0x12070] =	vst v56;
	v10 =	vsel vm1, $0x3F800000, v1;
	vm1 =	vge.f32 v9, v6  }
0x5b7: {  	v12 =	vld [tilespmem:s0+$0x4070];
	[tilespmem:s13+$0x12000] =	vst v10;
	v9 =	vsel vm1, $0x3F800000, v1;
	vm1 =	vge.f32 v7, v6  }
0x5b8: {  	v10 =	vld [tilespmem:s0+$0x4000];
	[tilespmem:s13+$0x12010] =	vst v9;
	v7 =	vsel vm1, $0x3F800000, v1;
	vm1 =	vge.f32 v8, v6  }
0x5b9: {  	v9 =	vld [tilespmem:s0+$0x4010];
	[tilespmem:s13+$0x12020] =	vst v7;
	v7 =	vsel vm1, $0x3F800000, v1;
	vm1 =	vge.f32 v11, v6  }
0x5ba: {  	v8 =	vld [tilespmem:s0+$0x4020];
	[tilespmem:s13+$0x12030] =	vst v7;
	v7 =	vsel vm1, $0x3F800000, v1;
	vm1 =	vge.f32 v13, v6  }
0x5bb: {  	v57 =	vld [tilespmem:s0+$0x4030];
	[tilespmem:s13+$0x12040] =	vst v7;
	v7 =	vsel vm1, $0x3F800000, v1;
	vm1 =	vge.f32 v14, v6  }
0x5bc: {  	v58 =	vld [tilespmem:s0+$0x4040];
	[tilespmem:s13+$0x12050] =	vst v7;
	vm2 =	vge.f32 v12, v6;
	v7 =	vsel vm1, $0x3F800000, v1  }
0x5bd: {  	v59 =	vld [tilespmem:s0+$0x4050];
	vm1 =	vge.f32 v10, v6;
	v60 =	vsel vm2, $0x3F800000, v1;
	[tilespmem:s13+$0x12060] =	vst v7  }
0x5be: {  	v7 =	vld [tilespmem:s0+$0x4060];
	v61 =	vsel vm1, $0x3F800000, v1;
	vm1 =	vge.f32 v9, v6;
	[tilespmem:s0+$0x12070] =	vst v60  }
0x5bf: {  	v9 =	vsel vm1, $0x3F800000, v1;
	vm1 =	vge.f32 v8, v6;
	[tilespmem:s0+$0x12000] =	vst v61  }
0x5c0: {  	v8 =	vsel vm1, $0x3F800000, v1;
	vm1 =	vge.f32 v57, v6;
	[tilespmem:s0+$0x12010] =	vst v9  }
0x5c1: {  	p0 =	sne.s32 s12, $0x8;
	v62 =	vsel vm1, $0x3F800000, v1;
	vm1 =	vge.f32 v58, v6;
	[tilespmem:s0+$0x12020] =	vst v8  }
.Ltmp33:
0x5c2: {  	v8 =	vsel vm1, $0x3F800000, v1;
	vm1 =	vge.f32 v59, v6;
	[tilespmem:s0+$0x12030] =	vst v62;
	(pc) =	sbr.rel @p0 .LBB2_58-.Ltmp33, $4  }
0x5c3: {  	v63 =	vsel vm1, $0x3F800000, v1;
	vm1 =	vge.f32 v7, v6;
	[tilespmem:s0+$0x12040] =	vst v8  }
0x5c4: {  	v7 =	vsel vm1, $0x3F800000, v1;
	[tilespmem:s0+$0x12050] =	vst v63  }
0x5c5: {  	s26 =	sadd.s32 s7, s26;
	s28 =	simm.s32 $0x12000;
	[tilespmem:s0+$0x12060] =	vst v7  }
0x5c6: {  	[hbm4b:s26+s5] =	stream.linear.scatter [tilespmem:s28], [sflag:$0x6], $0x2000, $0x38;
	[tilespmem:$0x1D880] =	vst v63  }
0x5c7: {  	s0 =	simm.s32 $0x5  }
0x5c8: {  	_ =	swait.ge [sflag:s0], $0x2000  }
0x5c9: {  	[sflag:s0] =	ssyncset.done $0x0  }
0x5ca: {  	[sflag:s0] =	ssyncadd.s32 $0xFFFFE000  }
0x5cb: {  	_ =	swait.ge [sflag:s24], $0x2000  }
0x5cc: {  	s3 =	rddreg [dreg:$0xd]  }
0x5cd: {  	s28 =	rddreg [dreg:$0xb];
	s3 =	sadd.s32 $0x1, s3  }
0x5ce: {  	p0 =	sne.s32 s3, s28  }
.Ltmp34:
0x5cf: {  	_ = 	snop;
	(pc) =	sbr.rel @p0 .LBB2_1-.Ltmp34, $3  }
0x5d0: {  	_ =	sdelay $0x1  }
0x5d1: {  	[sflag:s24] =	ssyncset.done $0x0  }
0x5d2: {  	s6 =	rddreg [dreg:$0x5];
	[sflag:s24] =	ssyncadd.s32 $0xFFFFE000  }
0x5d3: {  	_ =	sfence.sel $0x180000  }
0x5d4: {  	[bflag:$0x0] =	sbarrier.arrive $0xFFFF  }
0x5d5: {  	_ =	strace $0x90000047  }
0x5d6: {  	s0 =	stileid.u32;
	[bflag:$0x2] =	sbarrier.arrive $0xFFFF  }
0x5d7: {  	p0 =	sne.s32 s0, $0x0;
	s0 =	rddreg [dreg:$0x4]  }
0x5d8: {  	s0 =	sadd.s32 @!p0 $0x100000, s0  }
0x5d9: {  	[sflag:s0] =	ssyncadd.tile.s32 @!p0 $0x1;
	_ =	shalt  }
.Lfunc_end2:
_tile_overlayer_lowered:
.L_overlay_start_2:
0x5da: {  	(tag) =	ssettag $0x2  }
0x5db: {  	s0 =	rddreg [dreg:$0x0];
	s2 =	stileid.u32  }
0x5dc: {  	s1 =	rddreg [dreg:$0x1];
	p0 =	sne.s32 s2, $0x0  }
0x5dd: {  	s3 =	rddreg [dreg:$0x2];
	[bflag:$0x3] =	sbarrier.arrive $0xFFFF;
	s2 =	simm.s32 @!p0 $0x1C07  }
0x5de: {  	[timem:s3], [sflag:s2] =	dma.local @!p0 [hbm:s0], s1  }
0x5df: {  	s0 =	simm.s32 @!p0 $0x7  }
0x5e0: {  	_ =	swait.ge @!p0 [sflag:s0], s1  }
0x5e1: {  	s1 =	ssub.s32 @!p0 $0x0, s1;
	[sflag:s0] =	ssyncset.done @!p0 $0x0  }
0x5e2: {  	[sflag:s0] =	ssyncadd.s32 @!p0 s1  }
0x5e3: {  	[bflag:$0x3] =	sbarrier.arrive $0xFFFF  }
0x5e4: {  	_ =	shalt  }

</sc_bundles>
